<compile_context>
chip_gen: v7x
topology: tpu7x:2x2x1
jax: 0.10.2.dev20260603
libtpu: 0.0.44.dev20260713+nightly
codegen_flags: <defaults>
</compile_context>

<pallas_src>
import functools
import math

import jax
import jax.numpy as jnp
from jax import lax
from jax.experimental import pallas as pl
from jax.experimental.pallas import tpu as pltpu
from jax.experimental.pallas import tpu_sc as plsc

_VOCAB = 1000000
_D = 32
_B = 4096
_H = 200
_N = _B * _H
_NW = 32
_PER_W = _N // _NW
_CHUNK = 1024
_NCHUNK = _PER_W // _CHUNK
_NBUF = 3
_SCALE = math.sqrt(_D)

_mesh = plsc.VectorSubcoreMesh(core_axis_name="c", subcore_axis_name="s")


@functools.partial(
    pl.kernel,
    mesh=_mesh,
    out_type=jax.ShapeDtypeStruct((_N, _D), jnp.float32),
    scratch_types=[
        pltpu.VMEM((_PER_W,), jnp.int32),
        [pltpu.VMEM((_CHUNK, _D), jnp.float32) for _ in range(_NBUF)],
        [pltpu.SemaphoreType.DMA for _ in range(_NBUF)],
        [pltpu.SemaphoreType.DMA for _ in range(_NBUF)],
    ],
    compiler_params=pltpu.CompilerParams(use_tc_tiling_on_sc=False),
)
def _emb_lookup(x_hbm, table_hbm, out_hbm, idx_v, rows, gsem, wsem):
    wid = lax.axis_index("s") * 2 + lax.axis_index("c")
    base = wid * _PER_W
    pltpu.sync_copy(x_hbm.at[pl.ds(base, _PER_W)], idx_v)

    def issue_gather(ci):
        return pltpu.async_copy(
            table_hbm.at[idx_v.at[pl.ds(ci * _CHUNK, _CHUNK)]],
            rows[ci % _NBUF],
            gsem[ci % _NBUF],
        )

    gathers = {}
    writes = {}
    gathers[0] = issue_gather(0)
    gathers[1] = issue_gather(1)
    for ci in range(_NCHUNK):
        b = ci % _NBUF
        gathers[ci].wait()

        buf = rows[b]

        @plsc.parallel_loop(0, _CHUNK, unroll=8)
        def _scale(i, _buf=buf):
            _buf[i, pl.ds(0, 16)] = _buf[i, pl.ds(0, 16)] * _SCALE
            _buf[i, pl.ds(16, 16)] = _buf[i, pl.ds(16, 16)] * _SCALE

        writes[ci] = pltpu.async_copy(
            buf,
            out_hbm.at[pl.ds(base + ci * _CHUNK, _CHUNK)],
            wsem[b],
        )
        nxt = ci + 2
        if nxt < _NCHUNK:
            if nxt - _NBUF >= 0:
                writes[nxt - _NBUF].wait()
            gathers[nxt] = issue_gather(nxt)
    for ci in range(max(0, _NCHUNK - _NBUF), _NCHUNK):
        writes[ci].wait()


def kernel(x, table):
    xf = x.T.reshape(-1).astype(jnp.int32)
    out = _emb_lookup(xf, table)
    return out.reshape(_H, _B, _D).transpose(1, 0, 2)

# --- scband reference (transcript-rebuilt; emitter-appended) ---
"""Pipeline reference for scband-embedding-56358560858828 (READ-ONLY COPY).

The authoritative reference and input builder live on the scoring server;
editing this copy changes nothing except your own understanding.
"""

import jax, jax.numpy as jnp
import numpy as np
import math

VOCAB = 1000000
D_MODEL = 32
BATCH = 4096
HIST = 200

def setup_inputs(seed: int = 0) -> dict:
    key = jax.random.key(seed)
    k_idx, k_tab = jax.random.split(key)
    x = jax.random.randint(k_idx, (BATCH, HIST), 0, VOCAB, dtype=jnp.int64 if jax.config.jax_enable_x64 else jnp.int32)
    table = jax.random.normal(k_tab, (VOCAB, D_MODEL), dtype=jnp.float32)
    return {"x": x, "table": table}

def reference(x, table):
    scale = math.sqrt(D_MODEL)
    emb = jnp.take(table, x, axis=0)
    return emb * scale

if __name__ == "__main__":
    import jax
    _d = setup_inputs()
    print(jax.jit(kernel)(*tuple(_d.values())))

</pallas_src>

<mosaic_0001>
#map = affine_map<(d0, d1) -> (0)>
#map1 = affine_map<(d0, d1) -> (0, 0)>
module attributes {stable_mosaic.version = 14 : i64} {
  func.func @_emb_lookup(%arg0: i32, %arg1: i32, %arg2: memref<819200xi32, #tpu.memory_space<hbm>>, %arg3: memref<1000000x32xf32, #tpu.memory_space<hbm>>, %arg4: memref<819200x32xf32, #tpu.memory_space<hbm>>, %arg5: memref<25600xi32, #tpu.memory_space<vmem>>, %arg6: memref<1024x32xf32, #tpu.memory_space<vmem>>, %arg7: memref<1024x32xf32, #tpu.memory_space<vmem>>, %arg8: memref<1024x32xf32, #tpu.memory_space<vmem>>, %arg9: memref<!tpu.dma_semaphore, #tpu.memory_space<semaphore_mem>>, %arg10: memref<!tpu.dma_semaphore, #tpu.memory_space<semaphore_mem>>, %arg11: memref<!tpu.dma_semaphore, #tpu.memory_space<semaphore_mem>>, %arg12: memref<!tpu.dma_semaphore, #tpu.memory_space<semaphore_mem>>, %arg13: memref<!tpu.dma_semaphore, #tpu.memory_space<semaphore_mem>>, %arg14: memref<!tpu.dma_semaphore, #tpu.memory_space<semaphore_mem>>) attributes {dimension_semantics = [#tpu.dimension_semantics<core_parallel>, #tpu.dimension_semantics<subcore_parallel>], iteration_bounds = array<i64: 2, 16>, scalar_prefetch = 0 : i64, scratch_operands = 10 : i64, tpu.core_type = #tpu.core_type<sc_vector_subcore>, window_params = [{transform_indices = #map}, {transform_indices = #map1}, {transform_indices = #map1}]} {
    %mul3A = arith.constant 2 : i32
    %mul3A_0 = arith.muli %arg1, %mul3A : i32
    %add3A = arith.addi %mul3A_0, %arg0 : i32
    %mul3A_1 = arith.constant 25600 : i32
    %mul3A_2 = arith.muli %add3A, %mul3A_1 : i32
    "tpu.region"() ({
      %run_scoped3A = tpu.sem_alloc : memref<!tpu.dma_semaphore, #tpu.memory_space<semaphore_mem>>
      %dma_start3A_575 = tpu.memref_slice %arg2[%mul3A_2] : memref<819200xi32, #tpu.memory_space<hbm>> -> memref<25600xi32, #tpu.memory_space<hbm>>
      %dma_start3A_576 = tpu.memref_slice %arg2[%mul3A_2] : memref<819200xi32, #tpu.memory_space<hbm>> -> memref<25600xi32, #tpu.memory_space<hbm>>
      tpu.enqueue_dma source(%dma_start3A_576 : memref<25600xi32, #tpu.memory_space<hbm>>) target(%arg5 : memref<25600xi32, #tpu.memory_space<vmem>>) target_semaphore(%run_scoped3A : memref<!tpu.dma_semaphore, #tpu.memory_space<semaphore_mem>>)
      %dma_wait3A_577 = tpu.memref_slice %arg2[%mul3A_2] : memref<819200xi32, #tpu.memory_space<hbm>> -> memref<25600xi32, #tpu.memory_space<hbm>>
      %dma_wait3A_578 = tpu.memref_slice %arg2[%mul3A_2] : memref<819200xi32, #tpu.memory_space<hbm>> -> memref<25600xi32, #tpu.memory_space<hbm>>
      tpu.wait_dma2 semaphore(%run_scoped3A : memref<!tpu.dma_semaphore, #tpu.memory_space<semaphore_mem>>) src(%dma_wait3A_578 : memref<25600xi32, #tpu.memory_space<hbm>>) dst(%arg5 : memref<25600xi32, #tpu.memory_space<vmem>>)
      tpu.yield
    }) : () -> ()
    %dma_start3A = arith.constant 0 : i32
    %dma_start3A_3 = tpu.memref_slice %arg5[%dma_start3A] : memref<25600xi32, #tpu.memory_space<vmem>> -> memref<1024xi32, #tpu.memory_space<vmem>>
    %dma_start3A_4 = arith.constant 0 : i32
    %dma_start3A_5 = arith.constant 0 : i32
    %dma_start3A_6 = tpu.memref_slice %arg3[%dma_start3A_4, %dma_start3A_5] : memref<1000000x32xf32, #tpu.memory_space<hbm>> -> memref<1000000x32xf32, #tpu.memory_space<hbm>>
    tpu.enqueue_indirect_dma source(%dma_start3A_6 : memref<1000000x32xf32, #tpu.memory_space<hbm>>) target(%arg6 : memref<1024x32xf32, #tpu.memory_space<vmem>>) offsets(%dma_start3A_3 : memref<1024xi32, #tpu.memory_space<vmem>>) semaphore(%arg9 : memref<!tpu.dma_semaphore, #tpu.memory_space<semaphore_mem>>)
    %dma_start3A_7 = arith.constant 1024 : i32
    %dma_start3A_8 = tpu.memref_slice %arg5[%dma_start3A_7] : memref<25600xi32, #tpu.memory_space<vmem>> -> memref<1024xi32, #tpu.memory_space<vmem>>
    %dma_start3A_9 = arith.constant 0 : i32
    %dma_start3A_10 = arith.constant 0 : i32
    %dma_start3A_11 = tpu.memref_slice %arg3[%dma_start3A_9, %dma_start3A_10] : memref<1000000x32xf32, #tpu.memory_space<hbm>> -> memref<1000000x32xf32, #tpu.memory_space<hbm>>
    tpu.enqueue_indirect_dma source(%dma_start3A_11 : memref<1000000x32xf32, #tpu.memory_space<hbm>>) target(%arg7 : memref<1024x32xf32, #tpu.memory_space<vmem>>) offsets(%dma_start3A_8 : memref<1024xi32, #tpu.memory_space<vmem>>) semaphore(%arg10 : memref<!tpu.dma_semaphore, #tpu.memory_space<semaphore_mem>>)
    %dma_wait3A = arith.constant 0 : i32
    %dma_wait3A_12 = tpu.memref_slice %arg5[%dma_wait3A] : memref<25600xi32, #tpu.memory_space<vmem>> -> memref<1024xi32, #tpu.memory_space<vmem>>
    %dma_wait3A_13 = arith.constant 0 : i32
    %dma_wait3A_14 = arith.constant 0 : i32
    %dma_wait3A_15 = tpu.memref_slice %arg3[%dma_wait3A_13, %dma_wait3A_14] : memref<1000000x32xf32, #tpu.memory_space<hbm>> -> memref<1000000x32xf32, #tpu.memory_space<hbm>>
    tpu.wait_indirect_dma semaphore(%arg9 : memref<!tpu.dma_semaphore, #tpu.memory_space<semaphore_mem>>) src(%dma_wait3A_15 : memref<1000000x32xf32, #tpu.memory_space<hbm>>) dst(%arg6 : memref<1024x32xf32, #tpu.memory_space<vmem>>)
    %parallel_loop3A = arith.constant 0 : i32
    %parallel_loop3A_16 = arith.constant 1024 : i32
    %parallel_loop3A_17 = arith.constant 1 : i32
    scf.for %parallel_loop3A_575 = %parallel_loop3A to %parallel_loop3A_16 step %parallel_loop3A_17  : i32 {
      %parallel_loop3A_576 = arith.index_cast %parallel_loop3A_575 : i32 to index
      %parallel_loop3A_577 = arith.constant 0 : index
      %parallel_loop3A_578 = tpu.vector_load %arg6[%parallel_loop3A_576, %parallel_loop3A_577] {strides = array<i32>} : memref<1024x32xf32, #tpu.memory_space<vmem>>, vector<1x16xf32>,
      %parallel_loop3A_579 = vector.shape_cast %parallel_loop3A_578 : vector<1x16xf32> to vector<16xf32>
      %parallel_loop3A_580 = arith.constant 5.65685415 : f32
      %parallel_loop3A_581 = vector.broadcast %parallel_loop3A_580 : f32 to vector<16xf32>
      %parallel_loop3A_582 = arith.mulf %parallel_loop3A_579, %parallel_loop3A_581 : vector<16xf32>
      %parallel_loop3A_583 = arith.index_cast %parallel_loop3A_575 : i32 to index
      %parallel_loop3A_584 = arith.constant 0 : index
      %parallel_loop3A_585 = tpu.vector_load %arg6[%parallel_loop3A_583, %parallel_loop3A_584] {strides = array<i32>} : memref<1024x32xf32, #tpu.memory_space<vmem>>, vector<1x16xf32>,
      %parallel_loop3A_586 = vector.shape_cast %parallel_loop3A_585 : vector<1x16xf32> to vector<16xf32>
      %parallel_loop3A_587 = vector.shape_cast %parallel_loop3A_582 : vector<16xf32> to vector<1x16xf32>
      tpu.vector_store %arg6[%parallel_loop3A_583, %parallel_loop3A_584], %parallel_loop3A_587 {strides = array<i32>} : memref<1024x32xf32, #tpu.memory_space<vmem>>, vector<1x16xf32>,
      %parallel_loop3A_588 = arith.index_cast %parallel_loop3A_575 : i32 to index
      %parallel_loop3A_589 = arith.constant 16 : index
      %parallel_loop3A_590 = tpu.vector_load %arg6[%parallel_loop3A_588, %parallel_loop3A_589] {strides = array<i32>} : memref<1024x32xf32, #tpu.memory_space<vmem>>, vector<1x16xf32>,
      %parallel_loop3A_591 = vector.shape_cast %parallel_loop3A_590 : vector<1x16xf32> to vector<16xf32>
      %parallel_loop3A_592 = arith.constant 5.65685415 : f32
      %parallel_loop3A_593 = vector.broadcast %parallel_loop3A_592 : f32 to vector<16xf32>
      %parallel_loop3A_594 = arith.mulf %parallel_loop3A_591, %parallel_loop3A_593 : vector<16xf32>
      %parallel_loop3A_595 = arith.index_cast %parallel_loop3A_575 : i32 to index
      %parallel_loop3A_596 = arith.constant 16 : index
      %parallel_loop3A_597 = tpu.vector_load %arg6[%parallel_loop3A_595, %parallel_loop3A_596] {strides = array<i32>} : memref<1024x32xf32, #tpu.memory_space<vmem>>, vector<1x16xf32>,
      %parallel_loop3A_598 = vector.shape_cast %parallel_loop3A_597 : vector<1x16xf32> to vector<16xf32>
      %parallel_loop3A_599 = vector.shape_cast %parallel_loop3A_594 : vector<16xf32> to vector<1x16xf32>
      tpu.vector_store %arg6[%parallel_loop3A_595, %parallel_loop3A_596], %parallel_loop3A_599 {strides = array<i32>} : memref<1024x32xf32, #tpu.memory_space<vmem>>, vector<1x16xf32>,
    } {sc.loop_unroll_factor = 8 : i64, sc.parallel_access}
    %add3A_18 = arith.constant 0 : i32
    %add3A_19 = arith.addi %mul3A_2, %add3A_18 : i32
    %dma_start3A_20 = arith.constant 0 : i32
    %dma_start3A_21 = tpu.memref_slice %arg4[%add3A_19, %dma_start3A_20] : memref<819200x32xf32, #tpu.memory_space<hbm>> -> memref<1024x32xf32, #tpu.memory_space<hbm>>
    %dma_start3A_22 = arith.constant 0 : i32
    %dma_start3A_23 = tpu.memref_slice %arg4[%add3A_19, %dma_start3A_22] : memref<819200x32xf32, #tpu.memory_space<hbm>> -> memref<1024x32xf32, #tpu.memory_space<hbm>>
    tpu.enqueue_dma source(%arg6 : memref<1024x32xf32, #tpu.memory_space<vmem>>) target(%dma_start3A_23 : memref<1024x32xf32, #tpu.memory_space<hbm>>) target_semaphore(%arg12 : memref<!tpu.dma_semaphore, #tpu.memory_space<semaphore_mem>>)
    %dma_start3A_24 = arith.constant 2048 : i32
    %dma_start3A_25 = tpu.memref_slice %arg5[%dma_start3A_24] : memref<25600xi32, #tpu.memory_space<vmem>> -> memref<1024xi32, #tpu.memory_space<vmem>>
    %dma_start3A_26 = arith.constant 0 : i32
    %dma_start3A_27 = arith.constant 0 : i32
    %dma_start3A_28 = tpu.memref_slice %arg3[%dma_start3A_26, %dma_start3A_27] : memref<1000000x32xf32, #tpu.memory_space<hbm>> -> memref<1000000x32xf32, #tpu.memory_space<hbm>>
    tpu.enqueue_indirect_dma source(%dma_start3A_28 : memref<1000000x32xf32, #tpu.memory_space<hbm>>) target(%arg8 : memref<1024x32xf32, #tpu.memory_space<vmem>>) offsets(%dma_start3A_25 : memref<1024xi32, #tpu.memory_space<vmem>>) semaphore(%arg11 : memref<!tpu.dma_semaphore, #tpu.memory_space<semaphore_mem>>)
    %dma_wait3A_29 = arith.constant 1024 : i32
    %dma_wait3A_30 = tpu.memref_slice %arg5[%dma_wait3A_29] : memref<25600xi32, #tpu.memory_space<vmem>> -> memref<1024xi32, #tpu.memory_space<vmem>>
    %dma_wait3A_31 = arith.constant 0 : i32
    %dma_wait3A_32 = arith.constant 0 : i32
    %dma_wait3A_33 = tpu.memref_slice %arg3[%dma_wait3A_31, %dma_wait3A_32] : memref<1000000x32xf32, #tpu.memory_space<hbm>> -> memref<1000000x32xf32, #tpu.memory_space<hbm>>
    tpu.wait_indirect_dma semaphore(%arg10 : memref<!tpu.dma_semaphore, #tpu.memory_space<semaphore_mem>>) src(%dma_wait3A_33 : memref<1000000x32xf32, #tpu.memory_space<hbm>>) dst(%arg7 : memref<1024x32xf32, #tpu.memory_space<vmem>>)
    %parallel_loop3A_34 = arith.constant 0 : i32
    %parallel_loop3A_35 = arith.constant 1024 : i32
    %parallel_loop3A_36 = arith.constant 1 : i32
    scf.for %parallel_loop3A_575 = %parallel_loop3A_34 to %parallel_loop3A_35 step %parallel_loop3A_36  : i32 {
      %parallel_loop3A_576 = arith.index_cast %parallel_loop3A_575 : i32 to index
      %parallel_loop3A_577 = arith.constant 0 : index
      %parallel_loop3A_578 = tpu.vector_load %arg7[%parallel_loop3A_576, %parallel_loop3A_577] {strides = array<i32>} : memref<1024x32xf32, #tpu.memory_space<vmem>>, vector<1x16xf32>,
      %parallel_loop3A_579 = vector.shape_cast %parallel_loop3A_578 : vector<1x16xf32> to vector<16xf32>
      %parallel_loop3A_580 = arith.constant 5.65685415 : f32
      %parallel_loop3A_581 = vector.broadcast %parallel_loop3A_580 : f32 to vector<16xf32>
      %parallel_loop3A_582 = arith.mulf %parallel_loop3A_579, %parallel_loop3A_581 : vector<16xf32>
      %parallel_loop3A_583 = arith.index_cast %parallel_loop3A_575 : i32 to index
      %parallel_loop3A_584 = arith.constant 0 : index
      %parallel_loop3A_585 = tpu.vector_load %arg7[%parallel_loop3A_583, %parallel_loop3A_584] {strides = array<i32>} : memref<1024x32xf32, #tpu.memory_space<vmem>>, vector<1x16xf32>,
      %parallel_loop3A_586 = vector.shape_cast %parallel_loop3A_585 : vector<1x16xf32> to vector<16xf32>
      %parallel_loop3A_587 = vector.shape_cast %parallel_loop3A_582 : vector<16xf32> to vector<1x16xf32>
      tpu.vector_store %arg7[%parallel_loop3A_583, %parallel_loop3A_584], %parallel_loop3A_587 {strides = array<i32>} : memref<1024x32xf32, #tpu.memory_space<vmem>>, vector<1x16xf32>,
      %parallel_loop3A_588 = arith.index_cast %parallel_loop3A_575 : i32 to index
      %parallel_loop3A_589 = arith.constant 16 : index
      %parallel_loop3A_590 = tpu.vector_load %arg7[%parallel_loop3A_588, %parallel_loop3A_589] {strides = array<i32>} : memref<1024x32xf32, #tpu.memory_space<vmem>>, vector<1x16xf32>,
      %parallel_loop3A_591 = vector.shape_cast %parallel_loop3A_590 : vector<1x16xf32> to vector<16xf32>
      %parallel_loop3A_592 = arith.constant 5.65685415 : f32
      %parallel_loop3A_593 = vector.broadcast %parallel_loop3A_592 : f32 to vector<16xf32>
      %parallel_loop3A_594 = arith.mulf %parallel_loop3A_591, %parallel_loop3A_593 : vector<16xf32>
      %parallel_loop3A_595 = arith.index_cast %parallel_loop3A_575 : i32 to index
      %parallel_loop3A_596 = arith.constant 16 : index
      %parallel_loop3A_597 = tpu.vector_load %arg7[%parallel_loop3A_595, %parallel_loop3A_596] {strides = array<i32>} : memref<1024x32xf32, #tpu.memory_space<vmem>>, vector<1x16xf32>,
      %parallel_loop3A_598 = vector.shape_cast %parallel_loop3A_597 : vector<1x16xf32> to vector<16xf32>
      %parallel_loop3A_599 = vector.shape_cast %parallel_loop3A_594 : vector<16xf32> to vector<1x16xf32>
      tpu.vector_store %arg7[%parallel_loop3A_595, %parallel_loop3A_596], %parallel_loop3A_599 {strides = array<i32>} : memref<1024x32xf32, #tpu.memory_space<vmem>>, vector<1x16xf32>,
    } {sc.loop_unroll_factor = 8 : i64, sc.parallel_access}
    %add3A_37 = arith.constant 1024 : i32
    %add3A_38 = arith.addi %mul3A_2, %add3A_37 : i32
    %dma_start3A_39 = arith.constant 0 : i32
    %dma_start3A_40 = tpu.memref_slice %arg4[%add3A_38, %dma_start3A_39] : memref<819200x32xf32, #tpu.memory_space<hbm>> -> memref<1024x32xf32, #tpu.memory_space<hbm>>
    %dma_start3A_41 = arith.constant 0 : i32
    %dma_start3A_42 = tpu.memref_slice %arg4[%add3A_38, %dma_start3A_41] : memref<819200x32xf32, #tpu.memory_space<hbm>> -> memref<1024x32xf32, #tpu.memory_space<hbm>>
    tpu.enqueue_dma source(%arg7 : memref<1024x32xf32, #tpu.memory_space<vmem>>) target(%dma_start3A_42 : memref<1024x32xf32, #tpu.memory_space<hbm>>) target_semaphore(%arg13 : memref<!tpu.dma_semaphore, #tpu.memory_space<semaphore_mem>>)
    %dma_wait3A_43 = arith.constant 0 : i32
    %dma_wait3A_44 = tpu.memref_slice %arg4[%add3A_19, %dma_wait3A_43] : memref<819200x32xf32, #tpu.memory_space<hbm>> -> memref<1024x32xf32, #tpu.memory_space<hbm>>
    %dma_wait3A_45 = arith.constant 0 : i32
    %dma_wait3A_46 = tpu.memref_slice %arg4[%add3A_19, %dma_wait3A_45] : memref<819200x32xf32, #tpu.memory_space<hbm>> -> memref<1024x32xf32, #tpu.memory_space<hbm>>
    tpu.wait_dma2 semaphore(%arg12 : memref<!tpu.dma_semaphore, #tpu.memory_space<semaphore_mem>>) src(%arg6 : memref<1024x32xf32, #tpu.memory_space<vmem>>) dst(%dma_wait3A_46 : memref<1024x32xf32, #tpu.memory_space<hbm>>)
    %dma_start3A_47 = arith.constant 3072 : i32
    %dma_start3A_48 = tpu.memref_slice %arg5[%dma_start3A_47] : memref<25600xi32, #tpu.memory_space<vmem>> -> memref<1024xi32, #tpu.memory_space<vmem>>
    %dma_start3A_49 = arith.constant 0 : i32
    %dma_start3A_50 = arith.constant 0 : i32
    %dma_start3A_51 = tpu.memref_slice %arg3[%dma_start3A_49, %dma_start3A_50] : memref<1000000x32xf32, #tpu.memory_space<hbm>> -> memref<1000000x32xf32, #tpu.memory_space<hbm>>
    tpu.enqueue_indirect_dma source(%dma_start3A_51 : memref<1000000x32xf32, #tpu.memory_space<hbm>>) target(%arg6 : memref<1024x32xf32, #tpu.memory_space<vmem>>) offsets(%dma_start3A_48 : memref<1024xi32, #tpu.memory_space<vmem>>) semaphore(%arg9 : memref<!tpu.dma_semaphore, #tpu.memory_space<semaphore_mem>>)
    %dma_wait3A_52 = arith.constant 2048 : i32
    %dma_wait3A_53 = tpu.memref_slice %arg5[%dma_wait3A_52] : memref<25600xi32, #tpu.memory_space<vmem>> -> memref<1024xi32, #tpu.memory_space<vmem>>
    %dma_wait3A_54 = arith.constant 0 : i32
    %dma_wait3A_55 = arith.constant 0 : i32
    %dma_wait3A_56 = tpu.memref_slice %arg3[%dma_wait3A_54, %dma_wait3A_55] : memref<1000000x32xf32, #tpu.memory_space<hbm>> -> memref<1000000x32xf32, #tpu.memory_space<hbm>>
    tpu.wait_indirect_dma semaphore(%arg11 : memref<!tpu.dma_semaphore, #tpu.memory_space<semaphore_mem>>) src(%dma_wait3A_56 : memref<1000000x32xf32, #tpu.memory_space<hbm>>) dst(%arg8 : memref<1024x32xf32, #tpu.memory_space<vmem>>)
    %parallel_loop3A_57 = arith.constant 0 : i32
    %parallel_loop3A_58 = arith.constant 1024 : i32
    %parallel_loop3A_59 = arith.constant 1 : i32
    scf.for %parallel_loop3A_575 = %parallel_loop3A_57 to %parallel_loop3A_58 step %parallel_loop3A_59  : i32 {
      %parallel_loop3A_576 = arith.index_cast %parallel_loop3A_575 : i32 to index
      %parallel_loop3A_577 = arith.constant 0 : index
      %parallel_loop3A_578 = tpu.vector_load %arg8[%parallel_loop3A_576, %parallel_loop3A_577] {strides = array<i32>} : memref<1024x32xf32, #tpu.memory_space<vmem>>, vector<1x16xf32>,
      %parallel_loop3A_579 = vector.shape_cast %parallel_loop3A_578 : vector<1x16xf32> to vector<16xf32>
      %parallel_loop3A_580 = arith.constant 5.65685415 : f32
      %parallel_loop3A_581 = vector.broadcast %parallel_loop3A_580 : f32 to vector<16xf32>
      %parallel_loop3A_582 = arith.mulf %parallel_loop3A_579, %parallel_loop3A_581 : vector<16xf32>
      %parallel_loop3A_583 = arith.index_cast %parallel_loop3A_575 : i32 to index
      %parallel_loop3A_584 = arith.constant 0 : index
      %parallel_loop3A_585 = tpu.vector_load %arg8[%parallel_loop3A_583, %parallel_loop3A_584] {strides = array<i32>} : memref<1024x32xf32, #tpu.memory_space<vmem>>, vector<1x16xf32>,
      %parallel_loop3A_586 = vector.shape_cast %parallel_loop3A_585 : vector<1x16xf32> to vector<16xf32>
      %parallel_loop3A_587 = vector.shape_cast %parallel_loop3A_582 : vector<16xf32> to vector<1x16xf32>
      tpu.vector_store %arg8[%parallel_loop3A_583, %parallel_loop3A_584], %parallel_loop3A_587 {strides = array<i32>} : memref<1024x32xf32, #tpu.memory_space<vmem>>, vector<1x16xf32>,
      %parallel_loop3A_588 = arith.index_cast %parallel_loop3A_575 : i32 to index
      %parallel_loop3A_589 = arith.constant 16 : index
      %parallel_loop3A_590 = tpu.vector_load %arg8[%parallel_loop3A_588, %parallel_loop3A_589] {strides = array<i32>} : memref<1024x32xf32, #tpu.memory_space<vmem>>, vector<1x16xf32>,
      %parallel_loop3A_591 = vector.shape_cast %parallel_loop3A_590 : vector<1x16xf32> to vector<16xf32>
      %parallel_loop3A_592 = arith.constant 5.65685415 : f32
      %parallel_loop3A_593 = vector.broadcast %parallel_loop3A_592 : f32 to vector<16xf32>
      %parallel_loop3A_594 = arith.mulf %parallel_loop3A_591, %parallel_loop3A_593 : vector<16xf32>
      %parallel_loop3A_595 = arith.index_cast %parallel_loop3A_575 : i32 to index
      %parallel_loop3A_596 = arith.constant 16 : index
      %parallel_loop3A_597 = tpu.vector_load %arg8[%parallel_loop3A_595, %parallel_loop3A_596] {strides = array<i32>} : memref<1024x32xf32, #tpu.memory_space<vmem>>, vector<1x16xf32>,
      %parallel_loop3A_598 = vector.shape_cast %parallel_loop3A_597 : vector<1x16xf32> to vector<16xf32>
      %parallel_loop3A_599 = vector.shape_cast %parallel_loop3A_594 : vector<16xf32> to vector<1x16xf32>
      tpu.vector_store %arg8[%parallel_loop3A_595, %parallel_loop3A_596], %parallel_loop3A_599 {strides = array<i32>} : memref<1024x32xf32, #tpu.memory_space<vmem>>, vector<1x16xf32>,
    } {sc.loop_unroll_factor = 8 : i64, sc.parallel_access}
    %add3A_60 = arith.constant 2048 : i32
    %add3A_61 = arith.addi %mul3A_2, %add3A_60 : i32
    %dma_start3A_62 = arith.constant 0 : i32
    %dma_start3A_63 = tpu.memref_slice %arg4[%add3A_61, %dma_start3A_62] : memref<819200x32xf32, #tpu.memory_space<hbm>> -> memref<1024x32xf32, #tpu.memory_space<hbm>>
    %dma_start3A_64 = arith.constant 0 : i32
    %dma_start3A_65 = tpu.memref_slice %arg4[%add3A_61, %dma_start3A_64] : memref<819200x32xf32, #tpu.memory_space<hbm>> -> memref<1024x32xf32, #tpu.memory_space<hbm>>
    tpu.enqueue_dma source(%arg8 : memref<1024x32xf32, #tpu.memory_space<vmem>>) target(%dma_start3A_65 : memref<1024x32xf32, #tpu.memory_space<hbm>>) target_semaphore(%arg14 : memref<!tpu.dma_semaphore, #tpu.memory_space<semaphore_mem>>)
    %dma_wait3A_66 = arith.constant 0 : i32
    %dma_wait3A_67 = tpu.memref_slice %arg4[%add3A_38, %dma_wait3A_66] : memref<819200x32xf32, #tpu.memory_space<hbm>> -> memref<1024x32xf32, #tpu.memory_space<hbm>>
    %dma_wait3A_68 = arith.constant 0 : i32
    %dma_wait3A_69 = tpu.memref_slice %arg4[%add3A_38, %dma_wait3A_68] : memref<819200x32xf32, #tpu.memory_space<hbm>> -> memref<1024x32xf32, #tpu.memory_space<hbm>>
    tpu.wait_dma2 semaphore(%arg13 : memref<!tpu.dma_semaphore, #tpu.memory_space<semaphore_mem>>) src(%arg7 : memref<1024x32xf32, #tpu.memory_space<vmem>>) dst(%dma_wait3A_69 : memref<1024x32xf32, #tpu.memory_space<hbm>>)
    %dma_start3A_70 = arith.constant 4096 : i32
    %dma_start3A_71 = tpu.memref_slice %arg5[%dma_start3A_70] : memref<25600xi32, #tpu.memory_space<vmem>> -> memref<1024xi32, #tpu.memory_space<vmem>>
    %dma_start3A_72 = arith.constant 0 : i32
    %dma_start3A_73 = arith.constant 0 : i32
    %dma_start3A_74 = tpu.memref_slice %arg3[%dma_start3A_72, %dma_start3A_73] : memref<1000000x32xf32, #tpu.memory_space<hbm>> -> memref<1000000x32xf32, #tpu.memory_space<hbm>>
    tpu.enqueue_indirect_dma source(%dma_start3A_74 : memref<1000000x32xf32, #tpu.memory_space<hbm>>) target(%arg7 : memref<1024x32xf32, #tpu.memory_space<vmem>>) offsets(%dma_start3A_71 : memref<1024xi32, #tpu.memory_space<vmem>>) semaphore(%arg10 : memref<!tpu.dma_semaphore, #tpu.memory_space<semaphore_mem>>)
    %dma_wait3A_75 = arith.constant 3072 : i32
    %dma_wait3A_76 = tpu.memref_slice %arg5[%dma_wait3A_75] : memref<25600xi32, #tpu.memory_space<vmem>> -> memref<1024xi32, #tpu.memory_space<vmem>>
    %dma_wait3A_77 = arith.constant 0 : i32
    %dma_wait3A_78 = arith.constant 0 : i32
    %dma_wait3A_79 = tpu.memref_slice %arg3[%dma_wait3A_77, %dma_wait3A_78] : memref<1000000x32xf32, #tpu.memory_space<hbm>> -> memref<1000000x32xf32, #tpu.memory_space<hbm>>
    tpu.wait_indirect_dma semaphore(%arg9 : memref<!tpu.dma_semaphore, #tpu.memory_space<semaphore_mem>>) src(%dma_wait3A_79 : memref<1000000x32xf32, #tpu.memory_space<hbm>>) dst(%arg6 : memref<1024x32xf32, #tpu.memory_space<vmem>>)
    %parallel_loop3A_80 = arith.constant 0 : i32
    %parallel_loop3A_81 = arith.constant 1024 : i32
    %parallel_loop3A_82 = arith.constant 1 : i32
    scf.for %parallel_loop3A_575 = %parallel_loop3A_80 to %parallel_loop3A_81 step %parallel_loop3A_82  : i32 {
      %parallel_loop3A_576 = arith.index_cast %parallel_loop3A_575 : i32 to index
      %parallel_loop3A_577 = arith.constant 0 : index
      %parallel_loop3A_578 = tpu.vector_load %arg6[%parallel_loop3A_576, %parallel_loop3A_577] {strides = array<i32>} : memref<1024x32xf32, #tpu.memory_space<vmem>>, vector<1x16xf32>,
      %parallel_loop3A_579 = vector.shape_cast %parallel_loop3A_578 : vector<1x16xf32> to vector<16xf32>
      %parallel_loop3A_580 = arith.constant 5.65685415 : f32
      %parallel_loop3A_581 = vector.broadcast %parallel_loop3A_580 : f32 to vector<16xf32>
      %parallel_loop3A_582 = arith.mulf %parallel_loop3A_579, %parallel_loop3A_581 : vector<16xf32>
      %parallel_loop3A_583 = arith.index_cast %parallel_loop3A_575 : i32 to index
      %parallel_loop3A_584 = arith.constant 0 : index
      %parallel_loop3A_585 = tpu.vector_load %arg6[%parallel_loop3A_583, %parallel_loop3A_584] {strides = array<i32>} : memref<1024x32xf32, #tpu.memory_space<vmem>>, vector<1x16xf32>,
      %parallel_loop3A_586 = vector.shape_cast %parallel_loop3A_585 : vector<1x16xf32> to vector<16xf32>
      %parallel_loop3A_587 = vector.shape_cast %parallel_loop3A_582 : vector<16xf32> to vector<1x16xf32>
      tpu.vector_store %arg6[%parallel_loop3A_583, %parallel_loop3A_584], %parallel_loop3A_587 {strides = array<i32>} : memref<1024x32xf32, #tpu.memory_space<vmem>>, vector<1x16xf32>,
      %parallel_loop3A_588 = arith.index_cast %parallel_loop3A_575 : i32 to index
      %parallel_loop3A_589 = arith.constant 16 : index
      %parallel_loop3A_590 = tpu.vector_load %arg6[%parallel_loop3A_588, %parallel_loop3A_589] {strides = array<i32>} : memref<1024x32xf32, #tpu.memory_space<vmem>>, vector<1x16xf32>,
      %parallel_loop3A_591 = vector.shape_cast %parallel_loop3A_590 : vector<1x16xf32> to vector<16xf32>
      %parallel_loop3A_592 = arith.constant 5.65685415 : f32
      %parallel_loop3A_593 = vector.broadcast %parallel_loop3A_592 : f32 to vector<16xf32>
      %parallel_loop3A_594 = arith.mulf %parallel_loop3A_591, %parallel_loop3A_593 : vector<16xf32>
      %parallel_loop3A_595 = arith.index_cast %parallel_loop3A_575 : i32 to index
      %parallel_loop3A_596 = arith.constant 16 : index
      %parallel_loop3A_597 = tpu.vector_load %arg6[%parallel_loop3A_595, %parallel_loop3A_596] {strides = array<i32>} : memref<1024x32xf32, #tpu.memory_space<vmem>>, vector<1x16xf32>,
      %parallel_loop3A_598 = vector.shape_cast %parallel_loop3A_597 : vector<1x16xf32> to vector<16xf32>
      %parallel_loop3A_599 = vector.shape_cast %parallel_loop3A_594 : vector<16xf32> to vector<1x16xf32>
      tpu.vector_store %arg6[%parallel_loop3A_595, %parallel_loop3A_596], %parallel_loop3A_599 {strides = array<i32>} : memref<1024x32xf32, #tpu.memory_space<vmem>>, vector<1x16xf32>,
    } {sc.loop_unroll_factor = 8 : i64, sc.parallel_access}
    %add3A_83 = arith.constant 3072 : i32
    %add3A_84 = arith.addi %mul3A_2, %add3A_83 : i32
    %dma_start3A_85 = arith.constant 0 : i32
    %dma_start3A_86 = tpu.memref_slice %arg4[%add3A_84, %dma_start3A_85] : memref<819200x32xf32, #tpu.memory_space<hbm>> -> memref<1024x32xf32, #tpu.memory_space<hbm>>
    %dma_start3A_87 = arith.constant 0 : i32
    %dma_start3A_88 = tpu.memref_slice %arg4[%add3A_84, %dma_start3A_87] : memref<819200x32xf32, #tpu.memory_space<hbm>> -> memref<1024x32xf32, #tpu.memory_space<hbm>>
    tpu.enqueue_dma source(%arg6 : memref<1024x32xf32, #tpu.memory_space<vmem>>) target(%dma_start3A_88 : memref<1024x32xf32, #tpu.memory_space<hbm>>) target_semaphore(%arg12 : memref<!tpu.dma_semaphore, #tpu.memory_space<semaphore_mem>>)
    %dma_wait3A_89 = arith.constant 0 : i32
    %dma_wait3A_90 = tpu.memref_slice %arg4[%add3A_61, %dma_wait3A_89] : memref<819200x32xf32, #tpu.memory_space<hbm>> -> memref<1024x32xf32, #tpu.memory_space<hbm>>
    %dma_wait3A_91 = arith.constant 0 : i32
    %dma_wait3A_92 = tpu.memref_slice %arg4[%add3A_61, %dma_wait3A_91] : memref<819200x32xf32, #tpu.memory_space<hbm>> -> memref<1024x32xf32, #tpu.memory_space<hbm>>
    tpu.wait_dma2 semaphore(%arg14 : memref<!tpu.dma_semaphore, #tpu.memory_space<semaphore_mem>>) src(%arg8 : memref<1024x32xf32, #tpu.memory_space<vmem>>) dst(%dma_wait3A_92 : memref<1024x32xf32, #tpu.memory_space<hbm>>)
    %dma_start3A_93 = arith.constant 5120 : i32
    %dma_start3A_94 = tpu.memref_slice %arg5[%dma_start3A_93] : memref<25600xi32, #tpu.memory_space<vmem>> -> memref<1024xi32, #tpu.memory_space<vmem>>
    %dma_start3A_95 = arith.constant 0 : i32
    %dma_start3A_96 = arith.constant 0 : i32
    %dma_start3A_97 = tpu.memref_slice %arg3[%dma_start3A_95, %dma_start3A_96] : memref<1000000x32xf32, #tpu.memory_space<hbm>> -> memref<1000000x32xf32, #tpu.memory_space<hbm>>
    tpu.enqueue_indirect_dma source(%dma_start3A_97 : memref<1000000x32xf32, #tpu.memory_space<hbm>>) target(%arg8 : memref<1024x32xf32, #tpu.memory_space<vmem>>) offsets(%dma_start3A_94 : memref<1024xi32, #tpu.memory_space<vmem>>) semaphore(%arg11 : memref<!tpu.dma_semaphore, #tpu.memory_space<semaphore_mem>>)
    %dma_wait3A_98 = arith.constant 4096 : i32
    %dma_wait3A_99 = tpu.memref_slice %arg5[%dma_wait3A_98] : memref<25600xi32, #tpu.memory_space<vmem>> -> memref<1024xi32, #tpu.memory_space<vmem>>
    %dma_wait3A_100 = arith.constant 0 : i32
    %dma_wait3A_101 = arith.constant 0 : i32
    %dma_wait3A_102 = tpu.memref_slice %arg3[%dma_wait3A_100, %dma_wait3A_101] : memref<1000000x32xf32, #tpu.memory_space<hbm>> -> memref<1000000x32xf32, #tpu.memory_space<hbm>>
    tpu.wait_indirect_dma semaphore(%arg10 : memref<!tpu.dma_semaphore, #tpu.memory_space<semaphore_mem>>) src(%dma_wait3A_102 : memref<1000000x32xf32, #tpu.memory_space<hbm>>) dst(%arg7 : memref<1024x32xf32, #tpu.memory_space<vmem>>)
    %parallel_loop3A_103 = arith.constant 0 : i32
    %parallel_loop3A_104 = arith.constant 1024 : i32
    %parallel_loop3A_105 = arith.constant 1 : i32
    scf.for %parallel_loop3A_575 = %parallel_loop3A_103 to %parallel_loop3A_104 step %parallel_loop3A_105  : i32 {
      %parallel_loop3A_576 = arith.index_cast %parallel_loop3A_575 : i32 to index
      %parallel_loop3A_577 = arith.constant 0 : index
      %parallel_loop3A_578 = tpu.vector_load %arg7[%parallel_loop3A_576, %parallel_loop3A_577] {strides = array<i32>} : memref<1024x32xf32, #tpu.memory_space<vmem>>, vector<1x16xf32>,
      %parallel_loop3A_579 = vector.shape_cast %parallel_loop3A_578 : vector<1x16xf32> to vector<16xf32>
      %parallel_loop3A_580 = arith.constant 5.65685415 : f32
      %parallel_loop3A_581 = vector.broadcast %parallel_loop3A_580 : f32 to vector<16xf32>
      %parallel_loop3A_582 = arith.mulf %parallel_loop3A_579, %parallel_loop3A_581 : vector<16xf32>
      %parallel_loop3A_583 = arith.index_cast %parallel_loop3A_575 : i32 to index
      %parallel_loop3A_584 = arith.constant 0 : index
      %parallel_loop3A_585 = tpu.vector_load %arg7[%parallel_loop3A_583, %parallel_loop3A_584] {strides = array<i32>} : memref<1024x32xf32, #tpu.memory_space<vmem>>, vector<1x16xf32>,
      %parallel_loop3A_586 = vector.shape_cast %parallel_loop3A_585 : vector<1x16xf32> to vector<16xf32>
      %parallel_loop3A_587 = vector.shape_cast %parallel_loop3A_582 : vector<16xf32> to vector<1x16xf32>
      tpu.vector_store %arg7[%parallel_loop3A_583, %parallel_loop3A_584], %parallel_loop3A_587 {strides = array<i32>} : memref<1024x32xf32, #tpu.memory_space<vmem>>, vector<1x16xf32>,
      %parallel_loop3A_588 = arith.index_cast %parallel_loop3A_575 : i32 to index
      %parallel_loop3A_589 = arith.constant 16 : index
      %parallel_loop3A_590 = tpu.vector_load %arg7[%parallel_loop3A_588, %parallel_loop3A_589] {strides = array<i32>} : memref<1024x32xf32, #tpu.memory_space<vmem>>, vector<1x16xf32>,
      %parallel_loop3A_591 = vector.shape_cast %parallel_loop3A_590 : vector<1x16xf32> to vector<16xf32>
      %parallel_loop3A_592 = arith.constant 5.65685415 : f32
      %parallel_loop3A_593 = vector.broadcast %parallel_loop3A_592 : f32 to vector<16xf32>
      %parallel_loop3A_594 = arith.mulf %parallel_loop3A_591, %parallel_loop3A_593 : vector<16xf32>
      %parallel_loop3A_595 = arith.index_cast %parallel_loop3A_575 : i32 to index
      %parallel_loop3A_596 = arith.constant 16 : index
      %parallel_loop3A_597 = tpu.vector_load %arg7[%parallel_loop3A_595, %parallel_loop3A_596] {strides = array<i32>} : memref<1024x32xf32, #tpu.memory_space<vmem>>, vector<1x16xf32>,
      %parallel_loop3A_598 = vector.shape_cast %parallel_loop3A_597 : vector<1x16xf32> to vector<16xf32>
      %parallel_loop3A_599 = vector.shape_cast %parallel_loop3A_594 : vector<16xf32> to vector<1x16xf32>
      tpu.vector_store %arg7[%parallel_loop3A_595, %parallel_loop3A_596], %parallel_loop3A_599 {strides = array<i32>} : memref<1024x32xf32, #tpu.memory_space<vmem>>, vector<1x16xf32>,
    } {sc.loop_unroll_factor = 8 : i64, sc.parallel_access}
    %add3A_106 = arith.constant 4096 : i32
    %add3A_107 = arith.addi %mul3A_2, %add3A_106 : i32
    %dma_start3A_108 = arith.constant 0 : i32
    %dma_start3A_109 = tpu.memref_slice %arg4[%add3A_107, %dma_start3A_108] : memref<819200x32xf32, #tpu.memory_space<hbm>> -> memref<1024x32xf32, #tpu.memory_space<hbm>>
    %dma_start3A_110 = arith.constant 0 : i32
    %dma_start3A_111 = tpu.memref_slice %arg4[%add3A_107, %dma_start3A_110] : memref<819200x32xf32, #tpu.memory_space<hbm>> -> memref<1024x32xf32, #tpu.memory_space<hbm>>
    tpu.enqueue_dma source(%arg7 : memref<1024x32xf32, #tpu.memory_space<vmem>>) target(%dma_start3A_111 : memref<1024x32xf32, #tpu.memory_space<hbm>>) target_semaphore(%arg13 : memref<!tpu.dma_semaphore, #tpu.memory_space<semaphore_mem>>)
    %dma_wait3A_112 = arith.constant 0 : i32
    %dma_wait3A_113 = tpu.memref_slice %arg4[%add3A_84, %dma_wait3A_112] : memref<819200x32xf32, #tpu.memory_space<hbm>> -> memref<1024x32xf32, #tpu.memory_space<hbm>>
    %dma_wait3A_114 = arith.constant 0 : i32
    %dma_wait3A_115 = tpu.memref_slice %arg4[%add3A_84, %dma_wait3A_114] : memref<819200x32xf32, #tpu.memory_space<hbm>> -> memref<1024x32xf32, #tpu.memory_space<hbm>>
    tpu.wait_dma2 semaphore(%arg12 : memref<!tpu.dma_semaphore, #tpu.memory_space<semaphore_mem>>) src(%arg6 : memref<1024x32xf32, #tpu.memory_space<vmem>>) dst(%dma_wait3A_115 : memref<1024x32xf32, #tpu.memory_space<hbm>>)
    %dma_start3A_116 = arith.constant 6144 : i32
    %dma_start3A_117 = tpu.memref_slice %arg5[%dma_start3A_116] : memref<25600xi32, #tpu.memory_space<vmem>> -> memref<1024xi32, #tpu.memory_space<vmem>>
    %dma_start3A_118 = arith.constant 0 : i32
    %dma_start3A_119 = arith.constant 0 : i32
    %dma_start3A_120 = tpu.memref_slice %arg3[%dma_start3A_118, %dma_start3A_119] : memref<1000000x32xf32, #tpu.memory_space<hbm>> -> memref<1000000x32xf32, #tpu.memory_space<hbm>>
    tpu.enqueue_indirect_dma source(%dma_start3A_120 : memref<1000000x32xf32, #tpu.memory_space<hbm>>) target(%arg6 : memref<1024x32xf32, #tpu.memory_space<vmem>>) offsets(%dma_start3A_117 : memref<1024xi32, #tpu.memory_space<vmem>>) semaphore(%arg9 : memref<!tpu.dma_semaphore, #tpu.memory_space<semaphore_mem>>)
    %dma_wait3A_121 = arith.constant 5120 : i32
    %dma_wait3A_122 = tpu.memref_slice %arg5[%dma_wait3A_121] : memref<25600xi32, #tpu.memory_space<vmem>> -> memref<1024xi32, #tpu.memory_space<vmem>>
    %dma_wait3A_123 = arith.constant 0 : i32
    %dma_wait3A_124 = arith.constant 0 : i32
    %dma_wait3A_125 = tpu.memref_slice %arg3[%dma_wait3A_123, %dma_wait3A_124] : memref<1000000x32xf32, #tpu.memory_space<hbm>> -> memref<1000000x32xf32, #tpu.memory_space<hbm>>
    tpu.wait_indirect_dma semaphore(%arg11 : memref<!tpu.dma_semaphore, #tpu.memory_space<semaphore_mem>>) src(%dma_wait3A_125 : memref<1000000x32xf32, #tpu.memory_space<hbm>>) dst(%arg8 : memref<1024x32xf32, #tpu.memory_space<vmem>>)
    %parallel_loop3A_126 = arith.constant 0 : i32
    %parallel_loop3A_127 = arith.constant 1024 : i32
    %parallel_loop3A_128 = arith.constant 1 : i32
    scf.for %parallel_loop3A_575 = %parallel_loop3A_126 to %parallel_loop3A_127 step %parallel_loop3A_128  : i32 {
      %parallel_loop3A_576 = arith.index_cast %parallel_loop3A_575 : i32 to index
      %parallel_loop3A_577 = arith.constant 0 : index
      %parallel_loop3A_578 = tpu.vector_load %arg8[%parallel_loop3A_576, %parallel_loop3A_577] {strides = array<i32>} : memref<1024x32xf32, #tpu.memory_space<vmem>>, vector<1x16xf32>,
      %parallel_loop3A_579 = vector.shape_cast %parallel_loop3A_578 : vector<1x16xf32> to vector<16xf32>
      %parallel_loop3A_580 = arith.constant 5.65685415 : f32
      %parallel_loop3A_581 = vector.broadcast %parallel_loop3A_580 : f32 to vector<16xf32>
      %parallel_loop3A_582 = arith.mulf %parallel_loop3A_579, %parallel_loop3A_581 : vector<16xf32>
      %parallel_loop3A_583 = arith.index_cast %parallel_loop3A_575 : i32 to index
      %parallel_loop3A_584 = arith.constant 0 : index
      %parallel_loop3A_585 = tpu.vector_load %arg8[%parallel_loop3A_583, %parallel_loop3A_584] {strides = array<i32>} : memref<1024x32xf32, #tpu.memory_space<vmem>>, vector<1x16xf32>,
      %parallel_loop3A_586 = vector.shape_cast %parallel_loop3A_585 : vector<1x16xf32> to vector<16xf32>
      %parallel_loop3A_587 = vector.shape_cast %parallel_loop3A_582 : vector<16xf32> to vector<1x16xf32>
      tpu.vector_store %arg8[%parallel_loop3A_583, %parallel_loop3A_584], %parallel_loop3A_587 {strides = array<i32>} : memref<1024x32xf32, #tpu.memory_space<vmem>>, vector<1x16xf32>,
      %parallel_loop3A_588 = arith.index_cast %parallel_loop3A_575 : i32 to index
      %parallel_loop3A_589 = arith.constant 16 : index
      %parallel_loop3A_590 = tpu.vector_load %arg8[%parallel_loop3A_588, %parallel_loop3A_589] {strides = array<i32>} : memref<1024x32xf32, #tpu.memory_space<vmem>>, vector<1x16xf32>,
      %parallel_loop3A_591 = vector.shape_cast %parallel_loop3A_590 : vector<1x16xf32> to vector<16xf32>
      %parallel_loop3A_592 = arith.constant 5.65685415 : f32
      %parallel_loop3A_593 = vector.broadcast %parallel_loop3A_592 : f32 to vector<16xf32>
      %parallel_loop3A_594 = arith.mulf %parallel_loop3A_591, %parallel_loop3A_593 : vector<16xf32>
      %parallel_loop3A_595 = arith.index_cast %parallel_loop3A_575 : i32 to index
      %parallel_loop3A_596 = arith.constant 16 : index
      %parallel_loop3A_597 = tpu.vector_load %arg8[%parallel_loop3A_595, %parallel_loop3A_596] {strides = array<i32>} : memref<1024x32xf32, #tpu.memory_space<vmem>>, vector<1x16xf32>,
      %parallel_loop3A_598 = vector.shape_cast %parallel_loop3A_597 : vector<1x16xf32> to vector<16xf32>
      %parallel_loop3A_599 = vector.shape_cast %parallel_loop3A_594 : vector<16xf32> to vector<1x16xf32>
      tpu.vector_store %arg8[%parallel_loop3A_595, %parallel_loop3A_596], %parallel_loop3A_599 {strides = array<i32>} : memref<1024x32xf32, #tpu.memory_space<vmem>>, vector<1x16xf32>,
    } {sc.loop_unroll_factor = 8 : i64, sc.parallel_access}
    %add3A_129 = arith.constant 5120 : i32
    %add3A_130 = arith.addi %mul3A_2, %add3A_129 : i32
    %dma_start3A_131 = arith.constant 0 : i32
    %dma_start3A_132 = tpu.memref_slice %arg4[%add3A_130, %dma_start3A_131] : memref<819200x32xf32, #tpu.memory_space<hbm>> -> memref<1024x32xf32, #tpu.memory_space<hbm>>
    %dma_start3A_133 = arith.constant 0 : i32
    %dma_start3A_134 = tpu.memref_slice %arg4[%add3A_130, %dma_start3A_133] : memref<819200x32xf32, #tpu.memory_space<hbm>> -> memref<1024x32xf32, #tpu.memory_space<hbm>>
    tpu.enqueue_dma source(%arg8 : memref<1024x32xf32, #tpu.memory_space<vmem>>) target(%dma_start3A_134 : memref<1024x32xf32, #tpu.memory_space<hbm>>) target_semaphore(%arg14 : memref<!tpu.dma_semaphore, #tpu.memory_space<semaphore_mem>>)
    %dma_wait3A_135 = arith.constant 0 : i32
    %dma_wait3A_136 = tpu.memref_slice %arg4[%add3A_107, %dma_wait3A_135] : memref<819200x32xf32, #tpu.memory_space<hbm>> -> memref<1024x32xf32, #tpu.memory_space<hbm>>
    %dma_wait3A_137 = arith.constant 0 : i32
    %dma_wait3A_138 = tpu.memref_slice %arg4[%add3A_107, %dma_wait3A_137] : memref<819200x32xf32, #tpu.memory_space<hbm>> -> memref<1024x32xf32, #tpu.memory_space<hbm>>
    tpu.wait_dma2 semaphore(%arg13 : memref<!tpu.dma_semaphore, #tpu.memory_space<semaphore_mem>>) src(%arg7 : memref<1024x32xf32, #tpu.memory_space<vmem>>) dst(%dma_wait3A_138 : memref<1024x32xf32, #tpu.memory_space<hbm>>)
    %dma_start3A_139 = arith.constant 7168 : i32
    %dma_start3A_140 = tpu.memref_slice %arg5[%dma_start3A_139] : memref<25600xi32, #tpu.memory_space<vmem>> -> memref<1024xi32, #tpu.memory_space<vmem>>
    %dma_start3A_141 = arith.constant 0 : i32
    %dma_start3A_142 = arith.constant 0 : i32
    %dma_start3A_143 = tpu.memref_slice %arg3[%dma_start3A_141, %dma_start3A_142] : memref<1000000x32xf32, #tpu.memory_space<hbm>> -> memref<1000000x32xf32, #tpu.memory_space<hbm>>
    tpu.enqueue_indirect_dma source(%dma_start3A_143 : memref<1000000x32xf32, #tpu.memory_space<hbm>>) target(%arg7 : memref<1024x32xf32, #tpu.memory_space<vmem>>) offsets(%dma_start3A_140 : memref<1024xi32, #tpu.memory_space<vmem>>) semaphore(%arg10 : memref<!tpu.dma_semaphore, #tpu.memory_space<semaphore_mem>>)
    %dma_wait3A_144 = arith.constant 6144 : i32
    %dma_wait3A_145 = tpu.memref_slice %arg5[%dma_wait3A_144] : memref<25600xi32, #tpu.memory_space<vmem>> -> memref<1024xi32, #tpu.memory_space<vmem>>
    %dma_wait3A_146 = arith.constant 0 : i32
    %dma_wait3A_147 = arith.constant 0 : i32
    %dma_wait3A_148 = tpu.memref_slice %arg3[%dma_wait3A_146, %dma_wait3A_147] : memref<1000000x32xf32, #tpu.memory_space<hbm>> -> memref<1000000x32xf32, #tpu.memory_space<hbm>>
    tpu.wait_indirect_dma semaphore(%arg9 : memref<!tpu.dma_semaphore, #tpu.memory_space<semaphore_mem>>) src(%dma_wait3A_148 : memref<1000000x32xf32, #tpu.memory_space<hbm>>) dst(%arg6 : memref<1024x32xf32, #tpu.memory_space<vmem>>)
    %parallel_loop3A_149 = arith.constant 0 : i32
    %parallel_loop3A_150 = arith.constant 1024 : i32
    %parallel_loop3A_151 = arith.constant 1 : i32
    scf.for %parallel_loop3A_575 = %parallel_loop3A_149 to %parallel_loop3A_150 step %parallel_loop3A_151  : i32 {
      %parallel_loop3A_576 = arith.index_cast %parallel_loop3A_575 : i32 to index
      %parallel_loop3A_577 = arith.constant 0 : index
      %parallel_loop3A_578 = tpu.vector_load %arg6[%parallel_loop3A_576, %parallel_loop3A_577] {strides = array<i32>} : memref<1024x32xf32, #tpu.memory_space<vmem>>, vector<1x16xf32>,
      %parallel_loop3A_579 = vector.shape_cast %parallel_loop3A_578 : vector<1x16xf32> to vector<16xf32>
      %parallel_loop3A_580 = arith.constant 5.65685415 : f32
      %parallel_loop3A_581 = vector.broadcast %parallel_loop3A_580 : f32 to vector<16xf32>
      %parallel_loop3A_582 = arith.mulf %parallel_loop3A_579, %parallel_loop3A_581 : vector<16xf32>
      %parallel_loop3A_583 = arith.index_cast %parallel_loop3A_575 : i32 to index
      %parallel_loop3A_584 = arith.constant 0 : index
      %parallel_loop3A_585 = tpu.vector_load %arg6[%parallel_loop3A_583, %parallel_loop3A_584] {strides = array<i32>} : memref<1024x32xf32, #tpu.memory_space<vmem>>, vector<1x16xf32>,
      %parallel_loop3A_586 = vector.shape_cast %parallel_loop3A_585 : vector<1x16xf32> to vector<16xf32>
      %parallel_loop3A_587 = vector.shape_cast %parallel_loop3A_582 : vector<16xf32> to vector<1x16xf32>
      tpu.vector_store %arg6[%parallel_loop3A_583, %parallel_loop3A_584], %parallel_loop3A_587 {strides = array<i32>} : memref<1024x32xf32, #tpu.memory_space<vmem>>, vector<1x16xf32>,
      %parallel_loop3A_588 = arith.index_cast %parallel_loop3A_575 : i32 to index
      %parallel_loop3A_589 = arith.constant 16 : index
      %parallel_loop3A_590 = tpu.vector_load %arg6[%parallel_loop3A_588, %parallel_loop3A_589] {strides = array<i32>} : memref<1024x32xf32, #tpu.memory_space<vmem>>, vector<1x16xf32>,
      %parallel_loop3A_591 = vector.shape_cast %parallel_loop3A_590 : vector<1x16xf32> to vector<16xf32>
      %parallel_loop3A_592 = arith.constant 5.65685415 : f32
      %parallel_loop3A_593 = vector.broadcast %parallel_loop3A_592 : f32 to vector<16xf32>
      %parallel_loop3A_594 = arith.mulf %parallel_loop3A_591, %parallel_loop3A_593 : vector<16xf32>
      %parallel_loop3A_595 = arith.index_cast %parallel_loop3A_575 : i32 to index
      %parallel_loop3A_596 = arith.constant 16 : index
      %parallel_loop3A_597 = tpu.vector_load %arg6[%parallel_loop3A_595, %parallel_loop3A_596] {strides = array<i32>} : memref<1024x32xf32, #tpu.memory_space<vmem>>, vector<1x16xf32>,
      %parallel_loop3A_598 = vector.shape_cast %parallel_loop3A_597 : vector<1x16xf32> to vector<16xf32>
      %parallel_loop3A_599 = vector.shape_cast %parallel_loop3A_594 : vector<16xf32> to vector<1x16xf32>
      tpu.vector_store %arg6[%parallel_loop3A_595, %parallel_loop3A_596], %parallel_loop3A_599 {strides = array<i32>} : memref<1024x32xf32, #tpu.memory_space<vmem>>, vector<1x16xf32>,
    } {sc.loop_unroll_factor = 8 : i64, sc.parallel_access}
    %add3A_152 = arith.constant 6144 : i32
    %add3A_153 = arith.addi %mul3A_2, %add3A_152 : i32
    %dma_start3A_154 = arith.constant 0 : i32
    %dma_start3A_155 = tpu.memref_slice %arg4[%add3A_153, %dma_start3A_154] : memref<819200x32xf32, #tpu.memory_space<hbm>> -> memref<1024x32xf32, #tpu.memory_space<hbm>>
    %dma_start3A_156 = arith.constant 0 : i32
    %dma_start3A_157 = tpu.memref_slice %arg4[%add3A_153, %dma_start3A_156] : memref<819200x32xf32, #tpu.memory_space<hbm>> -> memref<1024x32xf32, #tpu.memory_space<hbm>>
    tpu.enqueue_dma source(%arg6 : memref<1024x32xf32, #tpu.memory_space<vmem>>) target(%dma_start3A_157 : memref<1024x32xf32, #tpu.memory_space<hbm>>) target_semaphore(%arg12 : memref<!tpu.dma_semaphore, #tpu.memory_space<semaphore_mem>>)
    %dma_wait3A_158 = arith.constant 0 : i32
    %dma_wait3A_159 = tpu.memref_slice %arg4[%add3A_130, %dma_wait3A_158] : memref<819200x32xf32, #tpu.memory_space<hbm>> -> memref<1024x32xf32, #tpu.memory_space<hbm>>
    %dma_wait3A_160 = arith.constant 0 : i32
    %dma_wait3A_161 = tpu.memref_slice %arg4[%add3A_130, %dma_wait3A_160] : memref<819200x32xf32, #tpu.memory_space<hbm>> -> memref<1024x32xf32, #tpu.memory_space<hbm>>
    tpu.wait_dma2 semaphore(%arg14 : memref<!tpu.dma_semaphore, #tpu.memory_space<semaphore_mem>>) src(%arg8 : memref<1024x32xf32, #tpu.memory_space<vmem>>) dst(%dma_wait3A_161 : memref<1024x32xf32, #tpu.memory_space<hbm>>)
    %dma_start3A_162 = arith.constant 8192 : i32
    %dma_start3A_163 = tpu.memref_slice %arg5[%dma_start3A_162] : memref<25600xi32, #tpu.memory_space<vmem>> -> memref<1024xi32, #tpu.memory_space<vmem>>
    %dma_start3A_164 = arith.constant 0 : i32
    %dma_start3A_165 = arith.constant 0 : i32
    %dma_start3A_166 = tpu.memref_slice %arg3[%dma_start3A_164, %dma_start3A_165] : memref<1000000x32xf32, #tpu.memory_space<hbm>> -> memref<1000000x32xf32, #tpu.memory_space<hbm>>
    tpu.enqueue_indirect_dma source(%dma_start3A_166 : memref<1000000x32xf32, #tpu.memory_space<hbm>>) target(%arg8 : memref<1024x32xf32, #tpu.memory_space<vmem>>) offsets(%dma_start3A_163 : memref<1024xi32, #tpu.memory_space<vmem>>) semaphore(%arg11 : memref<!tpu.dma_semaphore, #tpu.memory_space<semaphore_mem>>)
    %dma_wait3A_167 = arith.constant 7168 : i32
    %dma_wait3A_168 = tpu.memref_slice %arg5[%dma_wait3A_167] : memref<25600xi32, #tpu.memory_space<vmem>> -> memref<1024xi32, #tpu.memory_space<vmem>>
    %dma_wait3A_169 = arith.constant 0 : i32
    %dma_wait3A_170 = arith.constant 0 : i32
    %dma_wait3A_171 = tpu.memref_slice %arg3[%dma_wait3A_169, %dma_wait3A_170] : memref<1000000x32xf32, #tpu.memory_space<hbm>> -> memref<1000000x32xf32, #tpu.memory_space<hbm>>
    tpu.wait_indirect_dma semaphore(%arg10 : memref<!tpu.dma_semaphore, #tpu.memory_space<semaphore_mem>>) src(%dma_wait3A_171 : memref<1000000x32xf32, #tpu.memory_space<hbm>>) dst(%arg7 : memref<1024x32xf32, #tpu.memory_space<vmem>>)
    %parallel_loop3A_172 = arith.constant 0 : i32
    %parallel_loop3A_173 = arith.constant 1024 : i32
    %parallel_loop3A_174 = arith.constant 1 : i32
    scf.for %parallel_loop3A_575 = %parallel_loop3A_172 to %parallel_loop3A_173 step %parallel_loop3A_174  : i32 {
      %parallel_loop3A_576 = arith.index_cast %parallel_loop3A_575 : i32 to index
      %parallel_loop3A_577 = arith.constant 0 : index
      %parallel_loop3A_578 = tpu.vector_load %arg7[%parallel_loop3A_576, %parallel_loop3A_577] {strides = array<i32>} : memref<1024x32xf32, #tpu.memory_space<vmem>>, vector<1x16xf32>,
      %parallel_loop3A_579 = vector.shape_cast %parallel_loop3A_578 : vector<1x16xf32> to vector<16xf32>
      %parallel_loop3A_580 = arith.constant 5.65685415 : f32
      %parallel_loop3A_581 = vector.broadcast %parallel_loop3A_580 : f32 to vector<16xf32>
      %parallel_loop3A_582 = arith.mulf %parallel_loop3A_579, %parallel_loop3A_581 : vector<16xf32>
      %parallel_loop3A_583 = arith.index_cast %parallel_loop3A_575 : i32 to index
      %parallel_loop3A_584 = arith.constant 0 : index
      %parallel_loop3A_585 = tpu.vector_load %arg7[%parallel_loop3A_583, %parallel_loop3A_584] {strides = array<i32>} : memref<1024x32xf32, #tpu.memory_space<vmem>>, vector<1x16xf32>,
      %parallel_loop3A_586 = vector.shape_cast %parallel_loop3A_585 : vector<1x16xf32> to vector<16xf32>
      %parallel_loop3A_587 = vector.shape_cast %parallel_loop3A_582 : vector<16xf32> to vector<1x16xf32>
      tpu.vector_store %arg7[%parallel_loop3A_583, %parallel_loop3A_584], %parallel_loop3A_587 {strides = array<i32>} : memref<1024x32xf32, #tpu.memory_space<vmem>>, vector<1x16xf32>,
      %parallel_loop3A_588 = arith.index_cast %parallel_loop3A_575 : i32 to index
      %parallel_loop3A_589 = arith.constant 16 : index
      %parallel_loop3A_590 = tpu.vector_load %arg7[%parallel_loop3A_588, %parallel_loop3A_589] {strides = array<i32>} : memref<1024x32xf32, #tpu.memory_space<vmem>>, vector<1x16xf32>,
      %parallel_loop3A_591 = vector.shape_cast %parallel_loop3A_590 : vector<1x16xf32> to vector<16xf32>
      %parallel_loop3A_592 = arith.constant 5.65685415 : f32
      %parallel_loop3A_593 = vector.broadcast %parallel_loop3A_592 : f32 to vector<16xf32>
      %parallel_loop3A_594 = arith.mulf %parallel_loop3A_591, %parallel_loop3A_593 : vector<16xf32>
      %parallel_loop3A_595 = arith.index_cast %parallel_loop3A_575 : i32 to index
      %parallel_loop3A_596 = arith.constant 16 : index
      %parallel_loop3A_597 = tpu.vector_load %arg7[%parallel_loop3A_595, %parallel_loop3A_596] {strides = array<i32>} : memref<1024x32xf32, #tpu.memory_space<vmem>>, vector<1x16xf32>,
      %parallel_loop3A_598 = vector.shape_cast %parallel_loop3A_597 : vector<1x16xf32> to vector<16xf32>
      %parallel_loop3A_599 = vector.shape_cast %parallel_loop3A_594 : vector<16xf32> to vector<1x16xf32>
      tpu.vector_store %arg7[%parallel_loop3A_595, %parallel_loop3A_596], %parallel_loop3A_599 {strides = array<i32>} : memref<1024x32xf32, #tpu.memory_space<vmem>>, vector<1x16xf32>,
    } {sc.loop_unroll_factor = 8 : i64, sc.parallel_access}
    %add3A_175 = arith.constant 7168 : i32
    %add3A_176 = arith.addi %mul3A_2, %add3A_175 : i32
    %dma_start3A_177 = arith.constant 0 : i32
    %dma_start3A_178 = tpu.memref_slice %arg4[%add3A_176, %dma_start3A_177] : memref<819200x32xf32, #tpu.memory_space<hbm>> -> memref<1024x32xf32, #tpu.memory_space<hbm>>
    %dma_start3A_179 = arith.constant 0 : i32
    %dma_start3A_180 = tpu.memref_slice %arg4[%add3A_176, %dma_start3A_179] : memref<819200x32xf32, #tpu.memory_space<hbm>> -> memref<1024x32xf32, #tpu.memory_space<hbm>>
    tpu.enqueue_dma source(%arg7 : memref<1024x32xf32, #tpu.memory_space<vmem>>) target(%dma_start3A_180 : memref<1024x32xf32, #tpu.memory_space<hbm>>) target_semaphore(%arg13 : memref<!tpu.dma_semaphore, #tpu.memory_space<semaphore_mem>>)
    %dma_wait3A_181 = arith.constant 0 : i32
    %dma_wait3A_182 = tpu.memref_slice %arg4[%add3A_153, %dma_wait3A_181] : memref<819200x32xf32, #tpu.memory_space<hbm>> -> memref<1024x32xf32, #tpu.memory_space<hbm>>
    %dma_wait3A_183 = arith.constant 0 : i32
    %dma_wait3A_184 = tpu.memref_slice %arg4[%add3A_153, %dma_wait3A_183] : memref<819200x32xf32, #tpu.memory_space<hbm>> -> memref<1024x32xf32, #tpu.memory_space<hbm>>
    tpu.wait_dma2 semaphore(%arg12 : memref<!tpu.dma_semaphore, #tpu.memory_space<semaphore_mem>>) src(%arg6 : memref<1024x32xf32, #tpu.memory_space<vmem>>) dst(%dma_wait3A_184 : memref<1024x32xf32, #tpu.memory_space<hbm>>)
    %dma_start3A_185 = arith.constant 9216 : i32
    %dma_start3A_186 = tpu.memref_slice %arg5[%dma_start3A_185] : memref<25600xi32, #tpu.memory_space<vmem>> -> memref<1024xi32, #tpu.memory_space<vmem>>
    %dma_start3A_187 = arith.constant 0 : i32
    %dma_start3A_188 = arith.constant 0 : i32
    %dma_start3A_189 = tpu.memref_slice %arg3[%dma_start3A_187, %dma_start3A_188] : memref<1000000x32xf32, #tpu.memory_space<hbm>> -> memref<1000000x32xf32, #tpu.memory_space<hbm>>
    tpu.enqueue_indirect_dma source(%dma_start3A_189 : memref<1000000x32xf32, #tpu.memory_space<hbm>>) target(%arg6 : memref<1024x32xf32, #tpu.memory_space<vmem>>) offsets(%dma_start3A_186 : memref<1024xi32, #tpu.memory_space<vmem>>) semaphore(%arg9 : memref<!tpu.dma_semaphore, #tpu.memory_space<semaphore_mem>>)
    %dma_wait3A_190 = arith.constant 8192 : i32
    %dma_wait3A_191 = tpu.memref_slice %arg5[%dma_wait3A_190] : memref<25600xi32, #tpu.memory_space<vmem>> -> memref<1024xi32, #tpu.memory_space<vmem>>
    %dma_wait3A_192 = arith.constant 0 : i32
    %dma_wait3A_193 = arith.constant 0 : i32
    %dma_wait3A_194 = tpu.memref_slice %arg3[%dma_wait3A_192, %dma_wait3A_193] : memref<1000000x32xf32, #tpu.memory_space<hbm>> -> memref<1000000x32xf32, #tpu.memory_space<hbm>>
    tpu.wait_indirect_dma semaphore(%arg11 : memref<!tpu.dma_semaphore, #tpu.memory_space<semaphore_mem>>) src(%dma_wait3A_194 : memref<1000000x32xf32, #tpu.memory_space<hbm>>) dst(%arg8 : memref<1024x32xf32, #tpu.memory_space<vmem>>)
    %parallel_loop3A_195 = arith.constant 0 : i32
    %parallel_loop3A_196 = arith.constant 1024 : i32
    %parallel_loop3A_197 = arith.constant 1 : i32
    scf.for %parallel_loop3A_575 = %parallel_loop3A_195 to %parallel_loop3A_196 step %parallel_loop3A_197  : i32 {
      %parallel_loop3A_576 = arith.index_cast %parallel_loop3A_575 : i32 to index
      %parallel_loop3A_577 = arith.constant 0 : index
      %parallel_loop3A_578 = tpu.vector_load %arg8[%parallel_loop3A_576, %parallel_loop3A_577] {strides = array<i32>} : memref<1024x32xf32, #tpu.memory_space<vmem>>, vector<1x16xf32>,
      %parallel_loop3A_579 = vector.shape_cast %parallel_loop3A_578 : vector<1x16xf32> to vector<16xf32>
      %parallel_loop3A_580 = arith.constant 5.65685415 : f32
      %parallel_loop3A_581 = vector.broadcast %parallel_loop3A_580 : f32 to vector<16xf32>
      %parallel_loop3A_582 = arith.mulf %parallel_loop3A_579, %parallel_loop3A_581 : vector<16xf32>
      %parallel_loop3A_583 = arith.index_cast %parallel_loop3A_575 : i32 to index
      %parallel_loop3A_584 = arith.constant 0 : index
      %parallel_loop3A_585 = tpu.vector_load %arg8[%parallel_loop3A_583, %parallel_loop3A_584] {strides = array<i32>} : memref<1024x32xf32, #tpu.memory_space<vmem>>, vector<1x16xf32>,
      %parallel_loop3A_586 = vector.shape_cast %parallel_loop3A_585 : vector<1x16xf32> to vector<16xf32>
      %parallel_loop3A_587 = vector.shape_cast %parallel_loop3A_582 : vector<16xf32> to vector<1x16xf32>
      tpu.vector_store %arg8[%parallel_loop3A_583, %parallel_loop3A_584], %parallel_loop3A_587 {strides = array<i32>} : memref<1024x32xf32, #tpu.memory_space<vmem>>, vector<1x16xf32>,
      %parallel_loop3A_588 = arith.index_cast %parallel_loop3A_575 : i32 to index
      %parallel_loop3A_589 = arith.constant 16 : index
      %parallel_loop3A_590 = tpu.vector_load %arg8[%parallel_loop3A_588, %parallel_loop3A_589] {strides = array<i32>} : memref<1024x32xf32, #tpu.memory_space<vmem>>, vector<1x16xf32>,
      %parallel_loop3A_591 = vector.shape_cast %parallel_loop3A_590 : vector<1x16xf32> to vector<16xf32>
      %parallel_loop3A_592 = arith.constant 5.65685415 : f32
      %parallel_loop3A_593 = vector.broadcast %parallel_loop3A_592 : f32 to vector<16xf32>
      %parallel_loop3A_594 = arith.mulf %parallel_loop3A_591, %parallel_loop3A_593 : vector<16xf32>
      %parallel_loop3A_595 = arith.index_cast %parallel_loop3A_575 : i32 to index
      %parallel_loop3A_596 = arith.constant 16 : index
      %parallel_loop3A_597 = tpu.vector_load %arg8[%parallel_loop3A_595, %parallel_loop3A_596] {strides = array<i32>} : memref<1024x32xf32, #tpu.memory_space<vmem>>, vector<1x16xf32>,
      %parallel_loop3A_598 = vector.shape_cast %parallel_loop3A_597 : vector<1x16xf32> to vector<16xf32>
      %parallel_loop3A_599 = vector.shape_cast %parallel_loop3A_594 : vector<16xf32> to vector<1x16xf32>
      tpu.vector_store %arg8[%parallel_loop3A_595, %parallel_loop3A_596], %parallel_loop3A_599 {strides = array<i32>} : memref<1024x32xf32, #tpu.memory_space<vmem>>, vector<1x16xf32>,
    } {sc.loop_unroll_factor = 8 : i64, sc.parallel_access}
    %add3A_198 = arith.constant 8192 : i32
    %add3A_199 = arith.addi %mul3A_2, %add3A_198 : i32
    %dma_start3A_200 = arith.constant 0 : i32
    %dma_start3A_201 = tpu.memref_slice %arg4[%add3A_199, %dma_start3A_200] : memref<819200x32xf32, #tpu.memory_space<hbm>> -> memref<1024x32xf32, #tpu.memory_space<hbm>>
    %dma_start3A_202 = arith.constant 0 : i32
    %dma_start3A_203 = tpu.memref_slice %arg4[%add3A_199, %dma_start3A_202] : memref<819200x32xf32, #tpu.memory_space<hbm>> -> memref<1024x32xf32, #tpu.memory_space<hbm>>
    tpu.enqueue_dma source(%arg8 : memref<1024x32xf32, #tpu.memory_space<vmem>>) target(%dma_start3A_203 : memref<1024x32xf32, #tpu.memory_space<hbm>>) target_semaphore(%arg14 : memref<!tpu.dma_semaphore, #tpu.memory_space<semaphore_mem>>)
    %dma_wait3A_204 = arith.constant 0 : i32
    %dma_wait3A_205 = tpu.memref_slice %arg4[%add3A_176, %dma_wait3A_204] : memref<819200x32xf32, #tpu.memory_space<hbm>> -> memref<1024x32xf32, #tpu.memory_space<hbm>>
    %dma_wait3A_206 = arith.constant 0 : i32
    %dma_wait3A_207 = tpu.memref_slice %arg4[%add3A_176, %dma_wait3A_206] : memref<819200x32xf32, #tpu.memory_space<hbm>> -> memref<1024x32xf32, #tpu.memory_space<hbm>>
    tpu.wait_dma2 semaphore(%arg13 : memref<!tpu.dma_semaphore, #tpu.memory_space<semaphore_mem>>) src(%arg7 : memref<1024x32xf32, #tpu.memory_space<vmem>>) dst(%dma_wait3A_207 : memref<1024x32xf32, #tpu.memory_space<hbm>>)
    %dma_start3A_208 = arith.constant 10240 : i32
    %dma_start3A_209 = tpu.memref_slice %arg5[%dma_start3A_208] : memref<25600xi32, #tpu.memory_space<vmem>> -> memref<1024xi32, #tpu.memory_space<vmem>>
    %dma_start3A_210 = arith.constant 0 : i32
    %dma_start3A_211 = arith.constant 0 : i32
    %dma_start3A_212 = tpu.memref_slice %arg3[%dma_start3A_210, %dma_start3A_211] : memref<1000000x32xf32, #tpu.memory_space<hbm>> -> memref<1000000x32xf32, #tpu.memory_space<hbm>>
    tpu.enqueue_indirect_dma source(%dma_start3A_212 : memref<1000000x32xf32, #tpu.memory_space<hbm>>) target(%arg7 : memref<1024x32xf32, #tpu.memory_space<vmem>>) offsets(%dma_start3A_209 : memref<1024xi32, #tpu.memory_space<vmem>>) semaphore(%arg10 : memref<!tpu.dma_semaphore, #tpu.memory_space<semaphore_mem>>)
    %dma_wait3A_213 = arith.constant 9216 : i32
    %dma_wait3A_214 = tpu.memref_slice %arg5[%dma_wait3A_213] : memref<25600xi32, #tpu.memory_space<vmem>> -> memref<1024xi32, #tpu.memory_space<vmem>>
    %dma_wait3A_215 = arith.constant 0 : i32
    %dma_wait3A_216 = arith.constant 0 : i32
    %dma_wait3A_217 = tpu.memref_slice %arg3[%dma_wait3A_215, %dma_wait3A_216] : memref<1000000x32xf32, #tpu.memory_space<hbm>> -> memref<1000000x32xf32, #tpu.memory_space<hbm>>
    tpu.wait_indirect_dma semaphore(%arg9 : memref<!tpu.dma_semaphore, #tpu.memory_space<semaphore_mem>>) src(%dma_wait3A_217 : memref<1000000x32xf32, #tpu.memory_space<hbm>>) dst(%arg6 : memref<1024x32xf32, #tpu.memory_space<vmem>>)
    %parallel_loop3A_218 = arith.constant 0 : i32
    %parallel_loop3A_219 = arith.constant 1024 : i32
    %parallel_loop3A_220 = arith.constant 1 : i32
    scf.for %parallel_loop3A_575 = %parallel_loop3A_218 to %parallel_loop3A_219 step %parallel_loop3A_220  : i32 {
      %parallel_loop3A_576 = arith.index_cast %parallel_loop3A_575 : i32 to index
      %parallel_loop3A_577 = arith.constant 0 : index
      %parallel_loop3A_578 = tpu.vector_load %arg6[%parallel_loop3A_576, %parallel_loop3A_577] {strides = array<i32>} : memref<1024x32xf32, #tpu.memory_space<vmem>>, vector<1x16xf32>,
      %parallel_loop3A_579 = vector.shape_cast %parallel_loop3A_578 : vector<1x16xf32> to vector<16xf32>
      %parallel_loop3A_580 = arith.constant 5.65685415 : f32
      %parallel_loop3A_581 = vector.broadcast %parallel_loop3A_580 : f32 to vector<16xf32>
      %parallel_loop3A_582 = arith.mulf %parallel_loop3A_579, %parallel_loop3A_581 : vector<16xf32>
      %parallel_loop3A_583 = arith.index_cast %parallel_loop3A_575 : i32 to index
      %parallel_loop3A_584 = arith.constant 0 : index
      %parallel_loop3A_585 = tpu.vector_load %arg6[%parallel_loop3A_583, %parallel_loop3A_584] {strides = array<i32>} : memref<1024x32xf32, #tpu.memory_space<vmem>>, vector<1x16xf32>,
      %parallel_loop3A_586 = vector.shape_cast %parallel_loop3A_585 : vector<1x16xf32> to vector<16xf32>
      %parallel_loop3A_587 = vector.shape_cast %parallel_loop3A_582 : vector<16xf32> to vector<1x16xf32>
      tpu.vector_store %arg6[%parallel_loop3A_583, %parallel_loop3A_584], %parallel_loop3A_587 {strides = array<i32>} : memref<1024x32xf32, #tpu.memory_space<vmem>>, vector<1x16xf32>,
      %parallel_loop3A_588 = arith.index_cast %parallel_loop3A_575 : i32 to index
      %parallel_loop3A_589 = arith.constant 16 : index
      %parallel_loop3A_590 = tpu.vector_load %arg6[%parallel_loop3A_588, %parallel_loop3A_589] {strides = array<i32>} : memref<1024x32xf32, #tpu.memory_space<vmem>>, vector<1x16xf32>,
      %parallel_loop3A_591 = vector.shape_cast %parallel_loop3A_590 : vector<1x16xf32> to vector<16xf32>
      %parallel_loop3A_592 = arith.constant 5.65685415 : f32
      %parallel_loop3A_593 = vector.broadcast %parallel_loop3A_592 : f32 to vector<16xf32>
      %parallel_loop3A_594 = arith.mulf %parallel_loop3A_591, %parallel_loop3A_593 : vector<16xf32>
      %parallel_loop3A_595 = arith.index_cast %parallel_loop3A_575 : i32 to index
      %parallel_loop3A_596 = arith.constant 16 : index
      %parallel_loop3A_597 = tpu.vector_load %arg6[%parallel_loop3A_595, %parallel_loop3A_596] {strides = array<i32>} : memref<1024x32xf32, #tpu.memory_space<vmem>>, vector<1x16xf32>,
      %parallel_loop3A_598 = vector.shape_cast %parallel_loop3A_597 : vector<1x16xf32> to vector<16xf32>
      %parallel_loop3A_599 = vector.shape_cast %parallel_loop3A_594 : vector<16xf32> to vector<1x16xf32>
      tpu.vector_store %arg6[%parallel_loop3A_595, %parallel_loop3A_596], %parallel_loop3A_599 {strides = array<i32>} : memref<1024x32xf32, #tpu.memory_space<vmem>>, vector<1x16xf32>,
    } {sc.loop_unroll_factor = 8 : i64, sc.parallel_access}
    %add3A_221 = arith.constant 9216 : i32
    %add3A_222 = arith.addi %mul3A_2, %add3A_221 : i32
    %dma_start3A_223 = arith.constant 0 : i32
    %dma_start3A_224 = tpu.memref_slice %arg4[%add3A_222, %dma_start3A_223] : memref<819200x32xf32, #tpu.memory_space<hbm>> -> memref<1024x32xf32, #tpu.memory_space<hbm>>
    %dma_start3A_225 = arith.constant 0 : i32
    %dma_start3A_226 = tpu.memref_slice %arg4[%add3A_222, %dma_start3A_225] : memref<819200x32xf32, #tpu.memory_space<hbm>> -> memref<1024x32xf32, #tpu.memory_space<hbm>>
    tpu.enqueue_dma source(%arg6 : memref<1024x32xf32, #tpu.memory_space<vmem>>) target(%dma_start3A_226 : memref<1024x32xf32, #tpu.memory_space<hbm>>) target_semaphore(%arg12 : memref<!tpu.dma_semaphore, #tpu.memory_space<semaphore_mem>>)
    %dma_wait3A_227 = arith.constant 0 : i32
    %dma_wait3A_228 = tpu.memref_slice %arg4[%add3A_199, %dma_wait3A_227] : memref<819200x32xf32, #tpu.memory_space<hbm>> -> memref<1024x32xf32, #tpu.memory_space<hbm>>
    %dma_wait3A_229 = arith.constant 0 : i32
    %dma_wait3A_230 = tpu.memref_slice %arg4[%add3A_199, %dma_wait3A_229] : memref<819200x32xf32, #tpu.memory_space<hbm>> -> memref<1024x32xf32, #tpu.memory_space<hbm>>
    tpu.wait_dma2 semaphore(%arg14 : memref<!tpu.dma_semaphore, #tpu.memory_space<semaphore_mem>>) src(%arg8 : memref<1024x32xf32, #tpu.memory_space<vmem>>) dst(%dma_wait3A_230 : memref<1024x32xf32, #tpu.memory_space<hbm>>)
    %dma_start3A_231 = arith.constant 11264 : i32
    %dma_start3A_232 = tpu.memref_slice %arg5[%dma_start3A_231] : memref<25600xi32, #tpu.memory_space<vmem>> -> memref<1024xi32, #tpu.memory_space<vmem>>
    %dma_start3A_233 = arith.constant 0 : i32
    %dma_start3A_234 = arith.constant 0 : i32
    %dma_start3A_235 = tpu.memref_slice %arg3[%dma_start3A_233, %dma_start3A_234] : memref<1000000x32xf32, #tpu.memory_space<hbm>> -> memref<1000000x32xf32, #tpu.memory_space<hbm>>
    tpu.enqueue_indirect_dma source(%dma_start3A_235 : memref<1000000x32xf32, #tpu.memory_space<hbm>>) target(%arg8 : memref<1024x32xf32, #tpu.memory_space<vmem>>) offsets(%dma_start3A_232 : memref<1024xi32, #tpu.memory_space<vmem>>) semaphore(%arg11 : memref<!tpu.dma_semaphore, #tpu.memory_space<semaphore_mem>>)
    %dma_wait3A_236 = arith.constant 10240 : i32
    %dma_wait3A_237 = tpu.memref_slice %arg5[%dma_wait3A_236] : memref<25600xi32, #tpu.memory_space<vmem>> -> memref<1024xi32, #tpu.memory_space<vmem>>
    %dma_wait3A_238 = arith.constant 0 : i32
    %dma_wait3A_239 = arith.constant 0 : i32
    %dma_wait3A_240 = tpu.memref_slice %arg3[%dma_wait3A_238, %dma_wait3A_239] : memref<1000000x32xf32, #tpu.memory_space<hbm>> -> memref<1000000x32xf32, #tpu.memory_space<hbm>>
    tpu.wait_indirect_dma semaphore(%arg10 : memref<!tpu.dma_semaphore, #tpu.memory_space<semaphore_mem>>) src(%dma_wait3A_240 : memref<1000000x32xf32, #tpu.memory_space<hbm>>) dst(%arg7 : memref<1024x32xf32, #tpu.memory_space<vmem>>)
    %parallel_loop3A_241 = arith.constant 0 : i32
    %parallel_loop3A_242 = arith.constant 1024 : i32
    %parallel_loop3A_243 = arith.constant 1 : i32
    scf.for %parallel_loop3A_575 = %parallel_loop3A_241 to %parallel_loop3A_242 step %parallel_loop3A_243  : i32 {
      %parallel_loop3A_576 = arith.index_cast %parallel_loop3A_575 : i32 to index
      %parallel_loop3A_577 = arith.constant 0 : index
      %parallel_loop3A_578 = tpu.vector_load %arg7[%parallel_loop3A_576, %parallel_loop3A_577] {strides = array<i32>} : memref<1024x32xf32, #tpu.memory_space<vmem>>, vector<1x16xf32>,
      %parallel_loop3A_579 = vector.shape_cast %parallel_loop3A_578 : vector<1x16xf32> to vector<16xf32>
      %parallel_loop3A_580 = arith.constant 5.65685415 : f32
      %parallel_loop3A_581 = vector.broadcast %parallel_loop3A_580 : f32 to vector<16xf32>
      %parallel_loop3A_582 = arith.mulf %parallel_loop3A_579, %parallel_loop3A_581 : vector<16xf32>
      %parallel_loop3A_583 = arith.index_cast %parallel_loop3A_575 : i32 to index
      %parallel_loop3A_584 = arith.constant 0 : index
      %parallel_loop3A_585 = tpu.vector_load %arg7[%parallel_loop3A_583, %parallel_loop3A_584] {strides = array<i32>} : memref<1024x32xf32, #tpu.memory_space<vmem>>, vector<1x16xf32>,
      %parallel_loop3A_586 = vector.shape_cast %parallel_loop3A_585 : vector<1x16xf32> to vector<16xf32>
      %parallel_loop3A_587 = vector.shape_cast %parallel_loop3A_582 : vector<16xf32> to vector<1x16xf32>
      tpu.vector_store %arg7[%parallel_loop3A_583, %parallel_loop3A_584], %parallel_loop3A_587 {strides = array<i32>} : memref<1024x32xf32, #tpu.memory_space<vmem>>, vector<1x16xf32>,
      %parallel_loop3A_588 = arith.index_cast %parallel_loop3A_575 : i32 to index
      %parallel_loop3A_589 = arith.constant 16 : index
      %parallel_loop3A_590 = tpu.vector_load %arg7[%parallel_loop3A_588, %parallel_loop3A_589] {strides = array<i32>} : memref<1024x32xf32, #tpu.memory_space<vmem>>, vector<1x16xf32>,
      %parallel_loop3A_591 = vector.shape_cast %parallel_loop3A_590 : vector<1x16xf32> to vector<16xf32>
      %parallel_loop3A_592 = arith.constant 5.65685415 : f32
      %parallel_loop3A_593 = vector.broadcast %parallel_loop3A_592 : f32 to vector<16xf32>
      %parallel_loop3A_594 = arith.mulf %parallel_loop3A_591, %parallel_loop3A_593 : vector<16xf32>
      %parallel_loop3A_595 = arith.index_cast %parallel_loop3A_575 : i32 to index
      %parallel_loop3A_596 = arith.constant 16 : index
      %parallel_loop3A_597 = tpu.vector_load %arg7[%parallel_loop3A_595, %parallel_loop3A_596] {strides = array<i32>} : memref<1024x32xf32, #tpu.memory_space<vmem>>, vector<1x16xf32>,
      %parallel_loop3A_598 = vector.shape_cast %parallel_loop3A_597 : vector<1x16xf32> to vector<16xf32>
      %parallel_loop3A_599 = vector.shape_cast %parallel_loop3A_594 : vector<16xf32> to vector<1x16xf32>
      tpu.vector_store %arg7[%parallel_loop3A_595, %parallel_loop3A_596], %parallel_loop3A_599 {strides = array<i32>} : memref<1024x32xf32, #tpu.memory_space<vmem>>, vector<1x16xf32>,
    } {sc.loop_unroll_factor = 8 : i64, sc.parallel_access}
    %add3A_244 = arith.constant 10240 : i32
    %add3A_245 = arith.addi %mul3A_2, %add3A_244 : i32
    %dma_start3A_246 = arith.constant 0 : i32
    %dma_start3A_247 = tpu.memref_slice %arg4[%add3A_245, %dma_start3A_246] : memref<819200x32xf32, #tpu.memory_space<hbm>> -> memref<1024x32xf32, #tpu.memory_space<hbm>>
    %dma_start3A_248 = arith.constant 0 : i32
    %dma_start3A_249 = tpu.memref_slice %arg4[%add3A_245, %dma_start3A_248] : memref<819200x32xf32, #tpu.memory_space<hbm>> -> memref<1024x32xf32, #tpu.memory_space<hbm>>
    tpu.enqueue_dma source(%arg7 : memref<1024x32xf32, #tpu.memory_space<vmem>>) target(%dma_start3A_249 : memref<1024x32xf32, #tpu.memory_space<hbm>>) target_semaphore(%arg13 : memref<!tpu.dma_semaphore, #tpu.memory_space<semaphore_mem>>)
    %dma_wait3A_250 = arith.constant 0 : i32
    %dma_wait3A_251 = tpu.memref_slice %arg4[%add3A_222, %dma_wait3A_250] : memref<819200x32xf32, #tpu.memory_space<hbm>> -> memref<1024x32xf32, #tpu.memory_space<hbm>>
    %dma_wait3A_252 = arith.constant 0 : i32
    %dma_wait3A_253 = tpu.memref_slice %arg4[%add3A_222, %dma_wait3A_252] : memref<819200x32xf32, #tpu.memory_space<hbm>> -> memref<1024x32xf32, #tpu.memory_space<hbm>>
    tpu.wait_dma2 semaphore(%arg12 : memref<!tpu.dma_semaphore, #tpu.memory_space<semaphore_mem>>) src(%arg6 : memref<1024x32xf32, #tpu.memory_space<vmem>>) dst(%dma_wait3A_253 : memref<1024x32xf32, #tpu.memory_space<hbm>>)
    %dma_start3A_254 = arith.constant 12288 : i32
    %dma_start3A_255 = tpu.memref_slice %arg5[%dma_start3A_254] : memref<25600xi32, #tpu.memory_space<vmem>> -> memref<1024xi32, #tpu.memory_space<vmem>>
    %dma_start3A_256 = arith.constant 0 : i32
    %dma_start3A_257 = arith.constant 0 : i32
    %dma_start3A_258 = tpu.memref_slice %arg3[%dma_start3A_256, %dma_start3A_257] : memref<1000000x32xf32, #tpu.memory_space<hbm>> -> memref<1000000x32xf32, #tpu.memory_space<hbm>>
    tpu.enqueue_indirect_dma source(%dma_start3A_258 : memref<1000000x32xf32, #tpu.memory_space<hbm>>) target(%arg6 : memref<1024x32xf32, #tpu.memory_space<vmem>>) offsets(%dma_start3A_255 : memref<1024xi32, #tpu.memory_space<vmem>>) semaphore(%arg9 : memref<!tpu.dma_semaphore, #tpu.memory_space<semaphore_mem>>)
    %dma_wait3A_259 = arith.constant 11264 : i32
    %dma_wait3A_260 = tpu.memref_slice %arg5[%dma_wait3A_259] : memref<25600xi32, #tpu.memory_space<vmem>> -> memref<1024xi32, #tpu.memory_space<vmem>>
    %dma_wait3A_261 = arith.constant 0 : i32
    %dma_wait3A_262 = arith.constant 0 : i32
    %dma_wait3A_263 = tpu.memref_slice %arg3[%dma_wait3A_261, %dma_wait3A_262] : memref<1000000x32xf32, #tpu.memory_space<hbm>> -> memref<1000000x32xf32, #tpu.memory_space<hbm>>
    tpu.wait_indirect_dma semaphore(%arg11 : memref<!tpu.dma_semaphore, #tpu.memory_space<semaphore_mem>>) src(%dma_wait3A_263 : memref<1000000x32xf32, #tpu.memory_space<hbm>>) dst(%arg8 : memref<1024x32xf32, #tpu.memory_space<vmem>>)
    %parallel_loop3A_264 = arith.constant 0 : i32
    %parallel_loop3A_265 = arith.constant 1024 : i32
    %parallel_loop3A_266 = arith.constant 1 : i32
    scf.for %parallel_loop3A_575 = %parallel_loop3A_264 to %parallel_loop3A_265 step %parallel_loop3A_266  : i32 {
      %parallel_loop3A_576 = arith.index_cast %parallel_loop3A_575 : i32 to index
      %parallel_loop3A_577 = arith.constant 0 : index
      %parallel_loop3A_578 = tpu.vector_load %arg8[%parallel_loop3A_576, %parallel_loop3A_577] {strides = array<i32>} : memref<1024x32xf32, #tpu.memory_space<vmem>>, vector<1x16xf32>,
      %parallel_loop3A_579 = vector.shape_cast %parallel_loop3A_578 : vector<1x16xf32> to vector<16xf32>
      %parallel_loop3A_580 = arith.constant 5.65685415 : f32
      %parallel_loop3A_581 = vector.broadcast %parallel_loop3A_580 : f32 to vector<16xf32>
      %parallel_loop3A_582 = arith.mulf %parallel_loop3A_579, %parallel_loop3A_581 : vector<16xf32>
      %parallel_loop3A_583 = arith.index_cast %parallel_loop3A_575 : i32 to index
      %parallel_loop3A_584 = arith.constant 0 : index
      %parallel_loop3A_585 = tpu.vector_load %arg8[%parallel_loop3A_583, %parallel_loop3A_584] {strides = array<i32>} : memref<1024x32xf32, #tpu.memory_space<vmem>>, vector<1x16xf32>,
      %parallel_loop3A_586 = vector.shape_cast %parallel_loop3A_585 : vector<1x16xf32> to vector<16xf32>
      %parallel_loop3A_587 = vector.shape_cast %parallel_loop3A_582 : vector<16xf32> to vector<1x16xf32>
      tpu.vector_store %arg8[%parallel_loop3A_583, %parallel_loop3A_584], %parallel_loop3A_587 {strides = array<i32>} : memref<1024x32xf32, #tpu.memory_space<vmem>>, vector<1x16xf32>,
      %parallel_loop3A_588 = arith.index_cast %parallel_loop3A_575 : i32 to index
      %parallel_loop3A_589 = arith.constant 16 : index
      %parallel_loop3A_590 = tpu.vector_load %arg8[%parallel_loop3A_588, %parallel_loop3A_589] {strides = array<i32>} : memref<1024x32xf32, #tpu.memory_space<vmem>>, vector<1x16xf32>,
      %parallel_loop3A_591 = vector.shape_cast %parallel_loop3A_590 : vector<1x16xf32> to vector<16xf32>
      %parallel_loop3A_592 = arith.constant 5.65685415 : f32
      %parallel_loop3A_593 = vector.broadcast %parallel_loop3A_592 : f32 to vector<16xf32>
      %parallel_loop3A_594 = arith.mulf %parallel_loop3A_591, %parallel_loop3A_593 : vector<16xf32>
      %parallel_loop3A_595 = arith.index_cast %parallel_loop3A_575 : i32 to index
      %parallel_loop3A_596 = arith.constant 16 : index
      %parallel_loop3A_597 = tpu.vector_load %arg8[%parallel_loop3A_595, %parallel_loop3A_596] {strides = array<i32>} : memref<1024x32xf32, #tpu.memory_space<vmem>>, vector<1x16xf32>,
      %parallel_loop3A_598 = vector.shape_cast %parallel_loop3A_597 : vector<1x16xf32> to vector<16xf32>
      %parallel_loop3A_599 = vector.shape_cast %parallel_loop3A_594 : vector<16xf32> to vector<1x16xf32>
      tpu.vector_store %arg8[%parallel_loop3A_595, %parallel_loop3A_596], %parallel_loop3A_599 {strides = array<i32>} : memref<1024x32xf32, #tpu.memory_space<vmem>>, vector<1x16xf32>,
    } {sc.loop_unroll_factor = 8 : i64, sc.parallel_access}
    %add3A_267 = arith.constant 11264 : i32
    %add3A_268 = arith.addi %mul3A_2, %add3A_267 : i32
    %dma_start3A_269 = arith.constant 0 : i32
    %dma_start3A_270 = tpu.memref_slice %arg4[%add3A_268, %dma_start3A_269] : memref<819200x32xf32, #tpu.memory_space<hbm>> -> memref<1024x32xf32, #tpu.memory_space<hbm>>
    %dma_start3A_271 = arith.constant 0 : i32
    %dma_start3A_272 = tpu.memref_slice %arg4[%add3A_268, %dma_start3A_271] : memref<819200x32xf32, #tpu.memory_space<hbm>> -> memref<1024x32xf32, #tpu.memory_space<hbm>>
    tpu.enqueue_dma source(%arg8 : memref<1024x32xf32, #tpu.memory_space<vmem>>) target(%dma_start3A_272 : memref<1024x32xf32, #tpu.memory_space<hbm>>) target_semaphore(%arg14 : memref<!tpu.dma_semaphore, #tpu.memory_space<semaphore_mem>>)
    %dma_wait3A_273 = arith.constant 0 : i32
    %dma_wait3A_274 = tpu.memref_slice %arg4[%add3A_245, %dma_wait3A_273] : memref<819200x32xf32, #tpu.memory_space<hbm>> -> memref<1024x32xf32, #tpu.memory_space<hbm>>
    %dma_wait3A_275 = arith.constant 0 : i32
    %dma_wait3A_276 = tpu.memref_slice %arg4[%add3A_245, %dma_wait3A_275] : memref<819200x32xf32, #tpu.memory_space<hbm>> -> memref<1024x32xf32, #tpu.memory_space<hbm>>
    tpu.wait_dma2 semaphore(%arg13 : memref<!tpu.dma_semaphore, #tpu.memory_space<semaphore_mem>>) src(%arg7 : memref<1024x32xf32, #tpu.memory_space<vmem>>) dst(%dma_wait3A_276 : memref<1024x32xf32, #tpu.memory_space<hbm>>)
    %dma_start3A_277 = arith.constant 13312 : i32
    %dma_start3A_278 = tpu.memref_slice %arg5[%dma_start3A_277] : memref<25600xi32, #tpu.memory_space<vmem>> -> memref<1024xi32, #tpu.memory_space<vmem>>
    %dma_start3A_279 = arith.constant 0 : i32
    %dma_start3A_280 = arith.constant 0 : i32
    %dma_start3A_281 = tpu.memref_slice %arg3[%dma_start3A_279, %dma_start3A_280] : memref<1000000x32xf32, #tpu.memory_space<hbm>> -> memref<1000000x32xf32, #tpu.memory_space<hbm>>
    tpu.enqueue_indirect_dma source(%dma_start3A_281 : memref<1000000x32xf32, #tpu.memory_space<hbm>>) target(%arg7 : memref<1024x32xf32, #tpu.memory_space<vmem>>) offsets(%dma_start3A_278 : memref<1024xi32, #tpu.memory_space<vmem>>) semaphore(%arg10 : memref<!tpu.dma_semaphore, #tpu.memory_space<semaphore_mem>>)
    %dma_wait3A_282 = arith.constant 12288 : i32
    %dma_wait3A_283 = tpu.memref_slice %arg5[%dma_wait3A_282] : memref<25600xi32, #tpu.memory_space<vmem>> -> memref<1024xi32, #tpu.memory_space<vmem>>
    %dma_wait3A_284 = arith.constant 0 : i32
    %dma_wait3A_285 = arith.constant 0 : i32
    %dma_wait3A_286 = tpu.memref_slice %arg3[%dma_wait3A_284, %dma_wait3A_285] : memref<1000000x32xf32, #tpu.memory_space<hbm>> -> memref<1000000x32xf32, #tpu.memory_space<hbm>>
    tpu.wait_indirect_dma semaphore(%arg9 : memref<!tpu.dma_semaphore, #tpu.memory_space<semaphore_mem>>) src(%dma_wait3A_286 : memref<1000000x32xf32, #tpu.memory_space<hbm>>) dst(%arg6 : memref<1024x32xf32, #tpu.memory_space<vmem>>)
    %parallel_loop3A_287 = arith.constant 0 : i32
    %parallel_loop3A_288 = arith.constant 1024 : i32
    %parallel_loop3A_289 = arith.constant 1 : i32
    scf.for %parallel_loop3A_575 = %parallel_loop3A_287 to %parallel_loop3A_288 step %parallel_loop3A_289  : i32 {
      %parallel_loop3A_576 = arith.index_cast %parallel_loop3A_575 : i32 to index
      %parallel_loop3A_577 = arith.constant 0 : index
      %parallel_loop3A_578 = tpu.vector_load %arg6[%parallel_loop3A_576, %parallel_loop3A_577] {strides = array<i32>} : memref<1024x32xf32, #tpu.memory_space<vmem>>, vector<1x16xf32>,
      %parallel_loop3A_579 = vector.shape_cast %parallel_loop3A_578 : vector<1x16xf32> to vector<16xf32>
      %parallel_loop3A_580 = arith.constant 5.65685415 : f32
      %parallel_loop3A_581 = vector.broadcast %parallel_loop3A_580 : f32 to vector<16xf32>
      %parallel_loop3A_582 = arith.mulf %parallel_loop3A_579, %parallel_loop3A_581 : vector<16xf32>
      %parallel_loop3A_583 = arith.index_cast %parallel_loop3A_575 : i32 to index
      %parallel_loop3A_584 = arith.constant 0 : index
      %parallel_loop3A_585 = tpu.vector_load %arg6[%parallel_loop3A_583, %parallel_loop3A_584] {strides = array<i32>} : memref<1024x32xf32, #tpu.memory_space<vmem>>, vector<1x16xf32>,
      %parallel_loop3A_586 = vector.shape_cast %parallel_loop3A_585 : vector<1x16xf32> to vector<16xf32>
      %parallel_loop3A_587 = vector.shape_cast %parallel_loop3A_582 : vector<16xf32> to vector<1x16xf32>
      tpu.vector_store %arg6[%parallel_loop3A_583, %parallel_loop3A_584], %parallel_loop3A_587 {strides = array<i32>} : memref<1024x32xf32, #tpu.memory_space<vmem>>, vector<1x16xf32>,
      %parallel_loop3A_588 = arith.index_cast %parallel_loop3A_575 : i32 to index
      %parallel_loop3A_589 = arith.constant 16 : index
      %parallel_loop3A_590 = tpu.vector_load %arg6[%parallel_loop3A_588, %parallel_loop3A_589] {strides = array<i32>} : memref<1024x32xf32, #tpu.memory_space<vmem>>, vector<1x16xf32>,
      %parallel_loop3A_591 = vector.shape_cast %parallel_loop3A_590 : vector<1x16xf32> to vector<16xf32>
      %parallel_loop3A_592 = arith.constant 5.65685415 : f32
      %parallel_loop3A_593 = vector.broadcast %parallel_loop3A_592 : f32 to vector<16xf32>
      %parallel_loop3A_594 = arith.mulf %parallel_loop3A_591, %parallel_loop3A_593 : vector<16xf32>
      %parallel_loop3A_595 = arith.index_cast %parallel_loop3A_575 : i32 to index
      %parallel_loop3A_596 = arith.constant 16 : index
      %parallel_loop3A_597 = tpu.vector_load %arg6[%parallel_loop3A_595, %parallel_loop3A_596] {strides = array<i32>} : memref<1024x32xf32, #tpu.memory_space<vmem>>, vector<1x16xf32>,
      %parallel_loop3A_598 = vector.shape_cast %parallel_loop3A_597 : vector<1x16xf32> to vector<16xf32>
      %parallel_loop3A_599 = vector.shape_cast %parallel_loop3A_594 : vector<16xf32> to vector<1x16xf32>
      tpu.vector_store %arg6[%parallel_loop3A_595, %parallel_loop3A_596], %parallel_loop3A_599 {strides = array<i32>} : memref<1024x32xf32, #tpu.memory_space<vmem>>, vector<1x16xf32>,
    } {sc.loop_unroll_factor = 8 : i64, sc.parallel_access}
    %add3A_290 = arith.constant 12288 : i32
    %add3A_291 = arith.addi %mul3A_2, %add3A_290 : i32
    %dma_start3A_292 = arith.constant 0 : i32
    %dma_start3A_293 = tpu.memref_slice %arg4[%add3A_291, %dma_start3A_292] : memref<819200x32xf32, #tpu.memory_space<hbm>> -> memref<1024x32xf32, #tpu.memory_space<hbm>>
    %dma_start3A_294 = arith.constant 0 : i32
    %dma_start3A_295 = tpu.memref_slice %arg4[%add3A_291, %dma_start3A_294] : memref<819200x32xf32, #tpu.memory_space<hbm>> -> memref<1024x32xf32, #tpu.memory_space<hbm>>
    tpu.enqueue_dma source(%arg6 : memref<1024x32xf32, #tpu.memory_space<vmem>>) target(%dma_start3A_295 : memref<1024x32xf32, #tpu.memory_space<hbm>>) target_semaphore(%arg12 : memref<!tpu.dma_semaphore, #tpu.memory_space<semaphore_mem>>)
    %dma_wait3A_296 = arith.constant 0 : i32
    %dma_wait3A_297 = tpu.memref_slice %arg4[%add3A_268, %dma_wait3A_296] : memref<819200x32xf32, #tpu.memory_space<hbm>> -> memref<1024x32xf32, #tpu.memory_space<hbm>>
    %dma_wait3A_298 = arith.constant 0 : i32
    %dma_wait3A_299 = tpu.memref_slice %arg4[%add3A_268, %dma_wait3A_298] : memref<819200x32xf32, #tpu.memory_space<hbm>> -> memref<1024x32xf32, #tpu.memory_space<hbm>>
    tpu.wait_dma2 semaphore(%arg14 : memref<!tpu.dma_semaphore, #tpu.memory_space<semaphore_mem>>) src(%arg8 : memref<1024x32xf32, #tpu.memory_space<vmem>>) dst(%dma_wait3A_299 : memref<1024x32xf32, #tpu.memory_space<hbm>>)
    %dma_start3A_300 = arith.constant 14336 : i32
    %dma_start3A_301 = tpu.memref_slice %arg5[%dma_start3A_300] : memref<25600xi32, #tpu.memory_space<vmem>> -> memref<1024xi32, #tpu.memory_space<vmem>>
    %dma_start3A_302 = arith.constant 0 : i32
    %dma_start3A_303 = arith.constant 0 : i32
    %dma_start3A_304 = tpu.memref_slice %arg3[%dma_start3A_302, %dma_start3A_303] : memref<1000000x32xf32, #tpu.memory_space<hbm>> -> memref<1000000x32xf32, #tpu.memory_space<hbm>>
    tpu.enqueue_indirect_dma source(%dma_start3A_304 : memref<1000000x32xf32, #tpu.memory_space<hbm>>) target(%arg8 : memref<1024x32xf32, #tpu.memory_space<vmem>>) offsets(%dma_start3A_301 : memref<1024xi32, #tpu.memory_space<vmem>>) semaphore(%arg11 : memref<!tpu.dma_semaphore, #tpu.memory_space<semaphore_mem>>)
    %dma_wait3A_305 = arith.constant 13312 : i32
    %dma_wait3A_306 = tpu.memref_slice %arg5[%dma_wait3A_305] : memref<25600xi32, #tpu.memory_space<vmem>> -> memref<1024xi32, #tpu.memory_space<vmem>>
    %dma_wait3A_307 = arith.constant 0 : i32
    %dma_wait3A_308 = arith.constant 0 : i32
    %dma_wait3A_309 = tpu.memref_slice %arg3[%dma_wait3A_307, %dma_wait3A_308] : memref<1000000x32xf32, #tpu.memory_space<hbm>> -> memref<1000000x32xf32, #tpu.memory_space<hbm>>
    tpu.wait_indirect_dma semaphore(%arg10 : memref<!tpu.dma_semaphore, #tpu.memory_space<semaphore_mem>>) src(%dma_wait3A_309 : memref<1000000x32xf32, #tpu.memory_space<hbm>>) dst(%arg7 : memref<1024x32xf32, #tpu.memory_space<vmem>>)
    %parallel_loop3A_310 = arith.constant 0 : i32
    %parallel_loop3A_311 = arith.constant 1024 : i32
    %parallel_loop3A_312 = arith.constant 1 : i32
    scf.for %parallel_loop3A_575 = %parallel_loop3A_310 to %parallel_loop3A_311 step %parallel_loop3A_312  : i32 {
      %parallel_loop3A_576 = arith.index_cast %parallel_loop3A_575 : i32 to index
      %parallel_loop3A_577 = arith.constant 0 : index
      %parallel_loop3A_578 = tpu.vector_load %arg7[%parallel_loop3A_576, %parallel_loop3A_577] {strides = array<i32>} : memref<1024x32xf32, #tpu.memory_space<vmem>>, vector<1x16xf32>,
      %parallel_loop3A_579 = vector.shape_cast %parallel_loop3A_578 : vector<1x16xf32> to vector<16xf32>
      %parallel_loop3A_580 = arith.constant 5.65685415 : f32
      %parallel_loop3A_581 = vector.broadcast %parallel_loop3A_580 : f32 to vector<16xf32>
      %parallel_loop3A_582 = arith.mulf %parallel_loop3A_579, %parallel_loop3A_581 : vector<16xf32>
      %parallel_loop3A_583 = arith.index_cast %parallel_loop3A_575 : i32 to index
      %parallel_loop3A_584 = arith.constant 0 : index
      %parallel_loop3A_585 = tpu.vector_load %arg7[%parallel_loop3A_583, %parallel_loop3A_584] {strides = array<i32>} : memref<1024x32xf32, #tpu.memory_space<vmem>>, vector<1x16xf32>,
      %parallel_loop3A_586 = vector.shape_cast %parallel_loop3A_585 : vector<1x16xf32> to vector<16xf32>
      %parallel_loop3A_587 = vector.shape_cast %parallel_loop3A_582 : vector<16xf32> to vector<1x16xf32>
      tpu.vector_store %arg7[%parallel_loop3A_583, %parallel_loop3A_584], %parallel_loop3A_587 {strides = array<i32>} : memref<1024x32xf32, #tpu.memory_space<vmem>>, vector<1x16xf32>,
      %parallel_loop3A_588 = arith.index_cast %parallel_loop3A_575 : i32 to index
      %parallel_loop3A_589 = arith.constant 16 : index
      %parallel_loop3A_590 = tpu.vector_load %arg7[%parallel_loop3A_588, %parallel_loop3A_589] {strides = array<i32>} : memref<1024x32xf32, #tpu.memory_space<vmem>>, vector<1x16xf32>,
      %parallel_loop3A_591 = vector.shape_cast %parallel_loop3A_590 : vector<1x16xf32> to vector<16xf32>
      %parallel_loop3A_592 = arith.constant 5.65685415 : f32
      %parallel_loop3A_593 = vector.broadcast %parallel_loop3A_592 : f32 to vector<16xf32>
      %parallel_loop3A_594 = arith.mulf %parallel_loop3A_591, %parallel_loop3A_593 : vector<16xf32>
      %parallel_loop3A_595 = arith.index_cast %parallel_loop3A_575 : i32 to index
      %parallel_loop3A_596 = arith.constant 16 : index
      %parallel_loop3A_597 = tpu.vector_load %arg7[%parallel_loop3A_595, %parallel_loop3A_596] {strides = array<i32>} : memref<1024x32xf32, #tpu.memory_space<vmem>>, vector<1x16xf32>,
      %parallel_loop3A_598 = vector.shape_cast %parallel_loop3A_597 : vector<1x16xf32> to vector<16xf32>
      %parallel_loop3A_599 = vector.shape_cast %parallel_loop3A_594 : vector<16xf32> to vector<1x16xf32>
      tpu.vector_store %arg7[%parallel_loop3A_595, %parallel_loop3A_596], %parallel_loop3A_599 {strides = array<i32>} : memref<1024x32xf32, #tpu.memory_space<vmem>>, vector<1x16xf32>,
    } {sc.loop_unroll_factor = 8 : i64, sc.parallel_access}
    %add3A_313 = arith.constant 13312 : i32
    %add3A_314 = arith.addi %mul3A_2, %add3A_313 : i32
    %dma_start3A_315 = arith.constant 0 : i32
    %dma_start3A_316 = tpu.memref_slice %arg4[%add3A_314, %dma_start3A_315] : memref<819200x32xf32, #tpu.memory_space<hbm>> -> memref<1024x32xf32, #tpu.memory_space<hbm>>
    %dma_start3A_317 = arith.constant 0 : i32
    %dma_start3A_318 = tpu.memref_slice %arg4[%add3A_314, %dma_start3A_317] : memref<819200x32xf32, #tpu.memory_space<hbm>> -> memref<1024x32xf32, #tpu.memory_space<hbm>>
    tpu.enqueue_dma source(%arg7 : memref<1024x32xf32, #tpu.memory_space<vmem>>) target(%dma_start3A_318 : memref<1024x32xf32, #tpu.memory_space<hbm>>) target_semaphore(%arg13 : memref<!tpu.dma_semaphore, #tpu.memory_space<semaphore_mem>>)
    %dma_wait3A_319 = arith.constant 0 : i32
    %dma_wait3A_320 = tpu.memref_slice %arg4[%add3A_291, %dma_wait3A_319] : memref<819200x32xf32, #tpu.memory_space<hbm>> -> memref<1024x32xf32, #tpu.memory_space<hbm>>
    %dma_wait3A_321 = arith.constant 0 : i32
    %dma_wait3A_322 = tpu.memref_slice %arg4[%add3A_291, %dma_wait3A_321] : memref<819200x32xf32, #tpu.memory_space<hbm>> -> memref<1024x32xf32, #tpu.memory_space<hbm>>
    tpu.wait_dma2 semaphore(%arg12 : memref<!tpu.dma_semaphore, #tpu.memory_space<semaphore_mem>>) src(%arg6 : memref<1024x32xf32, #tpu.memory_space<vmem>>) dst(%dma_wait3A_322 : memref<1024x32xf32, #tpu.memory_space<hbm>>)
    %dma_start3A_323 = arith.constant 15360 : i32
    %dma_start3A_324 = tpu.memref_slice %arg5[%dma_start3A_323] : memref<25600xi32, #tpu.memory_space<vmem>> -> memref<1024xi32, #tpu.memory_space<vmem>>
    %dma_start3A_325 = arith.constant 0 : i32
    %dma_start3A_326 = arith.constant 0 : i32
    %dma_start3A_327 = tpu.memref_slice %arg3[%dma_start3A_325, %dma_start3A_326] : memref<1000000x32xf32, #tpu.memory_space<hbm>> -> memref<1000000x32xf32, #tpu.memory_space<hbm>>
    tpu.enqueue_indirect_dma source(%dma_start3A_327 : memref<1000000x32xf32, #tpu.memory_space<hbm>>) target(%arg6 : memref<1024x32xf32, #tpu.memory_space<vmem>>) offsets(%dma_start3A_324 : memref<1024xi32, #tpu.memory_space<vmem>>) semaphore(%arg9 : memref<!tpu.dma_semaphore, #tpu.memory_space<semaphore_mem>>)
    %dma_wait3A_328 = arith.constant 14336 : i32
    %dma_wait3A_329 = tpu.memref_slice %arg5[%dma_wait3A_328] : memref<25600xi32, #tpu.memory_space<vmem>> -> memref<1024xi32, #tpu.memory_space<vmem>>
    %dma_wait3A_330 = arith.constant 0 : i32
    %dma_wait3A_331 = arith.constant 0 : i32
    %dma_wait3A_332 = tpu.memref_slice %arg3[%dma_wait3A_330, %dma_wait3A_331] : memref<1000000x32xf32, #tpu.memory_space<hbm>> -> memref<1000000x32xf32, #tpu.memory_space<hbm>>
    tpu.wait_indirect_dma semaphore(%arg11 : memref<!tpu.dma_semaphore, #tpu.memory_space<semaphore_mem>>) src(%dma_wait3A_332 : memref<1000000x32xf32, #tpu.memory_space<hbm>>) dst(%arg8 : memref<1024x32xf32, #tpu.memory_space<vmem>>)
    %parallel_loop3A_333 = arith.constant 0 : i32
    %parallel_loop3A_334 = arith.constant 1024 : i32
    %parallel_loop3A_335 = arith.constant 1 : i32
    scf.for %parallel_loop3A_575 = %parallel_loop3A_333 to %parallel_loop3A_334 step %parallel_loop3A_335  : i32 {
      %parallel_loop3A_576 = arith.index_cast %parallel_loop3A_575 : i32 to index
      %parallel_loop3A_577 = arith.constant 0 : index
      %parallel_loop3A_578 = tpu.vector_load %arg8[%parallel_loop3A_576, %parallel_loop3A_577] {strides = array<i32>} : memref<1024x32xf32, #tpu.memory_space<vmem>>, vector<1x16xf32>,
      %parallel_loop3A_579 = vector.shape_cast %parallel_loop3A_578 : vector<1x16xf32> to vector<16xf32>
      %parallel_loop3A_580 = arith.constant 5.65685415 : f32
      %parallel_loop3A_581 = vector.broadcast %parallel_loop3A_580 : f32 to vector<16xf32>
      %parallel_loop3A_582 = arith.mulf %parallel_loop3A_579, %parallel_loop3A_581 : vector<16xf32>
      %parallel_loop3A_583 = arith.index_cast %parallel_loop3A_575 : i32 to index
      %parallel_loop3A_584 = arith.constant 0 : index
      %parallel_loop3A_585 = tpu.vector_load %arg8[%parallel_loop3A_583, %parallel_loop3A_584] {strides = array<i32>} : memref<1024x32xf32, #tpu.memory_space<vmem>>, vector<1x16xf32>,
      %parallel_loop3A_586 = vector.shape_cast %parallel_loop3A_585 : vector<1x16xf32> to vector<16xf32>
      %parallel_loop3A_587 = vector.shape_cast %parallel_loop3A_582 : vector<16xf32> to vector<1x16xf32>
      tpu.vector_store %arg8[%parallel_loop3A_583, %parallel_loop3A_584], %parallel_loop3A_587 {strides = array<i32>} : memref<1024x32xf32, #tpu.memory_space<vmem>>, vector<1x16xf32>,
      %parallel_loop3A_588 = arith.index_cast %parallel_loop3A_575 : i32 to index
      %parallel_loop3A_589 = arith.constant 16 : index
      %parallel_loop3A_590 = tpu.vector_load %arg8[%parallel_loop3A_588, %parallel_loop3A_589] {strides = array<i32>} : memref<1024x32xf32, #tpu.memory_space<vmem>>, vector<1x16xf32>,
      %parallel_loop3A_591 = vector.shape_cast %parallel_loop3A_590 : vector<1x16xf32> to vector<16xf32>
      %parallel_loop3A_592 = arith.constant 5.65685415 : f32
      %parallel_loop3A_593 = vector.broadcast %parallel_loop3A_592 : f32 to vector<16xf32>
      %parallel_loop3A_594 = arith.mulf %parallel_loop3A_591, %parallel_loop3A_593 : vector<16xf32>
      %parallel_loop3A_595 = arith.index_cast %parallel_loop3A_575 : i32 to index
      %parallel_loop3A_596 = arith.constant 16 : index
      %parallel_loop3A_597 = tpu.vector_load %arg8[%parallel_loop3A_595, %parallel_loop3A_596] {strides = array<i32>} : memref<1024x32xf32, #tpu.memory_space<vmem>>, vector<1x16xf32>,
      %parallel_loop3A_598 = vector.shape_cast %parallel_loop3A_597 : vector<1x16xf32> to vector<16xf32>
      %parallel_loop3A_599 = vector.shape_cast %parallel_loop3A_594 : vector<16xf32> to vector<1x16xf32>
      tpu.vector_store %arg8[%parallel_loop3A_595, %parallel_loop3A_596], %parallel_loop3A_599 {strides = array<i32>} : memref<1024x32xf32, #tpu.memory_space<vmem>>, vector<1x16xf32>,
    } {sc.loop_unroll_factor = 8 : i64, sc.parallel_access}
    %add3A_336 = arith.constant 14336 : i32
    %add3A_337 = arith.addi %mul3A_2, %add3A_336 : i32
    %dma_start3A_338 = arith.constant 0 : i32
    %dma_start3A_339 = tpu.memref_slice %arg4[%add3A_337, %dma_start3A_338] : memref<819200x32xf32, #tpu.memory_space<hbm>> -> memref<1024x32xf32, #tpu.memory_space<hbm>>
    %dma_start3A_340 = arith.constant 0 : i32
    %dma_start3A_341 = tpu.memref_slice %arg4[%add3A_337, %dma_start3A_340] : memref<819200x32xf32, #tpu.memory_space<hbm>> -> memref<1024x32xf32, #tpu.memory_space<hbm>>
    tpu.enqueue_dma source(%arg8 : memref<1024x32xf32, #tpu.memory_space<vmem>>) target(%dma_start3A_341 : memref<1024x32xf32, #tpu.memory_space<hbm>>) target_semaphore(%arg14 : memref<!tpu.dma_semaphore, #tpu.memory_space<semaphore_mem>>)
    %dma_wait3A_342 = arith.constant 0 : i32
    %dma_wait3A_343 = tpu.memref_slice %arg4[%add3A_314, %dma_wait3A_342] : memref<819200x32xf32, #tpu.memory_space<hbm>> -> memref<1024x32xf32, #tpu.memory_space<hbm>>
    %dma_wait3A_344 = arith.constant 0 : i32
    %dma_wait3A_345 = tpu.memref_slice %arg4[%add3A_314, %dma_wait3A_344] : memref<819200x32xf32, #tpu.memory_space<hbm>> -> memref<1024x32xf32, #tpu.memory_space<hbm>>
    tpu.wait_dma2 semaphore(%arg13 : memref<!tpu.dma_semaphore, #tpu.memory_space<semaphore_mem>>) src(%arg7 : memref<1024x32xf32, #tpu.memory_space<vmem>>) dst(%dma_wait3A_345 : memref<1024x32xf32, #tpu.memory_space<hbm>>)
    %dma_start3A_346 = arith.constant 16384 : i32
    %dma_start3A_347 = tpu.memref_slice %arg5[%dma_start3A_346] : memref<25600xi32, #tpu.memory_space<vmem>> -> memref<1024xi32, #tpu.memory_space<vmem>>
    %dma_start3A_348 = arith.constant 0 : i32
    %dma_start3A_349 = arith.constant 0 : i32
    %dma_start3A_350 = tpu.memref_slice %arg3[%dma_start3A_348, %dma_start3A_349] : memref<1000000x32xf32, #tpu.memory_space<hbm>> -> memref<1000000x32xf32, #tpu.memory_space<hbm>>
    tpu.enqueue_indirect_dma source(%dma_start3A_350 : memref<1000000x32xf32, #tpu.memory_space<hbm>>) target(%arg7 : memref<1024x32xf32, #tpu.memory_space<vmem>>) offsets(%dma_start3A_347 : memref<1024xi32, #tpu.memory_space<vmem>>) semaphore(%arg10 : memref<!tpu.dma_semaphore, #tpu.memory_space<semaphore_mem>>)
    %dma_wait3A_351 = arith.constant 15360 : i32
    %dma_wait3A_352 = tpu.memref_slice %arg5[%dma_wait3A_351] : memref<25600xi32, #tpu.memory_space<vmem>> -> memref<1024xi32, #tpu.memory_space<vmem>>
    %dma_wait3A_353 = arith.constant 0 : i32
    %dma_wait3A_354 = arith.constant 0 : i32
    %dma_wait3A_355 = tpu.memref_slice %arg3[%dma_wait3A_353, %dma_wait3A_354] : memref<1000000x32xf32, #tpu.memory_space<hbm>> -> memref<1000000x32xf32, #tpu.memory_space<hbm>>
    tpu.wait_indirect_dma semaphore(%arg9 : memref<!tpu.dma_semaphore, #tpu.memory_space<semaphore_mem>>) src(%dma_wait3A_355 : memref<1000000x32xf32, #tpu.memory_space<hbm>>) dst(%arg6 : memref<1024x32xf32, #tpu.memory_space<vmem>>)
    %parallel_loop3A_356 = arith.constant 0 : i32
    %parallel_loop3A_357 = arith.constant 1024 : i32
    %parallel_loop3A_358 = arith.constant 1 : i32
    scf.for %parallel_loop3A_575 = %parallel_loop3A_356 to %parallel_loop3A_357 step %parallel_loop3A_358  : i32 {
      %parallel_loop3A_576 = arith.index_cast %parallel_loop3A_575 : i32 to index
      %parallel_loop3A_577 = arith.constant 0 : index
      %parallel_loop3A_578 = tpu.vector_load %arg6[%parallel_loop3A_576, %parallel_loop3A_577] {strides = array<i32>} : memref<1024x32xf32, #tpu.memory_space<vmem>>, vector<1x16xf32>,
      %parallel_loop3A_579 = vector.shape_cast %parallel_loop3A_578 : vector<1x16xf32> to vector<16xf32>
      %parallel_loop3A_580 = arith.constant 5.65685415 : f32
      %parallel_loop3A_581 = vector.broadcast %parallel_loop3A_580 : f32 to vector<16xf32>
      %parallel_loop3A_582 = arith.mulf %parallel_loop3A_579, %parallel_loop3A_581 : vector<16xf32>
      %parallel_loop3A_583 = arith.index_cast %parallel_loop3A_575 : i32 to index
      %parallel_loop3A_584 = arith.constant 0 : index
      %parallel_loop3A_585 = tpu.vector_load %arg6[%parallel_loop3A_583, %parallel_loop3A_584] {strides = array<i32>} : memref<1024x32xf32, #tpu.memory_space<vmem>>, vector<1x16xf32>,
      %parallel_loop3A_586 = vector.shape_cast %parallel_loop3A_585 : vector<1x16xf32> to vector<16xf32>
      %parallel_loop3A_587 = vector.shape_cast %parallel_loop3A_582 : vector<16xf32> to vector<1x16xf32>
      tpu.vector_store %arg6[%parallel_loop3A_583, %parallel_loop3A_584], %parallel_loop3A_587 {strides = array<i32>} : memref<1024x32xf32, #tpu.memory_space<vmem>>, vector<1x16xf32>,
      %parallel_loop3A_588 = arith.index_cast %parallel_loop3A_575 : i32 to index
      %parallel_loop3A_589 = arith.constant 16 : index
      %parallel_loop3A_590 = tpu.vector_load %arg6[%parallel_loop3A_588, %parallel_loop3A_589] {strides = array<i32>} : memref<1024x32xf32, #tpu.memory_space<vmem>>, vector<1x16xf32>,
      %parallel_loop3A_591 = vector.shape_cast %parallel_loop3A_590 : vector<1x16xf32> to vector<16xf32>
      %parallel_loop3A_592 = arith.constant 5.65685415 : f32
      %parallel_loop3A_593 = vector.broadcast %parallel_loop3A_592 : f32 to vector<16xf32>
      %parallel_loop3A_594 = arith.mulf %parallel_loop3A_591, %parallel_loop3A_593 : vector<16xf32>
      %parallel_loop3A_595 = arith.index_cast %parallel_loop3A_575 : i32 to index
      %parallel_loop3A_596 = arith.constant 16 : index
      %parallel_loop3A_597 = tpu.vector_load %arg6[%parallel_loop3A_595, %parallel_loop3A_596] {strides = array<i32>} : memref<1024x32xf32, #tpu.memory_space<vmem>>, vector<1x16xf32>,
      %parallel_loop3A_598 = vector.shape_cast %parallel_loop3A_597 : vector<1x16xf32> to vector<16xf32>
      %parallel_loop3A_599 = vector.shape_cast %parallel_loop3A_594 : vector<16xf32> to vector<1x16xf32>
      tpu.vector_store %arg6[%parallel_loop3A_595, %parallel_loop3A_596], %parallel_loop3A_599 {strides = array<i32>} : memref<1024x32xf32, #tpu.memory_space<vmem>>, vector<1x16xf32>,
    } {sc.loop_unroll_factor = 8 : i64, sc.parallel_access}
    %add3A_359 = arith.constant 15360 : i32
    %add3A_360 = arith.addi %mul3A_2, %add3A_359 : i32
    %dma_start3A_361 = arith.constant 0 : i32
    %dma_start3A_362 = tpu.memref_slice %arg4[%add3A_360, %dma_start3A_361] : memref<819200x32xf32, #tpu.memory_space<hbm>> -> memref<1024x32xf32, #tpu.memory_space<hbm>>
    %dma_start3A_363 = arith.constant 0 : i32
    %dma_start3A_364 = tpu.memref_slice %arg4[%add3A_360, %dma_start3A_363] : memref<819200x32xf32, #tpu.memory_space<hbm>> -> memref<1024x32xf32, #tpu.memory_space<hbm>>
    tpu.enqueue_dma source(%arg6 : memref<1024x32xf32, #tpu.memory_space<vmem>>) target(%dma_start3A_364 : memref<1024x32xf32, #tpu.memory_space<hbm>>) target_semaphore(%arg12 : memref<!tpu.dma_semaphore, #tpu.memory_space<semaphore_mem>>)
    %dma_wait3A_365 = arith.constant 0 : i32
    %dma_wait3A_366 = tpu.memref_slice %arg4[%add3A_337, %dma_wait3A_365] : memref<819200x32xf32, #tpu.memory_space<hbm>> -> memref<1024x32xf32, #tpu.memory_space<hbm>>
    %dma_wait3A_367 = arith.constant 0 : i32
    %dma_wait3A_368 = tpu.memref_slice %arg4[%add3A_337, %dma_wait3A_367] : memref<819200x32xf32, #tpu.memory_space<hbm>> -> memref<1024x32xf32, #tpu.memory_space<hbm>>
    tpu.wait_dma2 semaphore(%arg14 : memref<!tpu.dma_semaphore, #tpu.memory_space<semaphore_mem>>) src(%arg8 : memref<1024x32xf32, #tpu.memory_space<vmem>>) dst(%dma_wait3A_368 : memref<1024x32xf32, #tpu.memory_space<hbm>>)
    %dma_start3A_369 = arith.constant 17408 : i32
    %dma_start3A_370 = tpu.memref_slice %arg5[%dma_start3A_369] : memref<25600xi32, #tpu.memory_space<vmem>> -> memref<1024xi32, #tpu.memory_space<vmem>>
    %dma_start3A_371 = arith.constant 0 : i32
    %dma_start3A_372 = arith.constant 0 : i32
    %dma_start3A_373 = tpu.memref_slice %arg3[%dma_start3A_371, %dma_start3A_372] : memref<1000000x32xf32, #tpu.memory_space<hbm>> -> memref<1000000x32xf32, #tpu.memory_space<hbm>>
    tpu.enqueue_indirect_dma source(%dma_start3A_373 : memref<1000000x32xf32, #tpu.memory_space<hbm>>) target(%arg8 : memref<1024x32xf32, #tpu.memory_space<vmem>>) offsets(%dma_start3A_370 : memref<1024xi32, #tpu.memory_space<vmem>>) semaphore(%arg11 : memref<!tpu.dma_semaphore, #tpu.memory_space<semaphore_mem>>)
    %dma_wait3A_374 = arith.constant 16384 : i32
    %dma_wait3A_375 = tpu.memref_slice %arg5[%dma_wait3A_374] : memref<25600xi32, #tpu.memory_space<vmem>> -> memref<1024xi32, #tpu.memory_space<vmem>>
    %dma_wait3A_376 = arith.constant 0 : i32
    %dma_wait3A_377 = arith.constant 0 : i32
    %dma_wait3A_378 = tpu.memref_slice %arg3[%dma_wait3A_376, %dma_wait3A_377] : memref<1000000x32xf32, #tpu.memory_space<hbm>> -> memref<1000000x32xf32, #tpu.memory_space<hbm>>
    tpu.wait_indirect_dma semaphore(%arg10 : memref<!tpu.dma_semaphore, #tpu.memory_space<semaphore_mem>>) src(%dma_wait3A_378 : memref<1000000x32xf32, #tpu.memory_space<hbm>>) dst(%arg7 : memref<1024x32xf32, #tpu.memory_space<vmem>>)
    %parallel_loop3A_379 = arith.constant 0 : i32
    %parallel_loop3A_380 = arith.constant 1024 : i32
    %parallel_loop3A_381 = arith.constant 1 : i32
    scf.for %parallel_loop3A_575 = %parallel_loop3A_379 to %parallel_loop3A_380 step %parallel_loop3A_381  : i32 {
      %parallel_loop3A_576 = arith.index_cast %parallel_loop3A_575 : i32 to index
      %parallel_loop3A_577 = arith.constant 0 : index
      %parallel_loop3A_578 = tpu.vector_load %arg7[%parallel_loop3A_576, %parallel_loop3A_577] {strides = array<i32>} : memref<1024x32xf32, #tpu.memory_space<vmem>>, vector<1x16xf32>,
      %parallel_loop3A_579 = vector.shape_cast %parallel_loop3A_578 : vector<1x16xf32> to vector<16xf32>
      %parallel_loop3A_580 = arith.constant 5.65685415 : f32
      %parallel_loop3A_581 = vector.broadcast %parallel_loop3A_580 : f32 to vector<16xf32>
      %parallel_loop3A_582 = arith.mulf %parallel_loop3A_579, %parallel_loop3A_581 : vector<16xf32>
      %parallel_loop3A_583 = arith.index_cast %parallel_loop3A_575 : i32 to index
      %parallel_loop3A_584 = arith.constant 0 : index
      %parallel_loop3A_585 = tpu.vector_load %arg7[%parallel_loop3A_583, %parallel_loop3A_584] {strides = array<i32>} : memref<1024x32xf32, #tpu.memory_space<vmem>>, vector<1x16xf32>,
      %parallel_loop3A_586 = vector.shape_cast %parallel_loop3A_585 : vector<1x16xf32> to vector<16xf32>
      %parallel_loop3A_587 = vector.shape_cast %parallel_loop3A_582 : vector<16xf32> to vector<1x16xf32>
      tpu.vector_store %arg7[%parallel_loop3A_583, %parallel_loop3A_584], %parallel_loop3A_587 {strides = array<i32>} : memref<1024x32xf32, #tpu.memory_space<vmem>>, vector<1x16xf32>,
      %parallel_loop3A_588 = arith.index_cast %parallel_loop3A_575 : i32 to index
      %parallel_loop3A_589 = arith.constant 16 : index
      %parallel_loop3A_590 = tpu.vector_load %arg7[%parallel_loop3A_588, %parallel_loop3A_589] {strides = array<i32>} : memref<1024x32xf32, #tpu.memory_space<vmem>>, vector<1x16xf32>,
      %parallel_loop3A_591 = vector.shape_cast %parallel_loop3A_590 : vector<1x16xf32> to vector<16xf32>
      %parallel_loop3A_592 = arith.constant 5.65685415 : f32
      %parallel_loop3A_593 = vector.broadcast %parallel_loop3A_592 : f32 to vector<16xf32>
      %parallel_loop3A_594 = arith.mulf %parallel_loop3A_591, %parallel_loop3A_593 : vector<16xf32>
      %parallel_loop3A_595 = arith.index_cast %parallel_loop3A_575 : i32 to index
      %parallel_loop3A_596 = arith.constant 16 : index
      %parallel_loop3A_597 = tpu.vector_load %arg7[%parallel_loop3A_595, %parallel_loop3A_596] {strides = array<i32>} : memref<1024x32xf32, #tpu.memory_space<vmem>>, vector<1x16xf32>,
      %parallel_loop3A_598 = vector.shape_cast %parallel_loop3A_597 : vector<1x16xf32> to vector<16xf32>
      %parallel_loop3A_599 = vector.shape_cast %parallel_loop3A_594 : vector<16xf32> to vector<1x16xf32>
      tpu.vector_store %arg7[%parallel_loop3A_595, %parallel_loop3A_596], %parallel_loop3A_599 {strides = array<i32>} : memref<1024x32xf32, #tpu.memory_space<vmem>>, vector<1x16xf32>,
    } {sc.loop_unroll_factor = 8 : i64, sc.parallel_access}
    %add3A_382 = arith.constant 16384 : i32
    %add3A_383 = arith.addi %mul3A_2, %add3A_382 : i32
    %dma_start3A_384 = arith.constant 0 : i32
    %dma_start3A_385 = tpu.memref_slice %arg4[%add3A_383, %dma_start3A_384] : memref<819200x32xf32, #tpu.memory_space<hbm>> -> memref<1024x32xf32, #tpu.memory_space<hbm>>
    %dma_start3A_386 = arith.constant 0 : i32
    %dma_start3A_387 = tpu.memref_slice %arg4[%add3A_383, %dma_start3A_386] : memref<819200x32xf32, #tpu.memory_space<hbm>> -> memref<1024x32xf32, #tpu.memory_space<hbm>>
    tpu.enqueue_dma source(%arg7 : memref<1024x32xf32, #tpu.memory_space<vmem>>) target(%dma_start3A_387 : memref<1024x32xf32, #tpu.memory_space<hbm>>) target_semaphore(%arg13 : memref<!tpu.dma_semaphore, #tpu.memory_space<semaphore_mem>>)
    %dma_wait3A_388 = arith.constant 0 : i32
    %dma_wait3A_389 = tpu.memref_slice %arg4[%add3A_360, %dma_wait3A_388] : memref<819200x32xf32, #tpu.memory_space<hbm>> -> memref<1024x32xf32, #tpu.memory_space<hbm>>
    %dma_wait3A_390 = arith.constant 0 : i32
    %dma_wait3A_391 = tpu.memref_slice %arg4[%add3A_360, %dma_wait3A_390] : memref<819200x32xf32, #tpu.memory_space<hbm>> -> memref<1024x32xf32, #tpu.memory_space<hbm>>
    tpu.wait_dma2 semaphore(%arg12 : memref<!tpu.dma_semaphore, #tpu.memory_space<semaphore_mem>>) src(%arg6 : memref<1024x32xf32, #tpu.memory_space<vmem>>) dst(%dma_wait3A_391 : memref<1024x32xf32, #tpu.memory_space<hbm>>)
    %dma_start3A_392 = arith.constant 18432 : i32
    %dma_start3A_393 = tpu.memref_slice %arg5[%dma_start3A_392] : memref<25600xi32, #tpu.memory_space<vmem>> -> memref<1024xi32, #tpu.memory_space<vmem>>
    %dma_start3A_394 = arith.constant 0 : i32
    %dma_start3A_395 = arith.constant 0 : i32
    %dma_start3A_396 = tpu.memref_slice %arg3[%dma_start3A_394, %dma_start3A_395] : memref<1000000x32xf32, #tpu.memory_space<hbm>> -> memref<1000000x32xf32, #tpu.memory_space<hbm>>
    tpu.enqueue_indirect_dma source(%dma_start3A_396 : memref<1000000x32xf32, #tpu.memory_space<hbm>>) target(%arg6 : memref<1024x32xf32, #tpu.memory_space<vmem>>) offsets(%dma_start3A_393 : memref<1024xi32, #tpu.memory_space<vmem>>) semaphore(%arg9 : memref<!tpu.dma_semaphore, #tpu.memory_space<semaphore_mem>>)
    %dma_wait3A_397 = arith.constant 17408 : i32
    %dma_wait3A_398 = tpu.memref_slice %arg5[%dma_wait3A_397] : memref<25600xi32, #tpu.memory_space<vmem>> -> memref<1024xi32, #tpu.memory_space<vmem>>
    %dma_wait3A_399 = arith.constant 0 : i32
    %dma_wait3A_400 = arith.constant 0 : i32
    %dma_wait3A_401 = tpu.memref_slice %arg3[%dma_wait3A_399, %dma_wait3A_400] : memref<1000000x32xf32, #tpu.memory_space<hbm>> -> memref<1000000x32xf32, #tpu.memory_space<hbm>>
    tpu.wait_indirect_dma semaphore(%arg11 : memref<!tpu.dma_semaphore, #tpu.memory_space<semaphore_mem>>) src(%dma_wait3A_401 : memref<1000000x32xf32, #tpu.memory_space<hbm>>) dst(%arg8 : memref<1024x32xf32, #tpu.memory_space<vmem>>)
    %parallel_loop3A_402 = arith.constant 0 : i32
    %parallel_loop3A_403 = arith.constant 1024 : i32
    %parallel_loop3A_404 = arith.constant 1 : i32
    scf.for %parallel_loop3A_575 = %parallel_loop3A_402 to %parallel_loop3A_403 step %parallel_loop3A_404  : i32 {
      %parallel_loop3A_576 = arith.index_cast %parallel_loop3A_575 : i32 to index
      %parallel_loop3A_577 = arith.constant 0 : index
      %parallel_loop3A_578 = tpu.vector_load %arg8[%parallel_loop3A_576, %parallel_loop3A_577] {strides = array<i32>} : memref<1024x32xf32, #tpu.memory_space<vmem>>, vector<1x16xf32>,
      %parallel_loop3A_579 = vector.shape_cast %parallel_loop3A_578 : vector<1x16xf32> to vector<16xf32>
      %parallel_loop3A_580 = arith.constant 5.65685415 : f32
      %parallel_loop3A_581 = vector.broadcast %parallel_loop3A_580 : f32 to vector<16xf32>
      %parallel_loop3A_582 = arith.mulf %parallel_loop3A_579, %parallel_loop3A_581 : vector<16xf32>
      %parallel_loop3A_583 = arith.index_cast %parallel_loop3A_575 : i32 to index
      %parallel_loop3A_584 = arith.constant 0 : index
      %parallel_loop3A_585 = tpu.vector_load %arg8[%parallel_loop3A_583, %parallel_loop3A_584] {strides = array<i32>} : memref<1024x32xf32, #tpu.memory_space<vmem>>, vector<1x16xf32>,
      %parallel_loop3A_586 = vector.shape_cast %parallel_loop3A_585 : vector<1x16xf32> to vector<16xf32>
      %parallel_loop3A_587 = vector.shape_cast %parallel_loop3A_582 : vector<16xf32> to vector<1x16xf32>
      tpu.vector_store %arg8[%parallel_loop3A_583, %parallel_loop3A_584], %parallel_loop3A_587 {strides = array<i32>} : memref<1024x32xf32, #tpu.memory_space<vmem>>, vector<1x16xf32>,
      %parallel_loop3A_588 = arith.index_cast %parallel_loop3A_575 : i32 to index
      %parallel_loop3A_589 = arith.constant 16 : index
      %parallel_loop3A_590 = tpu.vector_load %arg8[%parallel_loop3A_588, %parallel_loop3A_589] {strides = array<i32>} : memref<1024x32xf32, #tpu.memory_space<vmem>>, vector<1x16xf32>,
      %parallel_loop3A_591 = vector.shape_cast %parallel_loop3A_590 : vector<1x16xf32> to vector<16xf32>
      %parallel_loop3A_592 = arith.constant 5.65685415 : f32
      %parallel_loop3A_593 = vector.broadcast %parallel_loop3A_592 : f32 to vector<16xf32>
      %parallel_loop3A_594 = arith.mulf %parallel_loop3A_591, %parallel_loop3A_593 : vector<16xf32>
      %parallel_loop3A_595 = arith.index_cast %parallel_loop3A_575 : i32 to index
      %parallel_loop3A_596 = arith.constant 16 : index
      %parallel_loop3A_597 = tpu.vector_load %arg8[%parallel_loop3A_595, %parallel_loop3A_596] {strides = array<i32>} : memref<1024x32xf32, #tpu.memory_space<vmem>>, vector<1x16xf32>,
      %parallel_loop3A_598 = vector.shape_cast %parallel_loop3A_597 : vector<1x16xf32> to vector<16xf32>
      %parallel_loop3A_599 = vector.shape_cast %parallel_loop3A_594 : vector<16xf32> to vector<1x16xf32>
      tpu.vector_store %arg8[%parallel_loop3A_595, %parallel_loop3A_596], %parallel_loop3A_599 {strides = array<i32>} : memref<1024x32xf32, #tpu.memory_space<vmem>>, vector<1x16xf32>,
    } {sc.loop_unroll_factor = 8 : i64, sc.parallel_access}
    %add3A_405 = arith.constant 17408 : i32
    %add3A_406 = arith.addi %mul3A_2, %add3A_405 : i32
    %dma_start3A_407 = arith.constant 0 : i32
    %dma_start3A_408 = tpu.memref_slice %arg4[%add3A_406, %dma_start3A_407] : memref<819200x32xf32, #tpu.memory_space<hbm>> -> memref<1024x32xf32, #tpu.memory_space<hbm>>
    %dma_start3A_409 = arith.constant 0 : i32
    %dma_start3A_410 = tpu.memref_slice %arg4[%add3A_406, %dma_start3A_409] : memref<819200x32xf32, #tpu.memory_space<hbm>> -> memref<1024x32xf32, #tpu.memory_space<hbm>>
    tpu.enqueue_dma source(%arg8 : memref<1024x32xf32, #tpu.memory_space<vmem>>) target(%dma_start3A_410 : memref<1024x32xf32, #tpu.memory_space<hbm>>) target_semaphore(%arg14 : memref<!tpu.dma_semaphore, #tpu.memory_space<semaphore_mem>>)
    %dma_wait3A_411 = arith.constant 0 : i32
    %dma_wait3A_412 = tpu.memref_slice %arg4[%add3A_383, %dma_wait3A_411] : memref<819200x32xf32, #tpu.memory_space<hbm>> -> memref<1024x32xf32, #tpu.memory_space<hbm>>
    %dma_wait3A_413 = arith.constant 0 : i32
    %dma_wait3A_414 = tpu.memref_slice %arg4[%add3A_383, %dma_wait3A_413] : memref<819200x32xf32, #tpu.memory_space<hbm>> -> memref<1024x32xf32, #tpu.memory_space<hbm>>
    tpu.wait_dma2 semaphore(%arg13 : memref<!tpu.dma_semaphore, #tpu.memory_space<semaphore_mem>>) src(%arg7 : memref<1024x32xf32, #tpu.memory_space<vmem>>) dst(%dma_wait3A_414 : memref<1024x32xf32, #tpu.memory_space<hbm>>)
    %dma_start3A_415 = arith.constant 19456 : i32
    %dma_start3A_416 = tpu.memref_slice %arg5[%dma_start3A_415] : memref<25600xi32, #tpu.memory_space<vmem>> -> memref<1024xi32, #tpu.memory_space<vmem>>
    %dma_start3A_417 = arith.constant 0 : i32
    %dma_start3A_418 = arith.constant 0 : i32
    %dma_start3A_419 = tpu.memref_slice %arg3[%dma_start3A_417, %dma_start3A_418] : memref<1000000x32xf32, #tpu.memory_space<hbm>> -> memref<1000000x32xf32, #tpu.memory_space<hbm>>
    tpu.enqueue_indirect_dma source(%dma_start3A_419 : memref<1000000x32xf32, #tpu.memory_space<hbm>>) target(%arg7 : memref<1024x32xf32, #tpu.memory_space<vmem>>) offsets(%dma_start3A_416 : memref<1024xi32, #tpu.memory_space<vmem>>) semaphore(%arg10 : memref<!tpu.dma_semaphore, #tpu.memory_space<semaphore_mem>>)
    %dma_wait3A_420 = arith.constant 18432 : i32
    %dma_wait3A_421 = tpu.memref_slice %arg5[%dma_wait3A_420] : memref<25600xi32, #tpu.memory_space<vmem>> -> memref<1024xi32, #tpu.memory_space<vmem>>
    %dma_wait3A_422 = arith.constant 0 : i32
    %dma_wait3A_423 = arith.constant 0 : i32
    %dma_wait3A_424 = tpu.memref_slice %arg3[%dma_wait3A_422, %dma_wait3A_423] : memref<1000000x32xf32, #tpu.memory_space<hbm>> -> memref<1000000x32xf32, #tpu.memory_space<hbm>>
    tpu.wait_indirect_dma semaphore(%arg9 : memref<!tpu.dma_semaphore, #tpu.memory_space<semaphore_mem>>) src(%dma_wait3A_424 : memref<1000000x32xf32, #tpu.memory_space<hbm>>) dst(%arg6 : memref<1024x32xf32, #tpu.memory_space<vmem>>)
    %parallel_loop3A_425 = arith.constant 0 : i32
    %parallel_loop3A_426 = arith.constant 1024 : i32
    %parallel_loop3A_427 = arith.constant 1 : i32
    scf.for %parallel_loop3A_575 = %parallel_loop3A_425 to %parallel_loop3A_426 step %parallel_loop3A_427  : i32 {
      %parallel_loop3A_576 = arith.index_cast %parallel_loop3A_575 : i32 to index
      %parallel_loop3A_577 = arith.constant 0 : index
      %parallel_loop3A_578 = tpu.vector_load %arg6[%parallel_loop3A_576, %parallel_loop3A_577] {strides = array<i32>} : memref<1024x32xf32, #tpu.memory_space<vmem>>, vector<1x16xf32>,
      %parallel_loop3A_579 = vector.shape_cast %parallel_loop3A_578 : vector<1x16xf32> to vector<16xf32>
      %parallel_loop3A_580 = arith.constant 5.65685415 : f32
      %parallel_loop3A_581 = vector.broadcast %parallel_loop3A_580 : f32 to vector<16xf32>
      %parallel_loop3A_582 = arith.mulf %parallel_loop3A_579, %parallel_loop3A_581 : vector<16xf32>
      %parallel_loop3A_583 = arith.index_cast %parallel_loop3A_575 : i32 to index
      %parallel_loop3A_584 = arith.constant 0 : index
      %parallel_loop3A_585 = tpu.vector_load %arg6[%parallel_loop3A_583, %parallel_loop3A_584] {strides = array<i32>} : memref<1024x32xf32, #tpu.memory_space<vmem>>, vector<1x16xf32>,
      %parallel_loop3A_586 = vector.shape_cast %parallel_loop3A_585 : vector<1x16xf32> to vector<16xf32>
      %parallel_loop3A_587 = vector.shape_cast %parallel_loop3A_582 : vector<16xf32> to vector<1x16xf32>
      tpu.vector_store %arg6[%parallel_loop3A_583, %parallel_loop3A_584], %parallel_loop3A_587 {strides = array<i32>} : memref<1024x32xf32, #tpu.memory_space<vmem>>, vector<1x16xf32>,
      %parallel_loop3A_588 = arith.index_cast %parallel_loop3A_575 : i32 to index
      %parallel_loop3A_589 = arith.constant 16 : index
      %parallel_loop3A_590 = tpu.vector_load %arg6[%parallel_loop3A_588, %parallel_loop3A_589] {strides = array<i32>} : memref<1024x32xf32, #tpu.memory_space<vmem>>, vector<1x16xf32>,
      %parallel_loop3A_591 = vector.shape_cast %parallel_loop3A_590 : vector<1x16xf32> to vector<16xf32>
      %parallel_loop3A_592 = arith.constant 5.65685415 : f32
      %parallel_loop3A_593 = vector.broadcast %parallel_loop3A_592 : f32 to vector<16xf32>
      %parallel_loop3A_594 = arith.mulf %parallel_loop3A_591, %parallel_loop3A_593 : vector<16xf32>
      %parallel_loop3A_595 = arith.index_cast %parallel_loop3A_575 : i32 to index
      %parallel_loop3A_596 = arith.constant 16 : index
      %parallel_loop3A_597 = tpu.vector_load %arg6[%parallel_loop3A_595, %parallel_loop3A_596] {strides = array<i32>} : memref<1024x32xf32, #tpu.memory_space<vmem>>, vector<1x16xf32>,
      %parallel_loop3A_598 = vector.shape_cast %parallel_loop3A_597 : vector<1x16xf32> to vector<16xf32>
      %parallel_loop3A_599 = vector.shape_cast %parallel_loop3A_594 : vector<16xf32> to vector<1x16xf32>
      tpu.vector_store %arg6[%parallel_loop3A_595, %parallel_loop3A_596], %parallel_loop3A_599 {strides = array<i32>} : memref<1024x32xf32, #tpu.memory_space<vmem>>, vector<1x16xf32>,
    } {sc.loop_unroll_factor = 8 : i64, sc.parallel_access}
    %add3A_428 = arith.constant 18432 : i32
    %add3A_429 = arith.addi %mul3A_2, %add3A_428 : i32
    %dma_start3A_430 = arith.constant 0 : i32
    %dma_start3A_431 = tpu.memref_slice %arg4[%add3A_429, %dma_start3A_430] : memref<819200x32xf32, #tpu.memory_space<hbm>> -> memref<1024x32xf32, #tpu.memory_space<hbm>>
    %dma_start3A_432 = arith.constant 0 : i32
    %dma_start3A_433 = tpu.memref_slice %arg4[%add3A_429, %dma_start3A_432] : memref<819200x32xf32, #tpu.memory_space<hbm>> -> memref<1024x32xf32, #tpu.memory_space<hbm>>
    tpu.enqueue_dma source(%arg6 : memref<1024x32xf32, #tpu.memory_space<vmem>>) target(%dma_start3A_433 : memref<1024x32xf32, #tpu.memory_space<hbm>>) target_semaphore(%arg12 : memref<!tpu.dma_semaphore, #tpu.memory_space<semaphore_mem>>)
    %dma_wait3A_434 = arith.constant 0 : i32
    %dma_wait3A_435 = tpu.memref_slice %arg4[%add3A_406, %dma_wait3A_434] : memref<819200x32xf32, #tpu.memory_space<hbm>> -> memref<1024x32xf32, #tpu.memory_space<hbm>>
    %dma_wait3A_436 = arith.constant 0 : i32
    %dma_wait3A_437 = tpu.memref_slice %arg4[%add3A_406, %dma_wait3A_436] : memref<819200x32xf32, #tpu.memory_space<hbm>> -> memref<1024x32xf32, #tpu.memory_space<hbm>>
    tpu.wait_dma2 semaphore(%arg14 : memref<!tpu.dma_semaphore, #tpu.memory_space<semaphore_mem>>) src(%arg8 : memref<1024x32xf32, #tpu.memory_space<vmem>>) dst(%dma_wait3A_437 : memref<1024x32xf32, #tpu.memory_space<hbm>>)
    %dma_start3A_438 = arith.constant 20480 : i32
    %dma_start3A_439 = tpu.memref_slice %arg5[%dma_start3A_438] : memref<25600xi32, #tpu.memory_space<vmem>> -> memref<1024xi32, #tpu.memory_space<vmem>>
    %dma_start3A_440 = arith.constant 0 : i32
    %dma_start3A_441 = arith.constant 0 : i32
    %dma_start3A_442 = tpu.memref_slice %arg3[%dma_start3A_440, %dma_start3A_441] : memref<1000000x32xf32, #tpu.memory_space<hbm>> -> memref<1000000x32xf32, #tpu.memory_space<hbm>>
    tpu.enqueue_indirect_dma source(%dma_start3A_442 : memref<1000000x32xf32, #tpu.memory_space<hbm>>) target(%arg8 : memref<1024x32xf32, #tpu.memory_space<vmem>>) offsets(%dma_start3A_439 : memref<1024xi32, #tpu.memory_space<vmem>>) semaphore(%arg11 : memref<!tpu.dma_semaphore, #tpu.memory_space<semaphore_mem>>)
    %dma_wait3A_443 = arith.constant 19456 : i32
    %dma_wait3A_444 = tpu.memref_slice %arg5[%dma_wait3A_443] : memref<25600xi32, #tpu.memory_space<vmem>> -> memref<1024xi32, #tpu.memory_space<vmem>>
    %dma_wait3A_445 = arith.constant 0 : i32
    %dma_wait3A_446 = arith.constant 0 : i32
    %dma_wait3A_447 = tpu.memref_slice %arg3[%dma_wait3A_445, %dma_wait3A_446] : memref<1000000x32xf32, #tpu.memory_space<hbm>> -> memref<1000000x32xf32, #tpu.memory_space<hbm>>
    tpu.wait_indirect_dma semaphore(%arg10 : memref<!tpu.dma_semaphore, #tpu.memory_space<semaphore_mem>>) src(%dma_wait3A_447 : memref<1000000x32xf32, #tpu.memory_space<hbm>>) dst(%arg7 : memref<1024x32xf32, #tpu.memory_space<vmem>>)
    %parallel_loop3A_448 = arith.constant 0 : i32
    %parallel_loop3A_449 = arith.constant 1024 : i32
    %parallel_loop3A_450 = arith.constant 1 : i32
    scf.for %parallel_loop3A_575 = %parallel_loop3A_448 to %parallel_loop3A_449 step %parallel_loop3A_450  : i32 {
      %parallel_loop3A_576 = arith.index_cast %parallel_loop3A_575 : i32 to index
      %parallel_loop3A_577 = arith.constant 0 : index
      %parallel_loop3A_578 = tpu.vector_load %arg7[%parallel_loop3A_576, %parallel_loop3A_577] {strides = array<i32>} : memref<1024x32xf32, #tpu.memory_space<vmem>>, vector<1x16xf32>,
      %parallel_loop3A_579 = vector.shape_cast %parallel_loop3A_578 : vector<1x16xf32> to vector<16xf32>
      %parallel_loop3A_580 = arith.constant 5.65685415 : f32
      %parallel_loop3A_581 = vector.broadcast %parallel_loop3A_580 : f32 to vector<16xf32>
      %parallel_loop3A_582 = arith.mulf %parallel_loop3A_579, %parallel_loop3A_581 : vector<16xf32>
      %parallel_loop3A_583 = arith.index_cast %parallel_loop3A_575 : i32 to index
      %parallel_loop3A_584 = arith.constant 0 : index
      %parallel_loop3A_585 = tpu.vector_load %arg7[%parallel_loop3A_583, %parallel_loop3A_584] {strides = array<i32>} : memref<1024x32xf32, #tpu.memory_space<vmem>>, vector<1x16xf32>,
      %parallel_loop3A_586 = vector.shape_cast %parallel_loop3A_585 : vector<1x16xf32> to vector<16xf32>
      %parallel_loop3A_587 = vector.shape_cast %parallel_loop3A_582 : vector<16xf32> to vector<1x16xf32>
      tpu.vector_store %arg7[%parallel_loop3A_583, %parallel_loop3A_584], %parallel_loop3A_587 {strides = array<i32>} : memref<1024x32xf32, #tpu.memory_space<vmem>>, vector<1x16xf32>,
      %parallel_loop3A_588 = arith.index_cast %parallel_loop3A_575 : i32 to index
      %parallel_loop3A_589 = arith.constant 16 : index
      %parallel_loop3A_590 = tpu.vector_load %arg7[%parallel_loop3A_588, %parallel_loop3A_589] {strides = array<i32>} : memref<1024x32xf32, #tpu.memory_space<vmem>>, vector<1x16xf32>,
      %parallel_loop3A_591 = vector.shape_cast %parallel_loop3A_590 : vector<1x16xf32> to vector<16xf32>
      %parallel_loop3A_592 = arith.constant 5.65685415 : f32
      %parallel_loop3A_593 = vector.broadcast %parallel_loop3A_592 : f32 to vector<16xf32>
      %parallel_loop3A_594 = arith.mulf %parallel_loop3A_591, %parallel_loop3A_593 : vector<16xf32>
      %parallel_loop3A_595 = arith.index_cast %parallel_loop3A_575 : i32 to index
      %parallel_loop3A_596 = arith.constant 16 : index
      %parallel_loop3A_597 = tpu.vector_load %arg7[%parallel_loop3A_595, %parallel_loop3A_596] {strides = array<i32>} : memref<1024x32xf32, #tpu.memory_space<vmem>>, vector<1x16xf32>,
      %parallel_loop3A_598 = vector.shape_cast %parallel_loop3A_597 : vector<1x16xf32> to vector<16xf32>
      %parallel_loop3A_599 = vector.shape_cast %parallel_loop3A_594 : vector<16xf32> to vector<1x16xf32>
      tpu.vector_store %arg7[%parallel_loop3A_595, %parallel_loop3A_596], %parallel_loop3A_599 {strides = array<i32>} : memref<1024x32xf32, #tpu.memory_space<vmem>>, vector<1x16xf32>,
    } {sc.loop_unroll_factor = 8 : i64, sc.parallel_access}
    %add3A_451 = arith.constant 19456 : i32
    %add3A_452 = arith.addi %mul3A_2, %add3A_451 : i32
    %dma_start3A_453 = arith.constant 0 : i32
    %dma_start3A_454 = tpu.memref_slice %arg4[%add3A_452, %dma_start3A_453] : memref<819200x32xf32, #tpu.memory_space<hbm>> -> memref<1024x32xf32, #tpu.memory_space<hbm>>
    %dma_start3A_455 = arith.constant 0 : i32
    %dma_start3A_456 = tpu.memref_slice %arg4[%add3A_452, %dma_start3A_455] : memref<819200x32xf32, #tpu.memory_space<hbm>> -> memref<1024x32xf32, #tpu.memory_space<hbm>>
    tpu.enqueue_dma source(%arg7 : memref<1024x32xf32, #tpu.memory_space<vmem>>) target(%dma_start3A_456 : memref<1024x32xf32, #tpu.memory_space<hbm>>) target_semaphore(%arg13 : memref<!tpu.dma_semaphore, #tpu.memory_space<semaphore_mem>>)
    %dma_wait3A_457 = arith.constant 0 : i32
    %dma_wait3A_458 = tpu.memref_slice %arg4[%add3A_429, %dma_wait3A_457] : memref<819200x32xf32, #tpu.memory_space<hbm>> -> memref<1024x32xf32, #tpu.memory_space<hbm>>
    %dma_wait3A_459 = arith.constant 0 : i32
    %dma_wait3A_460 = tpu.memref_slice %arg4[%add3A_429, %dma_wait3A_459] : memref<819200x32xf32, #tpu.memory_space<hbm>> -> memref<1024x32xf32, #tpu.memory_space<hbm>>
    tpu.wait_dma2 semaphore(%arg12 : memref<!tpu.dma_semaphore, #tpu.memory_space<semaphore_mem>>) src(%arg6 : memref<1024x32xf32, #tpu.memory_space<vmem>>) dst(%dma_wait3A_460 : memref<1024x32xf32, #tpu.memory_space<hbm>>)
    %dma_start3A_461 = arith.constant 21504 : i32
    %dma_start3A_462 = tpu.memref_slice %arg5[%dma_start3A_461] : memref<25600xi32, #tpu.memory_space<vmem>> -> memref<1024xi32, #tpu.memory_space<vmem>>
    %dma_start3A_463 = arith.constant 0 : i32
    %dma_start3A_464 = arith.constant 0 : i32
    %dma_start3A_465 = tpu.memref_slice %arg3[%dma_start3A_463, %dma_start3A_464] : memref<1000000x32xf32, #tpu.memory_space<hbm>> -> memref<1000000x32xf32, #tpu.memory_space<hbm>>
    tpu.enqueue_indirect_dma source(%dma_start3A_465 : memref<1000000x32xf32, #tpu.memory_space<hbm>>) target(%arg6 : memref<1024x32xf32, #tpu.memory_space<vmem>>) offsets(%dma_start3A_462 : memref<1024xi32, #tpu.memory_space<vmem>>) semaphore(%arg9 : memref<!tpu.dma_semaphore, #tpu.memory_space<semaphore_mem>>)
    %dma_wait3A_466 = arith.constant 20480 : i32
    %dma_wait3A_467 = tpu.memref_slice %arg5[%dma_wait3A_466] : memref<25600xi32, #tpu.memory_space<vmem>> -> memref<1024xi32, #tpu.memory_space<vmem>>
    %dma_wait3A_468 = arith.constant 0 : i32
    %dma_wait3A_469 = arith.constant 0 : i32
    %dma_wait3A_470 = tpu.memref_slice %arg3[%dma_wait3A_468, %dma_wait3A_469] : memref<1000000x32xf32, #tpu.memory_space<hbm>> -> memref<1000000x32xf32, #tpu.memory_space<hbm>>
    tpu.wait_indirect_dma semaphore(%arg11 : memref<!tpu.dma_semaphore, #tpu.memory_space<semaphore_mem>>) src(%dma_wait3A_470 : memref<1000000x32xf32, #tpu.memory_space<hbm>>) dst(%arg8 : memref<1024x32xf32, #tpu.memory_space<vmem>>)
    %parallel_loop3A_471 = arith.constant 0 : i32
    %parallel_loop3A_472 = arith.constant 1024 : i32
    %parallel_loop3A_473 = arith.constant 1 : i32
    scf.for %parallel_loop3A_575 = %parallel_loop3A_471 to %parallel_loop3A_472 step %parallel_loop3A_473  : i32 {
      %parallel_loop3A_576 = arith.index_cast %parallel_loop3A_575 : i32 to index
      %parallel_loop3A_577 = arith.constant 0 : index
      %parallel_loop3A_578 = tpu.vector_load %arg8[%parallel_loop3A_576, %parallel_loop3A_577] {strides = array<i32>} : memref<1024x32xf32, #tpu.memory_space<vmem>>, vector<1x16xf32>,
      %parallel_loop3A_579 = vector.shape_cast %parallel_loop3A_578 : vector<1x16xf32> to vector<16xf32>
      %parallel_loop3A_580 = arith.constant 5.65685415 : f32
      %parallel_loop3A_581 = vector.broadcast %parallel_loop3A_580 : f32 to vector<16xf32>
      %parallel_loop3A_582 = arith.mulf %parallel_loop3A_579, %parallel_loop3A_581 : vector<16xf32>
      %parallel_loop3A_583 = arith.index_cast %parallel_loop3A_575 : i32 to index
      %parallel_loop3A_584 = arith.constant 0 : index
      %parallel_loop3A_585 = tpu.vector_load %arg8[%parallel_loop3A_583, %parallel_loop3A_584] {strides = array<i32>} : memref<1024x32xf32, #tpu.memory_space<vmem>>, vector<1x16xf32>,
      %parallel_loop3A_586 = vector.shape_cast %parallel_loop3A_585 : vector<1x16xf32> to vector<16xf32>
      %parallel_loop3A_587 = vector.shape_cast %parallel_loop3A_582 : vector<16xf32> to vector<1x16xf32>
      tpu.vector_store %arg8[%parallel_loop3A_583, %parallel_loop3A_584], %parallel_loop3A_587 {strides = array<i32>} : memref<1024x32xf32, #tpu.memory_space<vmem>>, vector<1x16xf32>,
      %parallel_loop3A_588 = arith.index_cast %parallel_loop3A_575 : i32 to index
      %parallel_loop3A_589 = arith.constant 16 : index
      %parallel_loop3A_590 = tpu.vector_load %arg8[%parallel_loop3A_588, %parallel_loop3A_589] {strides = array<i32>} : memref<1024x32xf32, #tpu.memory_space<vmem>>, vector<1x16xf32>,
      %parallel_loop3A_591 = vector.shape_cast %parallel_loop3A_590 : vector<1x16xf32> to vector<16xf32>
      %parallel_loop3A_592 = arith.constant 5.65685415 : f32
      %parallel_loop3A_593 = vector.broadcast %parallel_loop3A_592 : f32 to vector<16xf32>
      %parallel_loop3A_594 = arith.mulf %parallel_loop3A_591, %parallel_loop3A_593 : vector<16xf32>
      %parallel_loop3A_595 = arith.index_cast %parallel_loop3A_575 : i32 to index
      %parallel_loop3A_596 = arith.constant 16 : index
      %parallel_loop3A_597 = tpu.vector_load %arg8[%parallel_loop3A_595, %parallel_loop3A_596] {strides = array<i32>} : memref<1024x32xf32, #tpu.memory_space<vmem>>, vector<1x16xf32>,
      %parallel_loop3A_598 = vector.shape_cast %parallel_loop3A_597 : vector<1x16xf32> to vector<16xf32>
      %parallel_loop3A_599 = vector.shape_cast %parallel_loop3A_594 : vector<16xf32> to vector<1x16xf32>
      tpu.vector_store %arg8[%parallel_loop3A_595, %parallel_loop3A_596], %parallel_loop3A_599 {strides = array<i32>} : memref<1024x32xf32, #tpu.memory_space<vmem>>, vector<1x16xf32>,
    } {sc.loop_unroll_factor = 8 : i64, sc.parallel_access}
    %add3A_474 = arith.constant 20480 : i32
    %add3A_475 = arith.addi %mul3A_2, %add3A_474 : i32
    %dma_start3A_476 = arith.constant 0 : i32
    %dma_start3A_477 = tpu.memref_slice %arg4[%add3A_475, %dma_start3A_476] : memref<819200x32xf32, #tpu.memory_space<hbm>> -> memref<1024x32xf32, #tpu.memory_space<hbm>>
    %dma_start3A_478 = arith.constant 0 : i32
    %dma_start3A_479 = tpu.memref_slice %arg4[%add3A_475, %dma_start3A_478] : memref<819200x32xf32, #tpu.memory_space<hbm>> -> memref<1024x32xf32, #tpu.memory_space<hbm>>
    tpu.enqueue_dma source(%arg8 : memref<1024x32xf32, #tpu.memory_space<vmem>>) target(%dma_start3A_479 : memref<1024x32xf32, #tpu.memory_space<hbm>>) target_semaphore(%arg14 : memref<!tpu.dma_semaphore, #tpu.memory_space<semaphore_mem>>)
    %dma_wait3A_480 = arith.constant 0 : i32
    %dma_wait3A_481 = tpu.memref_slice %arg4[%add3A_452, %dma_wait3A_480] : memref<819200x32xf32, #tpu.memory_space<hbm>> -> memref<1024x32xf32, #tpu.memory_space<hbm>>
    %dma_wait3A_482 = arith.constant 0 : i32
    %dma_wait3A_483 = tpu.memref_slice %arg4[%add3A_452, %dma_wait3A_482] : memref<819200x32xf32, #tpu.memory_space<hbm>> -> memref<1024x32xf32, #tpu.memory_space<hbm>>
    tpu.wait_dma2 semaphore(%arg13 : memref<!tpu.dma_semaphore, #tpu.memory_space<semaphore_mem>>) src(%arg7 : memref<1024x32xf32, #tpu.memory_space<vmem>>) dst(%dma_wait3A_483 : memref<1024x32xf32, #tpu.memory_space<hbm>>)
    %dma_start3A_484 = arith.constant 22528 : i32
    %dma_start3A_485 = tpu.memref_slice %arg5[%dma_start3A_484] : memref<25600xi32, #tpu.memory_space<vmem>> -> memref<1024xi32, #tpu.memory_space<vmem>>
    %dma_start3A_486 = arith.constant 0 : i32
    %dma_start3A_487 = arith.constant 0 : i32
    %dma_start3A_488 = tpu.memref_slice %arg3[%dma_start3A_486, %dma_start3A_487] : memref<1000000x32xf32, #tpu.memory_space<hbm>> -> memref<1000000x32xf32, #tpu.memory_space<hbm>>
    tpu.enqueue_indirect_dma source(%dma_start3A_488 : memref<1000000x32xf32, #tpu.memory_space<hbm>>) target(%arg7 : memref<1024x32xf32, #tpu.memory_space<vmem>>) offsets(%dma_start3A_485 : memref<1024xi32, #tpu.memory_space<vmem>>) semaphore(%arg10 : memref<!tpu.dma_semaphore, #tpu.memory_space<semaphore_mem>>)
    %dma_wait3A_489 = arith.constant 21504 : i32
    %dma_wait3A_490 = tpu.memref_slice %arg5[%dma_wait3A_489] : memref<25600xi32, #tpu.memory_space<vmem>> -> memref<1024xi32, #tpu.memory_space<vmem>>
    %dma_wait3A_491 = arith.constant 0 : i32
    %dma_wait3A_492 = arith.constant 0 : i32
    %dma_wait3A_493 = tpu.memref_slice %arg3[%dma_wait3A_491, %dma_wait3A_492] : memref<1000000x32xf32, #tpu.memory_space<hbm>> -> memref<1000000x32xf32, #tpu.memory_space<hbm>>
    tpu.wait_indirect_dma semaphore(%arg9 : memref<!tpu.dma_semaphore, #tpu.memory_space<semaphore_mem>>) src(%dma_wait3A_493 : memref<1000000x32xf32, #tpu.memory_space<hbm>>) dst(%arg6 : memref<1024x32xf32, #tpu.memory_space<vmem>>)
    %parallel_loop3A_494 = arith.constant 0 : i32
    %parallel_loop3A_495 = arith.constant 1024 : i32
    %parallel_loop3A_496 = arith.constant 1 : i32
    scf.for %parallel_loop3A_575 = %parallel_loop3A_494 to %parallel_loop3A_495 step %parallel_loop3A_496  : i32 {
      %parallel_loop3A_576 = arith.index_cast %parallel_loop3A_575 : i32 to index
      %parallel_loop3A_577 = arith.constant 0 : index
      %parallel_loop3A_578 = tpu.vector_load %arg6[%parallel_loop3A_576, %parallel_loop3A_577] {strides = array<i32>} : memref<1024x32xf32, #tpu.memory_space<vmem>>, vector<1x16xf32>,
      %parallel_loop3A_579 = vector.shape_cast %parallel_loop3A_578 : vector<1x16xf32> to vector<16xf32>
      %parallel_loop3A_580 = arith.constant 5.65685415 : f32
      %parallel_loop3A_581 = vector.broadcast %parallel_loop3A_580 : f32 to vector<16xf32>
      %parallel_loop3A_582 = arith.mulf %parallel_loop3A_579, %parallel_loop3A_581 : vector<16xf32>
      %parallel_loop3A_583 = arith.index_cast %parallel_loop3A_575 : i32 to index
      %parallel_loop3A_584 = arith.constant 0 : index
      %parallel_loop3A_585 = tpu.vector_load %arg6[%parallel_loop3A_583, %parallel_loop3A_584] {strides = array<i32>} : memref<1024x32xf32, #tpu.memory_space<vmem>>, vector<1x16xf32>,
      %parallel_loop3A_586 = vector.shape_cast %parallel_loop3A_585 : vector<1x16xf32> to vector<16xf32>
      %parallel_loop3A_587 = vector.shape_cast %parallel_loop3A_582 : vector<16xf32> to vector<1x16xf32>
      tpu.vector_store %arg6[%parallel_loop3A_583, %parallel_loop3A_584], %parallel_loop3A_587 {strides = array<i32>} : memref<1024x32xf32, #tpu.memory_space<vmem>>, vector<1x16xf32>,
      %parallel_loop3A_588 = arith.index_cast %parallel_loop3A_575 : i32 to index
      %parallel_loop3A_589 = arith.constant 16 : index
      %parallel_loop3A_590 = tpu.vector_load %arg6[%parallel_loop3A_588, %parallel_loop3A_589] {strides = array<i32>} : memref<1024x32xf32, #tpu.memory_space<vmem>>, vector<1x16xf32>,
      %parallel_loop3A_591 = vector.shape_cast %parallel_loop3A_590 : vector<1x16xf32> to vector<16xf32>
      %parallel_loop3A_592 = arith.constant 5.65685415 : f32
      %parallel_loop3A_593 = vector.broadcast %parallel_loop3A_592 : f32 to vector<16xf32>
      %parallel_loop3A_594 = arith.mulf %parallel_loop3A_591, %parallel_loop3A_593 : vector<16xf32>
      %parallel_loop3A_595 = arith.index_cast %parallel_loop3A_575 : i32 to index
      %parallel_loop3A_596 = arith.constant 16 : index
      %parallel_loop3A_597 = tpu.vector_load %arg6[%parallel_loop3A_595, %parallel_loop3A_596] {strides = array<i32>} : memref<1024x32xf32, #tpu.memory_space<vmem>>, vector<1x16xf32>,
      %parallel_loop3A_598 = vector.shape_cast %parallel_loop3A_597 : vector<1x16xf32> to vector<16xf32>
      %parallel_loop3A_599 = vector.shape_cast %parallel_loop3A_594 : vector<16xf32> to vector<1x16xf32>
      tpu.vector_store %arg6[%parallel_loop3A_595, %parallel_loop3A_596], %parallel_loop3A_599 {strides = array<i32>} : memref<1024x32xf32, #tpu.memory_space<vmem>>, vector<1x16xf32>,
    } {sc.loop_unroll_factor = 8 : i64, sc.parallel_access}
    %add3A_497 = arith.constant 21504 : i32
    %add3A_498 = arith.addi %mul3A_2, %add3A_497 : i32
    %dma_start3A_499 = arith.constant 0 : i32
    %dma_start3A_500 = tpu.memref_slice %arg4[%add3A_498, %dma_start3A_499] : memref<819200x32xf32, #tpu.memory_space<hbm>> -> memref<1024x32xf32, #tpu.memory_space<hbm>>
    %dma_start3A_501 = arith.constant 0 : i32
    %dma_start3A_502 = tpu.memref_slice %arg4[%add3A_498, %dma_start3A_501] : memref<819200x32xf32, #tpu.memory_space<hbm>> -> memref<1024x32xf32, #tpu.memory_space<hbm>>
    tpu.enqueue_dma source(%arg6 : memref<1024x32xf32, #tpu.memory_space<vmem>>) target(%dma_start3A_502 : memref<1024x32xf32, #tpu.memory_space<hbm>>) target_semaphore(%arg12 : memref<!tpu.dma_semaphore, #tpu.memory_space<semaphore_mem>>)
    %dma_wait3A_503 = arith.constant 0 : i32
    %dma_wait3A_504 = tpu.memref_slice %arg4[%add3A_475, %dma_wait3A_503] : memref<819200x32xf32, #tpu.memory_space<hbm>> -> memref<1024x32xf32, #tpu.memory_space<hbm>>
    %dma_wait3A_505 = arith.constant 0 : i32
    %dma_wait3A_506 = tpu.memref_slice %arg4[%add3A_475, %dma_wait3A_505] : memref<819200x32xf32, #tpu.memory_space<hbm>> -> memref<1024x32xf32, #tpu.memory_space<hbm>>
    tpu.wait_dma2 semaphore(%arg14 : memref<!tpu.dma_semaphore, #tpu.memory_space<semaphore_mem>>) src(%arg8 : memref<1024x32xf32, #tpu.memory_space<vmem>>) dst(%dma_wait3A_506 : memref<1024x32xf32, #tpu.memory_space<hbm>>)
    %dma_start3A_507 = arith.constant 23552 : i32
    %dma_start3A_508 = tpu.memref_slice %arg5[%dma_start3A_507] : memref<25600xi32, #tpu.memory_space<vmem>> -> memref<1024xi32, #tpu.memory_space<vmem>>
    %dma_start3A_509 = arith.constant 0 : i32
    %dma_start3A_510 = arith.constant 0 : i32
    %dma_start3A_511 = tpu.memref_slice %arg3[%dma_start3A_509, %dma_start3A_510] : memref<1000000x32xf32, #tpu.memory_space<hbm>> -> memref<1000000x32xf32, #tpu.memory_space<hbm>>
    tpu.enqueue_indirect_dma source(%dma_start3A_511 : memref<1000000x32xf32, #tpu.memory_space<hbm>>) target(%arg8 : memref<1024x32xf32, #tpu.memory_space<vmem>>) offsets(%dma_start3A_508 : memref<1024xi32, #tpu.memory_space<vmem>>) semaphore(%arg11 : memref<!tpu.dma_semaphore, #tpu.memory_space<semaphore_mem>>)
    %dma_wait3A_512 = arith.constant 22528 : i32
    %dma_wait3A_513 = tpu.memref_slice %arg5[%dma_wait3A_512] : memref<25600xi32, #tpu.memory_space<vmem>> -> memref<1024xi32, #tpu.memory_space<vmem>>
    %dma_wait3A_514 = arith.constant 0 : i32
    %dma_wait3A_515 = arith.constant 0 : i32
    %dma_wait3A_516 = tpu.memref_slice %arg3[%dma_wait3A_514, %dma_wait3A_515] : memref<1000000x32xf32, #tpu.memory_space<hbm>> -> memref<1000000x32xf32, #tpu.memory_space<hbm>>
    tpu.wait_indirect_dma semaphore(%arg10 : memref<!tpu.dma_semaphore, #tpu.memory_space<semaphore_mem>>) src(%dma_wait3A_516 : memref<1000000x32xf32, #tpu.memory_space<hbm>>) dst(%arg7 : memref<1024x32xf32, #tpu.memory_space<vmem>>)
    %parallel_loop3A_517 = arith.constant 0 : i32
    %parallel_loop3A_518 = arith.constant 1024 : i32
    %parallel_loop3A_519 = arith.constant 1 : i32
    scf.for %parallel_loop3A_575 = %parallel_loop3A_517 to %parallel_loop3A_518 step %parallel_loop3A_519  : i32 {
      %parallel_loop3A_576 = arith.index_cast %parallel_loop3A_575 : i32 to index
      %parallel_loop3A_577 = arith.constant 0 : index
      %parallel_loop3A_578 = tpu.vector_load %arg7[%parallel_loop3A_576, %parallel_loop3A_577] {strides = array<i32>} : memref<1024x32xf32, #tpu.memory_space<vmem>>, vector<1x16xf32>,
      %parallel_loop3A_579 = vector.shape_cast %parallel_loop3A_578 : vector<1x16xf32> to vector<16xf32>
      %parallel_loop3A_580 = arith.constant 5.65685415 : f32
      %parallel_loop3A_581 = vector.broadcast %parallel_loop3A_580 : f32 to vector<16xf32>
      %parallel_loop3A_582 = arith.mulf %parallel_loop3A_579, %parallel_loop3A_581 : vector<16xf32>
      %parallel_loop3A_583 = arith.index_cast %parallel_loop3A_575 : i32 to index
      %parallel_loop3A_584 = arith.constant 0 : index
      %parallel_loop3A_585 = tpu.vector_load %arg7[%parallel_loop3A_583, %parallel_loop3A_584] {strides = array<i32>} : memref<1024x32xf32, #tpu.memory_space<vmem>>, vector<1x16xf32>,
      %parallel_loop3A_586 = vector.shape_cast %parallel_loop3A_585 : vector<1x16xf32> to vector<16xf32>
      %parallel_loop3A_587 = vector.shape_cast %parallel_loop3A_582 : vector<16xf32> to vector<1x16xf32>
      tpu.vector_store %arg7[%parallel_loop3A_583, %parallel_loop3A_584], %parallel_loop3A_587 {strides = array<i32>} : memref<1024x32xf32, #tpu.memory_space<vmem>>, vector<1x16xf32>,
      %parallel_loop3A_588 = arith.index_cast %parallel_loop3A_575 : i32 to index
      %parallel_loop3A_589 = arith.constant 16 : index
      %parallel_loop3A_590 = tpu.vector_load %arg7[%parallel_loop3A_588, %parallel_loop3A_589] {strides = array<i32>} : memref<1024x32xf32, #tpu.memory_space<vmem>>, vector<1x16xf32>,
      %parallel_loop3A_591 = vector.shape_cast %parallel_loop3A_590 : vector<1x16xf32> to vector<16xf32>
      %parallel_loop3A_592 = arith.constant 5.65685415 : f32
      %parallel_loop3A_593 = vector.broadcast %parallel_loop3A_592 : f32 to vector<16xf32>
      %parallel_loop3A_594 = arith.mulf %parallel_loop3A_591, %parallel_loop3A_593 : vector<16xf32>
      %parallel_loop3A_595 = arith.index_cast %parallel_loop3A_575 : i32 to index
      %parallel_loop3A_596 = arith.constant 16 : index
      %parallel_loop3A_597 = tpu.vector_load %arg7[%parallel_loop3A_595, %parallel_loop3A_596] {strides = array<i32>} : memref<1024x32xf32, #tpu.memory_space<vmem>>, vector<1x16xf32>,
      %parallel_loop3A_598 = vector.shape_cast %parallel_loop3A_597 : vector<1x16xf32> to vector<16xf32>
      %parallel_loop3A_599 = vector.shape_cast %parallel_loop3A_594 : vector<16xf32> to vector<1x16xf32>
      tpu.vector_store %arg7[%parallel_loop3A_595, %parallel_loop3A_596], %parallel_loop3A_599 {strides = array<i32>} : memref<1024x32xf32, #tpu.memory_space<vmem>>, vector<1x16xf32>,
    } {sc.loop_unroll_factor = 8 : i64, sc.parallel_access}
    %add3A_520 = arith.constant 22528 : i32
    %add3A_521 = arith.addi %mul3A_2, %add3A_520 : i32
    %dma_start3A_522 = arith.constant 0 : i32
    %dma_start3A_523 = tpu.memref_slice %arg4[%add3A_521, %dma_start3A_522] : memref<819200x32xf32, #tpu.memory_space<hbm>> -> memref<1024x32xf32, #tpu.memory_space<hbm>>
    %dma_start3A_524 = arith.constant 0 : i32
    %dma_start3A_525 = tpu.memref_slice %arg4[%add3A_521, %dma_start3A_524] : memref<819200x32xf32, #tpu.memory_space<hbm>> -> memref<1024x32xf32, #tpu.memory_space<hbm>>
    tpu.enqueue_dma source(%arg7 : memref<1024x32xf32, #tpu.memory_space<vmem>>) target(%dma_start3A_525 : memref<1024x32xf32, #tpu.memory_space<hbm>>) target_semaphore(%arg13 : memref<!tpu.dma_semaphore, #tpu.memory_space<semaphore_mem>>)
    %dma_wait3A_526 = arith.constant 0 : i32
    %dma_wait3A_527 = tpu.memref_slice %arg4[%add3A_498, %dma_wait3A_526] : memref<819200x32xf32, #tpu.memory_space<hbm>> -> memref<1024x32xf32, #tpu.memory_space<hbm>>
    %dma_wait3A_528 = arith.constant 0 : i32
    %dma_wait3A_529 = tpu.memref_slice %arg4[%add3A_498, %dma_wait3A_528] : memref<819200x32xf32, #tpu.memory_space<hbm>> -> memref<1024x32xf32, #tpu.memory_space<hbm>>
    tpu.wait_dma2 semaphore(%arg12 : memref<!tpu.dma_semaphore, #tpu.memory_space<semaphore_mem>>) src(%arg6 : memref<1024x32xf32, #tpu.memory_space<vmem>>) dst(%dma_wait3A_529 : memref<1024x32xf32, #tpu.memory_space<hbm>>)
    %dma_start3A_530 = arith.constant 24576 : i32
    %dma_start3A_531 = tpu.memref_slice %arg5[%dma_start3A_530] : memref<25600xi32, #tpu.memory_space<vmem>> -> memref<1024xi32, #tpu.memory_space<vmem>>
    %dma_start3A_532 = arith.constant 0 : i32
    %dma_start3A_533 = arith.constant 0 : i32
    %dma_start3A_534 = tpu.memref_slice %arg3[%dma_start3A_532, %dma_start3A_533] : memref<1000000x32xf32, #tpu.memory_space<hbm>> -> memref<1000000x32xf32, #tpu.memory_space<hbm>>
    tpu.enqueue_indirect_dma source(%dma_start3A_534 : memref<1000000x32xf32, #tpu.memory_space<hbm>>) target(%arg6 : memref<1024x32xf32, #tpu.memory_space<vmem>>) offsets(%dma_start3A_531 : memref<1024xi32, #tpu.memory_space<vmem>>) semaphore(%arg9 : memref<!tpu.dma_semaphore, #tpu.memory_space<semaphore_mem>>)
    %dma_wait3A_535 = arith.constant 23552 : i32
    %dma_wait3A_536 = tpu.memref_slice %arg5[%dma_wait3A_535] : memref<25600xi32, #tpu.memory_space<vmem>> -> memref<1024xi32, #tpu.memory_space<vmem>>
    %dma_wait3A_537 = arith.constant 0 : i32
    %dma_wait3A_538 = arith.constant 0 : i32
    %dma_wait3A_539 = tpu.memref_slice %arg3[%dma_wait3A_537, %dma_wait3A_538] : memref<1000000x32xf32, #tpu.memory_space<hbm>> -> memref<1000000x32xf32, #tpu.memory_space<hbm>>
    tpu.wait_indirect_dma semaphore(%arg11 : memref<!tpu.dma_semaphore, #tpu.memory_space<semaphore_mem>>) src(%dma_wait3A_539 : memref<1000000x32xf32, #tpu.memory_space<hbm>>) dst(%arg8 : memref<1024x32xf32, #tpu.memory_space<vmem>>)
    %parallel_loop3A_540 = arith.constant 0 : i32
    %parallel_loop3A_541 = arith.constant 1024 : i32
    %parallel_loop3A_542 = arith.constant 1 : i32
    scf.for %parallel_loop3A_575 = %parallel_loop3A_540 to %parallel_loop3A_541 step %parallel_loop3A_542  : i32 {
      %parallel_loop3A_576 = arith.index_cast %parallel_loop3A_575 : i32 to index
      %parallel_loop3A_577 = arith.constant 0 : index
      %parallel_loop3A_578 = tpu.vector_load %arg8[%parallel_loop3A_576, %parallel_loop3A_577] {strides = array<i32>} : memref<1024x32xf32, #tpu.memory_space<vmem>>, vector<1x16xf32>,
      %parallel_loop3A_579 = vector.shape_cast %parallel_loop3A_578 : vector<1x16xf32> to vector<16xf32>
      %parallel_loop3A_580 = arith.constant 5.65685415 : f32
      %parallel_loop3A_581 = vector.broadcast %parallel_loop3A_580 : f32 to vector<16xf32>
      %parallel_loop3A_582 = arith.mulf %parallel_loop3A_579, %parallel_loop3A_581 : vector<16xf32>
      %parallel_loop3A_583 = arith.index_cast %parallel_loop3A_575 : i32 to index
      %parallel_loop3A_584 = arith.constant 0 : index
      %parallel_loop3A_585 = tpu.vector_load %arg8[%parallel_loop3A_583, %parallel_loop3A_584] {strides = array<i32>} : memref<1024x32xf32, #tpu.memory_space<vmem>>, vector<1x16xf32>,
      %parallel_loop3A_586 = vector.shape_cast %parallel_loop3A_585 : vector<1x16xf32> to vector<16xf32>
      %parallel_loop3A_587 = vector.shape_cast %parallel_loop3A_582 : vector<16xf32> to vector<1x16xf32>
      tpu.vector_store %arg8[%parallel_loop3A_583, %parallel_loop3A_584], %parallel_loop3A_587 {strides = array<i32>} : memref<1024x32xf32, #tpu.memory_space<vmem>>, vector<1x16xf32>,
      %parallel_loop3A_588 = arith.index_cast %parallel_loop3A_575 : i32 to index
      %parallel_loop3A_589 = arith.constant 16 : index
      %parallel_loop3A_590 = tpu.vector_load %arg8[%parallel_loop3A_588, %parallel_loop3A_589] {strides = array<i32>} : memref<1024x32xf32, #tpu.memory_space<vmem>>, vector<1x16xf32>,
      %parallel_loop3A_591 = vector.shape_cast %parallel_loop3A_590 : vector<1x16xf32> to vector<16xf32>
      %parallel_loop3A_592 = arith.constant 5.65685415 : f32
      %parallel_loop3A_593 = vector.broadcast %parallel_loop3A_592 : f32 to vector<16xf32>
      %parallel_loop3A_594 = arith.mulf %parallel_loop3A_591, %parallel_loop3A_593 : vector<16xf32>
      %parallel_loop3A_595 = arith.index_cast %parallel_loop3A_575 : i32 to index
      %parallel_loop3A_596 = arith.constant 16 : index
      %parallel_loop3A_597 = tpu.vector_load %arg8[%parallel_loop3A_595, %parallel_loop3A_596] {strides = array<i32>} : memref<1024x32xf32, #tpu.memory_space<vmem>>, vector<1x16xf32>,
      %parallel_loop3A_598 = vector.shape_cast %parallel_loop3A_597 : vector<1x16xf32> to vector<16xf32>
      %parallel_loop3A_599 = vector.shape_cast %parallel_loop3A_594 : vector<16xf32> to vector<1x16xf32>
      tpu.vector_store %arg8[%parallel_loop3A_595, %parallel_loop3A_596], %parallel_loop3A_599 {strides = array<i32>} : memref<1024x32xf32, #tpu.memory_space<vmem>>, vector<1x16xf32>,
    } {sc.loop_unroll_factor = 8 : i64, sc.parallel_access}
    %add3A_543 = arith.constant 23552 : i32
    %add3A_544 = arith.addi %mul3A_2, %add3A_543 : i32
    %dma_start3A_545 = arith.constant 0 : i32
    %dma_start3A_546 = tpu.memref_slice %arg4[%add3A_544, %dma_start3A_545] : memref<819200x32xf32, #tpu.memory_space<hbm>> -> memref<1024x32xf32, #tpu.memory_space<hbm>>
    %dma_start3A_547 = arith.constant 0 : i32
    %dma_start3A_548 = tpu.memref_slice %arg4[%add3A_544, %dma_start3A_547] : memref<819200x32xf32, #tpu.memory_space<hbm>> -> memref<1024x32xf32, #tpu.memory_space<hbm>>
    tpu.enqueue_dma source(%arg8 : memref<1024x32xf32, #tpu.memory_space<vmem>>) target(%dma_start3A_548 : memref<1024x32xf32, #tpu.memory_space<hbm>>) target_semaphore(%arg14 : memref<!tpu.dma_semaphore, #tpu.memory_space<semaphore_mem>>)
    %dma_wait3A_549 = arith.constant 24576 : i32
    %dma_wait3A_550 = tpu.memref_slice %arg5[%dma_wait3A_549] : memref<25600xi32, #tpu.memory_space<vmem>> -> memref<1024xi32, #tpu.memory_space<vmem>>
    %dma_wait3A_551 = arith.constant 0 : i32
    %dma_wait3A_552 = arith.constant 0 : i32
    %dma_wait3A_553 = tpu.memref_slice %arg3[%dma_wait3A_551, %dma_wait3A_552] : memref<1000000x32xf32, #tpu.memory_space<hbm>> -> memref<1000000x32xf32, #tpu.memory_space<hbm>>
    tpu.wait_indirect_dma semaphore(%arg9 : memref<!tpu.dma_semaphore, #tpu.memory_space<semaphore_mem>>) src(%dma_wait3A_553 : memref<1000000x32xf32, #tpu.memory_space<hbm>>) dst(%arg6 : memref<1024x32xf32, #tpu.memory_space<vmem>>)
    %parallel_loop3A_554 = arith.constant 0 : i32
    %parallel_loop3A_555 = arith.constant 1024 : i32
    %parallel_loop3A_556 = arith.constant 1 : i32
    scf.for %parallel_loop3A_575 = %parallel_loop3A_554 to %parallel_loop3A_555 step %parallel_loop3A_556  : i32 {
      %parallel_loop3A_576 = arith.index_cast %parallel_loop3A_575 : i32 to index
      %parallel_loop3A_577 = arith.constant 0 : index
      %parallel_loop3A_578 = tpu.vector_load %arg6[%parallel_loop3A_576, %parallel_loop3A_577] {strides = array<i32>} : memref<1024x32xf32, #tpu.memory_space<vmem>>, vector<1x16xf32>,
      %parallel_loop3A_579 = vector.shape_cast %parallel_loop3A_578 : vector<1x16xf32> to vector<16xf32>
      %parallel_loop3A_580 = arith.constant 5.65685415 : f32
      %parallel_loop3A_581 = vector.broadcast %parallel_loop3A_580 : f32 to vector<16xf32>
      %parallel_loop3A_582 = arith.mulf %parallel_loop3A_579, %parallel_loop3A_581 : vector<16xf32>
      %parallel_loop3A_583 = arith.index_cast %parallel_loop3A_575 : i32 to index
      %parallel_loop3A_584 = arith.constant 0 : index
      %parallel_loop3A_585 = tpu.vector_load %arg6[%parallel_loop3A_583, %parallel_loop3A_584] {strides = array<i32>} : memref<1024x32xf32, #tpu.memory_space<vmem>>, vector<1x16xf32>,
      %parallel_loop3A_586 = vector.shape_cast %parallel_loop3A_585 : vector<1x16xf32> to vector<16xf32>
      %parallel_loop3A_587 = vector.shape_cast %parallel_loop3A_582 : vector<16xf32> to vector<1x16xf32>
      tpu.vector_store %arg6[%parallel_loop3A_583, %parallel_loop3A_584], %parallel_loop3A_587 {strides = array<i32>} : memref<1024x32xf32, #tpu.memory_space<vmem>>, vector<1x16xf32>,
      %parallel_loop3A_588 = arith.index_cast %parallel_loop3A_575 : i32 to index
      %parallel_loop3A_589 = arith.constant 16 : index
      %parallel_loop3A_590 = tpu.vector_load %arg6[%parallel_loop3A_588, %parallel_loop3A_589] {strides = array<i32>} : memref<1024x32xf32, #tpu.memory_space<vmem>>, vector<1x16xf32>,
      %parallel_loop3A_591 = vector.shape_cast %parallel_loop3A_590 : vector<1x16xf32> to vector<16xf32>
      %parallel_loop3A_592 = arith.constant 5.65685415 : f32
      %parallel_loop3A_593 = vector.broadcast %parallel_loop3A_592 : f32 to vector<16xf32>
      %parallel_loop3A_594 = arith.mulf %parallel_loop3A_591, %parallel_loop3A_593 : vector<16xf32>
      %parallel_loop3A_595 = arith.index_cast %parallel_loop3A_575 : i32 to index
      %parallel_loop3A_596 = arith.constant 16 : index
      %parallel_loop3A_597 = tpu.vector_load %arg6[%parallel_loop3A_595, %parallel_loop3A_596] {strides = array<i32>} : memref<1024x32xf32, #tpu.memory_space<vmem>>, vector<1x16xf32>,
      %parallel_loop3A_598 = vector.shape_cast %parallel_loop3A_597 : vector<1x16xf32> to vector<16xf32>
      %parallel_loop3A_599 = vector.shape_cast %parallel_loop3A_594 : vector<16xf32> to vector<1x16xf32>
      tpu.vector_store %arg6[%parallel_loop3A_595, %parallel_loop3A_596], %parallel_loop3A_599 {strides = array<i32>} : memref<1024x32xf32, #tpu.memory_space<vmem>>, vector<1x16xf32>,
    } {sc.loop_unroll_factor = 8 : i64, sc.parallel_access}
    %add3A_557 = arith.constant 24576 : i32
    %add3A_558 = arith.addi %mul3A_2, %add3A_557 : i32
    %dma_start3A_559 = arith.constant 0 : i32
    %dma_start3A_560 = tpu.memref_slice %arg4[%add3A_558, %dma_start3A_559] : memref<819200x32xf32, #tpu.memory_space<hbm>> -> memref<1024x32xf32, #tpu.memory_space<hbm>>
    %dma_start3A_561 = arith.constant 0 : i32
    %dma_start3A_562 = tpu.memref_slice %arg4[%add3A_558, %dma_start3A_561] : memref<819200x32xf32, #tpu.memory_space<hbm>> -> memref<1024x32xf32, #tpu.memory_space<hbm>>
    tpu.enqueue_dma source(%arg6 : memref<1024x32xf32, #tpu.memory_space<vmem>>) target(%dma_start3A_562 : memref<1024x32xf32, #tpu.memory_space<hbm>>) target_semaphore(%arg12 : memref<!tpu.dma_semaphore, #tpu.memory_space<semaphore_mem>>)
    %dma_wait3A_563 = arith.constant 0 : i32
    %dma_wait3A_564 = tpu.memref_slice %arg4[%add3A_521, %dma_wait3A_563] : memref<819200x32xf32, #tpu.memory_space<hbm>> -> memref<1024x32xf32, #tpu.memory_space<hbm>>
    %dma_wait3A_565 = arith.constant 0 : i32
    %dma_wait3A_566 = tpu.memref_slice %arg4[%add3A_521, %dma_wait3A_565] : memref<819200x32xf32, #tpu.memory_space<hbm>> -> memref<1024x32xf32, #tpu.memory_space<hbm>>
    tpu.wait_dma2 semaphore(%arg13 : memref<!tpu.dma_semaphore, #tpu.memory_space<semaphore_mem>>) src(%arg7 : memref<1024x32xf32, #tpu.memory_space<vmem>>) dst(%dma_wait3A_566 : memref<1024x32xf32, #tpu.memory_space<hbm>>)
    %dma_wait3A_567 = arith.constant 0 : i32
    %dma_wait3A_568 = tpu.memref_slice %arg4[%add3A_544, %dma_wait3A_567] : memref<819200x32xf32, #tpu.memory_space<hbm>> -> memref<1024x32xf32, #tpu.memory_space<hbm>>
    %dma_wait3A_569 = arith.constant 0 : i32
    %dma_wait3A_570 = tpu.memref_slice %arg4[%add3A_544, %dma_wait3A_569] : memref<819200x32xf32, #tpu.memory_space<hbm>> -> memref<1024x32xf32, #tpu.memory_space<hbm>>
    tpu.wait_dma2 semaphore(%arg14 : memref<!tpu.dma_semaphore, #tpu.memory_space<semaphore_mem>>) src(%arg8 : memref<1024x32xf32, #tpu.memory_space<vmem>>) dst(%dma_wait3A_570 : memref<1024x32xf32, #tpu.memory_space<hbm>>)
    %dma_wait3A_571 = arith.constant 0 : i32
    %dma_wait3A_572 = tpu.memref_slice %arg4[%add3A_558, %dma_wait3A_571] : memref<819200x32xf32, #tpu.memory_space<hbm>> -> memref<1024x32xf32, #tpu.memory_space<hbm>>
    %dma_wait3A_573 = arith.constant 0 : i32
    %dma_wait3A_574 = tpu.memref_slice %arg4[%add3A_558, %dma_wait3A_573] : memref<819200x32xf32, #tpu.memory_space<hbm>> -> memref<1024x32xf32, #tpu.memory_space<hbm>>
    tpu.wait_dma2 semaphore(%arg12 : memref<!tpu.dma_semaphore, #tpu.memory_space<semaphore_mem>>) src(%arg6 : memref<1024x32xf32, #tpu.memory_space<vmem>>) dst(%dma_wait3A_574 : memref<1024x32xf32, #tpu.memory_space<hbm>>)
    return
  }
}

</mosaic_0001>

<sc_bundles>
// kernel: kernel.3.cloned.1.call-start
scs
__scs_entry_jumppad:
0x0: {  	(pc) =	sbr.rel $0x88, $3  }
0x1: {  	(tag) =	ssettag $0x0;
	lr =	simm.s32 $0x1  }
0x2: {  	[smem:$0x3F9F] =	sst lr;
	_ =	strace $0xD0000000  }
0x3: {  	_ = 	snop  }
0x4: {  	_ = 	snop  }
0x5: {  	_ = 	snop  }
0x6: {  	_ = 	snop  }
0x7: {  	_ = 	snop  }
__scs_overlays_trampoline_lowered:
0x8: {  	[smem:$0x3FAE] =	sst s0  }
0x9: {  	[smem:$0x3FAF] =	sst s1  }
0xa: {  	[smem:$0x3FB0] =	sst s2  }
0xb: {  	[smem:$0x3FB1] =	sst s3  }
0xc: {  	[smem:$0x3FB2] =	sst s4  }
0xd: {  	[smem:$0x3FB3] =	sst s5  }
0xe: {  	[smem:$0x3FB4] =	sst s6  }
0xf: {  	[smem:$0x3FB5] =	sst s7  }
0x10: {  	[smem:$0x3FB6] =	sst s8  }
0x11: {  	[smem:$0x3FB7] =	sst s9;
	s0 =	simm.s32 @!p0 $0x0  }
0x12: {  	s1 =	sld [smem:$0x3F9D];
	s0 =	simm.s32 @p0 $0x1  }
0x13: {  	[smem:$0x3FB8] =	sst s0;
	s0 =	simm.s32 @!p1 $0x0  }
0x14: {  	s2 =	sld [smem:$0x3F9C];
	s0 =	simm.s32 @p1 $0x1  }
0x15: {  	[smem:$0x3FB9] =	sst s0;
	s0 =	simm.s32 @!p2 $0x0  }
0x16: {  	s3 =	sld [smem:$0x3FDB];
	s0 =	simm.s32 @p2 $0x1  }
0x17: {  	s4 =	simm.s32 $0x1BF5;
	[smem:$0x3FBB] =	sst s0  }
0x18: {  	s0 =	sld [smem:$0x3F9E];
	_ =	swait.ge [sflag:s4], $0x0  }
0x19: {  	s7 =	sld [smem:$0x3F9F]  }
0x1a: {  	s8 =	sadd.s32 $0xFFFFE003, lr  }
0x1b: {  	s9 =	sadd.s32 $0xFFFFFEF7, lr;
	s5 =	simm.s32 $0xFFFFFFFF;
	p2 =	slt.u32 s8, $0xFFFFF086  }
0x1c: {  	p1 =	slt.u32 s9, $0xF7A;
	s5 =	simm.s32 @!p2 $0x0  }
0x1d: {  	s5 =	simm.s32 @p1 $0x1;
	p0 =	seq.s32 s7, s2  }
0x1e: {  	s7 =	smul.u32 @!p0 $0xF7A, s2;
	p2 =	seq.s32 @!p0 s5, $0x0  }
0x1f: {  	s9 =	smul.u32 $0xF7A, s1;
	s8 =	simm.s32 @!p0 $0x1BF5;
	p2 =	por !p2, p0  }
0x20: {  	[sflag:s8] =	ssyncset.s32 @!p0 $0xFFFFF086;
	s6 =	sadd.s32 @!p0 s3, s7;
	s7 =	simm.s32 @!p0 $0x108  }
0x21: {  	s3 =	sadd.s32 s3, s9;
	s6 =	sadd.s32 @!p0 $0x88, s6;
	s7 =	simm.s32 @p2 $0x1082  }
0x22: {  	[simem:s7], [sflag:s8] =	dma.local @!p0 [hbm:s6], $0xF7A  }
0x23: {  	s9 =	sor.u32 $0xD0000000, s2;
	s6 =	simm.s32 $0x108;
	_ =	swait.ge @!p0 [sflag:s8], $0x0  }
0x24: {  	s3 =	sadd.s32 $0x88, s3;
	s6 =	simm.s32 @!p1 $0x1082;
	[sflag:s4] =	ssyncset.s32 $0xFFFFF086  }
0x25: {  	[simem:s6], [sflag:s4] =	dma.local [hbm:s3], $0xF7A  }
0x26: {  	[smem:$0x3F9F] =	sst s1;
	(tag) =	ssettag s2;
	_ =	strace s9  }
0x27: {  	s1 =	sld [smem:$0x3FAF]  }
0x28: {  	s2 =	sld [smem:$0x3FB0]  }
0x29: {  	s4 =	sld [smem:$0x3FB2]  }
0x2a: {  	p0 =	seq.s32 s5, $0x0;
	s5 =	sld [smem:$0x3FB3]  }
0x2b: {  	s6 =	sld [smem:$0x3FB4]  }
0x2c: {  	s7 =	sld [smem:$0x3FB5]  }
0x2d: {  	s3 =	simm.s32 $0x108;
	s8 =	sld [smem:$0x3FB6]  }
0x2e: {  	s3 =	simm.s32 @!p0 $0x1082;
	s9 =	sld [smem:$0x3FB7]  }
0x2f: {  	lr =	sadd.s32 s0, s3;
	s0 =	sld [smem:$0x3FAE]  }
0x30: {  	s3 =	sld [smem:$0x3FB1]  }
0x31: {  	[smem:$0x3FBA] =	sst s10  }
0x32: {  	s10 =	sld [smem:$0x3FB8];
	_ =	sdelay $0x3  }
0x33: {  	p0 =	seq.s32 s10, $0x1;
	s10 =	sld [smem:$0x3FBA];
	_ =	sdelay $0x3  }
0x34: {  	[smem:$0x3FBA] =	sst s10  }
0x35: {  	s10 =	sld [smem:$0x3FB9];
	_ =	sdelay $0x3  }
0x36: {  	p1 =	seq.s32 s10, $0x1;
	s10 =	sld [smem:$0x3FBA];
	_ =	sdelay $0x3  }
0x37: {  	[smem:$0x3FBA] =	sst s10  }
0x38: {  	s10 =	sld [smem:$0x3FBB]  }
0x39: {  	_ = 	snop;
	(pc) =	sbr.ind lr, $3  }
0x3a: {  	_ = 	snop  }
0x3b: {  	_ = 	snop  }
0x3c: {  	p2 =	seq.s32 s10, $0x1;
	s10 =	sld [smem:$0x3FBA]  }
0x3d: {  	_ =	shalt  }
0x3e: {  	_ =	shalt  }
0x3f: {  	_ =	shalt  }
0x40: {  	_ =	shalt  }
0x41: {  	_ =	shalt  }
0x42: {  	_ =	shalt  }
0x43: {  	_ =	shalt  }
0x44: {  	_ =	shalt  }
0x45: {  	_ =	shalt  }
0x46: {  	_ =	shalt  }
0x47: {  	_ =	shalt  }
0x48: {  	_ =	shalt  }
0x49: {  	_ =	shalt  }
0x4a: {  	_ =	shalt  }
0x4b: {  	_ =	shalt  }
0x4c: {  	_ =	shalt  }
0x4d: {  	_ =	shalt  }
0x4e: {  	_ =	shalt  }
0x4f: {  	_ =	shalt  }
0x50: {  	_ =	shalt  }
0x51: {  	_ =	shalt  }
0x52: {  	_ =	shalt  }
0x53: {  	_ =	shalt  }
0x54: {  	_ =	shalt  }
0x55: {  	_ =	shalt  }
0x56: {  	_ =	shalt  }
0x57: {  	_ =	shalt  }
0x58: {  	_ =	shalt  }
0x59: {  	_ =	shalt  }
0x5a: {  	_ =	shalt  }
0x5b: {  	_ =	shalt  }
0x5c: {  	_ =	shalt  }
0x5d: {  	_ =	shalt  }
0x5e: {  	_ =	shalt  }
0x5f: {  	_ =	shalt  }
0x60: {  	_ =	shalt  }
0x61: {  	_ =	shalt  }
0x62: {  	_ =	shalt  }
0x63: {  	_ =	shalt  }
0x64: {  	_ =	shalt  }
0x65: {  	_ =	shalt  }
0x66: {  	_ =	shalt  }
0x67: {  	_ =	shalt  }
0x68: {  	_ =	shalt  }
0x69: {  	_ =	shalt  }
0x6a: {  	_ =	shalt  }
0x6b: {  	_ =	shalt  }
0x6c: {  	_ =	shalt  }
0x6d: {  	_ =	shalt  }
0x6e: {  	_ =	shalt  }
0x6f: {  	_ =	shalt  }
0x70: {  	_ =	shalt  }
0x71: {  	_ =	shalt  }
0x72: {  	_ =	shalt  }
0x73: {  	_ =	shalt  }
0x74: {  	_ =	shalt  }
0x75: {  	_ =	shalt  }
0x76: {  	_ =	shalt  }
0x77: {  	_ =	shalt  }
0x78: {  	_ =	shalt  }
0x79: {  	_ =	shalt  }
0x7a: {  	_ =	shalt  }
0x7b: {  	_ =	shalt  }
0x7c: {  	_ =	shalt  }
0x7d: {  	_ =	shalt  }
0x7e: {  	_ =	shalt  }
0x7f: {  	_ =	shalt  }
0x80: {  	_ =	shalt  }
0x81: {  	_ =	shalt  }
0x82: {  	_ =	shalt  }
0x83: {  	_ =	shalt  }
0x84: {  	_ =	shalt  }
0x85: {  	_ =	shalt  }
0x86: {  	_ =	shalt  }
0x87: {  	_ =	shalt  }
.Lfunc_end0:
.L_simem_size_0:
called_computation.1_lowered:
.L_overlay_start_0:
0x88: {  	s2 =	sld [smem:$0x3FD9]  }
0x89: {  	s3 =	sld [smem:$0x3FFE];
	_ =	sdelay $0x1  }
0x8a: {  	s1 =	srdreg.scid  }
0x8b: {  	s0 =	sand.u32 $0x1, s1  }
0x8c: {  	s17 =	sshll.u32 s0, $0xA;
	s2 =	sadd.s32 s3, s2  }
0x8d: {  	s2 =	sadd.s32 s2, s17  }
0x8e: {  	[smem:$0x3FC6] =	sst s2  }
0x8f: {  	_ = 	snop  }
0x90: {  	s2 =	sld [smem:$0x3FD0];
	(tm) =	ssettm $0x1  }
0x91: {  	s18 =	sld [smem:$0x3FFB];
	_ =	sdelay $0x3  }
0x92: {  	_ =	strace s18  }
0x93: {  	s3 =	sld [smem:$0x3FFC];
	_ =	sdelay $0x3  }
0x94: {  	_ =	strace s3  }
0x95: {  	s3 =	sld [smem:$0x3FFD];
	_ =	sdelay $0x3  }
0x96: {  	_ =	strace s3  }
0x97: {  	_ =	strace $0x8FFFFFFF  }
0x98: {  	s19 =	sld [smem:$0x3FDB];
	_ =	sdelay $0x1  }
0x99: {  	s4 =	simm.s32 $_scs_section_size  }
0x9a: {  	s5 =	simm.s32 $_size__tile_overlayer_lowered;
	s6 =	simm.s32 $_tile_overlayer_lowered  }
0x9b: {  	s22 =	simm.s32 $0x1BFF;
	s21 =	sshll.u32 s6, $0x1;
	s3 =	sadd.s32 s4, s19  }
0x9c: {  	s7 =	simm.s32 $0x0;
	s20 =	sshll.u32 s5, $0x1;
	s5 =	sadd.s32 s21, s3  }
0x9d: {  	[timem:s7], [sflag:s22] =	dma.local [hbm:s5], s20  }
0x9e: {  	_ =	swait.ge [sflag:s22], s20  }
0x9f: {  	s4 =	ssub.s32 $0x0, s20;
	[sflag:s22] =	ssyncset.done $0x0  }
0xa0: {  	[sflag:s22] =	ssyncadd.s32 s4;
	_ =	sdelay $0x1  }
0xa1: {  	s23 =	simm.s32 $0x1B8B  }
0xa2: {  	_ =	swait.ge [sflag:s23], $0x1  }
0xa3: {  	[sflag:s23] =	ssyncset.done $0x0  }
0xa4: {  	s25 =	simm.s32 $0x1B8E;
	s24 =	sld [smem:$0x3FFE];
	[sflag:s23] =	ssyncadd.s32 $0xFFFFFFFF  }
0xa5: {  	s26 =	simm.s32 $execute0_lowered;
	[smem:$0x3FD2] =	sst s25  }
0xa6: {  	s5 =	sshll.u32 s26, $0x1;
	_ =	strace $0x80000046;
	[dreg:$0x1] =	wrdreg $0xFFFFFFFF  }
0xa7: {  	s28 =	simm.s32 $_size_execute0_lowered;
	s3 =	sadd.s32 s3, s5;
	[dreg:$0x0] =	wrdreg $0x0  }
0xa8: {  	s5 =	sshll.u32 s28, $0x1;
	[dreg:$0x2] =	wrdreg s3  }
0xa9: {  	[dreg:$0x3] =	wrdreg s5  }
0xaa: {  	[dreg:$0x4] =	wrdreg $0xC0  }
0xab: {  	_ =	task [dreg:s7], $0x5FFFF  }
0xac: {  	[dreg:$0x1] =	wrdreg $0xFFFFFFFF  }
0xad: {  	[dreg:$0x0] =	wrdreg $0x60  }
0xae: {  	[dreg:$0x2] =	wrdreg s24  }
0xaf: {  	[dreg:$0x3] =	wrdreg s2  }
0xb0: {  	[dreg:$0x4] =	wrdreg $0x9  }
0xb1: {  	_ =	task.clear_ibuf [dreg:s7], $0x5FFFF;
	_ =	strace $0x90000046  }
0xb2: {  	s29 =	simm.s32 $0x9;
	_ =	strace $0x80000048  }
0xb3: {  	_ =	swait.ge [sflag:s29], $0x1  }
0xb4: {  	[sflag:s29] =	ssyncadd.s32 $0xFFFFFFFF  }
0xb5: {  	_ =	strace $0x90000048  }
0xb6: {  	_ =	sfence  }
0xb7: {  	s30 =	sld [smem:$0x0];
	_ =	sdelay $0x2  }
0xb8: {  	s31 =	sshll.u32 s1, $0xD;
	s1 =	sshrl.u32 s1, $0x2  }
0xb9: {  	s3 =	sand.u32 $0x4000, s31;
	s1 =	sadd.s32 s1, s30  }
0xba: {  	s0 =	sor.u32 s3, s0;
	s1 =	sshll.u32 s1, $0x11  }
0xbb: {  	s0 =	sor.u32 s1, s0  }
0xbc: {  	s0 =	sadd.s32 $0x8F2B, s0  }
0xbd: {  	[sflag:s0] =	ssyncadd.remote.s32 $0x1  }
0xbe: {  	_ =	sfence.sel $0xFFFF  }
0xbf: {  	[dreg:$0x0] =	wrdreg $0xFFFFFFFF;
	(pc) =	sbr.abs _section_cstart, $3  }
0xc0: {  	[dreg:$0x1] =	wrdreg $0xFFFFFFFF  }
0xc1: {  	_ =	task.clear_ibuf [dreg:s7], $0x2FFFF;
	_ =	strace $0x9FFFFFFF  }
0xc2: {  	(tm) =	ssettm $0x7FFFFFFF  }
0xc3: {  	_ =	shalt  }
tec
execute0_lowered:
.L_overlay_start_1:
0x0: {  	(tag) =	ssettag $0x1  }
0x1: {  	s1 =	srdreg.scid;
	s2 =	stileid.u32  }
0x2: {  	s1 =	sand.u32 $0x1, s1;
	s3 =	sshll.u32 s2, $0x1  }
0x3: {  	s0 =	rddreg [dreg:$0x0];
	s3 =	sor.u32 s1, s3  }
0x4: {  	s4 =	rddreg [dreg:$0x1];
	s9 =	simm.s32 $0x4;
	s5 =	smul.u32 $0xC80, s3  }
0x5: {  	s2 =	simm.s32 $0x0;
	s1 =	ssub.s32 $0x2, s1;
	s6 =	smul.u32 $0xC8000, s3  }
0x6: {  	[smem:$0x7FF] =	sst s2;
	s7 =	sshrl.u32 s1, $0x1;
	s8 =	smul.u32 $0x19000, s3  }
0x7: {  	s10 =	simm.s32 $0x3;
	_ =	strace $0x80000047;
	s14 =	ssub.s32 s1, s7  }
0x8: {  	s5 =	sadd.s32 s5, s0;
	s15 =	sshrl.u32 s6, $0x3;
	s16 =	sadd.s32 s4, s8  }
0x9: {  	s5 =	sadd.s32 $0xA00, s5;
	[dreg:$0x4] =	wrdreg s16;
	s1 =	sadd.s32 s4, s15  }
0xa: {  	s11 =	simm.s32 $0x5;
	[dreg:$0x3] =	wrdreg s5;
	s4 =	sadd.s32 $0x1000, s1  }
0xb: {  	s12 =	simm.s32 $0x6;
	s17 =	sadd.s32 $0x2000, s1;
	[dreg:$0x5] =	wrdreg s4  }
0xc: {  	s13 =	simm.s32 $0x0;
	s18 =	sadd.s32 $0x3000, s1;
	[dreg:$0x6] =	wrdreg s17  }
0xd: {  	s3 =	sadd.s32 $0xF42E00, s0;
	s19 =	sadd.s32 $0x4000, s1;
	[dreg:$0x7] =	wrdreg s18  }
0xe: {  	s7 =	simm.s32 $0x16400;
	s20 =	sadd.s32 $0x5000, s1;
	[dreg:$0x8] =	wrdreg s19  }
0xf: {  	s31 =	smax.u32 s14, $0x1;
	s21 =	sadd.s32 $0x6000, s1;
	[dreg:$0x9] =	wrdreg s20  }
0x10: {  	s0 =	simm.s32 $0x400;
	s22 =	sadd.s32 $0x7000, s1;
	[dreg:$0xa] =	wrdreg s21  }
0x11: {  	s6 =	simm.s32 $0x1;
	s23 =	sadd.s32 $0x8000, s1;
	[dreg:$0xb] =	wrdreg s22  }
0x12: {  	s8 =	simm.s32 $0x2;
	s24 =	sadd.s32 $0x9000, s1;
	[dreg:$0xc] =	wrdreg s23  }
0x13: {  	s25 =	sadd.s32 $0xA000, s1;
	s26 =	sadd.s32 $0xB000, s1;
	[dreg:$0xd] =	wrdreg s24  }
0x14: {  	s28 =	sadd.s32 $0x16000, s1;
	s29 =	sadd.s32 $0x17000, s1;
	[dreg:$0xe] =	wrdreg s25  }
0x15: {  	s30 =	sadd.s32 $0x18000, s1;
	s5 =	simm.s32 $0xE400;
	[dreg:$0xf] =	wrdreg s26  }
0x16: {  	s17 =	sadd.s32 $0xC000, s1;
	s18 =	sadd.s32 $0xD000, s1;
	s19 =	sadd.s32 $0xE000, s1  }
0x17: {  	s20 =	sadd.s32 $0xF000, s1;
	s21 =	sadd.s32 $0x10000, s1;
	s22 =	sadd.s32 $0x11000, s1  }
0x18: {  	s23 =	sadd.s32 $0x12000, s1;
	s24 =	sadd.s32 $0x13000, s1;
	s25 =	sadd.s32 $0x14000, s1  }
0x19: {  	s26 =	sadd.s32 $0x15000, s1;
	s1 =	simm.s32 $0x7;
	s4 =	simm.s32 $0x6400  }
.LBB2_1:
0x1a: {  	s14 =	rddreg [dreg:$0x3]  }
0x1b: {  	[tilespmem:s2], [sflag:$0x7] =	stream.linear.gather [hbm4b:s14+s2], $0x6400, $0x38;
	[tilespmem:$0x1E400] =	vst v63  }
0x1c: {  	_ =	swait.ge [sflag:s1], $0x6400  }
0x1d: {  	[sflag:s1] =	ssyncset.done $0x0  }
0x1e: {  	[sflag:s1] =	ssyncadd.s32 $0xFFFF9C00  }
0x1f: {  	[tilespmem:s4], [sflag:$0x1] =	stream.indirect.gather [hbm4b:s3+s0], $0x20, s2, s0, $0xb8;
	[tilespmem:$0x1E400] =	vst v63  }
0x20: {  	_ = 	snop  }
0x21: {  	[tilespmem:s5], [sflag:$0x2] =	stream.indirect.gather [hbm4b:s3+s0], $0x20, s0, s0, $0xb8;
	[tilespmem:$0x1E400] =	vst v63  }
0x22: {  	_ =	swait.ge [sflag:s6], $0x8000  }
0x23: {  	[sflag:s6] =	ssyncset.done $0x0  }
0x24: {  	s14 =	simm.s32 $0x6480;
	[sflag:s6] =	ssyncadd.s32 $0xFFFF8000  }
0x25: {  	v0 =	vld [tilespmem:s14+$0x70]  }
0x26: {  	v1 =	vld [tilespmem:s14+$0xFFFFFF90]  }
0x27: {  	v2 =	vld [tilespmem:s14+$0xFFFFFFA0]  }
0x28: {  	v3 =	vld [tilespmem:s14+$0xFFFFFFB0]  }
0x29: {  	v4 =	vld [tilespmem:s14+$0xFFFFFFC0]  }
0x2a: {  	v5 =	vld [tilespmem:s14+$0xFFFFFFD0];
	v0 =	vmul.f32 $5.656854150e+00, v0  }
0x2b: {  	v6 =	vld [tilespmem:s14+$0xFFFFFFE0];
	v1 =	vmul.f32 $5.656854150e+00, v1  }
0x2c: {  	v7 =	vld [tilespmem:s14+$0xFFFFFFF0];
	v2 =	vmul.f32 $5.656854150e+00, v2;
	[tilespmem:s14+$0x70] =	vst v0  }
0x2d: {  	[tilespmem:s14+$0xFFFFFF90] =	vst v1;
	v0 =	vmul.f32 $5.656854150e+00, v3;
	v3 =	vld [tilespmem:s14+$0x0]  }
0x2e: {  	[tilespmem:s14+$0xFFFFFFA0] =	vst v2;
	v1 =	vmul.f32 $5.656854150e+00, v4;
	v4 =	vld [tilespmem:s14+$0x10]  }
0x2f: {  	v8 =	vld [tilespmem:s14+$0x20];
	v2 =	vmul.f32 $5.656854150e+00, v5;
	[tilespmem:s14+$0xFFFFFFB0] =	vst v0  }
0x30: {  	v5 =	vmul.f32 $5.656854150e+00, v6;
	[tilespmem:s14+$0xFFFFFFC0] =	vst v1;
	v0 =	vld [tilespmem:s14+$0x30]  }
0x31: {  	v6 =	vmul.f32 $5.656854150e+00, v7;
	[tilespmem:s14+$0xFFFFFFD0] =	vst v2;
	v1 =	vld [tilespmem:s14+$0x40]  }
0x32: {  	[tilespmem:s14+$0xFFFFFFE0] =	vst v5;
	v2 =	vld [tilespmem:s14+$0x50];
	v7 =	vmul.f32 $5.656854150e+00, v3  }
0x33: {  	[tilespmem:s14+$0xFFFFFFF0] =	vst v6;
	v3 =	vld [tilespmem:s14+$0x60];
	v5 =	vmul.f32 $5.656854150e+00, v4  }
0x34: {  	s15 =	simm.s32 $0x0;
	s16 =	simm.s32 $0x6580;
	v6 =	vmul.f32 $5.656854150e+00, v8;
	v4 =	vld [tilespmem:s14+$0xFFFFFF80];
	[tilespmem:s14+$0x0] =	vst v7  }
.LBB2_2:
0x35: {  	v7 =	vld [tilespmem:s16+$0x70];
	s15 =	sadd.s32 $0x8, s15;
	[tilespmem:s14+$0x10] =	vst v5;
	v0 =	vmul.f32 $5.656854150e+00, v0  }
0x36: {  	v5 =	vld [tilespmem:s16+$0xFFFFFF90];
	p0 =	slt.u32 s15, $0x3F8;
	[tilespmem:s14+$0x20] =	vst v6;
	v1 =	vmul.f32 $5.656854150e+00, v1  }
0x37: {  	v6 =	vld [tilespmem:s16+$0xFFFFFFA0];
	[tilespmem:s14+$0x30] =	vst v0;
	v0 =	vmul.f32 $5.656854150e+00, v2  }
0x38: {  	v2 =	vld [tilespmem:s16+$0xFFFFFFB0];
	[tilespmem:s14+$0x40] =	vst v1;
	v1 =	vmul.f32 $5.656854150e+00, v3  }
0x39: {  	v3 =	vld [tilespmem:s16+$0xFFFFFFC0];
	v4 =	vmul.f32 $5.656854150e+00, v4;
	[tilespmem:s14+$0x50] =	vst v0  }
0x3a: {  	v0 =	vld [tilespmem:s16+$0xFFFFFFD0];
	v7 =	vmul.f32 $5.656854150e+00, v7;
	[tilespmem:s14+$0x60] =	vst v1  }
0x3b: {  	v1 =	vmul.f32 $5.656854150e+00, v5;
	v5 =	vld [tilespmem:s16+$0xFFFFFFE0];
	[tilespmem:s14+$0xFFFFFF80] =	vst v4;
	s14 =	smov.u32 s16  }
0x3c: {  	v4 =	vmul.f32 $5.656854150e+00, v6;
	v6 =	vld [tilespmem:s16+$0xFFFFFFF0];
	[tilespmem:s16+$0x70] =	vst v7  }
0x3d: {  	[tilespmem:s16+$0xFFFFFF90] =	vst v1;
	v1 =	vmul.f32 $5.656854150e+00, v2;
	v2 =	vld [tilespmem:s16+$0x0]  }
0x3e: {  	[tilespmem:s16+$0xFFFFFFA0] =	vst v4;
	v3 =	vmul.f32 $5.656854150e+00, v3;
	v4 =	vld [tilespmem:s16+$0x10]  }
0x3f: {  	[tilespmem:s16+$0xFFFFFFB0] =	vst v1;
	v1 =	vmul.f32 $5.656854150e+00, v0;
	v7 =	vld [tilespmem:s16+$0x20]  }
.Ltmp0:
0x40: {  	[tilespmem:s16+$0xFFFFFFC0] =	vst v3;
	v3 =	vmul.f32 $5.656854150e+00, v5;
	v0 =	vld [tilespmem:s16+$0x30];
	(pc) =	sbr.rel @p0 .LBB2_2-.Ltmp0, $4  }
0x41: {  	[tilespmem:s16+$0xFFFFFFD0] =	vst v1;
	v5 =	vmul.f32 $5.656854150e+00, v6;
	v1 =	vld [tilespmem:s16+$0x40]  }
0x42: {  	[tilespmem:s16+$0xFFFFFFE0] =	vst v3;
	v6 =	vmul.f32 $5.656854150e+00, v2;
	v2 =	vld [tilespmem:s16+$0x50]  }
0x43: {  	[tilespmem:s16+$0xFFFFFFF0] =	vst v5;
	v5 =	vmul.f32 $5.656854150e+00, v4;
	v3 =	vld [tilespmem:s16+$0x60]  }
0x44: {  	s16 =	sadd.s32 $0x100, s16;
	v4 =	vld [tilespmem:s14+$0xFFFFFF80];
	[tilespmem:s14+$0x0] =	vst v6;
	v6 =	vmul.f32 $5.656854150e+00, v7  }
0x45: {  	[tilespmem:s14+$0x10] =	vst v5;
	v0 =	vmul.f32 $5.656854150e+00, v0  }
0x46: {  	[tilespmem:s14+$0x20] =	vst v6;
	v1 =	vmul.f32 $5.656854150e+00, v1  }
0x47: {  	[tilespmem:s14+$0x30] =	vst v0;
	v0 =	vmul.f32 $5.656854150e+00, v2  }
0x48: {  	[tilespmem:s14+$0x40] =	vst v1;
	v1 =	vmul.f32 $5.656854150e+00, v3  }
0x49: {  	v2 =	vmul.f32 $5.656854150e+00, v4;
	[tilespmem:s14+$0x50] =	vst v0  }
0x4a: {  	[tilespmem:s14+$0x60] =	vst v1  }
0x4b: {  	[tilespmem:s14+$0xFFFFFF80] =	vst v2  }
0x4c: {  	s14 =	rddreg [dreg:$0x4]  }
0x4d: {  	[hbm4b:s14+s2] =	stream.linear.scatter [tilespmem:s4], [sflag:$0x4], $0x8000, $0x38;
	[tilespmem:$0x1E400] =	vst v63  }
0x4e: {  	s16 =	simm.s32 $0x800  }
0x4f: {  	[tilespmem:s7], [sflag:$0x3] =	stream.indirect.gather [hbm4b:s3+s0], $0x20, s16, s0, $0xb8;
	[tilespmem:$0x1E400] =	vst v63  }
0x50: {  	_ =	swait.ge [sflag:s8], $0x8000  }
0x51: {  	[sflag:s8] =	ssyncset.done $0x0  }
0x52: {  	s14 =	simm.s32 $0xE480;
	[sflag:s8] =	ssyncadd.s32 $0xFFFF8000  }
0x53: {  	v0 =	vld [tilespmem:s14+$0x70]  }
0x54: {  	v1 =	vld [tilespmem:s14+$0xFFFFFF90]  }
0x55: {  	v2 =	vld [tilespmem:s14+$0xFFFFFFA0]  }
0x56: {  	v3 =	vld [tilespmem:s14+$0xFFFFFFB0]  }
0x57: {  	v4 =	vld [tilespmem:s14+$0xFFFFFFC0]  }
0x58: {  	v5 =	vld [tilespmem:s14+$0xFFFFFFD0];
	v0 =	vmul.f32 $5.656854150e+00, v0  }
0x59: {  	v6 =	vld [tilespmem:s14+$0xFFFFFFE0];
	v1 =	vmul.f32 $5.656854150e+00, v1  }
0x5a: {  	v7 =	vld [tilespmem:s14+$0xFFFFFFF0];
	v2 =	vmul.f32 $5.656854150e+00, v2;
	[tilespmem:s14+$0x70] =	vst v0  }
0x5b: {  	[tilespmem:s14+$0xFFFFFF90] =	vst v1;
	v0 =	vmul.f32 $5.656854150e+00, v3;
	v3 =	vld [tilespmem:s14+$0x0]  }
0x5c: {  	[tilespmem:s14+$0xFFFFFFA0] =	vst v2;
	v1 =	vmul.f32 $5.656854150e+00, v4;
	v4 =	vld [tilespmem:s14+$0x10]  }
0x5d: {  	v8 =	vld [tilespmem:s14+$0x20];
	v2 =	vmul.f32 $5.656854150e+00, v5;
	[tilespmem:s14+$0xFFFFFFB0] =	vst v0  }
0x5e: {  	v5 =	vmul.f32 $5.656854150e+00, v6;
	[tilespmem:s14+$0xFFFFFFC0] =	vst v1;
	v0 =	vld [tilespmem:s14+$0x30]  }
0x5f: {  	v6 =	vmul.f32 $5.656854150e+00, v7;
	[tilespmem:s14+$0xFFFFFFD0] =	vst v2;
	v1 =	vld [tilespmem:s14+$0x40]  }
0x60: {  	[tilespmem:s14+$0xFFFFFFE0] =	vst v5;
	v2 =	vld [tilespmem:s14+$0x50];
	v7 =	vmul.f32 $5.656854150e+00, v3  }
0x61: {  	[tilespmem:s14+$0xFFFFFFF0] =	vst v6;
	v3 =	vld [tilespmem:s14+$0x60];
	v5 =	vmul.f32 $5.656854150e+00, v4  }
0x62: {  	s15 =	simm.s32 $0x0;
	s16 =	simm.s32 $0xE580;
	v6 =	vmul.f32 $5.656854150e+00, v8;
	v4 =	vld [tilespmem:s14+$0xFFFFFF80];
	[tilespmem:s14+$0x0] =	vst v7  }
.LBB2_4:
0x63: {  	v7 =	vld [tilespmem:s16+$0x70];
	s15 =	sadd.s32 $0x8, s15;
	[tilespmem:s14+$0x10] =	vst v5;
	v0 =	vmul.f32 $5.656854150e+00, v0  }
0x64: {  	v5 =	vld [tilespmem:s16+$0xFFFFFF90];
	p0 =	slt.u32 s15, $0x3F8;
	[tilespmem:s14+$0x20] =	vst v6;
	v1 =	vmul.f32 $5.656854150e+00, v1  }
0x65: {  	v6 =	vld [tilespmem:s16+$0xFFFFFFA0];
	[tilespmem:s14+$0x30] =	vst v0;
	v0 =	vmul.f32 $5.656854150e+00, v2  }
0x66: {  	v2 =	vld [tilespmem:s16+$0xFFFFFFB0];
	[tilespmem:s14+$0x40] =	vst v1;
	v1 =	vmul.f32 $5.656854150e+00, v3  }
0x67: {  	v3 =	vld [tilespmem:s16+$0xFFFFFFC0];
	v4 =	vmul.f32 $5.656854150e+00, v4;
	[tilespmem:s14+$0x50] =	vst v0  }
0x68: {  	v0 =	vld [tilespmem:s16+$0xFFFFFFD0];
	v7 =	vmul.f32 $5.656854150e+00, v7;
	[tilespmem:s14+$0x60] =	vst v1  }
0x69: {  	v1 =	vmul.f32 $5.656854150e+00, v5;
	v5 =	vld [tilespmem:s16+$0xFFFFFFE0];
	[tilespmem:s14+$0xFFFFFF80] =	vst v4;
	s14 =	smov.u32 s16  }
0x6a: {  	v4 =	vmul.f32 $5.656854150e+00, v6;
	v6 =	vld [tilespmem:s16+$0xFFFFFFF0];
	[tilespmem:s16+$0x70] =	vst v7  }
0x6b: {  	[tilespmem:s16+$0xFFFFFF90] =	vst v1;
	v1 =	vmul.f32 $5.656854150e+00, v2;
	v2 =	vld [tilespmem:s16+$0x0]  }
0x6c: {  	[tilespmem:s16+$0xFFFFFFA0] =	vst v4;
	v3 =	vmul.f32 $5.656854150e+00, v3;
	v4 =	vld [tilespmem:s16+$0x10]  }
0x6d: {  	[tilespmem:s16+$0xFFFFFFB0] =	vst v1;
	v1 =	vmul.f32 $5.656854150e+00, v0;
	v7 =	vld [tilespmem:s16+$0x20]  }
.Ltmp1:
0x6e: {  	[tilespmem:s16+$0xFFFFFFC0] =	vst v3;
	v3 =	vmul.f32 $5.656854150e+00, v5;
	v0 =	vld [tilespmem:s16+$0x30];
	(pc) =	sbr.rel @p0 .LBB2_4-.Ltmp1, $4  }
0x6f: {  	[tilespmem:s16+$0xFFFFFFD0] =	vst v1;
	v5 =	vmul.f32 $5.656854150e+00, v6;
	v1 =	vld [tilespmem:s16+$0x40]  }
0x70: {  	[tilespmem:s16+$0xFFFFFFE0] =	vst v3;
	v6 =	vmul.f32 $5.656854150e+00, v2;
	v2 =	vld [tilespmem:s16+$0x50]  }
0x71: {  	[tilespmem:s16+$0xFFFFFFF0] =	vst v5;
	v5 =	vmul.f32 $5.656854150e+00, v4;
	v3 =	vld [tilespmem:s16+$0x60]  }
0x72: {  	s16 =	sadd.s32 $0x100, s16;
	v4 =	vld [tilespmem:s14+$0xFFFFFF80];
	[tilespmem:s14+$0x0] =	vst v6;
	v6 =	vmul.f32 $5.656854150e+00, v7  }
0x73: {  	[tilespmem:s14+$0x10] =	vst v5;
	v0 =	vmul.f32 $5.656854150e+00, v0  }
0x74: {  	[tilespmem:s14+$0x20] =	vst v6;
	v1 =	vmul.f32 $5.656854150e+00, v1  }
0x75: {  	[tilespmem:s14+$0x30] =	vst v0;
	v0 =	vmul.f32 $5.656854150e+00, v2  }
0x76: {  	[tilespmem:s14+$0x40] =	vst v1;
	v1 =	vmul.f32 $5.656854150e+00, v3  }
0x77: {  	v2 =	vmul.f32 $5.656854150e+00, v4;
	[tilespmem:s14+$0x50] =	vst v0  }
0x78: {  	[tilespmem:s14+$0x60] =	vst v1  }
0x79: {  	[tilespmem:s14+$0xFFFFFF80] =	vst v2  }
0x7a: {  	s14 =	rddreg [dreg:$0x5]  }
0x7b: {  	[hbm4b:s14+s2] =	stream.linear.scatter [tilespmem:s5], [sflag:$0x5], $0x8000, $0x38;
	[tilespmem:$0x1E400] =	vst v63  }
0x7c: {  	_ =	swait.ge [sflag:s9], $0x8000  }
0x7d: {  	[sflag:s9] =	ssyncset.done $0x0  }
0x7e: {  	s16 =	simm.s32 $0xC00;
	[sflag:s9] =	ssyncadd.s32 $0xFFFF8000  }
0x7f: {  	[tilespmem:s4], [sflag:$0x1] =	stream.indirect.gather [hbm4b:s3+s0], $0x20, s16, s0, $0xb8;
	[tilespmem:$0x1E400] =	vst v63  }
0x80: {  	_ =	swait.ge [sflag:s10], $0x8000  }
0x81: {  	[sflag:s10] =	ssyncset.done $0x0  }
0x82: {  	s14 =	simm.s32 $0x16480;
	[sflag:s10] =	ssyncadd.s32 $0xFFFF8000  }
0x83: {  	v0 =	vld [tilespmem:s14+$0x70]  }
0x84: {  	v1 =	vld [tilespmem:s14+$0xFFFFFF90]  }
0x85: {  	v2 =	vld [tilespmem:s14+$0xFFFFFFA0]  }
0x86: {  	v3 =	vld [tilespmem:s14+$0xFFFFFFB0]  }
0x87: {  	v4 =	vld [tilespmem:s14+$0xFFFFFFC0]  }
0x88: {  	v5 =	vld [tilespmem:s14+$0xFFFFFFD0];
	v0 =	vmul.f32 $5.656854150e+00, v0  }
0x89: {  	v6 =	vld [tilespmem:s14+$0xFFFFFFE0];
	v1 =	vmul.f32 $5.656854150e+00, v1  }
0x8a: {  	v7 =	vld [tilespmem:s14+$0xFFFFFFF0];
	v2 =	vmul.f32 $5.656854150e+00, v2;
	[tilespmem:s14+$0x70] =	vst v0  }
0x8b: {  	[tilespmem:s14+$0xFFFFFF90] =	vst v1;
	v0 =	vmul.f32 $5.656854150e+00, v3;
	v3 =	vld [tilespmem:s14+$0x0]  }
0x8c: {  	[tilespmem:s14+$0xFFFFFFA0] =	vst v2;
	v1 =	vmul.f32 $5.656854150e+00, v4;
	v4 =	vld [tilespmem:s14+$0x10]  }
0x8d: {  	v8 =	vld [tilespmem:s14+$0x20];
	v2 =	vmul.f32 $5.656854150e+00, v5;
	[tilespmem:s14+$0xFFFFFFB0] =	vst v0  }
0x8e: {  	v5 =	vmul.f32 $5.656854150e+00, v6;
	[tilespmem:s14+$0xFFFFFFC0] =	vst v1;
	v0 =	vld [tilespmem:s14+$0x30]  }
0x8f: {  	v6 =	vmul.f32 $5.656854150e+00, v7;
	[tilespmem:s14+$0xFFFFFFD0] =	vst v2;
	v1 =	vld [tilespmem:s14+$0x40]  }
0x90: {  	[tilespmem:s14+$0xFFFFFFE0] =	vst v5;
	v2 =	vld [tilespmem:s14+$0x50];
	v7 =	vmul.f32 $5.656854150e+00, v3  }
0x91: {  	[tilespmem:s14+$0xFFFFFFF0] =	vst v6;
	v3 =	vld [tilespmem:s14+$0x60];
	v5 =	vmul.f32 $5.656854150e+00, v4  }
0x92: {  	s15 =	simm.s32 $0x0;
	s16 =	simm.s32 $0x16580;
	v6 =	vmul.f32 $5.656854150e+00, v8;
	v4 =	vld [tilespmem:s14+$0xFFFFFF80];
	[tilespmem:s14+$0x0] =	vst v7  }
.LBB2_6:
0x93: {  	v7 =	vld [tilespmem:s16+$0x70];
	s15 =	sadd.s32 $0x8, s15;
	[tilespmem:s14+$0x10] =	vst v5;
	v0 =	vmul.f32 $5.656854150e+00, v0  }
0x94: {  	v5 =	vld [tilespmem:s16+$0xFFFFFF90];
	p0 =	slt.u32 s15, $0x3F8;
	[tilespmem:s14+$0x20] =	vst v6;
	v1 =	vmul.f32 $5.656854150e+00, v1  }
0x95: {  	v6 =	vld [tilespmem:s16+$0xFFFFFFA0];
	[tilespmem:s14+$0x30] =	vst v0;
	v0 =	vmul.f32 $5.656854150e+00, v2  }
0x96: {  	v2 =	vld [tilespmem:s16+$0xFFFFFFB0];
	[tilespmem:s14+$0x40] =	vst v1;
	v1 =	vmul.f32 $5.656854150e+00, v3  }
0x97: {  	v3 =	vld [tilespmem:s16+$0xFFFFFFC0];
	v4 =	vmul.f32 $5.656854150e+00, v4;
	[tilespmem:s14+$0x50] =	vst v0  }
0x98: {  	v0 =	vld [tilespmem:s16+$0xFFFFFFD0];
	v7 =	vmul.f32 $5.656854150e+00, v7;
	[tilespmem:s14+$0x60] =	vst v1  }
0x99: {  	v1 =	vmul.f32 $5.656854150e+00, v5;
	v5 =	vld [tilespmem:s16+$0xFFFFFFE0];
	[tilespmem:s14+$0xFFFFFF80] =	vst v4;
	s14 =	smov.u32 s16  }
0x9a: {  	v4 =	vmul.f32 $5.656854150e+00, v6;
	v6 =	vld [tilespmem:s16+$0xFFFFFFF0];
	[tilespmem:s16+$0x70] =	vst v7  }
0x9b: {  	[tilespmem:s16+$0xFFFFFF90] =	vst v1;
	v1 =	vmul.f32 $5.656854150e+00, v2;
	v2 =	vld [tilespmem:s16+$0x0]  }
0x9c: {  	[tilespmem:s16+$0xFFFFFFA0] =	vst v4;
	v3 =	vmul.f32 $5.656854150e+00, v3;
	v4 =	vld [tilespmem:s16+$0x10]  }
0x9d: {  	[tilespmem:s16+$0xFFFFFFB0] =	vst v1;
	v1 =	vmul.f32 $5.656854150e+00, v0;
	v7 =	vld [tilespmem:s16+$0x20]  }
.Ltmp2:
0x9e: {  	[tilespmem:s16+$0xFFFFFFC0] =	vst v3;
	v3 =	vmul.f32 $5.656854150e+00, v5;
	v0 =	vld [tilespmem:s16+$0x30];
	(pc) =	sbr.rel @p0 .LBB2_6-.Ltmp2, $4  }
0x9f: {  	[tilespmem:s16+$0xFFFFFFD0] =	vst v1;
	v5 =	vmul.f32 $5.656854150e+00, v6;
	v1 =	vld [tilespmem:s16+$0x40]  }
0xa0: {  	[tilespmem:s16+$0xFFFFFFE0] =	vst v3;
	v6 =	vmul.f32 $5.656854150e+00, v2;
	v2 =	vld [tilespmem:s16+$0x50]  }
0xa1: {  	[tilespmem:s16+$0xFFFFFFF0] =	vst v5;
	v5 =	vmul.f32 $5.656854150e+00, v4;
	v3 =	vld [tilespmem:s16+$0x60]  }
0xa2: {  	s16 =	sadd.s32 $0x100, s16;
	v4 =	vld [tilespmem:s14+$0xFFFFFF80];
	[tilespmem:s14+$0x0] =	vst v6;
	v6 =	vmul.f32 $5.656854150e+00, v7  }
0xa3: {  	[tilespmem:s14+$0x10] =	vst v5;
	v0 =	vmul.f32 $5.656854150e+00, v0  }
0xa4: {  	[tilespmem:s14+$0x20] =	vst v6;
	v1 =	vmul.f32 $5.656854150e+00, v1  }
0xa5: {  	[tilespmem:s14+$0x30] =	vst v0;
	v0 =	vmul.f32 $5.656854150e+00, v2  }
0xa6: {  	[tilespmem:s14+$0x40] =	vst v1;
	v1 =	vmul.f32 $5.656854150e+00, v3  }
0xa7: {  	v2 =	vmul.f32 $5.656854150e+00, v4;
	[tilespmem:s14+$0x50] =	vst v0  }
0xa8: {  	[tilespmem:s14+$0x60] =	vst v1  }
0xa9: {  	[tilespmem:s14+$0xFFFFFF80] =	vst v2  }
0xaa: {  	s14 =	rddreg [dreg:$0x6]  }
0xab: {  	[hbm4b:s14+s2] =	stream.linear.scatter [tilespmem:s7], [sflag:$0x6], $0x8000, $0x38;
	[tilespmem:$0x1E400] =	vst v63  }
0xac: {  	_ =	swait.ge [sflag:s11], $0x8000  }
0xad: {  	[sflag:s11] =	ssyncset.done $0x0  }
0xae: {  	s16 =	simm.s32 $0x1000;
	[sflag:s11] =	ssyncadd.s32 $0xFFFF8000  }
0xaf: {  	[tilespmem:s5], [sflag:$0x2] =	stream.indirect.gather [hbm4b:s3+s0], $0x20, s16, s0, $0xb8;
	[tilespmem:$0x1E400] =	vst v63  }
0xb0: {  	_ =	swait.ge [sflag:s6], $0x8000  }
0xb1: {  	[sflag:s6] =	ssyncset.done $0x0  }
0xb2: {  	s14 =	simm.s32 $0x6480;
	[sflag:s6] =	ssyncadd.s32 $0xFFFF8000  }
0xb3: {  	v0 =	vld [tilespmem:s14+$0x70]  }
0xb4: {  	v1 =	vld [tilespmem:s14+$0xFFFFFF90]  }
0xb5: {  	v2 =	vld [tilespmem:s14+$0xFFFFFFA0]  }
0xb6: {  	v3 =	vld [tilespmem:s14+$0xFFFFFFB0]  }
0xb7: {  	v4 =	vld [tilespmem:s14+$0xFFFFFFC0]  }
0xb8: {  	v5 =	vld [tilespmem:s14+$0xFFFFFFD0];
	v0 =	vmul.f32 $5.656854150e+00, v0  }
0xb9: {  	v6 =	vld [tilespmem:s14+$0xFFFFFFE0];
	v1 =	vmul.f32 $5.656854150e+00, v1  }
0xba: {  	v7 =	vld [tilespmem:s14+$0xFFFFFFF0];
	v2 =	vmul.f32 $5.656854150e+00, v2;
	[tilespmem:s14+$0x70] =	vst v0  }
0xbb: {  	[tilespmem:s14+$0xFFFFFF90] =	vst v1;
	v0 =	vmul.f32 $5.656854150e+00, v3;
	v3 =	vld [tilespmem:s14+$0x0]  }
0xbc: {  	[tilespmem:s14+$0xFFFFFFA0] =	vst v2;
	v1 =	vmul.f32 $5.656854150e+00, v4;
	v4 =	vld [tilespmem:s14+$0x10]  }
0xbd: {  	v8 =	vld [tilespmem:s14+$0x20];
	v2 =	vmul.f32 $5.656854150e+00, v5;
	[tilespmem:s14+$0xFFFFFFB0] =	vst v0  }
0xbe: {  	v5 =	vmul.f32 $5.656854150e+00, v6;
	[tilespmem:s14+$0xFFFFFFC0] =	vst v1;
	v0 =	vld [tilespmem:s14+$0x30]  }
0xbf: {  	v6 =	vmul.f32 $5.656854150e+00, v7;
	[tilespmem:s14+$0xFFFFFFD0] =	vst v2;
	v1 =	vld [tilespmem:s14+$0x40]  }
0xc0: {  	[tilespmem:s14+$0xFFFFFFE0] =	vst v5;
	v2 =	vld [tilespmem:s14+$0x50];
	v7 =	vmul.f32 $5.656854150e+00, v3  }
0xc1: {  	[tilespmem:s14+$0xFFFFFFF0] =	vst v6;
	v3 =	vld [tilespmem:s14+$0x60];
	v5 =	vmul.f32 $5.656854150e+00, v4  }
0xc2: {  	s15 =	simm.s32 $0x0;
	s16 =	simm.s32 $0x6580;
	v6 =	vmul.f32 $5.656854150e+00, v8;
	v4 =	vld [tilespmem:s14+$0xFFFFFF80];
	[tilespmem:s14+$0x0] =	vst v7  }
.LBB2_8:
0xc3: {  	v7 =	vld [tilespmem:s16+$0x70];
	s15 =	sadd.s32 $0x8, s15;
	[tilespmem:s14+$0x10] =	vst v5;
	v0 =	vmul.f32 $5.656854150e+00, v0  }
0xc4: {  	v5 =	vld [tilespmem:s16+$0xFFFFFF90];
	p0 =	slt.u32 s15, $0x3F8;
	[tilespmem:s14+$0x20] =	vst v6;
	v1 =	vmul.f32 $5.656854150e+00, v1  }
0xc5: {  	v6 =	vld [tilespmem:s16+$0xFFFFFFA0];
	[tilespmem:s14+$0x30] =	vst v0;
	v0 =	vmul.f32 $5.656854150e+00, v2  }
0xc6: {  	v2 =	vld [tilespmem:s16+$0xFFFFFFB0];
	[tilespmem:s14+$0x40] =	vst v1;
	v1 =	vmul.f32 $5.656854150e+00, v3  }
0xc7: {  	v3 =	vld [tilespmem:s16+$0xFFFFFFC0];
	v4 =	vmul.f32 $5.656854150e+00, v4;
	[tilespmem:s14+$0x50] =	vst v0  }
0xc8: {  	v0 =	vld [tilespmem:s16+$0xFFFFFFD0];
	v7 =	vmul.f32 $5.656854150e+00, v7;
	[tilespmem:s14+$0x60] =	vst v1  }
0xc9: {  	v1 =	vmul.f32 $5.656854150e+00, v5;
	v5 =	vld [tilespmem:s16+$0xFFFFFFE0];
	[tilespmem:s14+$0xFFFFFF80] =	vst v4;
	s14 =	smov.u32 s16  }
0xca: {  	v4 =	vmul.f32 $5.656854150e+00, v6;
	v6 =	vld [tilespmem:s16+$0xFFFFFFF0];
	[tilespmem:s16+$0x70] =	vst v7  }
0xcb: {  	[tilespmem:s16+$0xFFFFFF90] =	vst v1;
	v1 =	vmul.f32 $5.656854150e+00, v2;
	v2 =	vld [tilespmem:s16+$0x0]  }
0xcc: {  	[tilespmem:s16+$0xFFFFFFA0] =	vst v4;
	v3 =	vmul.f32 $5.656854150e+00, v3;
	v4 =	vld [tilespmem:s16+$0x10]  }
0xcd: {  	[tilespmem:s16+$0xFFFFFFB0] =	vst v1;
	v1 =	vmul.f32 $5.656854150e+00, v0;
	v7 =	vld [tilespmem:s16+$0x20]  }
.Ltmp3:
0xce: {  	[tilespmem:s16+$0xFFFFFFC0] =	vst v3;
	v3 =	vmul.f32 $5.656854150e+00, v5;
	v0 =	vld [tilespmem:s16+$0x30];
	(pc) =	sbr.rel @p0 .LBB2_8-.Ltmp3, $4  }
0xcf: {  	[tilespmem:s16+$0xFFFFFFD0] =	vst v1;
	v5 =	vmul.f32 $5.656854150e+00, v6;
	v1 =	vld [tilespmem:s16+$0x40]  }
0xd0: {  	[tilespmem:s16+$0xFFFFFFE0] =	vst v3;
	v6 =	vmul.f32 $5.656854150e+00, v2;
	v2 =	vld [tilespmem:s16+$0x50]  }
0xd1: {  	[tilespmem:s16+$0xFFFFFFF0] =	vst v5;
	v5 =	vmul.f32 $5.656854150e+00, v4;
	v3 =	vld [tilespmem:s16+$0x60]  }
0xd2: {  	s16 =	sadd.s32 $0x100, s16;
	v4 =	vld [tilespmem:s14+$0xFFFFFF80];
	[tilespmem:s14+$0x0] =	vst v6;
	v6 =	vmul.f32 $5.656854150e+00, v7  }
0xd3: {  	[tilespmem:s14+$0x10] =	vst v5;
	v0 =	vmul.f32 $5.656854150e+00, v0  }
0xd4: {  	[tilespmem:s14+$0x20] =	vst v6;
	v1 =	vmul.f32 $5.656854150e+00, v1  }
0xd5: {  	[tilespmem:s14+$0x30] =	vst v0;
	v0 =	vmul.f32 $5.656854150e+00, v2  }
0xd6: {  	[tilespmem:s14+$0x40] =	vst v1;
	v1 =	vmul.f32 $5.656854150e+00, v3  }
0xd7: {  	v2 =	vmul.f32 $5.656854150e+00, v4;
	[tilespmem:s14+$0x50] =	vst v0  }
0xd8: {  	[tilespmem:s14+$0x60] =	vst v1  }
0xd9: {  	[tilespmem:s14+$0xFFFFFF80] =	vst v2  }
0xda: {  	s14 =	rddreg [dreg:$0x7]  }
0xdb: {  	[hbm4b:s14+s2] =	stream.linear.scatter [tilespmem:s4], [sflag:$0x4], $0x8000, $0x38;
	[tilespmem:$0x1E400] =	vst v63  }
0xdc: {  	_ =	swait.ge [sflag:s12], $0x8000  }
0xdd: {  	[sflag:s12] =	ssyncset.done $0x0  }
0xde: {  	s16 =	simm.s32 $0x1400;
	[sflag:s12] =	ssyncadd.s32 $0xFFFF8000  }
0xdf: {  	[tilespmem:s7], [sflag:$0x3] =	stream.indirect.gather [hbm4b:s3+s0], $0x20, s16, s0, $0xb8;
	[tilespmem:$0x1E400] =	vst v63  }
0xe0: {  	_ =	swait.ge [sflag:s8], $0x8000  }
0xe1: {  	[sflag:s8] =	ssyncset.done $0x0  }
0xe2: {  	s14 =	simm.s32 $0xE480;
	[sflag:s8] =	ssyncadd.s32 $0xFFFF8000  }
0xe3: {  	v0 =	vld [tilespmem:s14+$0x70]  }
0xe4: {  	v1 =	vld [tilespmem:s14+$0xFFFFFF90]  }
0xe5: {  	v2 =	vld [tilespmem:s14+$0xFFFFFFA0]  }
0xe6: {  	v3 =	vld [tilespmem:s14+$0xFFFFFFB0]  }
0xe7: {  	v4 =	vld [tilespmem:s14+$0xFFFFFFC0]  }
0xe8: {  	v5 =	vld [tilespmem:s14+$0xFFFFFFD0];
	v0 =	vmul.f32 $5.656854150e+00, v0  }
0xe9: {  	v6 =	vld [tilespmem:s14+$0xFFFFFFE0];
	v1 =	vmul.f32 $5.656854150e+00, v1  }
0xea: {  	v7 =	vld [tilespmem:s14+$0xFFFFFFF0];
	v2 =	vmul.f32 $5.656854150e+00, v2;
	[tilespmem:s14+$0x70] =	vst v0  }
0xeb: {  	[tilespmem:s14+$0xFFFFFF90] =	vst v1;
	v0 =	vmul.f32 $5.656854150e+00, v3;
	v3 =	vld [tilespmem:s14+$0x0]  }
0xec: {  	[tilespmem:s14+$0xFFFFFFA0] =	vst v2;
	v1 =	vmul.f32 $5.656854150e+00, v4;
	v4 =	vld [tilespmem:s14+$0x10]  }
0xed: {  	v8 =	vld [tilespmem:s14+$0x20];
	v2 =	vmul.f32 $5.656854150e+00, v5;
	[tilespmem:s14+$0xFFFFFFB0] =	vst v0  }
0xee: {  	v5 =	vmul.f32 $5.656854150e+00, v6;
	[tilespmem:s14+$0xFFFFFFC0] =	vst v1;
	v0 =	vld [tilespmem:s14+$0x30]  }
0xef: {  	v6 =	vmul.f32 $5.656854150e+00, v7;
	[tilespmem:s14+$0xFFFFFFD0] =	vst v2;
	v1 =	vld [tilespmem:s14+$0x40]  }
0xf0: {  	[tilespmem:s14+$0xFFFFFFE0] =	vst v5;
	v2 =	vld [tilespmem:s14+$0x50];
	v7 =	vmul.f32 $5.656854150e+00, v3  }
0xf1: {  	[tilespmem:s14+$0xFFFFFFF0] =	vst v6;
	v3 =	vld [tilespmem:s14+$0x60];
	v5 =	vmul.f32 $5.656854150e+00, v4  }
0xf2: {  	s15 =	simm.s32 $0x0;
	s16 =	simm.s32 $0xE580;
	v6 =	vmul.f32 $5.656854150e+00, v8;
	v4 =	vld [tilespmem:s14+$0xFFFFFF80];
	[tilespmem:s14+$0x0] =	vst v7  }
.LBB2_10:
0xf3: {  	v7 =	vld [tilespmem:s16+$0x70];
	s15 =	sadd.s32 $0x8, s15;
	[tilespmem:s14+$0x10] =	vst v5;
	v0 =	vmul.f32 $5.656854150e+00, v0  }
0xf4: {  	v5 =	vld [tilespmem:s16+$0xFFFFFF90];
	p0 =	slt.u32 s15, $0x3F8;
	[tilespmem:s14+$0x20] =	vst v6;
	v1 =	vmul.f32 $5.656854150e+00, v1  }
0xf5: {  	v6 =	vld [tilespmem:s16+$0xFFFFFFA0];
	[tilespmem:s14+$0x30] =	vst v0;
	v0 =	vmul.f32 $5.656854150e+00, v2  }
0xf6: {  	v2 =	vld [tilespmem:s16+$0xFFFFFFB0];
	[tilespmem:s14+$0x40] =	vst v1;
	v1 =	vmul.f32 $5.656854150e+00, v3  }
0xf7: {  	v3 =	vld [tilespmem:s16+$0xFFFFFFC0];
	v4 =	vmul.f32 $5.656854150e+00, v4;
	[tilespmem:s14+$0x50] =	vst v0  }
0xf8: {  	v0 =	vld [tilespmem:s16+$0xFFFFFFD0];
	v7 =	vmul.f32 $5.656854150e+00, v7;
	[tilespmem:s14+$0x60] =	vst v1  }
0xf9: {  	v1 =	vmul.f32 $5.656854150e+00, v5;
	v5 =	vld [tilespmem:s16+$0xFFFFFFE0];
	[tilespmem:s14+$0xFFFFFF80] =	vst v4;
	s14 =	smov.u32 s16  }
0xfa: {  	v4 =	vmul.f32 $5.656854150e+00, v6;
	v6 =	vld [tilespmem:s16+$0xFFFFFFF0];
	[tilespmem:s16+$0x70] =	vst v7  }
0xfb: {  	[tilespmem:s16+$0xFFFFFF90] =	vst v1;
	v1 =	vmul.f32 $5.656854150e+00, v2;
	v2 =	vld [tilespmem:s16+$0x0]  }
0xfc: {  	[tilespmem:s16+$0xFFFFFFA0] =	vst v4;
	v3 =	vmul.f32 $5.656854150e+00, v3;
	v4 =	vld [tilespmem:s16+$0x10]  }
0xfd: {  	[tilespmem:s16+$0xFFFFFFB0] =	vst v1;
	v1 =	vmul.f32 $5.656854150e+00, v0;
	v7 =	vld [tilespmem:s16+$0x20]  }
.Ltmp4:
0xfe: {  	[tilespmem:s16+$0xFFFFFFC0] =	vst v3;
	v3 =	vmul.f32 $5.656854150e+00, v5;
	v0 =	vld [tilespmem:s16+$0x30];
	(pc) =	sbr.rel @p0 .LBB2_10-.Ltmp4, $4  }
0xff: {  	[tilespmem:s16+$0xFFFFFFD0] =	vst v1;
	v5 =	vmul.f32 $5.656854150e+00, v6;
	v1 =	vld [tilespmem:s16+$0x40]  }
0x100: {  	[tilespmem:s16+$0xFFFFFFE0] =	vst v3;
	v6 =	vmul.f32 $5.656854150e+00, v2;
	v2 =	vld [tilespmem:s16+$0x50]  }
0x101: {  	[tilespmem:s16+$0xFFFFFFF0] =	vst v5;
	v5 =	vmul.f32 $5.656854150e+00, v4;
	v3 =	vld [tilespmem:s16+$0x60]  }
0x102: {  	s16 =	sadd.s32 $0x100, s16;
	v4 =	vld [tilespmem:s14+$0xFFFFFF80];
	[tilespmem:s14+$0x0] =	vst v6;
	v6 =	vmul.f32 $5.656854150e+00, v7  }
0x103: {  	[tilespmem:s14+$0x10] =	vst v5;
	v0 =	vmul.f32 $5.656854150e+00, v0  }
0x104: {  	[tilespmem:s14+$0x20] =	vst v6;
	v1 =	vmul.f32 $5.656854150e+00, v1  }
0x105: {  	[tilespmem:s14+$0x30] =	vst v0;
	v0 =	vmul.f32 $5.656854150e+00, v2  }
0x106: {  	[tilespmem:s14+$0x40] =	vst v1;
	v1 =	vmul.f32 $5.656854150e+00, v3  }
0x107: {  	v2 =	vmul.f32 $5.656854150e+00, v4;
	[tilespmem:s14+$0x50] =	vst v0  }
0x108: {  	[tilespmem:s14+$0x60] =	vst v1  }
0x109: {  	[tilespmem:s14+$0xFFFFFF80] =	vst v2  }
0x10a: {  	s14 =	rddreg [dreg:$0x8]  }
0x10b: {  	[hbm4b:s14+s2] =	stream.linear.scatter [tilespmem:s5], [sflag:$0x5], $0x8000, $0x38;
	[tilespmem:$0x1E400] =	vst v63  }
0x10c: {  	_ =	swait.ge [sflag:s9], $0x8000  }
0x10d: {  	[sflag:s9] =	ssyncset.done $0x0  }
0x10e: {  	s16 =	simm.s32 $0x1800;
	[sflag:s9] =	ssyncadd.s32 $0xFFFF8000  }
0x10f: {  	[tilespmem:s4], [sflag:$0x1] =	stream.indirect.gather [hbm4b:s3+s0], $0x20, s16, s0, $0xb8;
	[tilespmem:$0x1E400] =	vst v63  }
0x110: {  	_ =	swait.ge [sflag:s10], $0x8000  }
0x111: {  	[sflag:s10] =	ssyncset.done $0x0  }
0x112: {  	s14 =	simm.s32 $0x16480;
	[sflag:s10] =	ssyncadd.s32 $0xFFFF8000  }
0x113: {  	v0 =	vld [tilespmem:s14+$0x70]  }
0x114: {  	v1 =	vld [tilespmem:s14+$0xFFFFFF90]  }
0x115: {  	v2 =	vld [tilespmem:s14+$0xFFFFFFA0]  }
0x116: {  	v3 =	vld [tilespmem:s14+$0xFFFFFFB0]  }
0x117: {  	v4 =	vld [tilespmem:s14+$0xFFFFFFC0]  }
0x118: {  	v5 =	vld [tilespmem:s14+$0xFFFFFFD0];
	v0 =	vmul.f32 $5.656854150e+00, v0  }
0x119: {  	v6 =	vld [tilespmem:s14+$0xFFFFFFE0];
	v1 =	vmul.f32 $5.656854150e+00, v1  }
0x11a: {  	v7 =	vld [tilespmem:s14+$0xFFFFFFF0];
	v2 =	vmul.f32 $5.656854150e+00, v2;
	[tilespmem:s14+$0x70] =	vst v0  }
0x11b: {  	[tilespmem:s14+$0xFFFFFF90] =	vst v1;
	v0 =	vmul.f32 $5.656854150e+00, v3;
	v3 =	vld [tilespmem:s14+$0x0]  }
0x11c: {  	[tilespmem:s14+$0xFFFFFFA0] =	vst v2;
	v1 =	vmul.f32 $5.656854150e+00, v4;
	v4 =	vld [tilespmem:s14+$0x10]  }
0x11d: {  	v8 =	vld [tilespmem:s14+$0x20];
	v2 =	vmul.f32 $5.656854150e+00, v5;
	[tilespmem:s14+$0xFFFFFFB0] =	vst v0  }
0x11e: {  	v5 =	vmul.f32 $5.656854150e+00, v6;
	[tilespmem:s14+$0xFFFFFFC0] =	vst v1;
	v0 =	vld [tilespmem:s14+$0x30]  }
0x11f: {  	v6 =	vmul.f32 $5.656854150e+00, v7;
	[tilespmem:s14+$0xFFFFFFD0] =	vst v2;
	v1 =	vld [tilespmem:s14+$0x40]  }
0x120: {  	[tilespmem:s14+$0xFFFFFFE0] =	vst v5;
	v2 =	vld [tilespmem:s14+$0x50];
	v7 =	vmul.f32 $5.656854150e+00, v3  }
0x121: {  	[tilespmem:s14+$0xFFFFFFF0] =	vst v6;
	v3 =	vld [tilespmem:s14+$0x60];
	v5 =	vmul.f32 $5.656854150e+00, v4  }
0x122: {  	s15 =	simm.s32 $0x0;
	s16 =	simm.s32 $0x16580;
	v6 =	vmul.f32 $5.656854150e+00, v8;
	v4 =	vld [tilespmem:s14+$0xFFFFFF80];
	[tilespmem:s14+$0x0] =	vst v7  }
.LBB2_12:
0x123: {  	v7 =	vld [tilespmem:s16+$0x70];
	s15 =	sadd.s32 $0x8, s15;
	[tilespmem:s14+$0x10] =	vst v5;
	v0 =	vmul.f32 $5.656854150e+00, v0  }
0x124: {  	v5 =	vld [tilespmem:s16+$0xFFFFFF90];
	p0 =	slt.u32 s15, $0x3F8;
	[tilespmem:s14+$0x20] =	vst v6;
	v1 =	vmul.f32 $5.656854150e+00, v1  }
0x125: {  	v6 =	vld [tilespmem:s16+$0xFFFFFFA0];
	[tilespmem:s14+$0x30] =	vst v0;
	v0 =	vmul.f32 $5.656854150e+00, v2  }
0x126: {  	v2 =	vld [tilespmem:s16+$0xFFFFFFB0];
	[tilespmem:s14+$0x40] =	vst v1;
	v1 =	vmul.f32 $5.656854150e+00, v3  }
0x127: {  	v3 =	vld [tilespmem:s16+$0xFFFFFFC0];
	v4 =	vmul.f32 $5.656854150e+00, v4;
	[tilespmem:s14+$0x50] =	vst v0  }
0x128: {  	v0 =	vld [tilespmem:s16+$0xFFFFFFD0];
	v7 =	vmul.f32 $5.656854150e+00, v7;
	[tilespmem:s14+$0x60] =	vst v1  }
0x129: {  	v1 =	vmul.f32 $5.656854150e+00, v5;
	v5 =	vld [tilespmem:s16+$0xFFFFFFE0];
	[tilespmem:s14+$0xFFFFFF80] =	vst v4;
	s14 =	smov.u32 s16  }
0x12a: {  	v4 =	vmul.f32 $5.656854150e+00, v6;
	v6 =	vld [tilespmem:s16+$0xFFFFFFF0];
	[tilespmem:s16+$0x70] =	vst v7  }
0x12b: {  	[tilespmem:s16+$0xFFFFFF90] =	vst v1;
	v1 =	vmul.f32 $5.656854150e+00, v2;
	v2 =	vld [tilespmem:s16+$0x0]  }
0x12c: {  	[tilespmem:s16+$0xFFFFFFA0] =	vst v4;
	v3 =	vmul.f32 $5.656854150e+00, v3;
	v4 =	vld [tilespmem:s16+$0x10]  }
0x12d: {  	[tilespmem:s16+$0xFFFFFFB0] =	vst v1;
	v1 =	vmul.f32 $5.656854150e+00, v0;
	v7 =	vld [tilespmem:s16+$0x20]  }
.Ltmp5:
0x12e: {  	[tilespmem:s16+$0xFFFFFFC0] =	vst v3;
	v3 =	vmul.f32 $5.656854150e+00, v5;
	v0 =	vld [tilespmem:s16+$0x30];
	(pc) =	sbr.rel @p0 .LBB2_12-.Ltmp5, $4  }
0x12f: {  	[tilespmem:s16+$0xFFFFFFD0] =	vst v1;
	v5 =	vmul.f32 $5.656854150e+00, v6;
	v1 =	vld [tilespmem:s16+$0x40]  }
0x130: {  	[tilespmem:s16+$0xFFFFFFE0] =	vst v3;
	v6 =	vmul.f32 $5.656854150e+00, v2;
	v2 =	vld [tilespmem:s16+$0x50]  }
0x131: {  	[tilespmem:s16+$0xFFFFFFF0] =	vst v5;
	v5 =	vmul.f32 $5.656854150e+00, v4;
	v3 =	vld [tilespmem:s16+$0x60]  }
0x132: {  	s16 =	sadd.s32 $0x100, s16;
	v4 =	vld [tilespmem:s14+$0xFFFFFF80];
	[tilespmem:s14+$0x0] =	vst v6;
	v6 =	vmul.f32 $5.656854150e+00, v7  }
0x133: {  	[tilespmem:s14+$0x10] =	vst v5;
	v0 =	vmul.f32 $5.656854150e+00, v0  }
0x134: {  	[tilespmem:s14+$0x20] =	vst v6;
	v1 =	vmul.f32 $5.656854150e+00, v1  }
0x135: {  	[tilespmem:s14+$0x30] =	vst v0;
	v0 =	vmul.f32 $5.656854150e+00, v2  }
0x136: {  	[tilespmem:s14+$0x40] =	vst v1;
	v1 =	vmul.f32 $5.656854150e+00, v3  }
0x137: {  	v2 =	vmul.f32 $5.656854150e+00, v4;
	[tilespmem:s14+$0x50] =	vst v0  }
0x138: {  	[tilespmem:s14+$0x60] =	vst v1  }
0x139: {  	[tilespmem:s14+$0xFFFFFF80] =	vst v2  }
0x13a: {  	s14 =	rddreg [dreg:$0x9]  }
0x13b: {  	[hbm4b:s14+s2] =	stream.linear.scatter [tilespmem:s7], [sflag:$0x6], $0x8000, $0x38;
	[tilespmem:$0x1E400] =	vst v63  }
0x13c: {  	_ =	swait.ge [sflag:s11], $0x8000  }
0x13d: {  	[sflag:s11] =	ssyncset.done $0x0  }
0x13e: {  	s16 =	simm.s32 $0x1C00;
	[sflag:s11] =	ssyncadd.s32 $0xFFFF8000  }
0x13f: {  	[tilespmem:s5], [sflag:$0x2] =	stream.indirect.gather [hbm4b:s3+s0], $0x20, s16, s0, $0xb8;
	[tilespmem:$0x1E400] =	vst v63  }
0x140: {  	_ =	swait.ge [sflag:s6], $0x8000  }
0x141: {  	[sflag:s6] =	ssyncset.done $0x0  }
0x142: {  	s14 =	simm.s32 $0x6480;
	[sflag:s6] =	ssyncadd.s32 $0xFFFF8000  }
0x143: {  	v0 =	vld [tilespmem:s14+$0x70]  }
0x144: {  	v1 =	vld [tilespmem:s14+$0xFFFFFF90]  }
0x145: {  	v2 =	vld [tilespmem:s14+$0xFFFFFFA0]  }
0x146: {  	v3 =	vld [tilespmem:s14+$0xFFFFFFB0]  }
0x147: {  	v4 =	vld [tilespmem:s14+$0xFFFFFFC0]  }
0x148: {  	v5 =	vld [tilespmem:s14+$0xFFFFFFD0];
	v0 =	vmul.f32 $5.656854150e+00, v0  }
0x149: {  	v6 =	vld [tilespmem:s14+$0xFFFFFFE0];
	v1 =	vmul.f32 $5.656854150e+00, v1  }
0x14a: {  	v7 =	vld [tilespmem:s14+$0xFFFFFFF0];
	v2 =	vmul.f32 $5.656854150e+00, v2;
	[tilespmem:s14+$0x70] =	vst v0  }
0x14b: {  	[tilespmem:s14+$0xFFFFFF90] =	vst v1;
	v0 =	vmul.f32 $5.656854150e+00, v3;
	v3 =	vld [tilespmem:s14+$0x0]  }
0x14c: {  	[tilespmem:s14+$0xFFFFFFA0] =	vst v2;
	v1 =	vmul.f32 $5.656854150e+00, v4;
	v4 =	vld [tilespmem:s14+$0x10]  }
0x14d: {  	v8 =	vld [tilespmem:s14+$0x20];
	v2 =	vmul.f32 $5.656854150e+00, v5;
	[tilespmem:s14+$0xFFFFFFB0] =	vst v0  }
0x14e: {  	v5 =	vmul.f32 $5.656854150e+00, v6;
	[tilespmem:s14+$0xFFFFFFC0] =	vst v1;
	v0 =	vld [tilespmem:s14+$0x30]  }
0x14f: {  	v6 =	vmul.f32 $5.656854150e+00, v7;
	[tilespmem:s14+$0xFFFFFFD0] =	vst v2;
	v1 =	vld [tilespmem:s14+$0x40]  }
0x150: {  	[tilespmem:s14+$0xFFFFFFE0] =	vst v5;
	v2 =	vld [tilespmem:s14+$0x50];
	v7 =	vmul.f32 $5.656854150e+00, v3  }
0x151: {  	[tilespmem:s14+$0xFFFFFFF0] =	vst v6;
	v3 =	vld [tilespmem:s14+$0x60];
	v5 =	vmul.f32 $5.656854150e+00, v4  }
0x152: {  	s15 =	simm.s32 $0x0;
	s16 =	simm.s32 $0x6580;
	v6 =	vmul.f32 $5.656854150e+00, v8;
	v4 =	vld [tilespmem:s14+$0xFFFFFF80];
	[tilespmem:s14+$0x0] =	vst v7  }
.LBB2_14:
0x153: {  	v7 =	vld [tilespmem:s16+$0x70];
	s15 =	sadd.s32 $0x8, s15;
	[tilespmem:s14+$0x10] =	vst v5;
	v0 =	vmul.f32 $5.656854150e+00, v0  }
0x154: {  	v5 =	vld [tilespmem:s16+$0xFFFFFF90];
	p0 =	slt.u32 s15, $0x3F8;
	[tilespmem:s14+$0x20] =	vst v6;
	v1 =	vmul.f32 $5.656854150e+00, v1  }
0x155: {  	v6 =	vld [tilespmem:s16+$0xFFFFFFA0];
	[tilespmem:s14+$0x30] =	vst v0;
	v0 =	vmul.f32 $5.656854150e+00, v2  }
0x156: {  	v2 =	vld [tilespmem:s16+$0xFFFFFFB0];
	[tilespmem:s14+$0x40] =	vst v1;
	v1 =	vmul.f32 $5.656854150e+00, v3  }
0x157: {  	v3 =	vld [tilespmem:s16+$0xFFFFFFC0];
	v4 =	vmul.f32 $5.656854150e+00, v4;
	[tilespmem:s14+$0x50] =	vst v0  }
0x158: {  	v0 =	vld [tilespmem:s16+$0xFFFFFFD0];
	v7 =	vmul.f32 $5.656854150e+00, v7;
	[tilespmem:s14+$0x60] =	vst v1  }
0x159: {  	v1 =	vmul.f32 $5.656854150e+00, v5;
	v5 =	vld [tilespmem:s16+$0xFFFFFFE0];
	[tilespmem:s14+$0xFFFFFF80] =	vst v4;
	s14 =	smov.u32 s16  }
0x15a: {  	v4 =	vmul.f32 $5.656854150e+00, v6;
	v6 =	vld [tilespmem:s16+$0xFFFFFFF0];
	[tilespmem:s16+$0x70] =	vst v7  }
0x15b: {  	[tilespmem:s16+$0xFFFFFF90] =	vst v1;
	v1 =	vmul.f32 $5.656854150e+00, v2;
	v2 =	vld [tilespmem:s16+$0x0]  }
0x15c: {  	[tilespmem:s16+$0xFFFFFFA0] =	vst v4;
	v3 =	vmul.f32 $5.656854150e+00, v3;
	v4 =	vld [tilespmem:s16+$0x10]  }
0x15d: {  	[tilespmem:s16+$0xFFFFFFB0] =	vst v1;
	v1 =	vmul.f32 $5.656854150e+00, v0;
	v7 =	vld [tilespmem:s16+$0x20]  }
.Ltmp6:
0x15e: {  	[tilespmem:s16+$0xFFFFFFC0] =	vst v3;
	v3 =	vmul.f32 $5.656854150e+00, v5;
	v0 =	vld [tilespmem:s16+$0x30];
	(pc) =	sbr.rel @p0 .LBB2_14-.Ltmp6, $4  }
0x15f: {  	[tilespmem:s16+$0xFFFFFFD0] =	vst v1;
	v5 =	vmul.f32 $5.656854150e+00, v6;
	v1 =	vld [tilespmem:s16+$0x40]  }
0x160: {  	[tilespmem:s16+$0xFFFFFFE0] =	vst v3;
	v6 =	vmul.f32 $5.656854150e+00, v2;
	v2 =	vld [tilespmem:s16+$0x50]  }
0x161: {  	[tilespmem:s16+$0xFFFFFFF0] =	vst v5;
	v5 =	vmul.f32 $5.656854150e+00, v4;
	v3 =	vld [tilespmem:s16+$0x60]  }
0x162: {  	s16 =	sadd.s32 $0x100, s16;
	v4 =	vld [tilespmem:s14+$0xFFFFFF80];
	[tilespmem:s14+$0x0] =	vst v6;
	v6 =	vmul.f32 $5.656854150e+00, v7  }
0x163: {  	[tilespmem:s14+$0x10] =	vst v5;
	v0 =	vmul.f32 $5.656854150e+00, v0  }
0x164: {  	[tilespmem:s14+$0x20] =	vst v6;
	v1 =	vmul.f32 $5.656854150e+00, v1  }
0x165: {  	[tilespmem:s14+$0x30] =	vst v0;
	v0 =	vmul.f32 $5.656854150e+00, v2  }
0x166: {  	[tilespmem:s14+$0x40] =	vst v1;
	v1 =	vmul.f32 $5.656854150e+00, v3  }
0x167: {  	v2 =	vmul.f32 $5.656854150e+00, v4;
	[tilespmem:s14+$0x50] =	vst v0  }
0x168: {  	[tilespmem:s14+$0x60] =	vst v1  }
0x169: {  	[tilespmem:s14+$0xFFFFFF80] =	vst v2  }
0x16a: {  	s14 =	rddreg [dreg:$0xa]  }
0x16b: {  	[hbm4b:s14+s2] =	stream.linear.scatter [tilespmem:s4], [sflag:$0x4], $0x8000, $0x38;
	[tilespmem:$0x1E400] =	vst v63  }
0x16c: {  	_ =	swait.ge [sflag:s12], $0x8000  }
0x16d: {  	[sflag:s12] =	ssyncset.done $0x0  }
0x16e: {  	s16 =	simm.s32 $0x2000;
	[sflag:s12] =	ssyncadd.s32 $0xFFFF8000  }
0x16f: {  	[tilespmem:s7], [sflag:$0x3] =	stream.indirect.gather [hbm4b:s3+s0], $0x20, s16, s0, $0xb8;
	[tilespmem:$0x1E400] =	vst v63  }
0x170: {  	_ =	swait.ge [sflag:s8], $0x8000  }
0x171: {  	[sflag:s8] =	ssyncset.done $0x0  }
0x172: {  	s14 =	simm.s32 $0xE480;
	[sflag:s8] =	ssyncadd.s32 $0xFFFF8000  }
0x173: {  	v0 =	vld [tilespmem:s14+$0x70]  }
0x174: {  	v1 =	vld [tilespmem:s14+$0xFFFFFF90]  }
0x175: {  	v2 =	vld [tilespmem:s14+$0xFFFFFFA0]  }
0x176: {  	v3 =	vld [tilespmem:s14+$0xFFFFFFB0]  }
0x177: {  	v4 =	vld [tilespmem:s14+$0xFFFFFFC0]  }
0x178: {  	v5 =	vld [tilespmem:s14+$0xFFFFFFD0];
	v0 =	vmul.f32 $5.656854150e+00, v0  }
0x179: {  	v6 =	vld [tilespmem:s14+$0xFFFFFFE0];
	v1 =	vmul.f32 $5.656854150e+00, v1  }
0x17a: {  	v7 =	vld [tilespmem:s14+$0xFFFFFFF0];
	v2 =	vmul.f32 $5.656854150e+00, v2;
	[tilespmem:s14+$0x70] =	vst v0  }
0x17b: {  	[tilespmem:s14+$0xFFFFFF90] =	vst v1;
	v0 =	vmul.f32 $5.656854150e+00, v3;
	v3 =	vld [tilespmem:s14+$0x0]  }
0x17c: {  	[tilespmem:s14+$0xFFFFFFA0] =	vst v2;
	v1 =	vmul.f32 $5.656854150e+00, v4;
	v4 =	vld [tilespmem:s14+$0x10]  }
0x17d: {  	v8 =	vld [tilespmem:s14+$0x20];
	v2 =	vmul.f32 $5.656854150e+00, v5;
	[tilespmem:s14+$0xFFFFFFB0] =	vst v0  }
0x17e: {  	v5 =	vmul.f32 $5.656854150e+00, v6;
	[tilespmem:s14+$0xFFFFFFC0] =	vst v1;
	v0 =	vld [tilespmem:s14+$0x30]  }
0x17f: {  	v6 =	vmul.f32 $5.656854150e+00, v7;
	[tilespmem:s14+$0xFFFFFFD0] =	vst v2;
	v1 =	vld [tilespmem:s14+$0x40]  }
0x180: {  	[tilespmem:s14+$0xFFFFFFE0] =	vst v5;
	v2 =	vld [tilespmem:s14+$0x50];
	v7 =	vmul.f32 $5.656854150e+00, v3  }
0x181: {  	[tilespmem:s14+$0xFFFFFFF0] =	vst v6;
	v3 =	vld [tilespmem:s14+$0x60];
	v5 =	vmul.f32 $5.656854150e+00, v4  }
0x182: {  	s15 =	simm.s32 $0x0;
	s16 =	simm.s32 $0xE580;
	v6 =	vmul.f32 $5.656854150e+00, v8;
	v4 =	vld [tilespmem:s14+$0xFFFFFF80];
	[tilespmem:s14+$0x0] =	vst v7  }
.LBB2_16:
0x183: {  	v7 =	vld [tilespmem:s16+$0x70];
	s15 =	sadd.s32 $0x8, s15;
	[tilespmem:s14+$0x10] =	vst v5;
	v0 =	vmul.f32 $5.656854150e+00, v0  }
0x184: {  	v5 =	vld [tilespmem:s16+$0xFFFFFF90];
	p0 =	slt.u32 s15, $0x3F8;
	[tilespmem:s14+$0x20] =	vst v6;
	v1 =	vmul.f32 $5.656854150e+00, v1  }
0x185: {  	v6 =	vld [tilespmem:s16+$0xFFFFFFA0];
	[tilespmem:s14+$0x30] =	vst v0;
	v0 =	vmul.f32 $5.656854150e+00, v2  }
0x186: {  	v2 =	vld [tilespmem:s16+$0xFFFFFFB0];
	[tilespmem:s14+$0x40] =	vst v1;
	v1 =	vmul.f32 $5.656854150e+00, v3  }
0x187: {  	v3 =	vld [tilespmem:s16+$0xFFFFFFC0];
	v4 =	vmul.f32 $5.656854150e+00, v4;
	[tilespmem:s14+$0x50] =	vst v0  }
0x188: {  	v0 =	vld [tilespmem:s16+$0xFFFFFFD0];
	v7 =	vmul.f32 $5.656854150e+00, v7;
	[tilespmem:s14+$0x60] =	vst v1  }
0x189: {  	v1 =	vmul.f32 $5.656854150e+00, v5;
	v5 =	vld [tilespmem:s16+$0xFFFFFFE0];
	[tilespmem:s14+$0xFFFFFF80] =	vst v4;
	s14 =	smov.u32 s16  }
0x18a: {  	v4 =	vmul.f32 $5.656854150e+00, v6;
	v6 =	vld [tilespmem:s16+$0xFFFFFFF0];
	[tilespmem:s16+$0x70] =	vst v7  }
0x18b: {  	[tilespmem:s16+$0xFFFFFF90] =	vst v1;
	v1 =	vmul.f32 $5.656854150e+00, v2;
	v2 =	vld [tilespmem:s16+$0x0]  }
0x18c: {  	[tilespmem:s16+$0xFFFFFFA0] =	vst v4;
	v3 =	vmul.f32 $5.656854150e+00, v3;
	v4 =	vld [tilespmem:s16+$0x10]  }
0x18d: {  	[tilespmem:s16+$0xFFFFFFB0] =	vst v1;
	v1 =	vmul.f32 $5.656854150e+00, v0;
	v7 =	vld [tilespmem:s16+$0x20]  }
.Ltmp7:
0x18e: {  	[tilespmem:s16+$0xFFFFFFC0] =	vst v3;
	v3 =	vmul.f32 $5.656854150e+00, v5;
	v0 =	vld [tilespmem:s16+$0x30];
	(pc) =	sbr.rel @p0 .LBB2_16-.Ltmp7, $4  }
0x18f: {  	[tilespmem:s16+$0xFFFFFFD0] =	vst v1;
	v5 =	vmul.f32 $5.656854150e+00, v6;
	v1 =	vld [tilespmem:s16+$0x40]  }
0x190: {  	[tilespmem:s16+$0xFFFFFFE0] =	vst v3;
	v6 =	vmul.f32 $5.656854150e+00, v2;
	v2 =	vld [tilespmem:s16+$0x50]  }
0x191: {  	[tilespmem:s16+$0xFFFFFFF0] =	vst v5;
	v5 =	vmul.f32 $5.656854150e+00, v4;
	v3 =	vld [tilespmem:s16+$0x60]  }
0x192: {  	s16 =	sadd.s32 $0x100, s16;
	v4 =	vld [tilespmem:s14+$0xFFFFFF80];
	[tilespmem:s14+$0x0] =	vst v6;
	v6 =	vmul.f32 $5.656854150e+00, v7  }
0x193: {  	[tilespmem:s14+$0x10] =	vst v5;
	v0 =	vmul.f32 $5.656854150e+00, v0  }
0x194: {  	[tilespmem:s14+$0x20] =	vst v6;
	v1 =	vmul.f32 $5.656854150e+00, v1  }
0x195: {  	[tilespmem:s14+$0x30] =	vst v0;
	v0 =	vmul.f32 $5.656854150e+00, v2  }
0x196: {  	[tilespmem:s14+$0x40] =	vst v1;
	v1 =	vmul.f32 $5.656854150e+00, v3  }
0x197: {  	v2 =	vmul.f32 $5.656854150e+00, v4;
	[tilespmem:s14+$0x50] =	vst v0  }
0x198: {  	[tilespmem:s14+$0x60] =	vst v1  }
0x199: {  	[tilespmem:s14+$0xFFFFFF80] =	vst v2  }
0x19a: {  	s14 =	rddreg [dreg:$0xb]  }
0x19b: {  	[hbm4b:s14+s2] =	stream.linear.scatter [tilespmem:s5], [sflag:$0x5], $0x8000, $0x38;
	[tilespmem:$0x1E400] =	vst v63  }
0x19c: {  	_ =	swait.ge [sflag:s9], $0x8000  }
0x19d: {  	[sflag:s9] =	ssyncset.done $0x0  }
0x19e: {  	s16 =	simm.s32 $0x2400;
	[sflag:s9] =	ssyncadd.s32 $0xFFFF8000  }
0x19f: {  	[tilespmem:s4], [sflag:$0x1] =	stream.indirect.gather [hbm4b:s3+s0], $0x20, s16, s0, $0xb8;
	[tilespmem:$0x1E400] =	vst v63  }
0x1a0: {  	_ =	swait.ge [sflag:s10], $0x8000  }
0x1a1: {  	[sflag:s10] =	ssyncset.done $0x0  }
0x1a2: {  	s14 =	simm.s32 $0x16480;
	[sflag:s10] =	ssyncadd.s32 $0xFFFF8000  }
0x1a3: {  	v0 =	vld [tilespmem:s14+$0x70]  }
0x1a4: {  	v1 =	vld [tilespmem:s14+$0xFFFFFF90]  }
0x1a5: {  	v2 =	vld [tilespmem:s14+$0xFFFFFFA0]  }
0x1a6: {  	v3 =	vld [tilespmem:s14+$0xFFFFFFB0]  }
0x1a7: {  	v4 =	vld [tilespmem:s14+$0xFFFFFFC0]  }
0x1a8: {  	v5 =	vld [tilespmem:s14+$0xFFFFFFD0];
	v0 =	vmul.f32 $5.656854150e+00, v0  }
0x1a9: {  	v6 =	vld [tilespmem:s14+$0xFFFFFFE0];
	v1 =	vmul.f32 $5.656854150e+00, v1  }
0x1aa: {  	v7 =	vld [tilespmem:s14+$0xFFFFFFF0];
	v2 =	vmul.f32 $5.656854150e+00, v2;
	[tilespmem:s14+$0x70] =	vst v0  }
0x1ab: {  	[tilespmem:s14+$0xFFFFFF90] =	vst v1;
	v0 =	vmul.f32 $5.656854150e+00, v3;
	v3 =	vld [tilespmem:s14+$0x0]  }
0x1ac: {  	[tilespmem:s14+$0xFFFFFFA0] =	vst v2;
	v1 =	vmul.f32 $5.656854150e+00, v4;
	v4 =	vld [tilespmem:s14+$0x10]  }
0x1ad: {  	v8 =	vld [tilespmem:s14+$0x20];
	v2 =	vmul.f32 $5.656854150e+00, v5;
	[tilespmem:s14+$0xFFFFFFB0] =	vst v0  }
0x1ae: {  	v5 =	vmul.f32 $5.656854150e+00, v6;
	[tilespmem:s14+$0xFFFFFFC0] =	vst v1;
	v0 =	vld [tilespmem:s14+$0x30]  }
0x1af: {  	v6 =	vmul.f32 $5.656854150e+00, v7;
	[tilespmem:s14+$0xFFFFFFD0] =	vst v2;
	v1 =	vld [tilespmem:s14+$0x40]  }
0x1b0: {  	[tilespmem:s14+$0xFFFFFFE0] =	vst v5;
	v2 =	vld [tilespmem:s14+$0x50];
	v7 =	vmul.f32 $5.656854150e+00, v3  }
0x1b1: {  	[tilespmem:s14+$0xFFFFFFF0] =	vst v6;
	v3 =	vld [tilespmem:s14+$0x60];
	v5 =	vmul.f32 $5.656854150e+00, v4  }
0x1b2: {  	s15 =	simm.s32 $0x0;
	s16 =	simm.s32 $0x16580;
	v6 =	vmul.f32 $5.656854150e+00, v8;
	v4 =	vld [tilespmem:s14+$0xFFFFFF80];
	[tilespmem:s14+$0x0] =	vst v7  }
.LBB2_18:
0x1b3: {  	v7 =	vld [tilespmem:s16+$0x70];
	s15 =	sadd.s32 $0x8, s15;
	[tilespmem:s14+$0x10] =	vst v5;
	v0 =	vmul.f32 $5.656854150e+00, v0  }
0x1b4: {  	v5 =	vld [tilespmem:s16+$0xFFFFFF90];
	p0 =	slt.u32 s15, $0x3F8;
	[tilespmem:s14+$0x20] =	vst v6;
	v1 =	vmul.f32 $5.656854150e+00, v1  }
0x1b5: {  	v6 =	vld [tilespmem:s16+$0xFFFFFFA0];
	[tilespmem:s14+$0x30] =	vst v0;
	v0 =	vmul.f32 $5.656854150e+00, v2  }
0x1b6: {  	v2 =	vld [tilespmem:s16+$0xFFFFFFB0];
	[tilespmem:s14+$0x40] =	vst v1;
	v1 =	vmul.f32 $5.656854150e+00, v3  }
0x1b7: {  	v3 =	vld [tilespmem:s16+$0xFFFFFFC0];
	v4 =	vmul.f32 $5.656854150e+00, v4;
	[tilespmem:s14+$0x50] =	vst v0  }
0x1b8: {  	v0 =	vld [tilespmem:s16+$0xFFFFFFD0];
	v7 =	vmul.f32 $5.656854150e+00, v7;
	[tilespmem:s14+$0x60] =	vst v1  }
0x1b9: {  	v1 =	vmul.f32 $5.656854150e+00, v5;
	v5 =	vld [tilespmem:s16+$0xFFFFFFE0];
	[tilespmem:s14+$0xFFFFFF80] =	vst v4;
	s14 =	smov.u32 s16  }
0x1ba: {  	v4 =	vmul.f32 $5.656854150e+00, v6;
	v6 =	vld [tilespmem:s16+$0xFFFFFFF0];
	[tilespmem:s16+$0x70] =	vst v7  }
0x1bb: {  	[tilespmem:s16+$0xFFFFFF90] =	vst v1;
	v1 =	vmul.f32 $5.656854150e+00, v2;
	v2 =	vld [tilespmem:s16+$0x0]  }
0x1bc: {  	[tilespmem:s16+$0xFFFFFFA0] =	vst v4;
	v3 =	vmul.f32 $5.656854150e+00, v3;
	v4 =	vld [tilespmem:s16+$0x10]  }
0x1bd: {  	[tilespmem:s16+$0xFFFFFFB0] =	vst v1;
	v1 =	vmul.f32 $5.656854150e+00, v0;
	v7 =	vld [tilespmem:s16+$0x20]  }
.Ltmp8:
0x1be: {  	[tilespmem:s16+$0xFFFFFFC0] =	vst v3;
	v3 =	vmul.f32 $5.656854150e+00, v5;
	v0 =	vld [tilespmem:s16+$0x30];
	(pc) =	sbr.rel @p0 .LBB2_18-.Ltmp8, $4  }
0x1bf: {  	[tilespmem:s16+$0xFFFFFFD0] =	vst v1;
	v5 =	vmul.f32 $5.656854150e+00, v6;
	v1 =	vld [tilespmem:s16+$0x40]  }
0x1c0: {  	[tilespmem:s16+$0xFFFFFFE0] =	vst v3;
	v6 =	vmul.f32 $5.656854150e+00, v2;
	v2 =	vld [tilespmem:s16+$0x50]  }
0x1c1: {  	[tilespmem:s16+$0xFFFFFFF0] =	vst v5;
	v5 =	vmul.f32 $5.656854150e+00, v4;
	v3 =	vld [tilespmem:s16+$0x60]  }
0x1c2: {  	s16 =	sadd.s32 $0x100, s16;
	v4 =	vld [tilespmem:s14+$0xFFFFFF80];
	[tilespmem:s14+$0x0] =	vst v6;
	v6 =	vmul.f32 $5.656854150e+00, v7  }
0x1c3: {  	[tilespmem:s14+$0x10] =	vst v5;
	v0 =	vmul.f32 $5.656854150e+00, v0  }
0x1c4: {  	[tilespmem:s14+$0x20] =	vst v6;
	v1 =	vmul.f32 $5.656854150e+00, v1  }
0x1c5: {  	[tilespmem:s14+$0x30] =	vst v0;
	v0 =	vmul.f32 $5.656854150e+00, v2  }
0x1c6: {  	[tilespmem:s14+$0x40] =	vst v1;
	v1 =	vmul.f32 $5.656854150e+00, v3  }
0x1c7: {  	v2 =	vmul.f32 $5.656854150e+00, v4;
	[tilespmem:s14+$0x50] =	vst v0  }
0x1c8: {  	[tilespmem:s14+$0x60] =	vst v1  }
0x1c9: {  	[tilespmem:s14+$0xFFFFFF80] =	vst v2  }
0x1ca: {  	s14 =	rddreg [dreg:$0xc]  }
0x1cb: {  	[hbm4b:s14+s2] =	stream.linear.scatter [tilespmem:s7], [sflag:$0x6], $0x8000, $0x38;
	[tilespmem:$0x1E400] =	vst v63  }
0x1cc: {  	_ =	swait.ge [sflag:s11], $0x8000  }
0x1cd: {  	[sflag:s11] =	ssyncset.done $0x0  }
0x1ce: {  	s16 =	simm.s32 $0x2800;
	[sflag:s11] =	ssyncadd.s32 $0xFFFF8000  }
0x1cf: {  	[tilespmem:s5], [sflag:$0x2] =	stream.indirect.gather [hbm4b:s3+s0], $0x20, s16, s0, $0xb8;
	[tilespmem:$0x1E400] =	vst v63  }
0x1d0: {  	_ =	swait.ge [sflag:s6], $0x8000  }
0x1d1: {  	[sflag:s6] =	ssyncset.done $0x0  }
0x1d2: {  	s14 =	simm.s32 $0x6480;
	[sflag:s6] =	ssyncadd.s32 $0xFFFF8000  }
0x1d3: {  	v0 =	vld [tilespmem:s14+$0x70]  }
0x1d4: {  	v1 =	vld [tilespmem:s14+$0xFFFFFF90]  }
0x1d5: {  	v2 =	vld [tilespmem:s14+$0xFFFFFFA0]  }
0x1d6: {  	v3 =	vld [tilespmem:s14+$0xFFFFFFB0]  }
0x1d7: {  	v4 =	vld [tilespmem:s14+$0xFFFFFFC0]  }
0x1d8: {  	v5 =	vld [tilespmem:s14+$0xFFFFFFD0];
	v0 =	vmul.f32 $5.656854150e+00, v0  }
0x1d9: {  	v6 =	vld [tilespmem:s14+$0xFFFFFFE0];
	v1 =	vmul.f32 $5.656854150e+00, v1  }
0x1da: {  	v7 =	vld [tilespmem:s14+$0xFFFFFFF0];
	v2 =	vmul.f32 $5.656854150e+00, v2;
	[tilespmem:s14+$0x70] =	vst v0  }
0x1db: {  	[tilespmem:s14+$0xFFFFFF90] =	vst v1;
	v0 =	vmul.f32 $5.656854150e+00, v3;
	v3 =	vld [tilespmem:s14+$0x0]  }
0x1dc: {  	[tilespmem:s14+$0xFFFFFFA0] =	vst v2;
	v1 =	vmul.f32 $5.656854150e+00, v4;
	v4 =	vld [tilespmem:s14+$0x10]  }
0x1dd: {  	v8 =	vld [tilespmem:s14+$0x20];
	v2 =	vmul.f32 $5.656854150e+00, v5;
	[tilespmem:s14+$0xFFFFFFB0] =	vst v0  }
0x1de: {  	v5 =	vmul.f32 $5.656854150e+00, v6;
	[tilespmem:s14+$0xFFFFFFC0] =	vst v1;
	v0 =	vld [tilespmem:s14+$0x30]  }
0x1df: {  	v6 =	vmul.f32 $5.656854150e+00, v7;
	[tilespmem:s14+$0xFFFFFFD0] =	vst v2;
	v1 =	vld [tilespmem:s14+$0x40]  }
0x1e0: {  	[tilespmem:s14+$0xFFFFFFE0] =	vst v5;
	v2 =	vld [tilespmem:s14+$0x50];
	v7 =	vmul.f32 $5.656854150e+00, v3  }
0x1e1: {  	[tilespmem:s14+$0xFFFFFFF0] =	vst v6;
	v3 =	vld [tilespmem:s14+$0x60];
	v5 =	vmul.f32 $5.656854150e+00, v4  }
0x1e2: {  	s15 =	simm.s32 $0x0;
	s16 =	simm.s32 $0x6580;
	v6 =	vmul.f32 $5.656854150e+00, v8;
	v4 =	vld [tilespmem:s14+$0xFFFFFF80];
	[tilespmem:s14+$0x0] =	vst v7  }
.LBB2_20:
0x1e3: {  	v7 =	vld [tilespmem:s16+$0x70];
	s15 =	sadd.s32 $0x8, s15;
	[tilespmem:s14+$0x10] =	vst v5;
	v0 =	vmul.f32 $5.656854150e+00, v0  }
0x1e4: {  	v5 =	vld [tilespmem:s16+$0xFFFFFF90];
	p0 =	slt.u32 s15, $0x3F8;
	[tilespmem:s14+$0x20] =	vst v6;
	v1 =	vmul.f32 $5.656854150e+00, v1  }
0x1e5: {  	v6 =	vld [tilespmem:s16+$0xFFFFFFA0];
	[tilespmem:s14+$0x30] =	vst v0;
	v0 =	vmul.f32 $5.656854150e+00, v2  }
0x1e6: {  	v2 =	vld [tilespmem:s16+$0xFFFFFFB0];
	[tilespmem:s14+$0x40] =	vst v1;
	v1 =	vmul.f32 $5.656854150e+00, v3  }
0x1e7: {  	v3 =	vld [tilespmem:s16+$0xFFFFFFC0];
	v4 =	vmul.f32 $5.656854150e+00, v4;
	[tilespmem:s14+$0x50] =	vst v0  }
0x1e8: {  	v0 =	vld [tilespmem:s16+$0xFFFFFFD0];
	v7 =	vmul.f32 $5.656854150e+00, v7;
	[tilespmem:s14+$0x60] =	vst v1  }
0x1e9: {  	v1 =	vmul.f32 $5.656854150e+00, v5;
	v5 =	vld [tilespmem:s16+$0xFFFFFFE0];
	[tilespmem:s14+$0xFFFFFF80] =	vst v4;
	s14 =	smov.u32 s16  }
0x1ea: {  	v4 =	vmul.f32 $5.656854150e+00, v6;
	v6 =	vld [tilespmem:s16+$0xFFFFFFF0];
	[tilespmem:s16+$0x70] =	vst v7  }
0x1eb: {  	[tilespmem:s16+$0xFFFFFF90] =	vst v1;
	v1 =	vmul.f32 $5.656854150e+00, v2;
	v2 =	vld [tilespmem:s16+$0x0]  }
0x1ec: {  	[tilespmem:s16+$0xFFFFFFA0] =	vst v4;
	v3 =	vmul.f32 $5.656854150e+00, v3;
	v4 =	vld [tilespmem:s16+$0x10]  }
0x1ed: {  	[tilespmem:s16+$0xFFFFFFB0] =	vst v1;
	v1 =	vmul.f32 $5.656854150e+00, v0;
	v7 =	vld [tilespmem:s16+$0x20]  }
.Ltmp9:
0x1ee: {  	[tilespmem:s16+$0xFFFFFFC0] =	vst v3;
	v3 =	vmul.f32 $5.656854150e+00, v5;
	v0 =	vld [tilespmem:s16+$0x30];
	(pc) =	sbr.rel @p0 .LBB2_20-.Ltmp9, $4  }
0x1ef: {  	[tilespmem:s16+$0xFFFFFFD0] =	vst v1;
	v5 =	vmul.f32 $5.656854150e+00, v6;
	v1 =	vld [tilespmem:s16+$0x40]  }
0x1f0: {  	[tilespmem:s16+$0xFFFFFFE0] =	vst v3;
	v6 =	vmul.f32 $5.656854150e+00, v2;
	v2 =	vld [tilespmem:s16+$0x50]  }
0x1f1: {  	[tilespmem:s16+$0xFFFFFFF0] =	vst v5;
	v5 =	vmul.f32 $5.656854150e+00, v4;
	v3 =	vld [tilespmem:s16+$0x60]  }
0x1f2: {  	s16 =	sadd.s32 $0x100, s16;
	v4 =	vld [tilespmem:s14+$0xFFFFFF80];
	[tilespmem:s14+$0x0] =	vst v6;
	v6 =	vmul.f32 $5.656854150e+00, v7  }
0x1f3: {  	[tilespmem:s14+$0x10] =	vst v5;
	v0 =	vmul.f32 $5.656854150e+00, v0  }
0x1f4: {  	[tilespmem:s14+$0x20] =	vst v6;
	v1 =	vmul.f32 $5.656854150e+00, v1  }
0x1f5: {  	[tilespmem:s14+$0x30] =	vst v0;
	v0 =	vmul.f32 $5.656854150e+00, v2  }
0x1f6: {  	[tilespmem:s14+$0x40] =	vst v1;
	v1 =	vmul.f32 $5.656854150e+00, v3  }
0x1f7: {  	v2 =	vmul.f32 $5.656854150e+00, v4;
	[tilespmem:s14+$0x50] =	vst v0  }
0x1f8: {  	[tilespmem:s14+$0x60] =	vst v1  }
0x1f9: {  	[tilespmem:s14+$0xFFFFFF80] =	vst v2  }
0x1fa: {  	s14 =	rddreg [dreg:$0xd]  }
0x1fb: {  	[hbm4b:s14+s2] =	stream.linear.scatter [tilespmem:s4], [sflag:$0x4], $0x8000, $0x38;
	[tilespmem:$0x1E400] =	vst v63  }
0x1fc: {  	_ =	swait.ge [sflag:s12], $0x8000  }
0x1fd: {  	[sflag:s12] =	ssyncset.done $0x0  }
0x1fe: {  	s16 =	simm.s32 $0x2C00;
	[sflag:s12] =	ssyncadd.s32 $0xFFFF8000  }
0x1ff: {  	[tilespmem:s7], [sflag:$0x3] =	stream.indirect.gather [hbm4b:s3+s0], $0x20, s16, s0, $0xb8;
	[tilespmem:$0x1E400] =	vst v63  }
0x200: {  	_ =	swait.ge [sflag:s8], $0x8000  }
0x201: {  	[sflag:s8] =	ssyncset.done $0x0  }
0x202: {  	s14 =	simm.s32 $0xE480;
	[sflag:s8] =	ssyncadd.s32 $0xFFFF8000  }
0x203: {  	v0 =	vld [tilespmem:s14+$0x70]  }
0x204: {  	v1 =	vld [tilespmem:s14+$0xFFFFFF90]  }
0x205: {  	v2 =	vld [tilespmem:s14+$0xFFFFFFA0]  }
0x206: {  	v3 =	vld [tilespmem:s14+$0xFFFFFFB0]  }
0x207: {  	v4 =	vld [tilespmem:s14+$0xFFFFFFC0]  }
0x208: {  	v5 =	vld [tilespmem:s14+$0xFFFFFFD0];
	v0 =	vmul.f32 $5.656854150e+00, v0  }
0x209: {  	v6 =	vld [tilespmem:s14+$0xFFFFFFE0];
	v1 =	vmul.f32 $5.656854150e+00, v1  }
0x20a: {  	v7 =	vld [tilespmem:s14+$0xFFFFFFF0];
	v2 =	vmul.f32 $5.656854150e+00, v2;
	[tilespmem:s14+$0x70] =	vst v0  }
0x20b: {  	[tilespmem:s14+$0xFFFFFF90] =	vst v1;
	v0 =	vmul.f32 $5.656854150e+00, v3;
	v3 =	vld [tilespmem:s14+$0x0]  }
0x20c: {  	[tilespmem:s14+$0xFFFFFFA0] =	vst v2;
	v1 =	vmul.f32 $5.656854150e+00, v4;
	v4 =	vld [tilespmem:s14+$0x10]  }
0x20d: {  	v8 =	vld [tilespmem:s14+$0x20];
	v2 =	vmul.f32 $5.656854150e+00, v5;
	[tilespmem:s14+$0xFFFFFFB0] =	vst v0  }
0x20e: {  	v5 =	vmul.f32 $5.656854150e+00, v6;
	[tilespmem:s14+$0xFFFFFFC0] =	vst v1;
	v0 =	vld [tilespmem:s14+$0x30]  }
0x20f: {  	v6 =	vmul.f32 $5.656854150e+00, v7;
	[tilespmem:s14+$0xFFFFFFD0] =	vst v2;
	v1 =	vld [tilespmem:s14+$0x40]  }
0x210: {  	[tilespmem:s14+$0xFFFFFFE0] =	vst v5;
	v2 =	vld [tilespmem:s14+$0x50];
	v7 =	vmul.f32 $5.656854150e+00, v3  }
0x211: {  	[tilespmem:s14+$0xFFFFFFF0] =	vst v6;
	v3 =	vld [tilespmem:s14+$0x60];
	v5 =	vmul.f32 $5.656854150e+00, v4  }
0x212: {  	s15 =	simm.s32 $0x0;
	s16 =	simm.s32 $0xE580;
	v6 =	vmul.f32 $5.656854150e+00, v8;
	v4 =	vld [tilespmem:s14+$0xFFFFFF80];
	[tilespmem:s14+$0x0] =	vst v7  }
.LBB2_22:
0x213: {  	v7 =	vld [tilespmem:s16+$0x70];
	s15 =	sadd.s32 $0x8, s15;
	[tilespmem:s14+$0x10] =	vst v5;
	v0 =	vmul.f32 $5.656854150e+00, v0  }
0x214: {  	v5 =	vld [tilespmem:s16+$0xFFFFFF90];
	p0 =	slt.u32 s15, $0x3F8;
	[tilespmem:s14+$0x20] =	vst v6;
	v1 =	vmul.f32 $5.656854150e+00, v1  }
0x215: {  	v6 =	vld [tilespmem:s16+$0xFFFFFFA0];
	[tilespmem:s14+$0x30] =	vst v0;
	v0 =	vmul.f32 $5.656854150e+00, v2  }
0x216: {  	v2 =	vld [tilespmem:s16+$0xFFFFFFB0];
	[tilespmem:s14+$0x40] =	vst v1;
	v1 =	vmul.f32 $5.656854150e+00, v3  }
0x217: {  	v3 =	vld [tilespmem:s16+$0xFFFFFFC0];
	v4 =	vmul.f32 $5.656854150e+00, v4;
	[tilespmem:s14+$0x50] =	vst v0  }
0x218: {  	v0 =	vld [tilespmem:s16+$0xFFFFFFD0];
	v7 =	vmul.f32 $5.656854150e+00, v7;
	[tilespmem:s14+$0x60] =	vst v1  }
0x219: {  	v1 =	vmul.f32 $5.656854150e+00, v5;
	v5 =	vld [tilespmem:s16+$0xFFFFFFE0];
	[tilespmem:s14+$0xFFFFFF80] =	vst v4;
	s14 =	smov.u32 s16  }
0x21a: {  	v4 =	vmul.f32 $5.656854150e+00, v6;
	v6 =	vld [tilespmem:s16+$0xFFFFFFF0];
	[tilespmem:s16+$0x70] =	vst v7  }
0x21b: {  	[tilespmem:s16+$0xFFFFFF90] =	vst v1;
	v1 =	vmul.f32 $5.656854150e+00, v2;
	v2 =	vld [tilespmem:s16+$0x0]  }
0x21c: {  	[tilespmem:s16+$0xFFFFFFA0] =	vst v4;
	v3 =	vmul.f32 $5.656854150e+00, v3;
	v4 =	vld [tilespmem:s16+$0x10]  }
0x21d: {  	[tilespmem:s16+$0xFFFFFFB0] =	vst v1;
	v1 =	vmul.f32 $5.656854150e+00, v0;
	v7 =	vld [tilespmem:s16+$0x20]  }
.Ltmp10:
0x21e: {  	[tilespmem:s16+$0xFFFFFFC0] =	vst v3;
	v3 =	vmul.f32 $5.656854150e+00, v5;
	v0 =	vld [tilespmem:s16+$0x30];
	(pc) =	sbr.rel @p0 .LBB2_22-.Ltmp10, $4  }
0x21f: {  	[tilespmem:s16+$0xFFFFFFD0] =	vst v1;
	v5 =	vmul.f32 $5.656854150e+00, v6;
	v1 =	vld [tilespmem:s16+$0x40]  }
0x220: {  	[tilespmem:s16+$0xFFFFFFE0] =	vst v3;
	v6 =	vmul.f32 $5.656854150e+00, v2;
	v2 =	vld [tilespmem:s16+$0x50]  }
0x221: {  	[tilespmem:s16+$0xFFFFFFF0] =	vst v5;
	v5 =	vmul.f32 $5.656854150e+00, v4;
	v3 =	vld [tilespmem:s16+$0x60]  }
0x222: {  	s16 =	sadd.s32 $0x100, s16;
	v4 =	vld [tilespmem:s14+$0xFFFFFF80];
	[tilespmem:s14+$0x0] =	vst v6;
	v6 =	vmul.f32 $5.656854150e+00, v7  }
0x223: {  	[tilespmem:s14+$0x10] =	vst v5;
	v0 =	vmul.f32 $5.656854150e+00, v0  }
0x224: {  	[tilespmem:s14+$0x20] =	vst v6;
	v1 =	vmul.f32 $5.656854150e+00, v1  }
0x225: {  	[tilespmem:s14+$0x30] =	vst v0;
	v0 =	vmul.f32 $5.656854150e+00, v2  }
0x226: {  	[tilespmem:s14+$0x40] =	vst v1;
	v1 =	vmul.f32 $5.656854150e+00, v3  }
0x227: {  	v2 =	vmul.f32 $5.656854150e+00, v4;
	[tilespmem:s14+$0x50] =	vst v0  }
0x228: {  	[tilespmem:s14+$0x60] =	vst v1  }
0x229: {  	[tilespmem:s14+$0xFFFFFF80] =	vst v2  }
0x22a: {  	s14 =	rddreg [dreg:$0xe]  }
0x22b: {  	[hbm4b:s14+s2] =	stream.linear.scatter [tilespmem:s5], [sflag:$0x5], $0x8000, $0x38;
	[tilespmem:$0x1E400] =	vst v63  }
0x22c: {  	_ =	swait.ge [sflag:s9], $0x8000  }
0x22d: {  	[sflag:s9] =	ssyncset.done $0x0  }
0x22e: {  	s16 =	simm.s32 $0x3000;
	[sflag:s9] =	ssyncadd.s32 $0xFFFF8000  }
0x22f: {  	[tilespmem:s4], [sflag:$0x1] =	stream.indirect.gather [hbm4b:s3+s0], $0x20, s16, s0, $0xb8;
	[tilespmem:$0x1E400] =	vst v63  }
0x230: {  	_ =	swait.ge [sflag:s10], $0x8000  }
0x231: {  	[sflag:s10] =	ssyncset.done $0x0  }
0x232: {  	s14 =	simm.s32 $0x16480;
	[sflag:s10] =	ssyncadd.s32 $0xFFFF8000  }
0x233: {  	v0 =	vld [tilespmem:s14+$0x70]  }
0x234: {  	v1 =	vld [tilespmem:s14+$0xFFFFFF90]  }
0x235: {  	v2 =	vld [tilespmem:s14+$0xFFFFFFA0]  }
0x236: {  	v3 =	vld [tilespmem:s14+$0xFFFFFFB0]  }
0x237: {  	v4 =	vld [tilespmem:s14+$0xFFFFFFC0]  }
0x238: {  	v5 =	vld [tilespmem:s14+$0xFFFFFFD0];
	v0 =	vmul.f32 $5.656854150e+00, v0  }
0x239: {  	v6 =	vld [tilespmem:s14+$0xFFFFFFE0];
	v1 =	vmul.f32 $5.656854150e+00, v1  }
0x23a: {  	v7 =	vld [tilespmem:s14+$0xFFFFFFF0];
	v2 =	vmul.f32 $5.656854150e+00, v2;
	[tilespmem:s14+$0x70] =	vst v0  }
0x23b: {  	[tilespmem:s14+$0xFFFFFF90] =	vst v1;
	v0 =	vmul.f32 $5.656854150e+00, v3;
	v3 =	vld [tilespmem:s14+$0x0]  }
0x23c: {  	[tilespmem:s14+$0xFFFFFFA0] =	vst v2;
	v1 =	vmul.f32 $5.656854150e+00, v4;
	v4 =	vld [tilespmem:s14+$0x10]  }
0x23d: {  	v8 =	vld [tilespmem:s14+$0x20];
	v2 =	vmul.f32 $5.656854150e+00, v5;
	[tilespmem:s14+$0xFFFFFFB0] =	vst v0  }
0x23e: {  	v5 =	vmul.f32 $5.656854150e+00, v6;
	[tilespmem:s14+$0xFFFFFFC0] =	vst v1;
	v0 =	vld [tilespmem:s14+$0x30]  }
0x23f: {  	v6 =	vmul.f32 $5.656854150e+00, v7;
	[tilespmem:s14+$0xFFFFFFD0] =	vst v2;
	v1 =	vld [tilespmem:s14+$0x40]  }
0x240: {  	[tilespmem:s14+$0xFFFFFFE0] =	vst v5;
	v2 =	vld [tilespmem:s14+$0x50];
	v7 =	vmul.f32 $5.656854150e+00, v3  }
0x241: {  	[tilespmem:s14+$0xFFFFFFF0] =	vst v6;
	v3 =	vld [tilespmem:s14+$0x60];
	v5 =	vmul.f32 $5.656854150e+00, v4  }
0x242: {  	s15 =	simm.s32 $0x0;
	s16 =	simm.s32 $0x16580;
	v6 =	vmul.f32 $5.656854150e+00, v8;
	v4 =	vld [tilespmem:s14+$0xFFFFFF80];
	[tilespmem:s14+$0x0] =	vst v7  }
.LBB2_24:
0x243: {  	v7 =	vld [tilespmem:s16+$0x70];
	s15 =	sadd.s32 $0x8, s15;
	[tilespmem:s14+$0x10] =	vst v5;
	v0 =	vmul.f32 $5.656854150e+00, v0  }
0x244: {  	v5 =	vld [tilespmem:s16+$0xFFFFFF90];
	p0 =	slt.u32 s15, $0x3F8;
	[tilespmem:s14+$0x20] =	vst v6;
	v1 =	vmul.f32 $5.656854150e+00, v1  }
0x245: {  	v6 =	vld [tilespmem:s16+$0xFFFFFFA0];
	[tilespmem:s14+$0x30] =	vst v0;
	v0 =	vmul.f32 $5.656854150e+00, v2  }
0x246: {  	v2 =	vld [tilespmem:s16+$0xFFFFFFB0];
	[tilespmem:s14+$0x40] =	vst v1;
	v1 =	vmul.f32 $5.656854150e+00, v3  }
0x247: {  	v3 =	vld [tilespmem:s16+$0xFFFFFFC0];
	v4 =	vmul.f32 $5.656854150e+00, v4;
	[tilespmem:s14+$0x50] =	vst v0  }
0x248: {  	v0 =	vld [tilespmem:s16+$0xFFFFFFD0];
	v7 =	vmul.f32 $5.656854150e+00, v7;
	[tilespmem:s14+$0x60] =	vst v1  }
0x249: {  	v1 =	vmul.f32 $5.656854150e+00, v5;
	v5 =	vld [tilespmem:s16+$0xFFFFFFE0];
	[tilespmem:s14+$0xFFFFFF80] =	vst v4;
	s14 =	smov.u32 s16  }
0x24a: {  	v4 =	vmul.f32 $5.656854150e+00, v6;
	v6 =	vld [tilespmem:s16+$0xFFFFFFF0];
	[tilespmem:s16+$0x70] =	vst v7  }
0x24b: {  	[tilespmem:s16+$0xFFFFFF90] =	vst v1;
	v1 =	vmul.f32 $5.656854150e+00, v2;
	v2 =	vld [tilespmem:s16+$0x0]  }
0x24c: {  	[tilespmem:s16+$0xFFFFFFA0] =	vst v4;
	v3 =	vmul.f32 $5.656854150e+00, v3;
	v4 =	vld [tilespmem:s16+$0x10]  }
0x24d: {  	[tilespmem:s16+$0xFFFFFFB0] =	vst v1;
	v1 =	vmul.f32 $5.656854150e+00, v0;
	v7 =	vld [tilespmem:s16+$0x20]  }
.Ltmp11:
0x24e: {  	[tilespmem:s16+$0xFFFFFFC0] =	vst v3;
	v3 =	vmul.f32 $5.656854150e+00, v5;
	v0 =	vld [tilespmem:s16+$0x30];
	(pc) =	sbr.rel @p0 .LBB2_24-.Ltmp11, $4  }
0x24f: {  	[tilespmem:s16+$0xFFFFFFD0] =	vst v1;
	v5 =	vmul.f32 $5.656854150e+00, v6;
	v1 =	vld [tilespmem:s16+$0x40]  }
0x250: {  	[tilespmem:s16+$0xFFFFFFE0] =	vst v3;
	v6 =	vmul.f32 $5.656854150e+00, v2;
	v2 =	vld [tilespmem:s16+$0x50]  }
0x251: {  	[tilespmem:s16+$0xFFFFFFF0] =	vst v5;
	v5 =	vmul.f32 $5.656854150e+00, v4;
	v3 =	vld [tilespmem:s16+$0x60]  }
0x252: {  	s16 =	sadd.s32 $0x100, s16;
	v4 =	vld [tilespmem:s14+$0xFFFFFF80];
	[tilespmem:s14+$0x0] =	vst v6;
	v6 =	vmul.f32 $5.656854150e+00, v7  }
0x253: {  	[tilespmem:s14+$0x10] =	vst v5;
	v0 =	vmul.f32 $5.656854150e+00, v0  }
0x254: {  	[tilespmem:s14+$0x20] =	vst v6;
	v1 =	vmul.f32 $5.656854150e+00, v1  }
0x255: {  	[tilespmem:s14+$0x30] =	vst v0;
	v0 =	vmul.f32 $5.656854150e+00, v2  }
0x256: {  	[tilespmem:s14+$0x40] =	vst v1;
	v1 =	vmul.f32 $5.656854150e+00, v3  }
0x257: {  	v2 =	vmul.f32 $5.656854150e+00, v4;
	[tilespmem:s14+$0x50] =	vst v0  }
0x258: {  	[tilespmem:s14+$0x60] =	vst v1  }
0x259: {  	[tilespmem:s14+$0xFFFFFF80] =	vst v2  }
0x25a: {  	s14 =	rddreg [dreg:$0xf]  }
0x25b: {  	[hbm4b:s14+s2] =	stream.linear.scatter [tilespmem:s7], [sflag:$0x6], $0x8000, $0x38;
	[tilespmem:$0x1E400] =	vst v63  }
0x25c: {  	_ =	swait.ge [sflag:s11], $0x8000  }
0x25d: {  	[sflag:s11] =	ssyncset.done $0x0  }
0x25e: {  	s16 =	simm.s32 $0x3400;
	[sflag:s11] =	ssyncadd.s32 $0xFFFF8000  }
0x25f: {  	[tilespmem:s5], [sflag:$0x2] =	stream.indirect.gather [hbm4b:s3+s0], $0x20, s16, s0, $0xb8;
	[tilespmem:$0x1E400] =	vst v63  }
0x260: {  	_ =	swait.ge [sflag:s6], $0x8000  }
0x261: {  	[sflag:s6] =	ssyncset.done $0x0  }
0x262: {  	s14 =	simm.s32 $0x6480;
	[sflag:s6] =	ssyncadd.s32 $0xFFFF8000  }
0x263: {  	v0 =	vld [tilespmem:s14+$0x70]  }
0x264: {  	v1 =	vld [tilespmem:s14+$0xFFFFFF90]  }
0x265: {  	v2 =	vld [tilespmem:s14+$0xFFFFFFA0]  }
0x266: {  	v3 =	vld [tilespmem:s14+$0xFFFFFFB0]  }
0x267: {  	v4 =	vld [tilespmem:s14+$0xFFFFFFC0]  }
0x268: {  	v5 =	vld [tilespmem:s14+$0xFFFFFFD0];
	v0 =	vmul.f32 $5.656854150e+00, v0  }
0x269: {  	v6 =	vld [tilespmem:s14+$0xFFFFFFE0];
	v1 =	vmul.f32 $5.656854150e+00, v1  }
0x26a: {  	v7 =	vld [tilespmem:s14+$0xFFFFFFF0];
	v2 =	vmul.f32 $5.656854150e+00, v2;
	[tilespmem:s14+$0x70] =	vst v0  }
0x26b: {  	[tilespmem:s14+$0xFFFFFF90] =	vst v1;
	v0 =	vmul.f32 $5.656854150e+00, v3;
	v3 =	vld [tilespmem:s14+$0x0]  }
0x26c: {  	[tilespmem:s14+$0xFFFFFFA0] =	vst v2;
	v1 =	vmul.f32 $5.656854150e+00, v4;
	v4 =	vld [tilespmem:s14+$0x10]  }
0x26d: {  	v8 =	vld [tilespmem:s14+$0x20];
	v2 =	vmul.f32 $5.656854150e+00, v5;
	[tilespmem:s14+$0xFFFFFFB0] =	vst v0  }
0x26e: {  	v5 =	vmul.f32 $5.656854150e+00, v6;
	[tilespmem:s14+$0xFFFFFFC0] =	vst v1;
	v0 =	vld [tilespmem:s14+$0x30]  }
0x26f: {  	v6 =	vmul.f32 $5.656854150e+00, v7;
	[tilespmem:s14+$0xFFFFFFD0] =	vst v2;
	v1 =	vld [tilespmem:s14+$0x40]  }
0x270: {  	[tilespmem:s14+$0xFFFFFFE0] =	vst v5;
	v2 =	vld [tilespmem:s14+$0x50];
	v7 =	vmul.f32 $5.656854150e+00, v3  }
0x271: {  	[tilespmem:s14+$0xFFFFFFF0] =	vst v6;
	v3 =	vld [tilespmem:s14+$0x60];
	v5 =	vmul.f32 $5.656854150e+00, v4  }
0x272: {  	s15 =	simm.s32 $0x0;
	s16 =	simm.s32 $0x6580;
	v6 =	vmul.f32 $5.656854150e+00, v8;
	v4 =	vld [tilespmem:s14+$0xFFFFFF80];
	[tilespmem:s14+$0x0] =	vst v7  }
.LBB2_26:
0x273: {  	v7 =	vld [tilespmem:s16+$0x70];
	s15 =	sadd.s32 $0x8, s15;
	[tilespmem:s14+$0x10] =	vst v5;
	v0 =	vmul.f32 $5.656854150e+00, v0  }
0x274: {  	v5 =	vld [tilespmem:s16+$0xFFFFFF90];
	p0 =	slt.u32 s15, $0x3F8;
	[tilespmem:s14+$0x20] =	vst v6;
	v1 =	vmul.f32 $5.656854150e+00, v1  }
0x275: {  	v6 =	vld [tilespmem:s16+$0xFFFFFFA0];
	[tilespmem:s14+$0x30] =	vst v0;
	v0 =	vmul.f32 $5.656854150e+00, v2  }
0x276: {  	v2 =	vld [tilespmem:s16+$0xFFFFFFB0];
	[tilespmem:s14+$0x40] =	vst v1;
	v1 =	vmul.f32 $5.656854150e+00, v3  }
0x277: {  	v3 =	vld [tilespmem:s16+$0xFFFFFFC0];
	v4 =	vmul.f32 $5.656854150e+00, v4;
	[tilespmem:s14+$0x50] =	vst v0  }
0x278: {  	v0 =	vld [tilespmem:s16+$0xFFFFFFD0];
	v7 =	vmul.f32 $5.656854150e+00, v7;
	[tilespmem:s14+$0x60] =	vst v1  }
0x279: {  	v1 =	vmul.f32 $5.656854150e+00, v5;
	v5 =	vld [tilespmem:s16+$0xFFFFFFE0];
	[tilespmem:s14+$0xFFFFFF80] =	vst v4;
	s14 =	smov.u32 s16  }
0x27a: {  	v4 =	vmul.f32 $5.656854150e+00, v6;
	v6 =	vld [tilespmem:s16+$0xFFFFFFF0];
	[tilespmem:s16+$0x70] =	vst v7  }
0x27b: {  	[tilespmem:s16+$0xFFFFFF90] =	vst v1;
	v1 =	vmul.f32 $5.656854150e+00, v2;
	v2 =	vld [tilespmem:s16+$0x0]  }
0x27c: {  	[tilespmem:s16+$0xFFFFFFA0] =	vst v4;
	v3 =	vmul.f32 $5.656854150e+00, v3;
	v4 =	vld [tilespmem:s16+$0x10]  }
0x27d: {  	[tilespmem:s16+$0xFFFFFFB0] =	vst v1;
	v1 =	vmul.f32 $5.656854150e+00, v0;
	v7 =	vld [tilespmem:s16+$0x20]  }
.Ltmp12:
0x27e: {  	[tilespmem:s16+$0xFFFFFFC0] =	vst v3;
	v3 =	vmul.f32 $5.656854150e+00, v5;
	v0 =	vld [tilespmem:s16+$0x30];
	(pc) =	sbr.rel @p0 .LBB2_26-.Ltmp12, $4  }
0x27f: {  	[tilespmem:s16+$0xFFFFFFD0] =	vst v1;
	v5 =	vmul.f32 $5.656854150e+00, v6;
	v1 =	vld [tilespmem:s16+$0x40]  }
0x280: {  	[tilespmem:s16+$0xFFFFFFE0] =	vst v3;
	v6 =	vmul.f32 $5.656854150e+00, v2;
	v2 =	vld [tilespmem:s16+$0x50]  }
0x281: {  	[tilespmem:s16+$0xFFFFFFF0] =	vst v5;
	v5 =	vmul.f32 $5.656854150e+00, v4;
	v3 =	vld [tilespmem:s16+$0x60]  }
0x282: {  	s16 =	sadd.s32 $0x100, s16;
	v4 =	vld [tilespmem:s14+$0xFFFFFF80];
	[tilespmem:s14+$0x0] =	vst v6;
	v6 =	vmul.f32 $5.656854150e+00, v7  }
0x283: {  	[tilespmem:s14+$0x10] =	vst v5;
	v0 =	vmul.f32 $5.656854150e+00, v0  }
0x284: {  	[tilespmem:s14+$0x20] =	vst v6;
	v1 =	vmul.f32 $5.656854150e+00, v1  }
0x285: {  	[tilespmem:s14+$0x30] =	vst v0;
	v0 =	vmul.f32 $5.656854150e+00, v2  }
0x286: {  	[tilespmem:s14+$0x40] =	vst v1;
	v1 =	vmul.f32 $5.656854150e+00, v3  }
0x287: {  	v2 =	vmul.f32 $5.656854150e+00, v4;
	[tilespmem:s14+$0x50] =	vst v0  }
0x288: {  	[tilespmem:s14+$0x60] =	vst v1  }
0x289: {  	[tilespmem:s14+$0xFFFFFF80] =	vst v2  }
0x28a: {  	[hbm4b:s17+s2] =	stream.linear.scatter [tilespmem:s4], [sflag:$0x4], $0x8000, $0x38;
	[tilespmem:$0x1E400] =	vst v63  }
0x28b: {  	_ =	swait.ge [sflag:s12], $0x8000  }
0x28c: {  	[sflag:s12] =	ssyncset.done $0x0  }
0x28d: {  	s16 =	simm.s32 $0x3800;
	[sflag:s12] =	ssyncadd.s32 $0xFFFF8000  }
0x28e: {  	[tilespmem:s7], [sflag:$0x3] =	stream.indirect.gather [hbm4b:s3+s0], $0x20, s16, s0, $0xb8;
	[tilespmem:$0x1E400] =	vst v63  }
0x28f: {  	_ =	swait.ge [sflag:s8], $0x8000  }
0x290: {  	[sflag:s8] =	ssyncset.done $0x0  }
0x291: {  	s14 =	simm.s32 $0xE480;
	[sflag:s8] =	ssyncadd.s32 $0xFFFF8000  }
0x292: {  	v0 =	vld [tilespmem:s14+$0x70]  }
0x293: {  	v1 =	vld [tilespmem:s14+$0xFFFFFF90]  }
0x294: {  	v2 =	vld [tilespmem:s14+$0xFFFFFFA0]  }
0x295: {  	v3 =	vld [tilespmem:s14+$0xFFFFFFB0]  }
0x296: {  	v4 =	vld [tilespmem:s14+$0xFFFFFFC0]  }
0x297: {  	v5 =	vld [tilespmem:s14+$0xFFFFFFD0];
	v0 =	vmul.f32 $5.656854150e+00, v0  }
0x298: {  	v6 =	vld [tilespmem:s14+$0xFFFFFFE0];
	v1 =	vmul.f32 $5.656854150e+00, v1  }
0x299: {  	v7 =	vld [tilespmem:s14+$0xFFFFFFF0];
	v2 =	vmul.f32 $5.656854150e+00, v2;
	[tilespmem:s14+$0x70] =	vst v0  }
0x29a: {  	[tilespmem:s14+$0xFFFFFF90] =	vst v1;
	v0 =	vmul.f32 $5.656854150e+00, v3;
	v3 =	vld [tilespmem:s14+$0x0]  }
0x29b: {  	[tilespmem:s14+$0xFFFFFFA0] =	vst v2;
	v1 =	vmul.f32 $5.656854150e+00, v4;
	v4 =	vld [tilespmem:s14+$0x10]  }
0x29c: {  	v8 =	vld [tilespmem:s14+$0x20];
	v2 =	vmul.f32 $5.656854150e+00, v5;
	[tilespmem:s14+$0xFFFFFFB0] =	vst v0  }
0x29d: {  	v5 =	vmul.f32 $5.656854150e+00, v6;
	[tilespmem:s14+$0xFFFFFFC0] =	vst v1;
	v0 =	vld [tilespmem:s14+$0x30]  }
0x29e: {  	v6 =	vmul.f32 $5.656854150e+00, v7;
	[tilespmem:s14+$0xFFFFFFD0] =	vst v2;
	v1 =	vld [tilespmem:s14+$0x40]  }
0x29f: {  	[tilespmem:s14+$0xFFFFFFE0] =	vst v5;
	v2 =	vld [tilespmem:s14+$0x50];
	v7 =	vmul.f32 $5.656854150e+00, v3  }
0x2a0: {  	[tilespmem:s14+$0xFFFFFFF0] =	vst v6;
	v3 =	vld [tilespmem:s14+$0x60];
	v5 =	vmul.f32 $5.656854150e+00, v4  }
0x2a1: {  	s15 =	simm.s32 $0x0;
	s16 =	simm.s32 $0xE580;
	v6 =	vmul.f32 $5.656854150e+00, v8;
	v4 =	vld [tilespmem:s14+$0xFFFFFF80];
	[tilespmem:s14+$0x0] =	vst v7  }
.LBB2_28:
0x2a2: {  	v7 =	vld [tilespmem:s16+$0x70];
	s15 =	sadd.s32 $0x8, s15;
	[tilespmem:s14+$0x10] =	vst v5;
	v0 =	vmul.f32 $5.656854150e+00, v0  }
0x2a3: {  	v5 =	vld [tilespmem:s16+$0xFFFFFF90];
	p0 =	slt.u32 s15, $0x3F8;
	[tilespmem:s14+$0x20] =	vst v6;
	v1 =	vmul.f32 $5.656854150e+00, v1  }
0x2a4: {  	v6 =	vld [tilespmem:s16+$0xFFFFFFA0];
	[tilespmem:s14+$0x30] =	vst v0;
	v0 =	vmul.f32 $5.656854150e+00, v2  }
0x2a5: {  	v2 =	vld [tilespmem:s16+$0xFFFFFFB0];
	[tilespmem:s14+$0x40] =	vst v1;
	v1 =	vmul.f32 $5.656854150e+00, v3  }
0x2a6: {  	v3 =	vld [tilespmem:s16+$0xFFFFFFC0];
	v4 =	vmul.f32 $5.656854150e+00, v4;
	[tilespmem:s14+$0x50] =	vst v0  }
0x2a7: {  	v0 =	vld [tilespmem:s16+$0xFFFFFFD0];
	v7 =	vmul.f32 $5.656854150e+00, v7;
	[tilespmem:s14+$0x60] =	vst v1  }
0x2a8: {  	v1 =	vmul.f32 $5.656854150e+00, v5;
	v5 =	vld [tilespmem:s16+$0xFFFFFFE0];
	[tilespmem:s14+$0xFFFFFF80] =	vst v4;
	s14 =	smov.u32 s16  }
0x2a9: {  	v4 =	vmul.f32 $5.656854150e+00, v6;
	v6 =	vld [tilespmem:s16+$0xFFFFFFF0];
	[tilespmem:s16+$0x70] =	vst v7  }
0x2aa: {  	[tilespmem:s16+$0xFFFFFF90] =	vst v1;
	v1 =	vmul.f32 $5.656854150e+00, v2;
	v2 =	vld [tilespmem:s16+$0x0]  }
0x2ab: {  	[tilespmem:s16+$0xFFFFFFA0] =	vst v4;
	v3 =	vmul.f32 $5.656854150e+00, v3;
	v4 =	vld [tilespmem:s16+$0x10]  }
0x2ac: {  	[tilespmem:s16+$0xFFFFFFB0] =	vst v1;
	v1 =	vmul.f32 $5.656854150e+00, v0;
	v7 =	vld [tilespmem:s16+$0x20]  }
.Ltmp13:
0x2ad: {  	[tilespmem:s16+$0xFFFFFFC0] =	vst v3;
	v3 =	vmul.f32 $5.656854150e+00, v5;
	v0 =	vld [tilespmem:s16+$0x30];
	(pc) =	sbr.rel @p0 .LBB2_28-.Ltmp13, $4  }
0x2ae: {  	[tilespmem:s16+$0xFFFFFFD0] =	vst v1;
	v5 =	vmul.f32 $5.656854150e+00, v6;
	v1 =	vld [tilespmem:s16+$0x40]  }
0x2af: {  	[tilespmem:s16+$0xFFFFFFE0] =	vst v3;
	v6 =	vmul.f32 $5.656854150e+00, v2;
	v2 =	vld [tilespmem:s16+$0x50]  }
0x2b0: {  	[tilespmem:s16+$0xFFFFFFF0] =	vst v5;
	v5 =	vmul.f32 $5.656854150e+00, v4;
	v3 =	vld [tilespmem:s16+$0x60]  }
0x2b1: {  	s16 =	sadd.s32 $0x100, s16;
	v4 =	vld [tilespmem:s14+$0xFFFFFF80];
	[tilespmem:s14+$0x0] =	vst v6;
	v6 =	vmul.f32 $5.656854150e+00, v7  }
0x2b2: {  	[tilespmem:s14+$0x10] =	vst v5;
	v0 =	vmul.f32 $5.656854150e+00, v0  }
0x2b3: {  	[tilespmem:s14+$0x20] =	vst v6;
	v1 =	vmul.f32 $5.656854150e+00, v1  }
0x2b4: {  	[tilespmem:s14+$0x30] =	vst v0;
	v0 =	vmul.f32 $5.656854150e+00, v2  }
0x2b5: {  	[tilespmem:s14+$0x40] =	vst v1;
	v1 =	vmul.f32 $5.656854150e+00, v3  }
0x2b6: {  	v2 =	vmul.f32 $5.656854150e+00, v4;
	[tilespmem:s14+$0x50] =	vst v0  }
0x2b7: {  	[tilespmem:s14+$0x60] =	vst v1  }
0x2b8: {  	[tilespmem:s14+$0xFFFFFF80] =	vst v2  }
0x2b9: {  	[hbm4b:s18+s2] =	stream.linear.scatter [tilespmem:s5], [sflag:$0x5], $0x8000, $0x38;
	[tilespmem:$0x1E400] =	vst v63  }
0x2ba: {  	_ =	swait.ge [sflag:s9], $0x8000  }
0x2bb: {  	[sflag:s9] =	ssyncset.done $0x0  }
0x2bc: {  	s16 =	simm.s32 $0x3C00;
	[sflag:s9] =	ssyncadd.s32 $0xFFFF8000  }
0x2bd: {  	[tilespmem:s4], [sflag:$0x1] =	stream.indirect.gather [hbm4b:s3+s0], $0x20, s16, s0, $0xb8;
	[tilespmem:$0x1E400] =	vst v63  }
0x2be: {  	_ =	swait.ge [sflag:s10], $0x8000  }
0x2bf: {  	[sflag:s10] =	ssyncset.done $0x0  }
0x2c0: {  	s14 =	simm.s32 $0x16480;
	[sflag:s10] =	ssyncadd.s32 $0xFFFF8000  }
0x2c1: {  	v0 =	vld [tilespmem:s14+$0x70]  }
0x2c2: {  	v1 =	vld [tilespmem:s14+$0xFFFFFF90]  }
0x2c3: {  	v2 =	vld [tilespmem:s14+$0xFFFFFFA0]  }
0x2c4: {  	v3 =	vld [tilespmem:s14+$0xFFFFFFB0]  }
0x2c5: {  	v4 =	vld [tilespmem:s14+$0xFFFFFFC0]  }
0x2c6: {  	v5 =	vld [tilespmem:s14+$0xFFFFFFD0];
	v0 =	vmul.f32 $5.656854150e+00, v0  }
0x2c7: {  	v6 =	vld [tilespmem:s14+$0xFFFFFFE0];
	v1 =	vmul.f32 $5.656854150e+00, v1  }
0x2c8: {  	v7 =	vld [tilespmem:s14+$0xFFFFFFF0];
	v2 =	vmul.f32 $5.656854150e+00, v2;
	[tilespmem:s14+$0x70] =	vst v0  }
0x2c9: {  	[tilespmem:s14+$0xFFFFFF90] =	vst v1;
	v0 =	vmul.f32 $5.656854150e+00, v3;
	v3 =	vld [tilespmem:s14+$0x0]  }
0x2ca: {  	[tilespmem:s14+$0xFFFFFFA0] =	vst v2;
	v1 =	vmul.f32 $5.656854150e+00, v4;
	v4 =	vld [tilespmem:s14+$0x10]  }
0x2cb: {  	v8 =	vld [tilespmem:s14+$0x20];
	v2 =	vmul.f32 $5.656854150e+00, v5;
	[tilespmem:s14+$0xFFFFFFB0] =	vst v0  }
0x2cc: {  	v5 =	vmul.f32 $5.656854150e+00, v6;
	[tilespmem:s14+$0xFFFFFFC0] =	vst v1;
	v0 =	vld [tilespmem:s14+$0x30]  }
0x2cd: {  	v6 =	vmul.f32 $5.656854150e+00, v7;
	[tilespmem:s14+$0xFFFFFFD0] =	vst v2;
	v1 =	vld [tilespmem:s14+$0x40]  }
0x2ce: {  	[tilespmem:s14+$0xFFFFFFE0] =	vst v5;
	v2 =	vld [tilespmem:s14+$0x50];
	v7 =	vmul.f32 $5.656854150e+00, v3  }
0x2cf: {  	[tilespmem:s14+$0xFFFFFFF0] =	vst v6;
	v3 =	vld [tilespmem:s14+$0x60];
	v5 =	vmul.f32 $5.656854150e+00, v4  }
0x2d0: {  	s15 =	simm.s32 $0x0;
	s16 =	simm.s32 $0x16580;
	v6 =	vmul.f32 $5.656854150e+00, v8;
	v4 =	vld [tilespmem:s14+$0xFFFFFF80];
	[tilespmem:s14+$0x0] =	vst v7  }
.LBB2_30:
0x2d1: {  	v7 =	vld [tilespmem:s16+$0x70];
	s15 =	sadd.s32 $0x8, s15;
	[tilespmem:s14+$0x10] =	vst v5;
	v0 =	vmul.f32 $5.656854150e+00, v0  }
0x2d2: {  	v5 =	vld [tilespmem:s16+$0xFFFFFF90];
	p0 =	slt.u32 s15, $0x3F8;
	[tilespmem:s14+$0x20] =	vst v6;
	v1 =	vmul.f32 $5.656854150e+00, v1  }
0x2d3: {  	v6 =	vld [tilespmem:s16+$0xFFFFFFA0];
	[tilespmem:s14+$0x30] =	vst v0;
	v0 =	vmul.f32 $5.656854150e+00, v2  }
0x2d4: {  	v2 =	vld [tilespmem:s16+$0xFFFFFFB0];
	[tilespmem:s14+$0x40] =	vst v1;
	v1 =	vmul.f32 $5.656854150e+00, v3  }
0x2d5: {  	v3 =	vld [tilespmem:s16+$0xFFFFFFC0];
	v4 =	vmul.f32 $5.656854150e+00, v4;
	[tilespmem:s14+$0x50] =	vst v0  }
0x2d6: {  	v0 =	vld [tilespmem:s16+$0xFFFFFFD0];
	v7 =	vmul.f32 $5.656854150e+00, v7;
	[tilespmem:s14+$0x60] =	vst v1  }
0x2d7: {  	v1 =	vmul.f32 $5.656854150e+00, v5;
	v5 =	vld [tilespmem:s16+$0xFFFFFFE0];
	[tilespmem:s14+$0xFFFFFF80] =	vst v4;
	s14 =	smov.u32 s16  }
0x2d8: {  	v4 =	vmul.f32 $5.656854150e+00, v6;
	v6 =	vld [tilespmem:s16+$0xFFFFFFF0];
	[tilespmem:s16+$0x70] =	vst v7  }
0x2d9: {  	[tilespmem:s16+$0xFFFFFF90] =	vst v1;
	v1 =	vmul.f32 $5.656854150e+00, v2;
	v2 =	vld [tilespmem:s16+$0x0]  }
0x2da: {  	[tilespmem:s16+$0xFFFFFFA0] =	vst v4;
	v3 =	vmul.f32 $5.656854150e+00, v3;
	v4 =	vld [tilespmem:s16+$0x10]  }
0x2db: {  	[tilespmem:s16+$0xFFFFFFB0] =	vst v1;
	v1 =	vmul.f32 $5.656854150e+00, v0;
	v7 =	vld [tilespmem:s16+$0x20]  }
.Ltmp14:
0x2dc: {  	[tilespmem:s16+$0xFFFFFFC0] =	vst v3;
	v3 =	vmul.f32 $5.656854150e+00, v5;
	v0 =	vld [tilespmem:s16+$0x30];
	(pc) =	sbr.rel @p0 .LBB2_30-.Ltmp14, $4  }
0x2dd: {  	[tilespmem:s16+$0xFFFFFFD0] =	vst v1;
	v5 =	vmul.f32 $5.656854150e+00, v6;
	v1 =	vld [tilespmem:s16+$0x40]  }
0x2de: {  	[tilespmem:s16+$0xFFFFFFE0] =	vst v3;
	v6 =	vmul.f32 $5.656854150e+00, v2;
	v2 =	vld [tilespmem:s16+$0x50]  }
0x2df: {  	[tilespmem:s16+$0xFFFFFFF0] =	vst v5;
	v5 =	vmul.f32 $5.656854150e+00, v4;
	v3 =	vld [tilespmem:s16+$0x60]  }
0x2e0: {  	s16 =	sadd.s32 $0x100, s16;
	v4 =	vld [tilespmem:s14+$0xFFFFFF80];
	[tilespmem:s14+$0x0] =	vst v6;
	v6 =	vmul.f32 $5.656854150e+00, v7  }
0x2e1: {  	[tilespmem:s14+$0x10] =	vst v5;
	v0 =	vmul.f32 $5.656854150e+00, v0  }
0x2e2: {  	[tilespmem:s14+$0x20] =	vst v6;
	v1 =	vmul.f32 $5.656854150e+00, v1  }
0x2e3: {  	[tilespmem:s14+$0x30] =	vst v0;
	v0 =	vmul.f32 $5.656854150e+00, v2  }
0x2e4: {  	[tilespmem:s14+$0x40] =	vst v1;
	v1 =	vmul.f32 $5.656854150e+00, v3  }
0x2e5: {  	v2 =	vmul.f32 $5.656854150e+00, v4;
	[tilespmem:s14+$0x50] =	vst v0  }
0x2e6: {  	[tilespmem:s14+$0x60] =	vst v1  }
0x2e7: {  	[tilespmem:s14+$0xFFFFFF80] =	vst v2  }
0x2e8: {  	[hbm4b:s19+s2] =	stream.linear.scatter [tilespmem:s7], [sflag:$0x6], $0x8000, $0x38;
	[tilespmem:$0x1E400] =	vst v63  }
0x2e9: {  	_ =	swait.ge [sflag:s11], $0x8000  }
0x2ea: {  	[sflag:s11] =	ssyncset.done $0x0  }
0x2eb: {  	s16 =	simm.s32 $0x4000;
	[sflag:s11] =	ssyncadd.s32 $0xFFFF8000  }
0x2ec: {  	[tilespmem:s5], [sflag:$0x2] =	stream.indirect.gather [hbm4b:s3+s0], $0x20, s16, s0, $0xb8;
	[tilespmem:$0x1E400] =	vst v63  }
0x2ed: {  	_ =	swait.ge [sflag:s6], $0x8000  }
0x2ee: {  	[sflag:s6] =	ssyncset.done $0x0  }
0x2ef: {  	s14 =	simm.s32 $0x6480;
	[sflag:s6] =	ssyncadd.s32 $0xFFFF8000  }
0x2f0: {  	v0 =	vld [tilespmem:s14+$0x70]  }
0x2f1: {  	v1 =	vld [tilespmem:s14+$0xFFFFFF90]  }
0x2f2: {  	v2 =	vld [tilespmem:s14+$0xFFFFFFA0]  }
0x2f3: {  	v3 =	vld [tilespmem:s14+$0xFFFFFFB0]  }
0x2f4: {  	v4 =	vld [tilespmem:s14+$0xFFFFFFC0]  }
0x2f5: {  	v5 =	vld [tilespmem:s14+$0xFFFFFFD0];
	v0 =	vmul.f32 $5.656854150e+00, v0  }
0x2f6: {  	v6 =	vld [tilespmem:s14+$0xFFFFFFE0];
	v1 =	vmul.f32 $5.656854150e+00, v1  }
0x2f7: {  	v7 =	vld [tilespmem:s14+$0xFFFFFFF0];
	v2 =	vmul.f32 $5.656854150e+00, v2;
	[tilespmem:s14+$0x70] =	vst v0  }
0x2f8: {  	[tilespmem:s14+$0xFFFFFF90] =	vst v1;
	v0 =	vmul.f32 $5.656854150e+00, v3;
	v3 =	vld [tilespmem:s14+$0x0]  }
0x2f9: {  	[tilespmem:s14+$0xFFFFFFA0] =	vst v2;
	v1 =	vmul.f32 $5.656854150e+00, v4;
	v4 =	vld [tilespmem:s14+$0x10]  }
0x2fa: {  	v8 =	vld [tilespmem:s14+$0x20];
	v2 =	vmul.f32 $5.656854150e+00, v5;
	[tilespmem:s14+$0xFFFFFFB0] =	vst v0  }
0x2fb: {  	v5 =	vmul.f32 $5.656854150e+00, v6;
	[tilespmem:s14+$0xFFFFFFC0] =	vst v1;
	v0 =	vld [tilespmem:s14+$0x30]  }
0x2fc: {  	v6 =	vmul.f32 $5.656854150e+00, v7;
	[tilespmem:s14+$0xFFFFFFD0] =	vst v2;
	v1 =	vld [tilespmem:s14+$0x40]  }
0x2fd: {  	[tilespmem:s14+$0xFFFFFFE0] =	vst v5;
	v2 =	vld [tilespmem:s14+$0x50];
	v7 =	vmul.f32 $5.656854150e+00, v3  }
0x2fe: {  	[tilespmem:s14+$0xFFFFFFF0] =	vst v6;
	v3 =	vld [tilespmem:s14+$0x60];
	v5 =	vmul.f32 $5.656854150e+00, v4  }
0x2ff: {  	s15 =	simm.s32 $0x0;
	s16 =	simm.s32 $0x6580;
	v6 =	vmul.f32 $5.656854150e+00, v8;
	v4 =	vld [tilespmem:s14+$0xFFFFFF80];
	[tilespmem:s14+$0x0] =	vst v7  }
.LBB2_32:
0x300: {  	v7 =	vld [tilespmem:s16+$0x70];
	s15 =	sadd.s32 $0x8, s15;
	[tilespmem:s14+$0x10] =	vst v5;
	v0 =	vmul.f32 $5.656854150e+00, v0  }
0x301: {  	v5 =	vld [tilespmem:s16+$0xFFFFFF90];
	p0 =	slt.u32 s15, $0x3F8;
	[tilespmem:s14+$0x20] =	vst v6;
	v1 =	vmul.f32 $5.656854150e+00, v1  }
0x302: {  	v6 =	vld [tilespmem:s16+$0xFFFFFFA0];
	[tilespmem:s14+$0x30] =	vst v0;
	v0 =	vmul.f32 $5.656854150e+00, v2  }
0x303: {  	v2 =	vld [tilespmem:s16+$0xFFFFFFB0];
	[tilespmem:s14+$0x40] =	vst v1;
	v1 =	vmul.f32 $5.656854150e+00, v3  }
0x304: {  	v3 =	vld [tilespmem:s16+$0xFFFFFFC0];
	v4 =	vmul.f32 $5.656854150e+00, v4;
	[tilespmem:s14+$0x50] =	vst v0  }
0x305: {  	v0 =	vld [tilespmem:s16+$0xFFFFFFD0];
	v7 =	vmul.f32 $5.656854150e+00, v7;
	[tilespmem:s14+$0x60] =	vst v1  }
0x306: {  	v1 =	vmul.f32 $5.656854150e+00, v5;
	v5 =	vld [tilespmem:s16+$0xFFFFFFE0];
	[tilespmem:s14+$0xFFFFFF80] =	vst v4;
	s14 =	smov.u32 s16  }
0x307: {  	v4 =	vmul.f32 $5.656854150e+00, v6;
	v6 =	vld [tilespmem:s16+$0xFFFFFFF0];
	[tilespmem:s16+$0x70] =	vst v7  }
0x308: {  	[tilespmem:s16+$0xFFFFFF90] =	vst v1;
	v1 =	vmul.f32 $5.656854150e+00, v2;
	v2 =	vld [tilespmem:s16+$0x0]  }
0x309: {  	[tilespmem:s16+$0xFFFFFFA0] =	vst v4;
	v3 =	vmul.f32 $5.656854150e+00, v3;
	v4 =	vld [tilespmem:s16+$0x10]  }
0x30a: {  	[tilespmem:s16+$0xFFFFFFB0] =	vst v1;
	v1 =	vmul.f32 $5.656854150e+00, v0;
	v7 =	vld [tilespmem:s16+$0x20]  }
.Ltmp15:
0x30b: {  	[tilespmem:s16+$0xFFFFFFC0] =	vst v3;
	v3 =	vmul.f32 $5.656854150e+00, v5;
	v0 =	vld [tilespmem:s16+$0x30];
	(pc) =	sbr.rel @p0 .LBB2_32-.Ltmp15, $4  }
0x30c: {  	[tilespmem:s16+$0xFFFFFFD0] =	vst v1;
	v5 =	vmul.f32 $5.656854150e+00, v6;
	v1 =	vld [tilespmem:s16+$0x40]  }
0x30d: {  	[tilespmem:s16+$0xFFFFFFE0] =	vst v3;
	v6 =	vmul.f32 $5.656854150e+00, v2;
	v2 =	vld [tilespmem:s16+$0x50]  }
0x30e: {  	[tilespmem:s16+$0xFFFFFFF0] =	vst v5;
	v5 =	vmul.f32 $5.656854150e+00, v4;
	v3 =	vld [tilespmem:s16+$0x60]  }
0x30f: {  	s16 =	sadd.s32 $0x100, s16;
	v4 =	vld [tilespmem:s14+$0xFFFFFF80];
	[tilespmem:s14+$0x0] =	vst v6;
	v6 =	vmul.f32 $5.656854150e+00, v7  }
0x310: {  	[tilespmem:s14+$0x10] =	vst v5;
	v0 =	vmul.f32 $5.656854150e+00, v0  }
0x311: {  	[tilespmem:s14+$0x20] =	vst v6;
	v1 =	vmul.f32 $5.656854150e+00, v1  }
0x312: {  	[tilespmem:s14+$0x30] =	vst v0;
	v0 =	vmul.f32 $5.656854150e+00, v2  }
0x313: {  	[tilespmem:s14+$0x40] =	vst v1;
	v1 =	vmul.f32 $5.656854150e+00, v3  }
0x314: {  	v2 =	vmul.f32 $5.656854150e+00, v4;
	[tilespmem:s14+$0x50] =	vst v0  }
0x315: {  	[tilespmem:s14+$0x60] =	vst v1  }
0x316: {  	[tilespmem:s14+$0xFFFFFF80] =	vst v2  }
0x317: {  	[hbm4b:s20+s2] =	stream.linear.scatter [tilespmem:s4], [sflag:$0x4], $0x8000, $0x38;
	[tilespmem:$0x1E400] =	vst v63  }
0x318: {  	_ =	swait.ge [sflag:s12], $0x8000  }
0x319: {  	[sflag:s12] =	ssyncset.done $0x0  }
0x31a: {  	s16 =	simm.s32 $0x4400;
	[sflag:s12] =	ssyncadd.s32 $0xFFFF8000  }
0x31b: {  	[tilespmem:s7], [sflag:$0x3] =	stream.indirect.gather [hbm4b:s3+s0], $0x20, s16, s0, $0xb8;
	[tilespmem:$0x1E400] =	vst v63  }
0x31c: {  	_ =	swait.ge [sflag:s8], $0x8000  }
0x31d: {  	[sflag:s8] =	ssyncset.done $0x0  }
0x31e: {  	s14 =	simm.s32 $0xE480;
	[sflag:s8] =	ssyncadd.s32 $0xFFFF8000  }
0x31f: {  	v0 =	vld [tilespmem:s14+$0x70]  }
0x320: {  	v1 =	vld [tilespmem:s14+$0xFFFFFF90]  }
0x321: {  	v2 =	vld [tilespmem:s14+$0xFFFFFFA0]  }
0x322: {  	v3 =	vld [tilespmem:s14+$0xFFFFFFB0]  }
0x323: {  	v4 =	vld [tilespmem:s14+$0xFFFFFFC0]  }
0x324: {  	v5 =	vld [tilespmem:s14+$0xFFFFFFD0];
	v0 =	vmul.f32 $5.656854150e+00, v0  }
0x325: {  	v6 =	vld [tilespmem:s14+$0xFFFFFFE0];
	v1 =	vmul.f32 $5.656854150e+00, v1  }
0x326: {  	v7 =	vld [tilespmem:s14+$0xFFFFFFF0];
	v2 =	vmul.f32 $5.656854150e+00, v2;
	[tilespmem:s14+$0x70] =	vst v0  }
0x327: {  	[tilespmem:s14+$0xFFFFFF90] =	vst v1;
	v0 =	vmul.f32 $5.656854150e+00, v3;
	v3 =	vld [tilespmem:s14+$0x0]  }
0x328: {  	[tilespmem:s14+$0xFFFFFFA0] =	vst v2;
	v1 =	vmul.f32 $5.656854150e+00, v4;
	v4 =	vld [tilespmem:s14+$0x10]  }
0x329: {  	v8 =	vld [tilespmem:s14+$0x20];
	v2 =	vmul.f32 $5.656854150e+00, v5;
	[tilespmem:s14+$0xFFFFFFB0] =	vst v0  }
0x32a: {  	v5 =	vmul.f32 $5.656854150e+00, v6;
	[tilespmem:s14+$0xFFFFFFC0] =	vst v1;
	v0 =	vld [tilespmem:s14+$0x30]  }
0x32b: {  	v6 =	vmul.f32 $5.656854150e+00, v7;
	[tilespmem:s14+$0xFFFFFFD0] =	vst v2;
	v1 =	vld [tilespmem:s14+$0x40]  }
0x32c: {  	[tilespmem:s14+$0xFFFFFFE0] =	vst v5;
	v2 =	vld [tilespmem:s14+$0x50];
	v7 =	vmul.f32 $5.656854150e+00, v3  }
0x32d: {  	[tilespmem:s14+$0xFFFFFFF0] =	vst v6;
	v3 =	vld [tilespmem:s14+$0x60];
	v5 =	vmul.f32 $5.656854150e+00, v4  }
0x32e: {  	s15 =	simm.s32 $0x0;
	s16 =	simm.s32 $0xE580;
	v6 =	vmul.f32 $5.656854150e+00, v8;
	v4 =	vld [tilespmem:s14+$0xFFFFFF80];
	[tilespmem:s14+$0x0] =	vst v7  }
.LBB2_34:
0x32f: {  	v7 =	vld [tilespmem:s16+$0x70];
	s15 =	sadd.s32 $0x8, s15;
	[tilespmem:s14+$0x10] =	vst v5;
	v0 =	vmul.f32 $5.656854150e+00, v0  }
0x330: {  	v5 =	vld [tilespmem:s16+$0xFFFFFF90];
	p0 =	slt.u32 s15, $0x3F8;
	[tilespmem:s14+$0x20] =	vst v6;
	v1 =	vmul.f32 $5.656854150e+00, v1  }
0x331: {  	v6 =	vld [tilespmem:s16+$0xFFFFFFA0];
	[tilespmem:s14+$0x30] =	vst v0;
	v0 =	vmul.f32 $5.656854150e+00, v2  }
0x332: {  	v2 =	vld [tilespmem:s16+$0xFFFFFFB0];
	[tilespmem:s14+$0x40] =	vst v1;
	v1 =	vmul.f32 $5.656854150e+00, v3  }
0x333: {  	v3 =	vld [tilespmem:s16+$0xFFFFFFC0];
	v4 =	vmul.f32 $5.656854150e+00, v4;
	[tilespmem:s14+$0x50] =	vst v0  }
0x334: {  	v0 =	vld [tilespmem:s16+$0xFFFFFFD0];
	v7 =	vmul.f32 $5.656854150e+00, v7;
	[tilespmem:s14+$0x60] =	vst v1  }
0x335: {  	v1 =	vmul.f32 $5.656854150e+00, v5;
	v5 =	vld [tilespmem:s16+$0xFFFFFFE0];
	[tilespmem:s14+$0xFFFFFF80] =	vst v4;
	s14 =	smov.u32 s16  }
0x336: {  	v4 =	vmul.f32 $5.656854150e+00, v6;
	v6 =	vld [tilespmem:s16+$0xFFFFFFF0];
	[tilespmem:s16+$0x70] =	vst v7  }
0x337: {  	[tilespmem:s16+$0xFFFFFF90] =	vst v1;
	v1 =	vmul.f32 $5.656854150e+00, v2;
	v2 =	vld [tilespmem:s16+$0x0]  }
0x338: {  	[tilespmem:s16+$0xFFFFFFA0] =	vst v4;
	v3 =	vmul.f32 $5.656854150e+00, v3;
	v4 =	vld [tilespmem:s16+$0x10]  }
0x339: {  	[tilespmem:s16+$0xFFFFFFB0] =	vst v1;
	v1 =	vmul.f32 $5.656854150e+00, v0;
	v7 =	vld [tilespmem:s16+$0x20]  }
.Ltmp16:
0x33a: {  	[tilespmem:s16+$0xFFFFFFC0] =	vst v3;
	v3 =	vmul.f32 $5.656854150e+00, v5;
	v0 =	vld [tilespmem:s16+$0x30];
	(pc) =	sbr.rel @p0 .LBB2_34-.Ltmp16, $4  }
0x33b: {  	[tilespmem:s16+$0xFFFFFFD0] =	vst v1;
	v5 =	vmul.f32 $5.656854150e+00, v6;
	v1 =	vld [tilespmem:s16+$0x40]  }
0x33c: {  	[tilespmem:s16+$0xFFFFFFE0] =	vst v3;
	v6 =	vmul.f32 $5.656854150e+00, v2;
	v2 =	vld [tilespmem:s16+$0x50]  }
0x33d: {  	[tilespmem:s16+$0xFFFFFFF0] =	vst v5;
	v5 =	vmul.f32 $5.656854150e+00, v4;
	v3 =	vld [tilespmem:s16+$0x60]  }
0x33e: {  	s16 =	sadd.s32 $0x100, s16;
	v4 =	vld [tilespmem:s14+$0xFFFFFF80];
	[tilespmem:s14+$0x0] =	vst v6;
	v6 =	vmul.f32 $5.656854150e+00, v7  }
0x33f: {  	[tilespmem:s14+$0x10] =	vst v5;
	v0 =	vmul.f32 $5.656854150e+00, v0  }
0x340: {  	[tilespmem:s14+$0x20] =	vst v6;
	v1 =	vmul.f32 $5.656854150e+00, v1  }
0x341: {  	[tilespmem:s14+$0x30] =	vst v0;
	v0 =	vmul.f32 $5.656854150e+00, v2  }
0x342: {  	[tilespmem:s14+$0x40] =	vst v1;
	v1 =	vmul.f32 $5.656854150e+00, v3  }
0x343: {  	v2 =	vmul.f32 $5.656854150e+00, v4;
	[tilespmem:s14+$0x50] =	vst v0  }
0x344: {  	[tilespmem:s14+$0x60] =	vst v1  }
0x345: {  	[tilespmem:s14+$0xFFFFFF80] =	vst v2  }
0x346: {  	[hbm4b:s21+s2] =	stream.linear.scatter [tilespmem:s5], [sflag:$0x5], $0x8000, $0x38;
	[tilespmem:$0x1E400] =	vst v63  }
0x347: {  	_ =	swait.ge [sflag:s9], $0x8000  }
0x348: {  	[sflag:s9] =	ssyncset.done $0x0  }
0x349: {  	s16 =	simm.s32 $0x4800;
	[sflag:s9] =	ssyncadd.s32 $0xFFFF8000  }
0x34a: {  	[tilespmem:s4], [sflag:$0x1] =	stream.indirect.gather [hbm4b:s3+s0], $0x20, s16, s0, $0xb8;
	[tilespmem:$0x1E400] =	vst v63  }
0x34b: {  	_ =	swait.ge [sflag:s10], $0x8000  }
0x34c: {  	[sflag:s10] =	ssyncset.done $0x0  }
0x34d: {  	s14 =	simm.s32 $0x16480;
	[sflag:s10] =	ssyncadd.s32 $0xFFFF8000  }
0x34e: {  	v0 =	vld [tilespmem:s14+$0x70]  }
0x34f: {  	v1 =	vld [tilespmem:s14+$0xFFFFFF90]  }
0x350: {  	v2 =	vld [tilespmem:s14+$0xFFFFFFA0]  }
0x351: {  	v3 =	vld [tilespmem:s14+$0xFFFFFFB0]  }
0x352: {  	v4 =	vld [tilespmem:s14+$0xFFFFFFC0]  }
0x353: {  	v5 =	vld [tilespmem:s14+$0xFFFFFFD0];
	v0 =	vmul.f32 $5.656854150e+00, v0  }
0x354: {  	v6 =	vld [tilespmem:s14+$0xFFFFFFE0];
	v1 =	vmul.f32 $5.656854150e+00, v1  }
0x355: {  	v7 =	vld [tilespmem:s14+$0xFFFFFFF0];
	v2 =	vmul.f32 $5.656854150e+00, v2;
	[tilespmem:s14+$0x70] =	vst v0  }
0x356: {  	[tilespmem:s14+$0xFFFFFF90] =	vst v1;
	v0 =	vmul.f32 $5.656854150e+00, v3;
	v3 =	vld [tilespmem:s14+$0x0]  }
0x357: {  	[tilespmem:s14+$0xFFFFFFA0] =	vst v2;
	v1 =	vmul.f32 $5.656854150e+00, v4;
	v4 =	vld [tilespmem:s14+$0x10]  }
0x358: {  	v8 =	vld [tilespmem:s14+$0x20];
	v2 =	vmul.f32 $5.656854150e+00, v5;
	[tilespmem:s14+$0xFFFFFFB0] =	vst v0  }
0x359: {  	v5 =	vmul.f32 $5.656854150e+00, v6;
	[tilespmem:s14+$0xFFFFFFC0] =	vst v1;
	v0 =	vld [tilespmem:s14+$0x30]  }
0x35a: {  	v6 =	vmul.f32 $5.656854150e+00, v7;
	[tilespmem:s14+$0xFFFFFFD0] =	vst v2;
	v1 =	vld [tilespmem:s14+$0x40]  }
0x35b: {  	[tilespmem:s14+$0xFFFFFFE0] =	vst v5;
	v2 =	vld [tilespmem:s14+$0x50];
	v7 =	vmul.f32 $5.656854150e+00, v3  }
0x35c: {  	[tilespmem:s14+$0xFFFFFFF0] =	vst v6;
	v3 =	vld [tilespmem:s14+$0x60];
	v5 =	vmul.f32 $5.656854150e+00, v4  }
0x35d: {  	s15 =	simm.s32 $0x0;
	s16 =	simm.s32 $0x16580;
	v6 =	vmul.f32 $5.656854150e+00, v8;
	v4 =	vld [tilespmem:s14+$0xFFFFFF80];
	[tilespmem:s14+$0x0] =	vst v7  }
.LBB2_36:
0x35e: {  	v7 =	vld [tilespmem:s16+$0x70];
	s15 =	sadd.s32 $0x8, s15;
	[tilespmem:s14+$0x10] =	vst v5;
	v0 =	vmul.f32 $5.656854150e+00, v0  }
0x35f: {  	v5 =	vld [tilespmem:s16+$0xFFFFFF90];
	p0 =	slt.u32 s15, $0x3F8;
	[tilespmem:s14+$0x20] =	vst v6;
	v1 =	vmul.f32 $5.656854150e+00, v1  }
0x360: {  	v6 =	vld [tilespmem:s16+$0xFFFFFFA0];
	[tilespmem:s14+$0x30] =	vst v0;
	v0 =	vmul.f32 $5.656854150e+00, v2  }
0x361: {  	v2 =	vld [tilespmem:s16+$0xFFFFFFB0];
	[tilespmem:s14+$0x40] =	vst v1;
	v1 =	vmul.f32 $5.656854150e+00, v3  }
0x362: {  	v3 =	vld [tilespmem:s16+$0xFFFFFFC0];
	v4 =	vmul.f32 $5.656854150e+00, v4;
	[tilespmem:s14+$0x50] =	vst v0  }
0x363: {  	v0 =	vld [tilespmem:s16+$0xFFFFFFD0];
	v7 =	vmul.f32 $5.656854150e+00, v7;
	[tilespmem:s14+$0x60] =	vst v1  }
0x364: {  	v1 =	vmul.f32 $5.656854150e+00, v5;
	v5 =	vld [tilespmem:s16+$0xFFFFFFE0];
	[tilespmem:s14+$0xFFFFFF80] =	vst v4;
	s14 =	smov.u32 s16  }
0x365: {  	v4 =	vmul.f32 $5.656854150e+00, v6;
	v6 =	vld [tilespmem:s16+$0xFFFFFFF0];
	[tilespmem:s16+$0x70] =	vst v7  }
0x366: {  	[tilespmem:s16+$0xFFFFFF90] =	vst v1;
	v1 =	vmul.f32 $5.656854150e+00, v2;
	v2 =	vld [tilespmem:s16+$0x0]  }
0x367: {  	[tilespmem:s16+$0xFFFFFFA0] =	vst v4;
	v3 =	vmul.f32 $5.656854150e+00, v3;
	v4 =	vld [tilespmem:s16+$0x10]  }
0x368: {  	[tilespmem:s16+$0xFFFFFFB0] =	vst v1;
	v1 =	vmul.f32 $5.656854150e+00, v0;
	v7 =	vld [tilespmem:s16+$0x20]  }
.Ltmp17:
0x369: {  	[tilespmem:s16+$0xFFFFFFC0] =	vst v3;
	v3 =	vmul.f32 $5.656854150e+00, v5;
	v0 =	vld [tilespmem:s16+$0x30];
	(pc) =	sbr.rel @p0 .LBB2_36-.Ltmp17, $4  }
0x36a: {  	[tilespmem:s16+$0xFFFFFFD0] =	vst v1;
	v5 =	vmul.f32 $5.656854150e+00, v6;
	v1 =	vld [tilespmem:s16+$0x40]  }
0x36b: {  	[tilespmem:s16+$0xFFFFFFE0] =	vst v3;
	v6 =	vmul.f32 $5.656854150e+00, v2;
	v2 =	vld [tilespmem:s16+$0x50]  }
0x36c: {  	[tilespmem:s16+$0xFFFFFFF0] =	vst v5;
	v5 =	vmul.f32 $5.656854150e+00, v4;
	v3 =	vld [tilespmem:s16+$0x60]  }
0x36d: {  	s16 =	sadd.s32 $0x100, s16;
	v4 =	vld [tilespmem:s14+$0xFFFFFF80];
	[tilespmem:s14+$0x0] =	vst v6;
	v6 =	vmul.f32 $5.656854150e+00, v7  }
0x36e: {  	[tilespmem:s14+$0x10] =	vst v5;
	v0 =	vmul.f32 $5.656854150e+00, v0  }
0x36f: {  	[tilespmem:s14+$0x20] =	vst v6;
	v1 =	vmul.f32 $5.656854150e+00, v1  }
0x370: {  	[tilespmem:s14+$0x30] =	vst v0;
	v0 =	vmul.f32 $5.656854150e+00, v2  }
0x371: {  	[tilespmem:s14+$0x40] =	vst v1;
	v1 =	vmul.f32 $5.656854150e+00, v3  }
0x372: {  	v2 =	vmul.f32 $5.656854150e+00, v4;
	[tilespmem:s14+$0x50] =	vst v0  }
0x373: {  	[tilespmem:s14+$0x60] =	vst v1  }
0x374: {  	[tilespmem:s14+$0xFFFFFF80] =	vst v2  }
0x375: {  	[hbm4b:s22+s2] =	stream.linear.scatter [tilespmem:s7], [sflag:$0x6], $0x8000, $0x38;
	[tilespmem:$0x1E400] =	vst v63  }
0x376: {  	_ =	swait.ge [sflag:s11], $0x8000  }
0x377: {  	[sflag:s11] =	ssyncset.done $0x0  }
0x378: {  	s16 =	simm.s32 $0x4C00;
	[sflag:s11] =	ssyncadd.s32 $0xFFFF8000  }
0x379: {  	[tilespmem:s5], [sflag:$0x2] =	stream.indirect.gather [hbm4b:s3+s0], $0x20, s16, s0, $0xb8;
	[tilespmem:$0x1E400] =	vst v63  }
0x37a: {  	_ =	swait.ge [sflag:s6], $0x8000  }
0x37b: {  	[sflag:s6] =	ssyncset.done $0x0  }
0x37c: {  	s14 =	simm.s32 $0x6480;
	[sflag:s6] =	ssyncadd.s32 $0xFFFF8000  }
0x37d: {  	v0 =	vld [tilespmem:s14+$0x70]  }
0x37e: {  	v1 =	vld [tilespmem:s14+$0xFFFFFF90]  }
0x37f: {  	v2 =	vld [tilespmem:s14+$0xFFFFFFA0]  }
0x380: {  	v3 =	vld [tilespmem:s14+$0xFFFFFFB0]  }
0x381: {  	v4 =	vld [tilespmem:s14+$0xFFFFFFC0]  }
0x382: {  	v5 =	vld [tilespmem:s14+$0xFFFFFFD0];
	v0 =	vmul.f32 $5.656854150e+00, v0  }
0x383: {  	v6 =	vld [tilespmem:s14+$0xFFFFFFE0];
	v1 =	vmul.f32 $5.656854150e+00, v1  }
0x384: {  	v7 =	vld [tilespmem:s14+$0xFFFFFFF0];
	v2 =	vmul.f32 $5.656854150e+00, v2;
	[tilespmem:s14+$0x70] =	vst v0  }
0x385: {  	[tilespmem:s14+$0xFFFFFF90] =	vst v1;
	v0 =	vmul.f32 $5.656854150e+00, v3;
	v3 =	vld [tilespmem:s14+$0x0]  }
0x386: {  	[tilespmem:s14+$0xFFFFFFA0] =	vst v2;
	v1 =	vmul.f32 $5.656854150e+00, v4;
	v4 =	vld [tilespmem:s14+$0x10]  }
0x387: {  	v8 =	vld [tilespmem:s14+$0x20];
	v2 =	vmul.f32 $5.656854150e+00, v5;
	[tilespmem:s14+$0xFFFFFFB0] =	vst v0  }
0x388: {  	v5 =	vmul.f32 $5.656854150e+00, v6;
	[tilespmem:s14+$0xFFFFFFC0] =	vst v1;
	v0 =	vld [tilespmem:s14+$0x30]  }
0x389: {  	v6 =	vmul.f32 $5.656854150e+00, v7;
	[tilespmem:s14+$0xFFFFFFD0] =	vst v2;
	v1 =	vld [tilespmem:s14+$0x40]  }
0x38a: {  	[tilespmem:s14+$0xFFFFFFE0] =	vst v5;
	v2 =	vld [tilespmem:s14+$0x50];
	v7 =	vmul.f32 $5.656854150e+00, v3  }
0x38b: {  	[tilespmem:s14+$0xFFFFFFF0] =	vst v6;
	v3 =	vld [tilespmem:s14+$0x60];
	v5 =	vmul.f32 $5.656854150e+00, v4  }
0x38c: {  	s15 =	simm.s32 $0x0;
	s16 =	simm.s32 $0x6580;
	v6 =	vmul.f32 $5.656854150e+00, v8;
	v4 =	vld [tilespmem:s14+$0xFFFFFF80];
	[tilespmem:s14+$0x0] =	vst v7  }
.LBB2_38:
0x38d: {  	v7 =	vld [tilespmem:s16+$0x70];
	s15 =	sadd.s32 $0x8, s15;
	[tilespmem:s14+$0x10] =	vst v5;
	v0 =	vmul.f32 $5.656854150e+00, v0  }
0x38e: {  	v5 =	vld [tilespmem:s16+$0xFFFFFF90];
	p0 =	slt.u32 s15, $0x3F8;
	[tilespmem:s14+$0x20] =	vst v6;
	v1 =	vmul.f32 $5.656854150e+00, v1  }
0x38f: {  	v6 =	vld [tilespmem:s16+$0xFFFFFFA0];
	[tilespmem:s14+$0x30] =	vst v0;
	v0 =	vmul.f32 $5.656854150e+00, v2  }
0x390: {  	v2 =	vld [tilespmem:s16+$0xFFFFFFB0];
	[tilespmem:s14+$0x40] =	vst v1;
	v1 =	vmul.f32 $5.656854150e+00, v3  }
0x391: {  	v3 =	vld [tilespmem:s16+$0xFFFFFFC0];
	v4 =	vmul.f32 $5.656854150e+00, v4;
	[tilespmem:s14+$0x50] =	vst v0  }
0x392: {  	v0 =	vld [tilespmem:s16+$0xFFFFFFD0];
	v7 =	vmul.f32 $5.656854150e+00, v7;
	[tilespmem:s14+$0x60] =	vst v1  }
0x393: {  	v1 =	vmul.f32 $5.656854150e+00, v5;
	v5 =	vld [tilespmem:s16+$0xFFFFFFE0];
	[tilespmem:s14+$0xFFFFFF80] =	vst v4;
	s14 =	smov.u32 s16  }
0x394: {  	v4 =	vmul.f32 $5.656854150e+00, v6;
	v6 =	vld [tilespmem:s16+$0xFFFFFFF0];
	[tilespmem:s16+$0x70] =	vst v7  }
0x395: {  	[tilespmem:s16+$0xFFFFFF90] =	vst v1;
	v1 =	vmul.f32 $5.656854150e+00, v2;
	v2 =	vld [tilespmem:s16+$0x0]  }
0x396: {  	[tilespmem:s16+$0xFFFFFFA0] =	vst v4;
	v3 =	vmul.f32 $5.656854150e+00, v3;
	v4 =	vld [tilespmem:s16+$0x10]  }
0x397: {  	[tilespmem:s16+$0xFFFFFFB0] =	vst v1;
	v1 =	vmul.f32 $5.656854150e+00, v0;
	v7 =	vld [tilespmem:s16+$0x20]  }
.Ltmp18:
0x398: {  	[tilespmem:s16+$0xFFFFFFC0] =	vst v3;
	v3 =	vmul.f32 $5.656854150e+00, v5;
	v0 =	vld [tilespmem:s16+$0x30];
	(pc) =	sbr.rel @p0 .LBB2_38-.Ltmp18, $4  }
0x399: {  	[tilespmem:s16+$0xFFFFFFD0] =	vst v1;
	v5 =	vmul.f32 $5.656854150e+00, v6;
	v1 =	vld [tilespmem:s16+$0x40]  }
0x39a: {  	[tilespmem:s16+$0xFFFFFFE0] =	vst v3;
	v6 =	vmul.f32 $5.656854150e+00, v2;
	v2 =	vld [tilespmem:s16+$0x50]  }
0x39b: {  	[tilespmem:s16+$0xFFFFFFF0] =	vst v5;
	v5 =	vmul.f32 $5.656854150e+00, v4;
	v3 =	vld [tilespmem:s16+$0x60]  }
0x39c: {  	s16 =	sadd.s32 $0x100, s16;
	v4 =	vld [tilespmem:s14+$0xFFFFFF80];
	[tilespmem:s14+$0x0] =	vst v6;
	v6 =	vmul.f32 $5.656854150e+00, v7  }
0x39d: {  	[tilespmem:s14+$0x10] =	vst v5;
	v0 =	vmul.f32 $5.656854150e+00, v0  }
0x39e: {  	[tilespmem:s14+$0x20] =	vst v6;
	v1 =	vmul.f32 $5.656854150e+00, v1  }
0x39f: {  	[tilespmem:s14+$0x30] =	vst v0;
	v0 =	vmul.f32 $5.656854150e+00, v2  }
0x3a0: {  	[tilespmem:s14+$0x40] =	vst v1;
	v1 =	vmul.f32 $5.656854150e+00, v3  }
0x3a1: {  	v2 =	vmul.f32 $5.656854150e+00, v4;
	[tilespmem:s14+$0x50] =	vst v0  }
0x3a2: {  	[tilespmem:s14+$0x60] =	vst v1  }
0x3a3: {  	[tilespmem:s14+$0xFFFFFF80] =	vst v2  }
0x3a4: {  	[hbm4b:s23+s2] =	stream.linear.scatter [tilespmem:s4], [sflag:$0x4], $0x8000, $0x38;
	[tilespmem:$0x1E400] =	vst v63  }
0x3a5: {  	_ =	swait.ge [sflag:s12], $0x8000  }
0x3a6: {  	[sflag:s12] =	ssyncset.done $0x0  }
0x3a7: {  	s16 =	simm.s32 $0x5000;
	[sflag:s12] =	ssyncadd.s32 $0xFFFF8000  }
0x3a8: {  	[tilespmem:s7], [sflag:$0x3] =	stream.indirect.gather [hbm4b:s3+s0], $0x20, s16, s0, $0xb8;
	[tilespmem:$0x1E400] =	vst v63  }
0x3a9: {  	_ =	swait.ge [sflag:s8], $0x8000  }
0x3aa: {  	[sflag:s8] =	ssyncset.done $0x0  }
0x3ab: {  	s14 =	simm.s32 $0xE480;
	[sflag:s8] =	ssyncadd.s32 $0xFFFF8000  }
0x3ac: {  	v0 =	vld [tilespmem:s14+$0x70]  }
0x3ad: {  	v1 =	vld [tilespmem:s14+$0xFFFFFF90]  }
0x3ae: {  	v2 =	vld [tilespmem:s14+$0xFFFFFFA0]  }
0x3af: {  	v3 =	vld [tilespmem:s14+$0xFFFFFFB0]  }
0x3b0: {  	v4 =	vld [tilespmem:s14+$0xFFFFFFC0]  }
0x3b1: {  	v5 =	vld [tilespmem:s14+$0xFFFFFFD0];
	v0 =	vmul.f32 $5.656854150e+00, v0  }
0x3b2: {  	v6 =	vld [tilespmem:s14+$0xFFFFFFE0];
	v1 =	vmul.f32 $5.656854150e+00, v1  }
0x3b3: {  	v7 =	vld [tilespmem:s14+$0xFFFFFFF0];
	v2 =	vmul.f32 $5.656854150e+00, v2;
	[tilespmem:s14+$0x70] =	vst v0  }
0x3b4: {  	[tilespmem:s14+$0xFFFFFF90] =	vst v1;
	v0 =	vmul.f32 $5.656854150e+00, v3;
	v3 =	vld [tilespmem:s14+$0x0]  }
0x3b5: {  	[tilespmem:s14+$0xFFFFFFA0] =	vst v2;
	v1 =	vmul.f32 $5.656854150e+00, v4;
	v4 =	vld [tilespmem:s14+$0x10]  }
0x3b6: {  	v8 =	vld [tilespmem:s14+$0x20];
	v2 =	vmul.f32 $5.656854150e+00, v5;
	[tilespmem:s14+$0xFFFFFFB0] =	vst v0  }
0x3b7: {  	v5 =	vmul.f32 $5.656854150e+00, v6;
	[tilespmem:s14+$0xFFFFFFC0] =	vst v1;
	v0 =	vld [tilespmem:s14+$0x30]  }
0x3b8: {  	v6 =	vmul.f32 $5.656854150e+00, v7;
	[tilespmem:s14+$0xFFFFFFD0] =	vst v2;
	v1 =	vld [tilespmem:s14+$0x40]  }
0x3b9: {  	[tilespmem:s14+$0xFFFFFFE0] =	vst v5;
	v2 =	vld [tilespmem:s14+$0x50];
	v7 =	vmul.f32 $5.656854150e+00, v3  }
0x3ba: {  	[tilespmem:s14+$0xFFFFFFF0] =	vst v6;
	v3 =	vld [tilespmem:s14+$0x60];
	v5 =	vmul.f32 $5.656854150e+00, v4  }
0x3bb: {  	s15 =	simm.s32 $0x0;
	s16 =	simm.s32 $0xE580;
	v6 =	vmul.f32 $5.656854150e+00, v8;
	v4 =	vld [tilespmem:s14+$0xFFFFFF80];
	[tilespmem:s14+$0x0] =	vst v7  }
.LBB2_40:
0x3bc: {  	v7 =	vld [tilespmem:s16+$0x70];
	s15 =	sadd.s32 $0x8, s15;
	[tilespmem:s14+$0x10] =	vst v5;
	v0 =	vmul.f32 $5.656854150e+00, v0  }
0x3bd: {  	v5 =	vld [tilespmem:s16+$0xFFFFFF90];
	p0 =	slt.u32 s15, $0x3F8;
	[tilespmem:s14+$0x20] =	vst v6;
	v1 =	vmul.f32 $5.656854150e+00, v1  }
0x3be: {  	v6 =	vld [tilespmem:s16+$0xFFFFFFA0];
	[tilespmem:s14+$0x30] =	vst v0;
	v0 =	vmul.f32 $5.656854150e+00, v2  }
0x3bf: {  	v2 =	vld [tilespmem:s16+$0xFFFFFFB0];
	[tilespmem:s14+$0x40] =	vst v1;
	v1 =	vmul.f32 $5.656854150e+00, v3  }
0x3c0: {  	v3 =	vld [tilespmem:s16+$0xFFFFFFC0];
	v4 =	vmul.f32 $5.656854150e+00, v4;
	[tilespmem:s14+$0x50] =	vst v0  }
0x3c1: {  	v0 =	vld [tilespmem:s16+$0xFFFFFFD0];
	v7 =	vmul.f32 $5.656854150e+00, v7;
	[tilespmem:s14+$0x60] =	vst v1  }
0x3c2: {  	v1 =	vmul.f32 $5.656854150e+00, v5;
	v5 =	vld [tilespmem:s16+$0xFFFFFFE0];
	[tilespmem:s14+$0xFFFFFF80] =	vst v4;
	s14 =	smov.u32 s16  }
0x3c3: {  	v4 =	vmul.f32 $5.656854150e+00, v6;
	v6 =	vld [tilespmem:s16+$0xFFFFFFF0];
	[tilespmem:s16+$0x70] =	vst v7  }
0x3c4: {  	[tilespmem:s16+$0xFFFFFF90] =	vst v1;
	v1 =	vmul.f32 $5.656854150e+00, v2;
	v2 =	vld [tilespmem:s16+$0x0]  }
0x3c5: {  	[tilespmem:s16+$0xFFFFFFA0] =	vst v4;
	v3 =	vmul.f32 $5.656854150e+00, v3;
	v4 =	vld [tilespmem:s16+$0x10]  }
0x3c6: {  	[tilespmem:s16+$0xFFFFFFB0] =	vst v1;
	v1 =	vmul.f32 $5.656854150e+00, v0;
	v7 =	vld [tilespmem:s16+$0x20]  }
.Ltmp19:
0x3c7: {  	[tilespmem:s16+$0xFFFFFFC0] =	vst v3;
	v3 =	vmul.f32 $5.656854150e+00, v5;
	v0 =	vld [tilespmem:s16+$0x30];
	(pc) =	sbr.rel @p0 .LBB2_40-.Ltmp19, $4  }
0x3c8: {  	[tilespmem:s16+$0xFFFFFFD0] =	vst v1;
	v5 =	vmul.f32 $5.656854150e+00, v6;
	v1 =	vld [tilespmem:s16+$0x40]  }
0x3c9: {  	[tilespmem:s16+$0xFFFFFFE0] =	vst v3;
	v6 =	vmul.f32 $5.656854150e+00, v2;
	v2 =	vld [tilespmem:s16+$0x50]  }
0x3ca: {  	[tilespmem:s16+$0xFFFFFFF0] =	vst v5;
	v5 =	vmul.f32 $5.656854150e+00, v4;
	v3 =	vld [tilespmem:s16+$0x60]  }
0x3cb: {  	s16 =	sadd.s32 $0x100, s16;
	v4 =	vld [tilespmem:s14+$0xFFFFFF80];
	[tilespmem:s14+$0x0] =	vst v6;
	v6 =	vmul.f32 $5.656854150e+00, v7  }
0x3cc: {  	[tilespmem:s14+$0x10] =	vst v5;
	v0 =	vmul.f32 $5.656854150e+00, v0  }
0x3cd: {  	[tilespmem:s14+$0x20] =	vst v6;
	v1 =	vmul.f32 $5.656854150e+00, v1  }
0x3ce: {  	[tilespmem:s14+$0x30] =	vst v0;
	v0 =	vmul.f32 $5.656854150e+00, v2  }
0x3cf: {  	[tilespmem:s14+$0x40] =	vst v1;
	v1 =	vmul.f32 $5.656854150e+00, v3  }
0x3d0: {  	v2 =	vmul.f32 $5.656854150e+00, v4;
	[tilespmem:s14+$0x50] =	vst v0  }
0x3d1: {  	[tilespmem:s14+$0x60] =	vst v1  }
0x3d2: {  	[tilespmem:s14+$0xFFFFFF80] =	vst v2  }
0x3d3: {  	[hbm4b:s24+s2] =	stream.linear.scatter [tilespmem:s5], [sflag:$0x5], $0x8000, $0x38;
	[tilespmem:$0x1E400] =	vst v63  }
0x3d4: {  	_ =	swait.ge [sflag:s9], $0x8000  }
0x3d5: {  	[sflag:s9] =	ssyncset.done $0x0  }
0x3d6: {  	s16 =	simm.s32 $0x5400;
	[sflag:s9] =	ssyncadd.s32 $0xFFFF8000  }
0x3d7: {  	[tilespmem:s4], [sflag:$0x1] =	stream.indirect.gather [hbm4b:s3+s0], $0x20, s16, s0, $0xb8;
	[tilespmem:$0x1E400] =	vst v63  }
0x3d8: {  	_ =	swait.ge [sflag:s10], $0x8000  }
0x3d9: {  	[sflag:s10] =	ssyncset.done $0x0  }
0x3da: {  	s14 =	simm.s32 $0x16480;
	[sflag:s10] =	ssyncadd.s32 $0xFFFF8000  }
0x3db: {  	v0 =	vld [tilespmem:s14+$0x70]  }
0x3dc: {  	v1 =	vld [tilespmem:s14+$0xFFFFFF90]  }
0x3dd: {  	v2 =	vld [tilespmem:s14+$0xFFFFFFA0]  }
0x3de: {  	v3 =	vld [tilespmem:s14+$0xFFFFFFB0]  }
0x3df: {  	v4 =	vld [tilespmem:s14+$0xFFFFFFC0]  }
0x3e0: {  	v5 =	vld [tilespmem:s14+$0xFFFFFFD0];
	v0 =	vmul.f32 $5.656854150e+00, v0  }
0x3e1: {  	v6 =	vld [tilespmem:s14+$0xFFFFFFE0];
	v1 =	vmul.f32 $5.656854150e+00, v1  }
0x3e2: {  	v7 =	vld [tilespmem:s14+$0xFFFFFFF0];
	v2 =	vmul.f32 $5.656854150e+00, v2;
	[tilespmem:s14+$0x70] =	vst v0  }
0x3e3: {  	[tilespmem:s14+$0xFFFFFF90] =	vst v1;
	v0 =	vmul.f32 $5.656854150e+00, v3;
	v3 =	vld [tilespmem:s14+$0x0]  }
0x3e4: {  	[tilespmem:s14+$0xFFFFFFA0] =	vst v2;
	v1 =	vmul.f32 $5.656854150e+00, v4;
	v4 =	vld [tilespmem:s14+$0x10]  }
0x3e5: {  	v8 =	vld [tilespmem:s14+$0x20];
	v2 =	vmul.f32 $5.656854150e+00, v5;
	[tilespmem:s14+$0xFFFFFFB0] =	vst v0  }
0x3e6: {  	v5 =	vmul.f32 $5.656854150e+00, v6;
	[tilespmem:s14+$0xFFFFFFC0] =	vst v1;
	v0 =	vld [tilespmem:s14+$0x30]  }
0x3e7: {  	v6 =	vmul.f32 $5.656854150e+00, v7;
	[tilespmem:s14+$0xFFFFFFD0] =	vst v2;
	v1 =	vld [tilespmem:s14+$0x40]  }
0x3e8: {  	[tilespmem:s14+$0xFFFFFFE0] =	vst v5;
	v2 =	vld [tilespmem:s14+$0x50];
	v7 =	vmul.f32 $5.656854150e+00, v3  }
0x3e9: {  	[tilespmem:s14+$0xFFFFFFF0] =	vst v6;
	v3 =	vld [tilespmem:s14+$0x60];
	v5 =	vmul.f32 $5.656854150e+00, v4  }
0x3ea: {  	s15 =	simm.s32 $0x0;
	s16 =	simm.s32 $0x16580;
	v6 =	vmul.f32 $5.656854150e+00, v8;
	v4 =	vld [tilespmem:s14+$0xFFFFFF80];
	[tilespmem:s14+$0x0] =	vst v7  }
.LBB2_42:
0x3eb: {  	v7 =	vld [tilespmem:s16+$0x70];
	s15 =	sadd.s32 $0x8, s15;
	[tilespmem:s14+$0x10] =	vst v5;
	v0 =	vmul.f32 $5.656854150e+00, v0  }
0x3ec: {  	v5 =	vld [tilespmem:s16+$0xFFFFFF90];
	p0 =	slt.u32 s15, $0x3F8;
	[tilespmem:s14+$0x20] =	vst v6;
	v1 =	vmul.f32 $5.656854150e+00, v1  }
0x3ed: {  	v6 =	vld [tilespmem:s16+$0xFFFFFFA0];
	[tilespmem:s14+$0x30] =	vst v0;
	v0 =	vmul.f32 $5.656854150e+00, v2  }
0x3ee: {  	v2 =	vld [tilespmem:s16+$0xFFFFFFB0];
	[tilespmem:s14+$0x40] =	vst v1;
	v1 =	vmul.f32 $5.656854150e+00, v3  }
0x3ef: {  	v3 =	vld [tilespmem:s16+$0xFFFFFFC0];
	v4 =	vmul.f32 $5.656854150e+00, v4;
	[tilespmem:s14+$0x50] =	vst v0  }
0x3f0: {  	v0 =	vld [tilespmem:s16+$0xFFFFFFD0];
	v7 =	vmul.f32 $5.656854150e+00, v7;
	[tilespmem:s14+$0x60] =	vst v1  }
0x3f1: {  	v1 =	vmul.f32 $5.656854150e+00, v5;
	v5 =	vld [tilespmem:s16+$0xFFFFFFE0];
	[tilespmem:s14+$0xFFFFFF80] =	vst v4;
	s14 =	smov.u32 s16  }
0x3f2: {  	v4 =	vmul.f32 $5.656854150e+00, v6;
	v6 =	vld [tilespmem:s16+$0xFFFFFFF0];
	[tilespmem:s16+$0x70] =	vst v7  }
0x3f3: {  	[tilespmem:s16+$0xFFFFFF90] =	vst v1;
	v1 =	vmul.f32 $5.656854150e+00, v2;
	v2 =	vld [tilespmem:s16+$0x0]  }
0x3f4: {  	[tilespmem:s16+$0xFFFFFFA0] =	vst v4;
	v3 =	vmul.f32 $5.656854150e+00, v3;
	v4 =	vld [tilespmem:s16+$0x10]  }
0x3f5: {  	[tilespmem:s16+$0xFFFFFFB0] =	vst v1;
	v1 =	vmul.f32 $5.656854150e+00, v0;
	v7 =	vld [tilespmem:s16+$0x20]  }
.Ltmp20:
0x3f6: {  	[tilespmem:s16+$0xFFFFFFC0] =	vst v3;
	v3 =	vmul.f32 $5.656854150e+00, v5;
	v0 =	vld [tilespmem:s16+$0x30];
	(pc) =	sbr.rel @p0 .LBB2_42-.Ltmp20, $4  }
0x3f7: {  	[tilespmem:s16+$0xFFFFFFD0] =	vst v1;
	v5 =	vmul.f32 $5.656854150e+00, v6;
	v1 =	vld [tilespmem:s16+$0x40]  }
0x3f8: {  	[tilespmem:s16+$0xFFFFFFE0] =	vst v3;
	v6 =	vmul.f32 $5.656854150e+00, v2;
	v2 =	vld [tilespmem:s16+$0x50]  }
0x3f9: {  	[tilespmem:s16+$0xFFFFFFF0] =	vst v5;
	v5 =	vmul.f32 $5.656854150e+00, v4;
	v3 =	vld [tilespmem:s16+$0x60]  }
0x3fa: {  	s16 =	sadd.s32 $0x100, s16;
	v4 =	vld [tilespmem:s14+$0xFFFFFF80];
	[tilespmem:s14+$0x0] =	vst v6;
	v6 =	vmul.f32 $5.656854150e+00, v7  }
0x3fb: {  	[tilespmem:s14+$0x10] =	vst v5;
	v0 =	vmul.f32 $5.656854150e+00, v0  }
0x3fc: {  	[tilespmem:s14+$0x20] =	vst v6;
	v1 =	vmul.f32 $5.656854150e+00, v1  }
0x3fd: {  	[tilespmem:s14+$0x30] =	vst v0;
	v0 =	vmul.f32 $5.656854150e+00, v2  }
0x3fe: {  	[tilespmem:s14+$0x40] =	vst v1;
	v1 =	vmul.f32 $5.656854150e+00, v3  }
0x3ff: {  	v2 =	vmul.f32 $5.656854150e+00, v4;
	[tilespmem:s14+$0x50] =	vst v0  }
0x400: {  	[tilespmem:s14+$0x60] =	vst v1  }
0x401: {  	[tilespmem:s14+$0xFFFFFF80] =	vst v2  }
0x402: {  	[hbm4b:s25+s2] =	stream.linear.scatter [tilespmem:s7], [sflag:$0x6], $0x8000, $0x38;
	[tilespmem:$0x1E400] =	vst v63  }
0x403: {  	_ =	swait.ge [sflag:s11], $0x8000  }
0x404: {  	[sflag:s11] =	ssyncset.done $0x0  }
0x405: {  	s16 =	simm.s32 $0x5800;
	[sflag:s11] =	ssyncadd.s32 $0xFFFF8000  }
0x406: {  	[tilespmem:s5], [sflag:$0x2] =	stream.indirect.gather [hbm4b:s3+s0], $0x20, s16, s0, $0xb8;
	[tilespmem:$0x1E400] =	vst v63  }
0x407: {  	_ =	swait.ge [sflag:s6], $0x8000  }
0x408: {  	[sflag:s6] =	ssyncset.done $0x0  }
0x409: {  	s14 =	simm.s32 $0x6480;
	[sflag:s6] =	ssyncadd.s32 $0xFFFF8000  }
0x40a: {  	v0 =	vld [tilespmem:s14+$0x70]  }
0x40b: {  	v1 =	vld [tilespmem:s14+$0xFFFFFF90]  }
0x40c: {  	v2 =	vld [tilespmem:s14+$0xFFFFFFA0]  }
0x40d: {  	v3 =	vld [tilespmem:s14+$0xFFFFFFB0]  }
0x40e: {  	v4 =	vld [tilespmem:s14+$0xFFFFFFC0]  }
0x40f: {  	v5 =	vld [tilespmem:s14+$0xFFFFFFD0];
	v0 =	vmul.f32 $5.656854150e+00, v0  }
0x410: {  	v6 =	vld [tilespmem:s14+$0xFFFFFFE0];
	v1 =	vmul.f32 $5.656854150e+00, v1  }
0x411: {  	v7 =	vld [tilespmem:s14+$0xFFFFFFF0];
	v2 =	vmul.f32 $5.656854150e+00, v2;
	[tilespmem:s14+$0x70] =	vst v0  }
0x412: {  	[tilespmem:s14+$0xFFFFFF90] =	vst v1;
	v0 =	vmul.f32 $5.656854150e+00, v3;
	v3 =	vld [tilespmem:s14+$0x0]  }
0x413: {  	[tilespmem:s14+$0xFFFFFFA0] =	vst v2;
	v1 =	vmul.f32 $5.656854150e+00, v4;
	v4 =	vld [tilespmem:s14+$0x10]  }
0x414: {  	v8 =	vld [tilespmem:s14+$0x20];
	v2 =	vmul.f32 $5.656854150e+00, v5;
	[tilespmem:s14+$0xFFFFFFB0] =	vst v0  }
0x415: {  	v5 =	vmul.f32 $5.656854150e+00, v6;
	[tilespmem:s14+$0xFFFFFFC0] =	vst v1;
	v0 =	vld [tilespmem:s14+$0x30]  }
0x416: {  	v6 =	vmul.f32 $5.656854150e+00, v7;
	[tilespmem:s14+$0xFFFFFFD0] =	vst v2;
	v1 =	vld [tilespmem:s14+$0x40]  }
0x417: {  	[tilespmem:s14+$0xFFFFFFE0] =	vst v5;
	v2 =	vld [tilespmem:s14+$0x50];
	v7 =	vmul.f32 $5.656854150e+00, v3  }
0x418: {  	[tilespmem:s14+$0xFFFFFFF0] =	vst v6;
	v3 =	vld [tilespmem:s14+$0x60];
	v5 =	vmul.f32 $5.656854150e+00, v4  }
0x419: {  	s15 =	simm.s32 $0x0;
	s16 =	simm.s32 $0x6580;
	v6 =	vmul.f32 $5.656854150e+00, v8;
	v4 =	vld [tilespmem:s14+$0xFFFFFF80];
	[tilespmem:s14+$0x0] =	vst v7  }
.LBB2_44:
0x41a: {  	v7 =	vld [tilespmem:s16+$0x70];
	s15 =	sadd.s32 $0x8, s15;
	[tilespmem:s14+$0x10] =	vst v5;
	v0 =	vmul.f32 $5.656854150e+00, v0  }
0x41b: {  	v5 =	vld [tilespmem:s16+$0xFFFFFF90];
	p0 =	slt.u32 s15, $0x3F8;
	[tilespmem:s14+$0x20] =	vst v6;
	v1 =	vmul.f32 $5.656854150e+00, v1  }
0x41c: {  	v6 =	vld [tilespmem:s16+$0xFFFFFFA0];
	[tilespmem:s14+$0x30] =	vst v0;
	v0 =	vmul.f32 $5.656854150e+00, v2  }
0x41d: {  	v2 =	vld [tilespmem:s16+$0xFFFFFFB0];
	[tilespmem:s14+$0x40] =	vst v1;
	v1 =	vmul.f32 $5.656854150e+00, v3  }
0x41e: {  	v3 =	vld [tilespmem:s16+$0xFFFFFFC0];
	v4 =	vmul.f32 $5.656854150e+00, v4;
	[tilespmem:s14+$0x50] =	vst v0  }
0x41f: {  	v0 =	vld [tilespmem:s16+$0xFFFFFFD0];
	v7 =	vmul.f32 $5.656854150e+00, v7;
	[tilespmem:s14+$0x60] =	vst v1  }
0x420: {  	v1 =	vmul.f32 $5.656854150e+00, v5;
	v5 =	vld [tilespmem:s16+$0xFFFFFFE0];
	[tilespmem:s14+$0xFFFFFF80] =	vst v4;
	s14 =	smov.u32 s16  }
0x421: {  	v4 =	vmul.f32 $5.656854150e+00, v6;
	v6 =	vld [tilespmem:s16+$0xFFFFFFF0];
	[tilespmem:s16+$0x70] =	vst v7  }
0x422: {  	[tilespmem:s16+$0xFFFFFF90] =	vst v1;
	v1 =	vmul.f32 $5.656854150e+00, v2;
	v2 =	vld [tilespmem:s16+$0x0]  }
0x423: {  	[tilespmem:s16+$0xFFFFFFA0] =	vst v4;
	v3 =	vmul.f32 $5.656854150e+00, v3;
	v4 =	vld [tilespmem:s16+$0x10]  }
0x424: {  	[tilespmem:s16+$0xFFFFFFB0] =	vst v1;
	v1 =	vmul.f32 $5.656854150e+00, v0;
	v7 =	vld [tilespmem:s16+$0x20]  }
.Ltmp21:
0x425: {  	[tilespmem:s16+$0xFFFFFFC0] =	vst v3;
	v3 =	vmul.f32 $5.656854150e+00, v5;
	v0 =	vld [tilespmem:s16+$0x30];
	(pc) =	sbr.rel @p0 .LBB2_44-.Ltmp21, $4  }
0x426: {  	[tilespmem:s16+$0xFFFFFFD0] =	vst v1;
	v5 =	vmul.f32 $5.656854150e+00, v6;
	v1 =	vld [tilespmem:s16+$0x40]  }
0x427: {  	[tilespmem:s16+$0xFFFFFFE0] =	vst v3;
	v6 =	vmul.f32 $5.656854150e+00, v2;
	v2 =	vld [tilespmem:s16+$0x50]  }
0x428: {  	[tilespmem:s16+$0xFFFFFFF0] =	vst v5;
	v5 =	vmul.f32 $5.656854150e+00, v4;
	v3 =	vld [tilespmem:s16+$0x60]  }
0x429: {  	s16 =	sadd.s32 $0x100, s16;
	v4 =	vld [tilespmem:s14+$0xFFFFFF80];
	[tilespmem:s14+$0x0] =	vst v6;
	v6 =	vmul.f32 $5.656854150e+00, v7  }
0x42a: {  	[tilespmem:s14+$0x10] =	vst v5;
	v0 =	vmul.f32 $5.656854150e+00, v0  }
0x42b: {  	[tilespmem:s14+$0x20] =	vst v6;
	v1 =	vmul.f32 $5.656854150e+00, v1  }
0x42c: {  	[tilespmem:s14+$0x30] =	vst v0;
	v0 =	vmul.f32 $5.656854150e+00, v2  }
0x42d: {  	[tilespmem:s14+$0x40] =	vst v1;
	v1 =	vmul.f32 $5.656854150e+00, v3  }
0x42e: {  	v2 =	vmul.f32 $5.656854150e+00, v4;
	[tilespmem:s14+$0x50] =	vst v0  }
0x42f: {  	[tilespmem:s14+$0x60] =	vst v1  }
0x430: {  	[tilespmem:s14+$0xFFFFFF80] =	vst v2  }
0x431: {  	[hbm4b:s26+s2] =	stream.linear.scatter [tilespmem:s4], [sflag:$0x4], $0x8000, $0x38;
	[tilespmem:$0x1E400] =	vst v63  }
0x432: {  	_ =	swait.ge [sflag:s12], $0x8000  }
0x433: {  	[sflag:s12] =	ssyncset.done $0x0  }
0x434: {  	s16 =	simm.s32 $0x5C00;
	[sflag:s12] =	ssyncadd.s32 $0xFFFF8000  }
0x435: {  	[tilespmem:s7], [sflag:$0x3] =	stream.indirect.gather [hbm4b:s3+s0], $0x20, s16, s0, $0xb8;
	[tilespmem:$0x1E400] =	vst v63  }
0x436: {  	_ =	swait.ge [sflag:s8], $0x8000  }
0x437: {  	[sflag:s8] =	ssyncset.done $0x0  }
0x438: {  	s14 =	simm.s32 $0xE480;
	[sflag:s8] =	ssyncadd.s32 $0xFFFF8000  }
0x439: {  	v0 =	vld [tilespmem:s14+$0x70]  }
0x43a: {  	v1 =	vld [tilespmem:s14+$0xFFFFFF90]  }
0x43b: {  	v2 =	vld [tilespmem:s14+$0xFFFFFFA0]  }
0x43c: {  	v3 =	vld [tilespmem:s14+$0xFFFFFFB0]  }
0x43d: {  	v4 =	vld [tilespmem:s14+$0xFFFFFFC0]  }
0x43e: {  	v5 =	vld [tilespmem:s14+$0xFFFFFFD0];
	v0 =	vmul.f32 $5.656854150e+00, v0  }
0x43f: {  	v6 =	vld [tilespmem:s14+$0xFFFFFFE0];
	v1 =	vmul.f32 $5.656854150e+00, v1  }
0x440: {  	v7 =	vld [tilespmem:s14+$0xFFFFFFF0];
	v2 =	vmul.f32 $5.656854150e+00, v2;
	[tilespmem:s14+$0x70] =	vst v0  }
0x441: {  	[tilespmem:s14+$0xFFFFFF90] =	vst v1;
	v0 =	vmul.f32 $5.656854150e+00, v3;
	v3 =	vld [tilespmem:s14+$0x0]  }
0x442: {  	[tilespmem:s14+$0xFFFFFFA0] =	vst v2;
	v1 =	vmul.f32 $5.656854150e+00, v4;
	v4 =	vld [tilespmem:s14+$0x10]  }
0x443: {  	v8 =	vld [tilespmem:s14+$0x20];
	v2 =	vmul.f32 $5.656854150e+00, v5;
	[tilespmem:s14+$0xFFFFFFB0] =	vst v0  }
0x444: {  	v5 =	vmul.f32 $5.656854150e+00, v6;
	[tilespmem:s14+$0xFFFFFFC0] =	vst v1;
	v0 =	vld [tilespmem:s14+$0x30]  }
0x445: {  	v6 =	vmul.f32 $5.656854150e+00, v7;
	[tilespmem:s14+$0xFFFFFFD0] =	vst v2;
	v1 =	vld [tilespmem:s14+$0x40]  }
0x446: {  	[tilespmem:s14+$0xFFFFFFE0] =	vst v5;
	v2 =	vld [tilespmem:s14+$0x50];
	v7 =	vmul.f32 $5.656854150e+00, v3  }
0x447: {  	[tilespmem:s14+$0xFFFFFFF0] =	vst v6;
	v3 =	vld [tilespmem:s14+$0x60];
	v5 =	vmul.f32 $5.656854150e+00, v4  }
0x448: {  	s15 =	simm.s32 $0x0;
	s16 =	simm.s32 $0xE580;
	v6 =	vmul.f32 $5.656854150e+00, v8;
	v4 =	vld [tilespmem:s14+$0xFFFFFF80];
	[tilespmem:s14+$0x0] =	vst v7  }
.LBB2_46:
0x449: {  	v7 =	vld [tilespmem:s16+$0x70];
	s15 =	sadd.s32 $0x8, s15;
	[tilespmem:s14+$0x10] =	vst v5;
	v0 =	vmul.f32 $5.656854150e+00, v0  }
0x44a: {  	v5 =	vld [tilespmem:s16+$0xFFFFFF90];
	p0 =	slt.u32 s15, $0x3F8;
	[tilespmem:s14+$0x20] =	vst v6;
	v1 =	vmul.f32 $5.656854150e+00, v1  }
0x44b: {  	v6 =	vld [tilespmem:s16+$0xFFFFFFA0];
	[tilespmem:s14+$0x30] =	vst v0;
	v0 =	vmul.f32 $5.656854150e+00, v2  }
0x44c: {  	v2 =	vld [tilespmem:s16+$0xFFFFFFB0];
	[tilespmem:s14+$0x40] =	vst v1;
	v1 =	vmul.f32 $5.656854150e+00, v3  }
0x44d: {  	v3 =	vld [tilespmem:s16+$0xFFFFFFC0];
	v4 =	vmul.f32 $5.656854150e+00, v4;
	[tilespmem:s14+$0x50] =	vst v0  }
0x44e: {  	v0 =	vld [tilespmem:s16+$0xFFFFFFD0];
	v7 =	vmul.f32 $5.656854150e+00, v7;
	[tilespmem:s14+$0x60] =	vst v1  }
0x44f: {  	v1 =	vmul.f32 $5.656854150e+00, v5;
	v5 =	vld [tilespmem:s16+$0xFFFFFFE0];
	[tilespmem:s14+$0xFFFFFF80] =	vst v4;
	s14 =	smov.u32 s16  }
0x450: {  	v4 =	vmul.f32 $5.656854150e+00, v6;
	v6 =	vld [tilespmem:s16+$0xFFFFFFF0];
	[tilespmem:s16+$0x70] =	vst v7  }
0x451: {  	[tilespmem:s16+$0xFFFFFF90] =	vst v1;
	v1 =	vmul.f32 $5.656854150e+00, v2;
	v2 =	vld [tilespmem:s16+$0x0]  }
0x452: {  	[tilespmem:s16+$0xFFFFFFA0] =	vst v4;
	v3 =	vmul.f32 $5.656854150e+00, v3;
	v4 =	vld [tilespmem:s16+$0x10]  }
0x453: {  	[tilespmem:s16+$0xFFFFFFB0] =	vst v1;
	v1 =	vmul.f32 $5.656854150e+00, v0;
	v7 =	vld [tilespmem:s16+$0x20]  }
.Ltmp22:
0x454: {  	[tilespmem:s16+$0xFFFFFFC0] =	vst v3;
	v3 =	vmul.f32 $5.656854150e+00, v5;
	v0 =	vld [tilespmem:s16+$0x30];
	(pc) =	sbr.rel @p0 .LBB2_46-.Ltmp22, $4  }
0x455: {  	[tilespmem:s16+$0xFFFFFFD0] =	vst v1;
	v5 =	vmul.f32 $5.656854150e+00, v6;
	v1 =	vld [tilespmem:s16+$0x40]  }
0x456: {  	[tilespmem:s16+$0xFFFFFFE0] =	vst v3;
	v6 =	vmul.f32 $5.656854150e+00, v2;
	v2 =	vld [tilespmem:s16+$0x50]  }
0x457: {  	[tilespmem:s16+$0xFFFFFFF0] =	vst v5;
	v5 =	vmul.f32 $5.656854150e+00, v4;
	v3 =	vld [tilespmem:s16+$0x60]  }
0x458: {  	s16 =	sadd.s32 $0x100, s16;
	v4 =	vld [tilespmem:s14+$0xFFFFFF80];
	[tilespmem:s14+$0x0] =	vst v6;
	v6 =	vmul.f32 $5.656854150e+00, v7  }
0x459: {  	[tilespmem:s14+$0x10] =	vst v5;
	v0 =	vmul.f32 $5.656854150e+00, v0  }
0x45a: {  	[tilespmem:s14+$0x20] =	vst v6;
	v1 =	vmul.f32 $5.656854150e+00, v1  }
0x45b: {  	[tilespmem:s14+$0x30] =	vst v0;
	v0 =	vmul.f32 $5.656854150e+00, v2  }
0x45c: {  	[tilespmem:s14+$0x40] =	vst v1;
	v1 =	vmul.f32 $5.656854150e+00, v3  }
0x45d: {  	v2 =	vmul.f32 $5.656854150e+00, v4;
	[tilespmem:s14+$0x50] =	vst v0  }
0x45e: {  	[tilespmem:s14+$0x60] =	vst v1  }
0x45f: {  	[tilespmem:s14+$0xFFFFFF80] =	vst v2  }
0x460: {  	[hbm4b:s28+s2] =	stream.linear.scatter [tilespmem:s5], [sflag:$0x5], $0x8000, $0x38;
	[tilespmem:$0x1E400] =	vst v63  }
0x461: {  	_ =	swait.ge [sflag:s9], $0x8000  }
0x462: {  	[sflag:s9] =	ssyncset.done $0x0  }
0x463: {  	s16 =	simm.s32 $0x6000;
	[sflag:s9] =	ssyncadd.s32 $0xFFFF8000  }
0x464: {  	[tilespmem:s4], [sflag:$0x1] =	stream.indirect.gather [hbm4b:s3+s0], $0x20, s16, s0, $0xb8;
	[tilespmem:$0x1E400] =	vst v63  }
0x465: {  	_ =	swait.ge [sflag:s10], $0x8000  }
0x466: {  	[sflag:s10] =	ssyncset.done $0x0  }
0x467: {  	s14 =	simm.s32 $0x16480;
	[sflag:s10] =	ssyncadd.s32 $0xFFFF8000  }
0x468: {  	v0 =	vld [tilespmem:s14+$0x70]  }
0x469: {  	v1 =	vld [tilespmem:s14+$0xFFFFFF90]  }
0x46a: {  	v2 =	vld [tilespmem:s14+$0xFFFFFFA0]  }
0x46b: {  	v3 =	vld [tilespmem:s14+$0xFFFFFFB0]  }
0x46c: {  	v4 =	vld [tilespmem:s14+$0xFFFFFFC0]  }
0x46d: {  	v5 =	vld [tilespmem:s14+$0xFFFFFFD0];
	v0 =	vmul.f32 $5.656854150e+00, v0  }
0x46e: {  	v6 =	vld [tilespmem:s14+$0xFFFFFFE0];
	v1 =	vmul.f32 $5.656854150e+00, v1  }
0x46f: {  	v7 =	vld [tilespmem:s14+$0xFFFFFFF0];
	v2 =	vmul.f32 $5.656854150e+00, v2;
	[tilespmem:s14+$0x70] =	vst v0  }
0x470: {  	[tilespmem:s14+$0xFFFFFF90] =	vst v1;
	v0 =	vmul.f32 $5.656854150e+00, v3;
	v3 =	vld [tilespmem:s14+$0x0]  }
0x471: {  	[tilespmem:s14+$0xFFFFFFA0] =	vst v2;
	v1 =	vmul.f32 $5.656854150e+00, v4;
	v4 =	vld [tilespmem:s14+$0x10]  }
0x472: {  	v8 =	vld [tilespmem:s14+$0x20];
	v2 =	vmul.f32 $5.656854150e+00, v5;
	[tilespmem:s14+$0xFFFFFFB0] =	vst v0  }
0x473: {  	v5 =	vmul.f32 $5.656854150e+00, v6;
	[tilespmem:s14+$0xFFFFFFC0] =	vst v1;
	v0 =	vld [tilespmem:s14+$0x30]  }
0x474: {  	v6 =	vmul.f32 $5.656854150e+00, v7;
	[tilespmem:s14+$0xFFFFFFD0] =	vst v2;
	v1 =	vld [tilespmem:s14+$0x40]  }
0x475: {  	[tilespmem:s14+$0xFFFFFFE0] =	vst v5;
	v2 =	vld [tilespmem:s14+$0x50];
	v7 =	vmul.f32 $5.656854150e+00, v3  }
0x476: {  	[tilespmem:s14+$0xFFFFFFF0] =	vst v6;
	v3 =	vld [tilespmem:s14+$0x60];
	v5 =	vmul.f32 $5.656854150e+00, v4  }
0x477: {  	s15 =	simm.s32 $0x0;
	s16 =	simm.s32 $0x16580;
	v6 =	vmul.f32 $5.656854150e+00, v8;
	v4 =	vld [tilespmem:s14+$0xFFFFFF80];
	[tilespmem:s14+$0x0] =	vst v7  }
.LBB2_48:
0x478: {  	v7 =	vld [tilespmem:s16+$0x70];
	s15 =	sadd.s32 $0x8, s15;
	[tilespmem:s14+$0x10] =	vst v5;
	v0 =	vmul.f32 $5.656854150e+00, v0  }
0x479: {  	v5 =	vld [tilespmem:s16+$0xFFFFFF90];
	p0 =	slt.u32 s15, $0x3F8;
	[tilespmem:s14+$0x20] =	vst v6;
	v1 =	vmul.f32 $5.656854150e+00, v1  }
0x47a: {  	v6 =	vld [tilespmem:s16+$0xFFFFFFA0];
	[tilespmem:s14+$0x30] =	vst v0;
	v0 =	vmul.f32 $5.656854150e+00, v2  }
0x47b: {  	v2 =	vld [tilespmem:s16+$0xFFFFFFB0];
	[tilespmem:s14+$0x40] =	vst v1;
	v1 =	vmul.f32 $5.656854150e+00, v3  }
0x47c: {  	v3 =	vld [tilespmem:s16+$0xFFFFFFC0];
	v4 =	vmul.f32 $5.656854150e+00, v4;
	[tilespmem:s14+$0x50] =	vst v0  }
0x47d: {  	v0 =	vld [tilespmem:s16+$0xFFFFFFD0];
	v7 =	vmul.f32 $5.656854150e+00, v7;
	[tilespmem:s14+$0x60] =	vst v1  }
0x47e: {  	v1 =	vmul.f32 $5.656854150e+00, v5;
	v5 =	vld [tilespmem:s16+$0xFFFFFFE0];
	[tilespmem:s14+$0xFFFFFF80] =	vst v4;
	s14 =	smov.u32 s16  }
0x47f: {  	v4 =	vmul.f32 $5.656854150e+00, v6;
	v6 =	vld [tilespmem:s16+$0xFFFFFFF0];
	[tilespmem:s16+$0x70] =	vst v7  }
0x480: {  	[tilespmem:s16+$0xFFFFFF90] =	vst v1;
	v1 =	vmul.f32 $5.656854150e+00, v2;
	v2 =	vld [tilespmem:s16+$0x0]  }
0x481: {  	[tilespmem:s16+$0xFFFFFFA0] =	vst v4;
	v3 =	vmul.f32 $5.656854150e+00, v3;
	v4 =	vld [tilespmem:s16+$0x10]  }
0x482: {  	[tilespmem:s16+$0xFFFFFFB0] =	vst v1;
	v1 =	vmul.f32 $5.656854150e+00, v0;
	v7 =	vld [tilespmem:s16+$0x20]  }
.Ltmp23:
0x483: {  	[tilespmem:s16+$0xFFFFFFC0] =	vst v3;
	v3 =	vmul.f32 $5.656854150e+00, v5;
	v0 =	vld [tilespmem:s16+$0x30];
	(pc) =	sbr.rel @p0 .LBB2_48-.Ltmp23, $4  }
0x484: {  	[tilespmem:s16+$0xFFFFFFD0] =	vst v1;
	v5 =	vmul.f32 $5.656854150e+00, v6;
	v1 =	vld [tilespmem:s16+$0x40]  }
0x485: {  	[tilespmem:s16+$0xFFFFFFE0] =	vst v3;
	v6 =	vmul.f32 $5.656854150e+00, v2;
	v2 =	vld [tilespmem:s16+$0x50]  }
0x486: {  	[tilespmem:s16+$0xFFFFFFF0] =	vst v5;
	v5 =	vmul.f32 $5.656854150e+00, v4;
	v3 =	vld [tilespmem:s16+$0x60]  }
0x487: {  	s16 =	sadd.s32 $0x100, s16;
	v4 =	vld [tilespmem:s14+$0xFFFFFF80];
	[tilespmem:s14+$0x0] =	vst v6;
	v6 =	vmul.f32 $5.656854150e+00, v7  }
0x488: {  	[tilespmem:s14+$0x10] =	vst v5;
	v0 =	vmul.f32 $5.656854150e+00, v0  }
0x489: {  	[tilespmem:s14+$0x20] =	vst v6;
	v1 =	vmul.f32 $5.656854150e+00, v1  }
0x48a: {  	[tilespmem:s14+$0x30] =	vst v0;
	v0 =	vmul.f32 $5.656854150e+00, v2  }
0x48b: {  	[tilespmem:s14+$0x40] =	vst v1;
	v1 =	vmul.f32 $5.656854150e+00, v3  }
0x48c: {  	v2 =	vmul.f32 $5.656854150e+00, v4;
	[tilespmem:s14+$0x50] =	vst v0  }
0x48d: {  	[tilespmem:s14+$0x60] =	vst v1  }
0x48e: {  	[tilespmem:s14+$0xFFFFFF80] =	vst v2  }
0x48f: {  	[hbm4b:s29+s2] =	stream.linear.scatter [tilespmem:s7], [sflag:$0x6], $0x8000, $0x38;
	[tilespmem:$0x1E400] =	vst v63  }
0x490: {  	_ =	swait.ge [sflag:s6], $0x8000  }
0x491: {  	[sflag:s6] =	ssyncset.done $0x0  }
0x492: {  	s14 =	simm.s32 $0x6480;
	[sflag:s6] =	ssyncadd.s32 $0xFFFF8000  }
0x493: {  	v0 =	vld [tilespmem:s14+$0x70]  }
0x494: {  	v1 =	vld [tilespmem:s14+$0xFFFFFF90]  }
0x495: {  	v2 =	vld [tilespmem:s14+$0xFFFFFFA0]  }
0x496: {  	v3 =	vld [tilespmem:s14+$0xFFFFFFB0]  }
0x497: {  	v4 =	vld [tilespmem:s14+$0xFFFFFFC0]  }
0x498: {  	v5 =	vld [tilespmem:s14+$0xFFFFFFD0];
	v0 =	vmul.f32 $5.656854150e+00, v0  }
0x499: {  	v6 =	vld [tilespmem:s14+$0xFFFFFFE0];
	v1 =	vmul.f32 $5.656854150e+00, v1  }
0x49a: {  	v7 =	vld [tilespmem:s14+$0xFFFFFFF0];
	v2 =	vmul.f32 $5.656854150e+00, v2;
	[tilespmem:s14+$0x70] =	vst v0  }
0x49b: {  	[tilespmem:s14+$0xFFFFFF90] =	vst v1;
	v0 =	vmul.f32 $5.656854150e+00, v3;
	v3 =	vld [tilespmem:s14+$0x0]  }
0x49c: {  	[tilespmem:s14+$0xFFFFFFA0] =	vst v2;
	v1 =	vmul.f32 $5.656854150e+00, v4;
	v4 =	vld [tilespmem:s14+$0x10]  }
0x49d: {  	v8 =	vld [tilespmem:s14+$0x20];
	v2 =	vmul.f32 $5.656854150e+00, v5;
	[tilespmem:s14+$0xFFFFFFB0] =	vst v0  }
0x49e: {  	v5 =	vmul.f32 $5.656854150e+00, v6;
	[tilespmem:s14+$0xFFFFFFC0] =	vst v1;
	v0 =	vld [tilespmem:s14+$0x30]  }
0x49f: {  	v6 =	vmul.f32 $5.656854150e+00, v7;
	[tilespmem:s14+$0xFFFFFFD0] =	vst v2;
	v1 =	vld [tilespmem:s14+$0x40]  }
0x4a0: {  	[tilespmem:s14+$0xFFFFFFE0] =	vst v5;
	v2 =	vld [tilespmem:s14+$0x50];
	v7 =	vmul.f32 $5.656854150e+00, v3  }
0x4a1: {  	[tilespmem:s14+$0xFFFFFFF0] =	vst v6;
	v3 =	vld [tilespmem:s14+$0x60];
	v5 =	vmul.f32 $5.656854150e+00, v4  }
0x4a2: {  	s15 =	simm.s32 $0x0;
	s16 =	simm.s32 $0x6580;
	v6 =	vmul.f32 $5.656854150e+00, v8;
	v4 =	vld [tilespmem:s14+$0xFFFFFF80];
	[tilespmem:s14+$0x0] =	vst v7  }
.LBB2_50:
0x4a3: {  	v7 =	vld [tilespmem:s16+$0x70];
	s15 =	sadd.s32 $0x8, s15;
	[tilespmem:s14+$0x10] =	vst v5;
	v0 =	vmul.f32 $5.656854150e+00, v0  }
0x4a4: {  	v5 =	vld [tilespmem:s16+$0xFFFFFF90];
	p0 =	slt.u32 s15, $0x3F8;
	[tilespmem:s14+$0x20] =	vst v6;
	v1 =	vmul.f32 $5.656854150e+00, v1  }
0x4a5: {  	v6 =	vld [tilespmem:s16+$0xFFFFFFA0];
	[tilespmem:s14+$0x30] =	vst v0;
	v0 =	vmul.f32 $5.656854150e+00, v2  }
0x4a6: {  	v2 =	vld [tilespmem:s16+$0xFFFFFFB0];
	[tilespmem:s14+$0x40] =	vst v1;
	v1 =	vmul.f32 $5.656854150e+00, v3  }
0x4a7: {  	v3 =	vld [tilespmem:s16+$0xFFFFFFC0];
	v4 =	vmul.f32 $5.656854150e+00, v4;
	[tilespmem:s14+$0x50] =	vst v0  }
0x4a8: {  	v0 =	vld [tilespmem:s16+$0xFFFFFFD0];
	v7 =	vmul.f32 $5.656854150e+00, v7;
	[tilespmem:s14+$0x60] =	vst v1  }
0x4a9: {  	v1 =	vmul.f32 $5.656854150e+00, v5;
	v5 =	vld [tilespmem:s16+$0xFFFFFFE0];
	[tilespmem:s14+$0xFFFFFF80] =	vst v4;
	s14 =	smov.u32 s16  }
0x4aa: {  	v4 =	vmul.f32 $5.656854150e+00, v6;
	v6 =	vld [tilespmem:s16+$0xFFFFFFF0];
	[tilespmem:s16+$0x70] =	vst v7  }
0x4ab: {  	[tilespmem:s16+$0xFFFFFF90] =	vst v1;
	v1 =	vmul.f32 $5.656854150e+00, v2;
	v2 =	vld [tilespmem:s16+$0x0]  }
0x4ac: {  	[tilespmem:s16+$0xFFFFFFA0] =	vst v4;
	v3 =	vmul.f32 $5.656854150e+00, v3;
	v4 =	vld [tilespmem:s16+$0x10]  }
0x4ad: {  	[tilespmem:s16+$0xFFFFFFB0] =	vst v1;
	v1 =	vmul.f32 $5.656854150e+00, v0;
	v7 =	vld [tilespmem:s16+$0x20]  }
.Ltmp24:
0x4ae: {  	[tilespmem:s16+$0xFFFFFFC0] =	vst v3;
	v3 =	vmul.f32 $5.656854150e+00, v5;
	v0 =	vld [tilespmem:s16+$0x30];
	(pc) =	sbr.rel @p0 .LBB2_50-.Ltmp24, $4  }
0x4af: {  	[tilespmem:s16+$0xFFFFFFD0] =	vst v1;
	v5 =	vmul.f32 $5.656854150e+00, v6;
	v1 =	vld [tilespmem:s16+$0x40]  }
0x4b0: {  	[tilespmem:s16+$0xFFFFFFE0] =	vst v3;
	v6 =	vmul.f32 $5.656854150e+00, v2;
	v2 =	vld [tilespmem:s16+$0x50]  }
0x4b1: {  	[tilespmem:s16+$0xFFFFFFF0] =	vst v5;
	v5 =	vmul.f32 $5.656854150e+00, v4;
	v3 =	vld [tilespmem:s16+$0x60]  }
0x4b2: {  	s16 =	sadd.s32 $0x100, s16;
	v4 =	vld [tilespmem:s14+$0xFFFFFF80];
	[tilespmem:s14+$0x0] =	vst v6;
	v6 =	vmul.f32 $5.656854150e+00, v7  }
0x4b3: {  	[tilespmem:s14+$0x10] =	vst v5;
	v0 =	vmul.f32 $5.656854150e+00, v0  }
0x4b4: {  	[tilespmem:s14+$0x20] =	vst v6;
	v1 =	vmul.f32 $5.656854150e+00, v1  }
0x4b5: {  	[tilespmem:s14+$0x30] =	vst v0;
	v61 =	vmul.f32 $5.656854150e+00, v2  }
0x4b6: {  	[tilespmem:s14+$0x40] =	vst v1;
	v62 =	vmul.f32 $5.656854150e+00, v3  }
0x4b7: {  	v63 =	vmul.f32 $5.656854150e+00, v4;
	[tilespmem:s14+$0x50] =	vst v61  }
0x4b8: {  	[tilespmem:s14+$0x60] =	vst v62  }
0x4b9: {  	[tilespmem:s14+$0xFFFFFF80] =	vst v63  }
0x4ba: {  	[hbm4b:s30+s2] =	stream.linear.scatter [tilespmem:s4], [sflag:$0x4], $0x8000, $0x38;
	[tilespmem:$0x1E400] =	vst v63  }
0x4bb: {  	_ =	swait.ge [sflag:s11], $0x8000  }
0x4bc: {  	[sflag:s11] =	ssyncset.done $0x0  }
0x4bd: {  	s13 =	sadd.s32 $0x1, s13;
	[sflag:s11] =	ssyncadd.s32 $0xFFFF8000  }
0x4be: {  	p0 =	sne.s32 s13, s31;
	_ =	swait.ge [sflag:s12], $0x8000  }
.Ltmp25:
0x4bf: {  	[sflag:s12] =	ssyncset.done $0x0;
	(pc) =	sbr.rel @p0 .LBB2_1-.Ltmp25, $4  }
0x4c0: {  	[sflag:s12] =	ssyncadd.s32 $0xFFFF8000  }
0x4c1: {  	_ =	swait.ge [sflag:s9], $0x8000  }
0x4c2: {  	[sflag:s9] =	ssyncset.done $0x0  }
0x4c3: {  	[sflag:s9] =	ssyncadd.s32 $0xFFFF8000  }
0x4c4: {  	_ =	sfence.sel $0x180000  }
0x4c5: {  	[bflag:$0x0] =	sbarrier.arrive $0xFFFF  }
0x4c6: {  	_ =	strace $0x90000047  }
0x4c7: {  	s0 =	stileid.u32;
	[bflag:$0x2] =	sbarrier.arrive $0xFFFF  }
0x4c8: {  	p0 =	sne.s32 s0, $0x0;
	s0 =	rddreg [dreg:$0x2]  }
0x4c9: {  	s0 =	sadd.s32 @!p0 $0x100000, s0  }
0x4ca: {  	[sflag:s0] =	ssyncadd.tile.s32 @!p0 $0x1;
	_ =	shalt  }
.Lfunc_end2:
_tile_overlayer_lowered:
.L_overlay_start_2:
0x4cb: {  	(tag) =	ssettag $0x2  }
0x4cc: {  	s0 =	rddreg [dreg:$0x0];
	s2 =	stileid.u32  }
0x4cd: {  	s1 =	rddreg [dreg:$0x1];
	p0 =	sne.s32 s2, $0x0  }
0x4ce: {  	s3 =	rddreg [dreg:$0x2];
	[bflag:$0x3] =	sbarrier.arrive $0xFFFF;
	s2 =	simm.s32 @!p0 $0x1C07  }
0x4cf: {  	[timem:s3], [sflag:s2] =	dma.local @!p0 [hbm:s0], s1  }
0x4d0: {  	s0 =	simm.s32 @!p0 $0x7  }
0x4d1: {  	_ =	swait.ge @!p0 [sflag:s0], s1  }
0x4d2: {  	s1 =	ssub.s32 @!p0 $0x0, s1;
	[sflag:s0] =	ssyncset.done @!p0 $0x0  }
0x4d3: {  	[sflag:s0] =	ssyncadd.s32 @!p0 s1  }
0x4d4: {  	[bflag:$0x3] =	sbarrier.arrive $0xFFFF  }
0x4d5: {  	_ =	shalt  }

// kernel: sparse-core-data-format-call.cloned.1.call-start
scs
called_computation_lowered:
.L_overlay_start_0:
0x0: {  	s2 =	sld [smem:$0x3FD9]  }
0x1: {  	s3 =	sld [smem:$0x3FFE];
	_ =	sdelay $0x1  }
0x2: {  	s1 =	srdreg.scid  }
0x3: {  	s0 =	sand.u32 $0x1, s1  }
0x4: {  	s18 =	sshll.u32 s0, $0xA;
	s2 =	sadd.s32 s3, s2  }
0x5: {  	s2 =	sadd.s32 s2, s18  }
0x6: {  	[smem:$0x3FC6] =	sst s2  }
0x7: {  	_ = 	snop  }
0x8: {  	s2 =	sld [smem:$0x3FD0];
	(tm) =	ssettm $0x1  }
0x9: {  	s19 =	sld [smem:$0x3FFB];
	_ =	sdelay $0x3  }
0xa: {  	_ =	strace s19  }
0xb: {  	s3 =	sld [smem:$0x3FFC];
	_ =	sdelay $0x3  }
0xc: {  	_ =	strace s3  }
0xd: {  	s3 =	sld [smem:$0x3FFD];
	_ =	sdelay $0x3  }
0xe: {  	_ =	strace s3  }
0xf: {  	_ =	strace $0x8FFFFFFF  }
0x10: {  	s20 =	sld [smem:$0x3FDB];
	_ =	sdelay $0x1  }
0x11: {  	s4 =	simm.s32 $_scs_section_size  }
0x12: {  	s5 =	simm.s32 $_size__tile_overlayer_lowered;
	s6 =	simm.s32 $_tile_overlayer_lowered  }
0x13: {  	s23 =	simm.s32 $0x1BFF;
	s22 =	sshll.u32 s6, $0x1;
	s3 =	sadd.s32 s4, s20  }
0x14: {  	s7 =	simm.s32 $0x0;
	s21 =	sshll.u32 s5, $0x1;
	s5 =	sadd.s32 s22, s3  }
0x15: {  	[timem:s7], [sflag:s23] =	dma.local [hbm:s5], s21  }
0x16: {  	_ =	swait.ge [sflag:s23], s21  }
0x17: {  	s4 =	ssub.s32 $0x0, s21;
	[sflag:s23] =	ssyncset.done $0x0  }
0x18: {  	[sflag:s23] =	ssyncadd.s32 s4;
	_ =	sdelay $0x1  }
0x19: {  	s24 =	simm.s32 $0x1B8B  }
0x1a: {  	_ =	swait.ge [sflag:s24], $0x1  }
0x1b: {  	[sflag:s24] =	ssyncset.done $0x0  }
0x1c: {  	s26 =	simm.s32 $0x1B8E;
	s25 =	sld [smem:$0x3FFE];
	[sflag:s24] =	ssyncadd.s32 $0xFFFFFFFF  }
0x1d: {  	s27 =	simm.s32 $execute0_lowered;
	[smem:$0x3FD2] =	sst s26  }
0x1e: {  	s5 =	sshll.u32 s27, $0x1;
	_ =	strace $0x80000049;
	[dreg:$0x1] =	wrdreg $0xFFFFFFFF  }
0x1f: {  	s28 =	simm.s32 $_size_execute0_lowered;
	s3 =	sadd.s32 s3, s5;
	[dreg:$0x0] =	wrdreg $0x0  }
0x20: {  	s5 =	sshll.u32 s28, $0x1;
	[dreg:$0x2] =	wrdreg s3  }
0x21: {  	[dreg:$0x3] =	wrdreg s5  }
0x22: {  	[dreg:$0x4] =	wrdreg $0xC0  }
0x23: {  	_ =	task [dreg:s7], $0x5FFFF  }
0x24: {  	[dreg:$0x1] =	wrdreg $0xFFFFFFFF  }
0x25: {  	[dreg:$0x0] =	wrdreg $0x60  }
0x26: {  	[dreg:$0x2] =	wrdreg s25  }
0x27: {  	[dreg:$0x3] =	wrdreg s2  }
0x28: {  	[dreg:$0x4] =	wrdreg $0x9  }
0x29: {  	_ =	task.clear_ibuf [dreg:s7], $0x5FFFF;
	_ =	strace $0x90000049  }
0x2a: {  	s29 =	simm.s32 $0x9;
	_ =	strace $0x8000004B  }
0x2b: {  	_ =	swait.ge [sflag:s29], $0x1  }
0x2c: {  	[sflag:s29] =	ssyncadd.s32 $0xFFFFFFFF  }
0x2d: {  	_ =	strace $0x9000004B  }
0x2e: {  	_ =	sfence  }
0x2f: {  	s30 =	sld [smem:$0x0];
	_ =	sdelay $0x2  }
0x30: {  	s31 =	sshll.u32 s1, $0xD;
	s1 =	sshrl.u32 s1, $0x2  }
0x31: {  	s3 =	sand.u32 $0x4000, s31;
	s1 =	sadd.s32 s1, s30  }
0x32: {  	s0 =	sor.u32 s3, s0;
	s1 =	sshll.u32 s1, $0x11  }
0x33: {  	s0 =	sor.u32 s1, s0  }
0x34: {  	s0 =	sadd.s32 $0x8F2B, s0  }
0x35: {  	[sflag:s0] =	ssyncadd.remote.s32 $0x1  }
0x36: {  	_ =	sfence.sel $0xFFFF  }
0x37: {  	[dreg:$0x0] =	wrdreg $0xFFFFFFFF;
	(pc) =	sbr.abs _section_cstart, $3  }
0x38: {  	[dreg:$0x1] =	wrdreg $0xFFFFFFFF  }
0x39: {  	_ =	task.clear_ibuf [dreg:s7], $0x2FFFF;
	_ =	strace $0x9FFFFFFF  }
0x3a: {  	(tm) =	ssettm $0x7FFFFFFF  }
0x3b: {  	_ =	shalt  }
tec
execute0_lowered:
.L_overlay_start_1:
0x0: {  	(tag) =	ssettag $0x1  }
0x1: {  	s0 =	srdreg.scid;
	s5 =	rddreg [dreg:$0x0]  }
0x2: {  	s2 =	rddreg [dreg:$0x1];
	s1 =	sshll.u32 s0, $0x4  }
0x3: {  	s9 =	simm.s32 $0x2;
	s0 =	stileid.u32;
	s1 =	sand.u32 $0x10, s1  }
0x4: {  	s15 =	simm.s32 $0x0;
	s11 =	simm.s32 $0x400;
	s4 =	sor.u32 s0, s1  }
0x5: {  	s12 =	simm.s32 $0x8000;
	s16 =	simm.s32 $0x0;
	s3 =	sshll.u32 s4, $0x7  }
0x6: {  	s13 =	simm.s32 $0x0;
	s1 =	rddreg [dreg:$0x2];
	s6 =	ssub.s32 $0x1000, s3  }
0x7: {  	_ =	strace $0x8000004A;
	s8 =	sshll.u32 s4, $0xB;
	s7 =	sand.u32 $0xF80, s6  }
0x8: {  	s4 =	simm.s32 $0x1;
	p0 =	sne.s32 s7, $0x0;
	s7 =	simm.s32 $0x1  }
.Ltmp0:
0x9: {  	s6 =	sshrl.u32 s6, $0xC;
	s7 =	simm.s32 @!p0 $0x0;
	(pc) =	sbr.rel .LBB1_1-.Ltmp0, $4  }
0xa: {  	s14 =	simm.s32 $0x0;
	[sflag:s4] =	ssyncpa.u1 $0x0;
	s6 =	sadd.s32 s7, s6  }
0xb: {  	s10 =	sadd.s32 s8, s5;
	[sflag:s9] =	ssyncpa.u1 $0x0;
	s5 =	smul.u32 $0x32, s6  }
0xc: {  	s8 =	sadd.s32 $0x20A00, s10;
	s9 =	sadd.s32 $0x30A00, s10;
	p0 =	por $0x0, $0x0  }
0xd: {  	s7 =	sadd.s32 $0x10A00, s10;
	s6 =	sadd.s32 $0xA00, s10;
	s10 =	sor.u32 $0x1, s5  }
.LBB1_7:
0xe: {  	s17 =	sadd.s32 $0x4, s13  }
0xf: {  	p2 =	sgt.s32 s17, $0xC7  }
0x10: {  	s17 =	simm.s32 @p2 $0x0;
	p2 =	sne.s32 s14, s10  }
.Ltmp1:
0x11: {  	p1 =	slt.u32 s14, $0x2;
	(pc) =	sbr.rel @!p2 .LBB1_8-.Ltmp1, $4  }
0x12: {  	s15 =	simm.s32 @!p1 $0x2  }
0x13: {  	s18 =	sadd.s32 $0x1, s14;
	s16 =	smov.u32 s13;
	_ =	swait.ge @!p1 [sflag:s15], $0x4000  }
0x14: {  	p0 =	por !p0, !p0;
	s14 =	smov.u32 s18;
	[sflag:s15] =	ssyncset.done @!p1 $0x0  }
0x15: {  	s13 =	smov.u32 s17;
	[sflag:s15] =	ssyncadd.s32 @!p1 $0xFFFFC000;
	s15 =	smov.u32 s3  }
.LBB1_1:
0x16: {  	p1 =	sge.u32 s14, s5  }
0x17: {  	s17 =	sxor.u32 @!p1 $0xFFFFFFFF, s14  }
0x18: {  	s18 =	sshll.u32 @!p1 s13, $0x10;
	s20 =	simm.s32 @!p1 $0x20;
	s17 =	sshll.u32 @!p1 s17, $0xE  }
0x19: {  	s21 =	simm.s32 @!p1 $0x80;
	s19 =	sadd.s32 @!p1 s18, s6;
	s17 =	sand.u32 @!p1 $0x4000, s17  }
0x1a: {  	[tilespmem:s17], [sflag:$0x1] =	stream.strided.gather @!p1 [hbm4b:s19+s20], $0x1000, s21, s20, $0x38;
	[tilespmem:$0x10100] =	vst v63  }
0x1b: {  	s19 =	sadd.s32 @!p1 s18, s7;
	s22 =	sor.u32 @!p1 $0x1000, s17  }
0x1c: {  	[tilespmem:s22], [sflag:$0x1] =	stream.strided.gather @!p1 [hbm4b:s19+s20], $0x1000, s21, s20, $0x38;
	[tilespmem:$0x10100] =	vst v63  }
0x1d: {  	s19 =	sadd.s32 @!p1 s18, s8;
	s22 =	sor.u32 @!p1 $0x2000, s17  }
0x1e: {  	[tilespmem:s22], [sflag:$0x1] =	stream.strided.gather @!p1 [hbm4b:s19+s20], $0x1000, s21, s20, $0x38;
	[tilespmem:$0x10100] =	vst v63  }
0x1f: {  	s31 =	sadd.s32 $0xFFFFFFFF, s14;
	s18 =	sadd.s32 @!p1 s18, s9;
	s17 =	sor.u32 @!p1 $0x3000, s17  }
0x20: {  	[tilespmem:s17], [sflag:$0x1] =	stream.strided.gather @!p1 [hbm4b:s18+s20], $0x1000, s21, s20, $0x38;
	[tilespmem:$0x10100] =	vst v63  }
0x21: {  	p1 =	sge.u32 s31, s5  }
.Ltmp2:
0x22: {  	_ = 	snop;
	(pc) =	sbr.rel @p1 .LBB1_7-.Ltmp2, $1  }
0x23: {  	_ =	sdelay $0x3  }
0x24: {  	s18 =	simm.s32 $0x1;
	s19 =	sand.u32 $0x1, s14  }
0x25: {  	_ =	swait.ge [sflag:s4], $0x4000;
	s18 =	simm.s32 @!p0 $0x0;
	s20 =	smul.u32 $0x10200, s19  }
0x26: {  	[sflag:s4] =	ssyncset.done $0x0;
	s17 =	smul.u32 $0x10200, s18  }
0x27: {  	s18 =	sshll.u32 s18, $0xE;
	[sflag:s4] =	ssyncadd.s32 $0xFFFFC000  }
0x28: {  	s19 =	sor.u32 $0x10, s18;
	s31 =	sshrl.u32 s20, $0x2;
	s17 =	sshrl.u32 s17, $0x2  }
0x29: {  	s20 =	simm.s32 $0x0;
	s18 =	sor.u32 $0x8000, s31;
	s17 =	sor.u32 $0x8000, s17  }
.LBB1_3:
0x2a: {  	v1 =	vld [tilespmem:s19+$0x0]  }
0x2b: {  	v0 =	vld [tilespmem:s19+$0xFFFFFFF0];
	_ =	sdelay $0x2  }
0x2c: {  	s23 =	sadd.s32 $0x0, s17  }
0x2d: {  	s21 =	simm.s32 $0x4;
	s22 =	sadd.s32 $0x20, s19;
	[tilespmem:s23+$0x810 ss:$0x81] =	vst.msk $0xffff, v1  }
.LBB1_4:
0x2e: {  	v1 =	vld [tilespmem:s22+$0x0];
	p1 =	sne.s32 s21, $0x1FC;
	[tilespmem:s23+$0x0 ss:$0x81] =	vst.msk $0xffff, v0;
	s23 =	smov.u32 s21;
	s21 =	sadd.s32 $0x4, s21  }
.Ltmp3:
0x2f: {  	v0 =	vld [tilespmem:s22+$0xFFFFFFF0];
	(pc) =	sbr.rel @p1 .LBB1_4-.Ltmp3, $4  }
0x30: {  	_ = 	snop  }
0x31: {  	s23 =	sshra.s32 s23, $0x2  }
0x32: {  	s23 =	sadd.s32 s23, s17  }
0x33: {  	s22 =	sadd.s32 $0x20, s22;
	[tilespmem:s23+$0x810 ss:$0x81] =	vst.msk $0xffff, v1  }
0x34: {  	s20 =	sadd.s32 $0x1, s20  }
0x35: {  	p1 =	sne.s32 s20, $0x4  }
.Ltmp4:
0x36: {  	_ = 	snop;
	(pc) =	sbr.rel @p1 .LBB1_3-.Ltmp4, $2  }
0x37: {  	_ =	sdelay $0x2  }
0x38: {  	[tilespmem:s23+$0x0 ss:$0x81] =	vst.msk $0xffff, v0;
	s17 =	sadd.s32 $0x1020, s17;
	s19 =	sadd.s32 $0x1000, s19  }
.Ltmp5:
0x39: {  	(pc) =	sbr.rel .LBB1_7-.Ltmp5, $4  }
0x3a: {  	s16 =	sshll.u32 s16, $0xE  }
0x3b: {  	s16 =	sadd.s32 s2, s16  }
0x3c: {  	s15 =	sadd.s32 s15, s16  }
0x3d: {  	[hbm4b:s15+s11] =	stream.strided.scatter [tilespmem:s18], [sflag:$0x2], $0x4000, s12, s11, $0x20;
	[tilespmem:$0x10100] =	vst v63  }
.LBB1_8:
0x3e: {  	_ =	sfence.sel $0x180000  }
0x3f: {  	s2 =	simm.s32 $0x1;
	[bflag:$0x0] =	sbarrier.arrive $0xFFFF  }
0x40: {  	s31 =	simm.s32 $0x2;
	[sflag:s2] =	ssyncpa.u1 $0x1  }
0x41: {  	[sflag:s31] =	ssyncpa.u1 $0x1  }
0x42: {  	p0 =	sne.s32 s0, $0x0;
	_ =	strace $0x9000004A  }
0x43: {  	s0 =	sadd.s32 @!p0 $0x100000, s1;
	[bflag:$0x2] =	sbarrier.arrive $0xFFFF  }
0x44: {  	[sflag:s0] =	ssyncadd.tile.s32 @!p0 $0x1;
	_ =	shalt  }
.Lfunc_end1:
_tile_overlayer_lowered:
.L_overlay_start_2:
0x45: {  	(tag) =	ssettag $0x2  }
0x46: {  	s0 =	rddreg [dreg:$0x0];
	s2 =	stileid.u32  }
0x47: {  	s1 =	rddreg [dreg:$0x1];
	p0 =	sne.s32 s2, $0x0  }
0x48: {  	s3 =	rddreg [dreg:$0x2];
	[bflag:$0x3] =	sbarrier.arrive $0xFFFF;
	s2 =	simm.s32 @!p0 $0x1C01  }
0x49: {  	[timem:s3], [sflag:s2] =	dma.local @!p0 [hbm:s0], s1  }
0x4a: {  	s0 =	simm.s32 @!p0 $0x1  }
0x4b: {  	_ =	swait.ge @!p0 [sflag:s0], s1  }
0x4c: {  	s1 =	ssub.s32 @!p0 $0x0, s1;
	[sflag:s0] =	ssyncset.done @!p0 $0x0  }
0x4d: {  	[sflag:s0] =	ssyncadd.s32 @!p0 s1  }
0x4e: {  	[bflag:$0x3] =	sbarrier.arrive $0xFFFF  }
0x4f: {  	_ =	shalt  }

</sc_bundles>
